<compile_context>
chip_gen: v7x
topology: tpu7x:2x2x1
jax: 0.10.2.dev20260603
libtpu: 0.0.44.dev20260713+nightly
codegen_flags: <defaults>
</compile_context>

<pallas_src>
import functools

import jax
import jax.numpy as jnp
from jax import lax
from jax.experimental import pallas as pl
from jax.experimental.pallas import tpu as pltpu
from jax.experimental.pallas import tpu_sc as plsc

D = 32
SEQ = 50
BT = 128
NBT = 16384 // BT
B = 16384 * SEQ
TP = BT + 1
SI = 5

NC, NS = 2, 16
NW = NC * NS
NITEM = SEQ * NBT
IPW = NITEM // NW
NSUP = IPW // SI
NPAIR = NSUP // 2

_mesh = plsc.VectorSubcoreMesh(core_axis_name="c", subcore_axis_name="s")


@functools.partial(
    pl.kernel,
    out_type=jax.ShapeDtypeStruct((SEQ, 4, NBT, 8, BT), jnp.float32),
    mesh=_mesh,
    compiler_params=pltpu.CompilerParams(
        use_tc_tiling_on_sc=False, needs_layout_passes=False
    ),
    scratch_types=[
        pltpu.VMEM((IPW * BT,), jnp.int32),
        pltpu.VMEM((SI * BT, D), jnp.float32),
        pltpu.VMEM((SI * BT, D), jnp.float32),
        [pltpu.VMEM((D, TP), jnp.float32)] * SI,
        [pltpu.VMEM((D, TP), jnp.float32)] * SI,
        pltpu.SemaphoreType.DMA,
        pltpu.SemaphoreType.DMA,
        pltpu.SemaphoreType.DMA,
        pltpu.SemaphoreType.DMA,
    ],
)
def _gather_kernel(x_hbm, table_hbm, out_hbm, idx_v, rows0, rows1, tbs0,
                   tbs1, sg0, sg1, so0, so1):
    wid = lax.axis_index("s") * NC + lax.axis_index("c")
    item0 = wid * IPW
    rows = (rows0, rows1)
    tbs = (tbs0, tbs1)
    sg = (sg0, sg1)
    so = (so0, so1)

    def fire_gather(i, slot):
        for k in range(SI):
            pltpu.async_copy(
                table_hbm.at[idx_v.at[pl.ds((i * SI + k) * BT, BT)]],
                rows[slot].at[pl.ds(k * BT, BT)],
                sg[slot],
            )

    def wait_gather(slot):
        pltpu.make_async_copy(
            table_hbm.at[pl.ds(0, SI * BT)], rows[slot], sg[slot]
        ).wait()

    def fire_out(i, slot):
        for k in range(SI):
            it = item0 + i * SI + k
            s = it // NBT
            bt = it % NBT
            for dt in range(4):
                pltpu.async_copy(
                    tbs[slot][k].at[pl.ds(dt * 8, 8), pl.ds(0, BT)],
                    out_hbm.at[s, dt, bt],
                    so[slot],
                )

    def wait_out(slot):
        for _ in range(4 * SI):
            pltpu.make_async_copy(
                tbs[slot][0].at[pl.ds(0, 8), pl.ds(0, BT)],
                out_hbm.at[0, 0, 0],
                so[slot],
            ).wait()

    lanes = lax.iota(jnp.int32, 16)
    lanes16 = lanes + 16

    def transpose(slot):
        @plsc.parallel_loop(0, BT, unroll=8)
        def _(b):
            bv = jnp.full((16,), 0, jnp.int32) + b
            for k in range(SI):
                v0 = rows[slot][k * BT + b, pl.ds(0, 16)]
                v1 = rows[slot][k * BT + b, pl.ds(16, 16)]
                plsc.store_scatter(tbs[slot][k], [lanes, bv], v0)
                plsc.store_scatter(tbs[slot][k], [lanes16, bv], v1)

    pltpu.sync_copy(x_hbm.at[pl.ds(item0 * BT, IPW * BT)], idx_v)
    fire_gather(0, 0)
    fire_gather(1, 1)

    def body(p, carry):
        i = p * 2
        for sl in range(2):
            wait_gather(sl)

            @pl.when(p > 0)
            def _():
                wait_out(sl)

            transpose(sl)

            @pl.when(p < NPAIR - 1)
            def _():
                fire_gather(i + sl + 2, sl)

            fire_out(i + sl, sl)
        return carry

    lax.fori_loop(0, NPAIR, body, 0)
    wait_out(0)
    wait_out(1)


def kernel(x, table):
    xt_lin = jnp.transpose(x).reshape(B)
    out5 = _gather_kernel(xt_lin, table)
    return jnp.transpose(out5, (2, 4, 0, 1, 3)).reshape(16384, SEQ, D)

# --- scband reference (transcript-rebuilt; emitter-appended) ---
"""Pipeline reference for scband-char-embedding-80461917324076 (READ-ONLY COPY).

The authoritative reference and input builder live on the scoring server;
editing this copy changes nothing except your own understanding.
"""

import jax, jax.numpy as jnp
import numpy as np

VOCAB = 100000
EMBED_DIM = 32
BATCH = 16384
SEQ = 50


def setup_inputs(seed: int = 0) -> dict:
    key = jax.random.key(seed)
    k1, k2 = jax.random.split(key)
    x = jax.random.randint(k1, (BATCH, SEQ), 0, VOCAB, dtype=jnp.int64 if jax.config.jax_enable_x64 else jnp.int32)
    table = jax.random.normal(k2, (VOCAB, EMBED_DIM), dtype=jnp.float32)
    return {"x": x, "table": table}


def reference(x, table):
    # CharEmbedding.forward: self.emb(x) -> embedding lookup
    return jnp.take(table, x, axis=0)

if __name__ == "__main__":
    import jax
    _d = setup_inputs()
    print(jax.jit(kernel)(*tuple(_d.values())))

</pallas_src>

<mosaic_0001>
#map = affine_map<(d0, d1) -> (0)>
#map1 = affine_map<(d0, d1) -> (0, 0)>
#map2 = affine_map<(d0, d1) -> (0, 0, 0, 0, 0)>
module attributes {stable_mosaic.version = 14 : i64} {
  func.func @_gather_kernel(%arg0: i32, %arg1: i32, %arg2: memref<819200xi32, #tpu.memory_space<hbm>>, %arg3: memref<100000x32xf32, #tpu.memory_space<hbm>>, %arg4: memref<50x4x128x8x128xf32, #tpu.memory_space<hbm>>, %arg5: memref<25600xi32, #tpu.memory_space<vmem>>, %arg6: memref<640x32xf32, #tpu.memory_space<vmem>>, %arg7: memref<640x32xf32, #tpu.memory_space<vmem>>, %arg8: memref<32x129xf32, #tpu.memory_space<vmem>>, %arg9: memref<32x129xf32, #tpu.memory_space<vmem>>, %arg10: memref<32x129xf32, #tpu.memory_space<vmem>>, %arg11: memref<32x129xf32, #tpu.memory_space<vmem>>, %arg12: memref<32x129xf32, #tpu.memory_space<vmem>>, %arg13: memref<32x129xf32, #tpu.memory_space<vmem>>, %arg14: memref<32x129xf32, #tpu.memory_space<vmem>>, %arg15: memref<32x129xf32, #tpu.memory_space<vmem>>, %arg16: memref<32x129xf32, #tpu.memory_space<vmem>>, %arg17: memref<32x129xf32, #tpu.memory_space<vmem>>, %arg18: memref<!tpu.dma_semaphore, #tpu.memory_space<semaphore_mem>>, %arg19: memref<!tpu.dma_semaphore, #tpu.memory_space<semaphore_mem>>, %arg20: memref<!tpu.dma_semaphore, #tpu.memory_space<semaphore_mem>>, %arg21: memref<!tpu.dma_semaphore, #tpu.memory_space<semaphore_mem>>) attributes {dimension_semantics = [#tpu.dimension_semantics<core_parallel>, #tpu.dimension_semantics<subcore_parallel>], iteration_bounds = array<i64: 2, 16>, scalar_prefetch = 0 : i64, scratch_operands = 17 : i64, tpu.core_type = #tpu.core_type<sc_vector_subcore>, window_params = [{transform_indices = #map}, {transform_indices = #map1}, {transform_indices = #map2}]} {
    %mul3A = arith.constant 2 : i32
    %mul3A_0 = arith.muli %arg1, %mul3A : i32
    %add3A = arith.addi %mul3A_0, %arg0 : i32
    %mul3A_1 = arith.constant 200 : i32
    %mul3A_2 = arith.muli %add3A, %mul3A_1 : i32
    %iota3A = tpu.iota {dimensions = array<i32: 0>} : vector<16xi32>
    %add3A_3 = arith.constant 16 : i32
    %add3A_4 = vector.broadcast %add3A_3 : i32 to vector<16xi32>
    %add3A_5 = arith.addi %iota3A, %add3A_4 : vector<16xi32>
    %mul3A_6 = arith.constant 128 : i32
    %mul3A_7 = arith.muli %mul3A_2, %mul3A_6 : i32
    "tpu.region"() ({
      %run_scoped3A = tpu.sem_alloc : memref<!tpu.dma_semaphore, #tpu.memory_space<semaphore_mem>>
      %dma_start3A_771 = tpu.memref_slice %arg2[%mul3A_7] : memref<819200xi32, #tpu.memory_space<hbm>> -> memref<25600xi32, #tpu.memory_space<hbm>>
      %dma_start3A_772 = tpu.memref_slice %arg2[%mul3A_7] : memref<819200xi32, #tpu.memory_space<hbm>> -> memref<25600xi32, #tpu.memory_space<hbm>>
      tpu.enqueue_dma source(%dma_start3A_772 : memref<25600xi32, #tpu.memory_space<hbm>>) target(%arg5 : memref<25600xi32, #tpu.memory_space<vmem>>) target_semaphore(%run_scoped3A : memref<!tpu.dma_semaphore, #tpu.memory_space<semaphore_mem>>)
      %dma_wait3A_773 = tpu.memref_slice %arg2[%mul3A_7] : memref<819200xi32, #tpu.memory_space<hbm>> -> memref<25600xi32, #tpu.memory_space<hbm>>
      %dma_wait3A_774 = tpu.memref_slice %arg2[%mul3A_7] : memref<819200xi32, #tpu.memory_space<hbm>> -> memref<25600xi32, #tpu.memory_space<hbm>>
      tpu.wait_dma2 semaphore(%run_scoped3A : memref<!tpu.dma_semaphore, #tpu.memory_space<semaphore_mem>>) src(%dma_wait3A_774 : memref<25600xi32, #tpu.memory_space<hbm>>) dst(%arg5 : memref<25600xi32, #tpu.memory_space<vmem>>)
      tpu.yield
    }) : () -> ()
    %dma_start3A = arith.constant 0 : i32
    %dma_start3A_8 = arith.constant 0 : i32
    %dma_start3A_9 = tpu.memref_slice %arg6[%dma_start3A, %dma_start3A_8] : memref<640x32xf32, #tpu.memory_space<vmem>> -> memref<128x32xf32, #tpu.memory_space<vmem>>
    %dma_start3A_10 = arith.constant 0 : i32
    %dma_start3A_11 = tpu.memref_slice %arg5[%dma_start3A_10] : memref<25600xi32, #tpu.memory_space<vmem>> -> memref<128xi32, #tpu.memory_space<vmem>>
    %dma_start3A_12 = arith.constant 0 : i32
    %dma_start3A_13 = arith.constant 0 : i32
    %dma_start3A_14 = tpu.memref_slice %arg3[%dma_start3A_12, %dma_start3A_13] : memref<100000x32xf32, #tpu.memory_space<hbm>> -> memref<100000x32xf32, #tpu.memory_space<hbm>>
    tpu.enqueue_indirect_dma source(%dma_start3A_14 : memref<100000x32xf32, #tpu.memory_space<hbm>>) target(%dma_start3A_9 : memref<128x32xf32, #tpu.memory_space<vmem>>) offsets(%dma_start3A_11 : memref<128xi32, #tpu.memory_space<vmem>>) semaphore(%arg18 : memref<!tpu.dma_semaphore, #tpu.memory_space<semaphore_mem>>)
    %dma_start3A_15 = arith.constant 128 : i32
    %dma_start3A_16 = arith.constant 0 : i32
    %dma_start3A_17 = tpu.memref_slice %arg6[%dma_start3A_15, %dma_start3A_16] : memref<640x32xf32, #tpu.memory_space<vmem>> -> memref<128x32xf32, #tpu.memory_space<vmem>>
    %dma_start3A_18 = arith.constant 128 : i32
    %dma_start3A_19 = tpu.memref_slice %arg5[%dma_start3A_18] : memref<25600xi32, #tpu.memory_space<vmem>> -> memref<128xi32, #tpu.memory_space<vmem>>
    %dma_start3A_20 = arith.constant 0 : i32
    %dma_start3A_21 = arith.constant 0 : i32
    %dma_start3A_22 = tpu.memref_slice %arg3[%dma_start3A_20, %dma_start3A_21] : memref<100000x32xf32, #tpu.memory_space<hbm>> -> memref<100000x32xf32, #tpu.memory_space<hbm>>
    tpu.enqueue_indirect_dma source(%dma_start3A_22 : memref<100000x32xf32, #tpu.memory_space<hbm>>) target(%dma_start3A_17 : memref<128x32xf32, #tpu.memory_space<vmem>>) offsets(%dma_start3A_19 : memref<128xi32, #tpu.memory_space<vmem>>) semaphore(%arg18 : memref<!tpu.dma_semaphore, #tpu.memory_space<semaphore_mem>>)
    %dma_start3A_23 = arith.constant 256 : i32
    %dma_start3A_24 = arith.constant 0 : i32
    %dma_start3A_25 = tpu.memref_slice %arg6[%dma_start3A_23, %dma_start3A_24] : memref<640x32xf32, #tpu.memory_space<vmem>> -> memref<128x32xf32, #tpu.memory_space<vmem>>
    %dma_start3A_26 = arith.constant 256 : i32
    %dma_start3A_27 = tpu.memref_slice %arg5[%dma_start3A_26] : memref<25600xi32, #tpu.memory_space<vmem>> -> memref<128xi32, #tpu.memory_space<vmem>>
    %dma_start3A_28 = arith.constant 0 : i32
    %dma_start3A_29 = arith.constant 0 : i32
    %dma_start3A_30 = tpu.memref_slice %arg3[%dma_start3A_28, %dma_start3A_29] : memref<100000x32xf32, #tpu.memory_space<hbm>> -> memref<100000x32xf32, #tpu.memory_space<hbm>>
    tpu.enqueue_indirect_dma source(%dma_start3A_30 : memref<100000x32xf32, #tpu.memory_space<hbm>>) target(%dma_start3A_25 : memref<128x32xf32, #tpu.memory_space<vmem>>) offsets(%dma_start3A_27 : memref<128xi32, #tpu.memory_space<vmem>>) semaphore(%arg18 : memref<!tpu.dma_semaphore, #tpu.memory_space<semaphore_mem>>)
    %dma_start3A_31 = arith.constant 384 : i32
    %dma_start3A_32 = arith.constant 0 : i32
    %dma_start3A_33 = tpu.memref_slice %arg6[%dma_start3A_31, %dma_start3A_32] : memref<640x32xf32, #tpu.memory_space<vmem>> -> memref<128x32xf32, #tpu.memory_space<vmem>>
    %dma_start3A_34 = arith.constant 384 : i32
    %dma_start3A_35 = tpu.memref_slice %arg5[%dma_start3A_34] : memref<25600xi32, #tpu.memory_space<vmem>> -> memref<128xi32, #tpu.memory_space<vmem>>
    %dma_start3A_36 = arith.constant 0 : i32
    %dma_start3A_37 = arith.constant 0 : i32
    %dma_start3A_38 = tpu.memref_slice %arg3[%dma_start3A_36, %dma_start3A_37] : memref<100000x32xf32, #tpu.memory_space<hbm>> -> memref<100000x32xf32, #tpu.memory_space<hbm>>
    tpu.enqueue_indirect_dma source(%dma_start3A_38 : memref<100000x32xf32, #tpu.memory_space<hbm>>) target(%dma_start3A_33 : memref<128x32xf32, #tpu.memory_space<vmem>>) offsets(%dma_start3A_35 : memref<128xi32, #tpu.memory_space<vmem>>) semaphore(%arg18 : memref<!tpu.dma_semaphore, #tpu.memory_space<semaphore_mem>>)
    %dma_start3A_39 = arith.constant 512 : i32
    %dma_start3A_40 = arith.constant 0 : i32
    %dma_start3A_41 = tpu.memref_slice %arg6[%dma_start3A_39, %dma_start3A_40] : memref<640x32xf32, #tpu.memory_space<vmem>> -> memref<128x32xf32, #tpu.memory_space<vmem>>
    %dma_start3A_42 = arith.constant 512 : i32
    %dma_start3A_43 = tpu.memref_slice %arg5[%dma_start3A_42] : memref<25600xi32, #tpu.memory_space<vmem>> -> memref<128xi32, #tpu.memory_space<vmem>>
    %dma_start3A_44 = arith.constant 0 : i32
    %dma_start3A_45 = arith.constant 0 : i32
    %dma_start3A_46 = tpu.memref_slice %arg3[%dma_start3A_44, %dma_start3A_45] : memref<100000x32xf32, #tpu.memory_space<hbm>> -> memref<100000x32xf32, #tpu.memory_space<hbm>>
    tpu.enqueue_indirect_dma source(%dma_start3A_46 : memref<100000x32xf32, #tpu.memory_space<hbm>>) target(%dma_start3A_41 : memref<128x32xf32, #tpu.memory_space<vmem>>) offsets(%dma_start3A_43 : memref<128xi32, #tpu.memory_space<vmem>>) semaphore(%arg18 : memref<!tpu.dma_semaphore, #tpu.memory_space<semaphore_mem>>)
    %dma_start3A_47 = arith.constant 0 : i32
    %dma_start3A_48 = arith.constant 0 : i32
    %dma_start3A_49 = tpu.memref_slice %arg7[%dma_start3A_47, %dma_start3A_48] : memref<640x32xf32, #tpu.memory_space<vmem>> -> memref<128x32xf32, #tpu.memory_space<vmem>>
    %dma_start3A_50 = arith.constant 640 : i32
    %dma_start3A_51 = tpu.memref_slice %arg5[%dma_start3A_50] : memref<25600xi32, #tpu.memory_space<vmem>> -> memref<128xi32, #tpu.memory_space<vmem>>
    %dma_start3A_52 = arith.constant 0 : i32
    %dma_start3A_53 = arith.constant 0 : i32
    %dma_start3A_54 = tpu.memref_slice %arg3[%dma_start3A_52, %dma_start3A_53] : memref<100000x32xf32, #tpu.memory_space<hbm>> -> memref<100000x32xf32, #tpu.memory_space<hbm>>
    tpu.enqueue_indirect_dma source(%dma_start3A_54 : memref<100000x32xf32, #tpu.memory_space<hbm>>) target(%dma_start3A_49 : memref<128x32xf32, #tpu.memory_space<vmem>>) offsets(%dma_start3A_51 : memref<128xi32, #tpu.memory_space<vmem>>) semaphore(%arg19 : memref<!tpu.dma_semaphore, #tpu.memory_space<semaphore_mem>>)
    %dma_start3A_55 = arith.constant 128 : i32
    %dma_start3A_56 = arith.constant 0 : i32
    %dma_start3A_57 = tpu.memref_slice %arg7[%dma_start3A_55, %dma_start3A_56] : memref<640x32xf32, #tpu.memory_space<vmem>> -> memref<128x32xf32, #tpu.memory_space<vmem>>
    %dma_start3A_58 = arith.constant 768 : i32
    %dma_start3A_59 = tpu.memref_slice %arg5[%dma_start3A_58] : memref<25600xi32, #tpu.memory_space<vmem>> -> memref<128xi32, #tpu.memory_space<vmem>>
    %dma_start3A_60 = arith.constant 0 : i32
    %dma_start3A_61 = arith.constant 0 : i32
    %dma_start3A_62 = tpu.memref_slice %arg3[%dma_start3A_60, %dma_start3A_61] : memref<100000x32xf32, #tpu.memory_space<hbm>> -> memref<100000x32xf32, #tpu.memory_space<hbm>>
    tpu.enqueue_indirect_dma source(%dma_start3A_62 : memref<100000x32xf32, #tpu.memory_space<hbm>>) target(%dma_start3A_57 : memref<128x32xf32, #tpu.memory_space<vmem>>) offsets(%dma_start3A_59 : memref<128xi32, #tpu.memory_space<vmem>>) semaphore(%arg19 : memref<!tpu.dma_semaphore, #tpu.memory_space<semaphore_mem>>)
    %dma_start3A_63 = arith.constant 256 : i32
    %dma_start3A_64 = arith.constant 0 : i32
    %dma_start3A_65 = tpu.memref_slice %arg7[%dma_start3A_63, %dma_start3A_64] : memref<640x32xf32, #tpu.memory_space<vmem>> -> memref<128x32xf32, #tpu.memory_space<vmem>>
    %dma_start3A_66 = arith.constant 896 : i32
    %dma_start3A_67 = tpu.memref_slice %arg5[%dma_start3A_66] : memref<25600xi32, #tpu.memory_space<vmem>> -> memref<128xi32, #tpu.memory_space<vmem>>
    %dma_start3A_68 = arith.constant 0 : i32
    %dma_start3A_69 = arith.constant 0 : i32
    %dma_start3A_70 = tpu.memref_slice %arg3[%dma_start3A_68, %dma_start3A_69] : memref<100000x32xf32, #tpu.memory_space<hbm>> -> memref<100000x32xf32, #tpu.memory_space<hbm>>
    tpu.enqueue_indirect_dma source(%dma_start3A_70 : memref<100000x32xf32, #tpu.memory_space<hbm>>) target(%dma_start3A_65 : memref<128x32xf32, #tpu.memory_space<vmem>>) offsets(%dma_start3A_67 : memref<128xi32, #tpu.memory_space<vmem>>) semaphore(%arg19 : memref<!tpu.dma_semaphore, #tpu.memory_space<semaphore_mem>>)
    %dma_start3A_71 = arith.constant 384 : i32
    %dma_start3A_72 = arith.constant 0 : i32
    %dma_start3A_73 = tpu.memref_slice %arg7[%dma_start3A_71, %dma_start3A_72] : memref<640x32xf32, #tpu.memory_space<vmem>> -> memref<128x32xf32, #tpu.memory_space<vmem>>
    %dma_start3A_74 = arith.constant 1024 : i32
    %dma_start3A_75 = tpu.memref_slice %arg5[%dma_start3A_74] : memref<25600xi32, #tpu.memory_space<vmem>> -> memref<128xi32, #tpu.memory_space<vmem>>
    %dma_start3A_76 = arith.constant 0 : i32
    %dma_start3A_77 = arith.constant 0 : i32
    %dma_start3A_78 = tpu.memref_slice %arg3[%dma_start3A_76, %dma_start3A_77] : memref<100000x32xf32, #tpu.memory_space<hbm>> -> memref<100000x32xf32, #tpu.memory_space<hbm>>
    tpu.enqueue_indirect_dma source(%dma_start3A_78 : memref<100000x32xf32, #tpu.memory_space<hbm>>) target(%dma_start3A_73 : memref<128x32xf32, #tpu.memory_space<vmem>>) offsets(%dma_start3A_75 : memref<128xi32, #tpu.memory_space<vmem>>) semaphore(%arg19 : memref<!tpu.dma_semaphore, #tpu.memory_space<semaphore_mem>>)
    %dma_start3A_79 = arith.constant 512 : i32
    %dma_start3A_80 = arith.constant 0 : i32
    %dma_start3A_81 = tpu.memref_slice %arg7[%dma_start3A_79, %dma_start3A_80] : memref<640x32xf32, #tpu.memory_space<vmem>> -> memref<128x32xf32, #tpu.memory_space<vmem>>
    %dma_start3A_82 = arith.constant 1152 : i32
    %dma_start3A_83 = tpu.memref_slice %arg5[%dma_start3A_82] : memref<25600xi32, #tpu.memory_space<vmem>> -> memref<128xi32, #tpu.memory_space<vmem>>
    %dma_start3A_84 = arith.constant 0 : i32
    %dma_start3A_85 = arith.constant 0 : i32
    %dma_start3A_86 = tpu.memref_slice %arg3[%dma_start3A_84, %dma_start3A_85] : memref<100000x32xf32, #tpu.memory_space<hbm>> -> memref<100000x32xf32, #tpu.memory_space<hbm>>
    tpu.enqueue_indirect_dma source(%dma_start3A_86 : memref<100000x32xf32, #tpu.memory_space<hbm>>) target(%dma_start3A_81 : memref<128x32xf32, #tpu.memory_space<vmem>>) offsets(%dma_start3A_83 : memref<128xi32, #tpu.memory_space<vmem>>) semaphore(%arg19 : memref<!tpu.dma_semaphore, #tpu.memory_space<semaphore_mem>>)
    %scan3A = arith.constant 0 : i32
    %scan3A_87 = arith.constant 0 : i32
    %scan3A_88 = arith.constant 20 : i32
    %scan3A_89 = arith.addi %scan3A_87, %scan3A_88 : i32
    %scan3A_90 = arith.constant 1 : i32
    scf.for %scan3A_771 = %scan3A_87 to %scan3A_89 step %scan3A_90  : i32 {
      %mul3A_772 = arith.constant 2 : i32
      %mul3A_773 = arith.muli %scan3A_771, %mul3A_772 : i32
      %dma_wait3A_774 = arith.constant 0 : i32
      %dma_wait3A_775 = arith.constant 0 : i32
      %dma_wait3A_776 = tpu.memref_slice %arg3[%dma_wait3A_774, %dma_wait3A_775] : memref<100000x32xf32, #tpu.memory_space<hbm>> -> memref<640x32xf32, #tpu.memory_space<hbm>>
      %dma_wait3A_777 = arith.constant 0 : i32
      %dma_wait3A_778 = arith.constant 0 : i32
      %dma_wait3A_779 = tpu.memref_slice %arg3[%dma_wait3A_777, %dma_wait3A_778] : memref<100000x32xf32, #tpu.memory_space<hbm>> -> memref<640x32xf32, #tpu.memory_space<hbm>>
      tpu.wait_dma2 semaphore(%arg18 : memref<!tpu.dma_semaphore, #tpu.memory_space<semaphore_mem>>) src(%dma_wait3A_779 : memref<640x32xf32, #tpu.memory_space<hbm>>) dst(%arg6 : memref<640x32xf32, #tpu.memory_space<vmem>>)
      %gt3A = arith.constant 0 : i32
      %gt3A_780 = arith.cmpi sgt, %scan3A_771, %gt3A : i32
      %convert_element_type3A = arith.extui %gt3A_780 : i1 to i32
      %cond3A = arith.constant 0 : i32
      %cond3A_781 = arith.cmpi ne, %convert_element_type3A, %cond3A : i32
      scf.if %cond3A_781 {
        %dma_wait3A_1852 = arith.constant 0 : i32
        %dma_wait3A_1853 = arith.constant 0 : i32
        %dma_wait3A_1854 = arith.constant 0 : i32
        %dma_wait3A_1855 = arith.constant 0 : i32
        %dma_wait3A_1856 = arith.constant 0 : i32
        %dma_wait3A_1857 = tpu.memref_slice %arg8[%dma_wait3A_1855, %dma_wait3A_1856] : memref<32x129xf32, #tpu.memory_space<vmem>> -> memref<8x128xf32, #tpu.memory_space<vmem>>
        %dma_wait3A_1858 = arith.constant 0 : i32
        %dma_wait3A_1859 = arith.constant 0 : i32
        %dma_wait3A_1860 = tpu.memref_slice %arg4[%dma_wait3A_1852, %dma_wait3A_1853, %dma_wait3A_1854, %dma_wait3A_1858, %dma_wait3A_1859] : memref<50x4x128x8x128xf32, #tpu.memory_space<hbm>> -> memref<1x1x1x8x128xf32, #tpu.memory_space<hbm>>
        %dma_wait3A_1861 = tpu.memref_squeeze %dma_wait3A_1860 : memref<1x1x1x8x128xf32, #tpu.memory_space<hbm>> -> memref<8x128xf32, #tpu.memory_space<hbm>>
        %dma_wait3A_1862 = arith.constant 0 : i32
        %dma_wait3A_1863 = arith.constant 0 : i32
        %dma_wait3A_1864 = tpu.memref_slice %arg4[%dma_wait3A_1852, %dma_wait3A_1853, %dma_wait3A_1854, %dma_wait3A_1862, %dma_wait3A_1863] : memref<50x4x128x8x128xf32, #tpu.memory_space<hbm>> -> memref<1x1x1x8x128xf32, #tpu.memory_space<hbm>>
        %dma_wait3A_1865 = tpu.memref_squeeze %dma_wait3A_1864 : memref<1x1x1x8x128xf32, #tpu.memory_space<hbm>> -> memref<8x128xf32, #tpu.memory_space<hbm>>
        %dma_wait3A_1866 = arith.constant 0 : i32
        %dma_wait3A_1867 = arith.constant 0 : i32
        %dma_wait3A_1868 = tpu.memref_slice %arg8[%dma_wait3A_1866, %dma_wait3A_1867] : memref<32x129xf32, #tpu.memory_space<vmem>> -> memref<8x128xf32, #tpu.memory_space<vmem>>
        tpu.wait_dma2 semaphore(%arg20 : memref<!tpu.dma_semaphore, #tpu.memory_space<semaphore_mem>>) src(%dma_wait3A_1868 : memref<8x128xf32, #tpu.memory_space<vmem>>) dst(%dma_wait3A_1865 : memref<8x128xf32, #tpu.memory_space<hbm>>)
        %dma_wait3A_1869 = arith.constant 0 : i32
        %dma_wait3A_1870 = arith.constant 0 : i32
        %dma_wait3A_1871 = arith.constant 0 : i32
        %dma_wait3A_1872 = arith.constant 0 : i32
        %dma_wait3A_1873 = arith.constant 0 : i32
        %dma_wait3A_1874 = tpu.memref_slice %arg8[%dma_wait3A_1872, %dma_wait3A_1873] : memref<32x129xf32, #tpu.memory_space<vmem>> -> memref<8x128xf32, #tpu.memory_space<vmem>>
        %dma_wait3A_1875 = arith.constant 0 : i32
        %dma_wait3A_1876 = arith.constant 0 : i32
        %dma_wait3A_1877 = tpu.memref_slice %arg4[%dma_wait3A_1869, %dma_wait3A_1870, %dma_wait3A_1871, %dma_wait3A_1875, %dma_wait3A_1876] : memref<50x4x128x8x128xf32, #tpu.memory_space<hbm>> -> memref<1x1x1x8x128xf32, #tpu.memory_space<hbm>>
        %dma_wait3A_1878 = tpu.memref_squeeze %dma_wait3A_1877 : memref<1x1x1x8x128xf32, #tpu.memory_space<hbm>> -> memref<8x128xf32, #tpu.memory_space<hbm>>
        %dma_wait3A_1879 = arith.constant 0 : i32
        %dma_wait3A_1880 = arith.constant 0 : i32
        %dma_wait3A_1881 = tpu.memref_slice %arg4[%dma_wait3A_1869, %dma_wait3A_1870, %dma_wait3A_1871, %dma_wait3A_1879, %dma_wait3A_1880] : memref<50x4x128x8x128xf32, #tpu.memory_space<hbm>> -> memref<1x1x1x8x128xf32, #tpu.memory_space<hbm>>
        %dma_wait3A_1882 = tpu.memref_squeeze %dma_wait3A_1881 : memref<1x1x1x8x128xf32, #tpu.memory_space<hbm>> -> memref<8x128xf32, #tpu.memory_space<hbm>>
        %dma_wait3A_1883 = arith.constant 0 : i32
        %dma_wait3A_1884 = arith.constant 0 : i32
        %dma_wait3A_1885 = tpu.memref_slice %arg8[%dma_wait3A_1883, %dma_wait3A_1884] : memref<32x129xf32, #tpu.memory_space<vmem>> -> memref<8x128xf32, #tpu.memory_space<vmem>>
        tpu.wait_dma2 semaphore(%arg20 : memref<!tpu.dma_semaphore, #tpu.memory_space<semaphore_mem>>) src(%dma_wait3A_1885 : memref<8x128xf32, #tpu.memory_space<vmem>>) dst(%dma_wait3A_1882 : memref<8x128xf32, #tpu.memory_space<hbm>>)
        %dma_wait3A_1886 = arith.constant 0 : i32
        %dma_wait3A_1887 = arith.constant 0 : i32
        %dma_wait3A_1888 = arith.constant 0 : i32
        %dma_wait3A_1889 = arith.constant 0 : i32
        %dma_wait3A_1890 = arith.constant 0 : i32
        %dma_wait3A_1891 = tpu.memref_slice %arg8[%dma_wait3A_1889, %dma_wait3A_1890] : memref<32x129xf32, #tpu.memory_space<vmem>> -> memref<8x128xf32, #tpu.memory_space<vmem>>
        %dma_wait3A_1892 = arith.constant 0 : i32
        %dma_wait3A_1893 = arith.constant 0 : i32
        %dma_wait3A_1894 = tpu.memref_slice %arg4[%dma_wait3A_1886, %dma_wait3A_1887, %dma_wait3A_1888, %dma_wait3A_1892, %dma_wait3A_1893] : memref<50x4x128x8x128xf32, #tpu.memory_space<hbm>> -> memref<1x1x1x8x128xf32, #tpu.memory_space<hbm>>
        %dma_wait3A_1895 = tpu.memref_squeeze %dma_wait3A_1894 : memref<1x1x1x8x128xf32, #tpu.memory_space<hbm>> -> memref<8x128xf32, #tpu.memory_space<hbm>>
        %dma_wait3A_1896 = arith.constant 0 : i32
        %dma_wait3A_1897 = arith.constant 0 : i32
        %dma_wait3A_1898 = tpu.memref_slice %arg4[%dma_wait3A_1886, %dma_wait3A_1887, %dma_wait3A_1888, %dma_wait3A_1896, %dma_wait3A_1897] : memref<50x4x128x8x128xf32, #tpu.memory_space<hbm>> -> memref<1x1x1x8x128xf32, #tpu.memory_space<hbm>>
        %dma_wait3A_1899 = tpu.memref_squeeze %dma_wait3A_1898 : memref<1x1x1x8x128xf32, #tpu.memory_space<hbm>> -> memref<8x128xf32, #tpu.memory_space<hbm>>
        %dma_wait3A_1900 = arith.constant 0 : i32
        %dma_wait3A_1901 = arith.constant 0 : i32
        %dma_wait3A_1902 = tpu.memref_slice %arg8[%dma_wait3A_1900, %dma_wait3A_1901] : memref<32x129xf32, #tpu.memory_space<vmem>> -> memref<8x128xf32, #tpu.memory_space<vmem>>
        tpu.wait_dma2 semaphore(%arg20 : memref<!tpu.dma_semaphore, #tpu.memory_space<semaphore_mem>>) src(%dma_wait3A_1902 : memref<8x128xf32, #tpu.memory_space<vmem>>) dst(%dma_wait3A_1899 : memref<8x128xf32, #tpu.memory_space<hbm>>)
        %dma_wait3A_1903 = arith.constant 0 : i32
        %dma_wait3A_1904 = arith.constant 0 : i32
        %dma_wait3A_1905 = arith.constant 0 : i32
        %dma_wait3A_1906 = arith.constant 0 : i32
        %dma_wait3A_1907 = arith.constant 0 : i32
        %dma_wait3A_1908 = tpu.memref_slice %arg8[%dma_wait3A_1906, %dma_wait3A_1907] : memref<32x129xf32, #tpu.memory_space<vmem>> -> memref<8x128xf32, #tpu.memory_space<vmem>>
        %dma_wait3A_1909 = arith.constant 0 : i32
        %dma_wait3A_1910 = arith.constant 0 : i32
        %dma_wait3A_1911 = tpu.memref_slice %arg4[%dma_wait3A_1903, %dma_wait3A_1904, %dma_wait3A_1905, %dma_wait3A_1909, %dma_wait3A_1910] : memref<50x4x128x8x128xf32, #tpu.memory_space<hbm>> -> memref<1x1x1x8x128xf32, #tpu.memory_space<hbm>>
        %dma_wait3A_1912 = tpu.memref_squeeze %dma_wait3A_1911 : memref<1x1x1x8x128xf32, #tpu.memory_space<hbm>> -> memref<8x128xf32, #tpu.memory_space<hbm>>
        %dma_wait3A_1913 = arith.constant 0 : i32
        %dma_wait3A_1914 = arith.constant 0 : i32
        %dma_wait3A_1915 = tpu.memref_slice %arg4[%dma_wait3A_1903, %dma_wait3A_1904, %dma_wait3A_1905, %dma_wait3A_1913, %dma_wait3A_1914] : memref<50x4x128x8x128xf32, #tpu.memory_space<hbm>> -> memref<1x1x1x8x128xf32, #tpu.memory_space<hbm>>
        %dma_wait3A_1916 = tpu.memref_squeeze %dma_wait3A_1915 : memref<1x1x1x8x128xf32, #tpu.memory_space<hbm>> -> memref<8x128xf32, #tpu.memory_space<hbm>>
        %dma_wait3A_1917 = arith.constant 0 : i32
        %dma_wait3A_1918 = arith.constant 0 : i32
        %dma_wait3A_1919 = tpu.memref_slice %arg8[%dma_wait3A_1917, %dma_wait3A_1918] : memref<32x129xf32, #tpu.memory_space<vmem>> -> memref<8x128xf32, #tpu.memory_space<vmem>>
        tpu.wait_dma2 semaphore(%arg20 : memref<!tpu.dma_semaphore, #tpu.memory_space<semaphore_mem>>) src(%dma_wait3A_1919 : memref<8x128xf32, #tpu.memory_space<vmem>>) dst(%dma_wait3A_1916 : memref<8x128xf32, #tpu.memory_space<hbm>>)
        %dma_wait3A_1920 = arith.constant 0 : i32
        %dma_wait3A_1921 = arith.constant 0 : i32
        %dma_wait3A_1922 = arith.constant 0 : i32
        %dma_wait3A_1923 = arith.constant 0 : i32
        %dma_wait3A_1924 = arith.constant 0 : i32
        %dma_wait3A_1925 = tpu.memref_slice %arg8[%dma_wait3A_1923, %dma_wait3A_1924] : memref<32x129xf32, #tpu.memory_space<vmem>> -> memref<8x128xf32, #tpu.memory_space<vmem>>
        %dma_wait3A_1926 = arith.constant 0 : i32
        %dma_wait3A_1927 = arith.constant 0 : i32
        %dma_wait3A_1928 = tpu.memref_slice %arg4[%dma_wait3A_1920, %dma_wait3A_1921, %dma_wait3A_1922, %dma_wait3A_1926, %dma_wait3A_1927] : memref<50x4x128x8x128xf32, #tpu.memory_space<hbm>> -> memref<1x1x1x8x128xf32, #tpu.memory_space<hbm>>
        %dma_wait3A_1929 = tpu.memref_squeeze %dma_wait3A_1928 : memref<1x1x1x8x128xf32, #tpu.memory_space<hbm>> -> memref<8x128xf32, #tpu.memory_space<hbm>>
        %dma_wait3A_1930 = arith.constant 0 : i32
        %dma_wait3A_1931 = arith.constant 0 : i32
        %dma_wait3A_1932 = tpu.memref_slice %arg4[%dma_wait3A_1920, %dma_wait3A_1921, %dma_wait3A_1922, %dma_wait3A_1930, %dma_wait3A_1931] : memref<50x4x128x8x128xf32, #tpu.memory_space<hbm>> -> memref<1x1x1x8x128xf32, #tpu.memory_space<hbm>>
        %dma_wait3A_1933 = tpu.memref_squeeze %dma_wait3A_1932 : memref<1x1x1x8x128xf32, #tpu.memory_space<hbm>> -> memref<8x128xf32, #tpu.memory_space<hbm>>
        %dma_wait3A_1934 = arith.constant 0 : i32
        %dma_wait3A_1935 = arith.constant 0 : i32
        %dma_wait3A_1936 = tpu.memref_slice %arg8[%dma_wait3A_1934, %dma_wait3A_1935] : memref<32x129xf32, #tpu.memory_space<vmem>> -> memref<8x128xf32, #tpu.memory_space<vmem>>
        tpu.wait_dma2 semaphore(%arg20 : memref<!tpu.dma_semaphore, #tpu.memory_space<semaphore_mem>>) src(%dma_wait3A_1936 : memref<8x128xf32, #tpu.memory_space<vmem>>) dst(%dma_wait3A_1933 : memref<8x128xf32, #tpu.memory_space<hbm>>)
        %dma_wait3A_1937 = arith.constant 0 : i32
        %dma_wait3A_1938 = arith.constant 0 : i32
        %dma_wait3A_1939 = arith.constant 0 : i32
        %dma_wait3A_1940 = arith.constant 0 : i32
        %dma_wait3A_1941 = arith.constant 0 : i32
        %dma_wait3A_1942 = tpu.memref_slice %arg8[%dma_wait3A_1940, %dma_wait3A_1941] : memref<32x129xf32, #tpu.memory_space<vmem>> -> memref<8x128xf32, #tpu.memory_space<vmem>>
        %dma_wait3A_1943 = arith.constant 0 : i32
        %dma_wait3A_1944 = arith.constant 0 : i32
        %dma_wait3A_1945 = tpu.memref_slice %arg4[%dma_wait3A_1937, %dma_wait3A_1938, %dma_wait3A_1939, %dma_wait3A_1943, %dma_wait3A_1944] : memref<50x4x128x8x128xf32, #tpu.memory_space<hbm>> -> memref<1x1x1x8x128xf32, #tpu.memory_space<hbm>>
        %dma_wait3A_1946 = tpu.memref_squeeze %dma_wait3A_1945 : memref<1x1x1x8x128xf32, #tpu.memory_space<hbm>> -> memref<8x128xf32, #tpu.memory_space<hbm>>
        %dma_wait3A_1947 = arith.constant 0 : i32
        %dma_wait3A_1948 = arith.constant 0 : i32
        %dma_wait3A_1949 = tpu.memref_slice %arg4[%dma_wait3A_1937, %dma_wait3A_1938, %dma_wait3A_1939, %dma_wait3A_1947, %dma_wait3A_1948] : memref<50x4x128x8x128xf32, #tpu.memory_space<hbm>> -> memref<1x1x1x8x128xf32, #tpu.memory_space<hbm>>
        %dma_wait3A_1950 = tpu.memref_squeeze %dma_wait3A_1949 : memref<1x1x1x8x128xf32, #tpu.memory_space<hbm>> -> memref<8x128xf32, #tpu.memory_space<hbm>>
        %dma_wait3A_1951 = arith.constant 0 : i32
        %dma_wait3A_1952 = arith.constant 0 : i32
        %dma_wait3A_1953 = tpu.memref_slice %arg8[%dma_wait3A_1951, %dma_wait3A_1952] : memref<32x129xf32, #tpu.memory_space<vmem>> -> memref<8x128xf32, #tpu.memory_space<vmem>>
        tpu.wait_dma2 semaphore(%arg20 : memref<!tpu.dma_semaphore, #tpu.memory_space<semaphore_mem>>) src(%dma_wait3A_1953 : memref<8x128xf32, #tpu.memory_space<vmem>>) dst(%dma_wait3A_1950 : memref<8x128xf32, #tpu.memory_space<hbm>>)
        %dma_wait3A_1954 = arith.constant 0 : i32
        %dma_wait3A_1955 = arith.constant 0 : i32
        %dma_wait3A_1956 = arith.constant 0 : i32
        %dma_wait3A_1957 = arith.constant 0 : i32
        %dma_wait3A_1958 = arith.constant 0 : i32
        %dma_wait3A_1959 = tpu.memref_slice %arg8[%dma_wait3A_1957, %dma_wait3A_1958] : memref<32x129xf32, #tpu.memory_space<vmem>> -> memref<8x128xf32, #tpu.memory_space<vmem>>
        %dma_wait3A_1960 = arith.constant 0 : i32
        %dma_wait3A_1961 = arith.constant 0 : i32
        %dma_wait3A_1962 = tpu.memref_slice %arg4[%dma_wait3A_1954, %dma_wait3A_1955, %dma_wait3A_1956, %dma_wait3A_1960, %dma_wait3A_1961] : memref<50x4x128x8x128xf32, #tpu.memory_space<hbm>> -> memref<1x1x1x8x128xf32, #tpu.memory_space<hbm>>
        %dma_wait3A_1963 = tpu.memref_squeeze %dma_wait3A_1962 : memref<1x1x1x8x128xf32, #tpu.memory_space<hbm>> -> memref<8x128xf32, #tpu.memory_space<hbm>>
        %dma_wait3A_1964 = arith.constant 0 : i32
        %dma_wait3A_1965 = arith.constant 0 : i32
        %dma_wait3A_1966 = tpu.memref_slice %arg4[%dma_wait3A_1954, %dma_wait3A_1955, %dma_wait3A_1956, %dma_wait3A_1964, %dma_wait3A_1965] : memref<50x4x128x8x128xf32, #tpu.memory_space<hbm>> -> memref<1x1x1x8x128xf32, #tpu.memory_space<hbm>>
        %dma_wait3A_1967 = tpu.memref_squeeze %dma_wait3A_1966 : memref<1x1x1x8x128xf32, #tpu.memory_space<hbm>> -> memref<8x128xf32, #tpu.memory_space<hbm>>
        %dma_wait3A_1968 = arith.constant 0 : i32
        %dma_wait3A_1969 = arith.constant 0 : i32
        %dma_wait3A_1970 = tpu.memref_slice %arg8[%dma_wait3A_1968, %dma_wait3A_1969] : memref<32x129xf32, #tpu.memory_space<vmem>> -> memref<8x128xf32, #tpu.memory_space<vmem>>
        tpu.wait_dma2 semaphore(%arg20 : memref<!tpu.dma_semaphore, #tpu.memory_space<semaphore_mem>>) src(%dma_wait3A_1970 : memref<8x128xf32, #tpu.memory_space<vmem>>) dst(%dma_wait3A_1967 : memref<8x128xf32, #tpu.memory_space<hbm>>)
        %dma_wait3A_1971 = arith.constant 0 : i32
        %dma_wait3A_1972 = arith.constant 0 : i32
        %dma_wait3A_1973 = arith.constant 0 : i32
        %dma_wait3A_1974 = arith.constant 0 : i32
        %dma_wait3A_1975 = arith.constant 0 : i32
        %dma_wait3A_1976 = tpu.memref_slice %arg8[%dma_wait3A_1974, %dma_wait3A_1975] : memref<32x129xf32, #tpu.memory_space<vmem>> -> memref<8x128xf32, #tpu.memory_space<vmem>>
        %dma_wait3A_1977 = arith.constant 0 : i32
        %dma_wait3A_1978 = arith.constant 0 : i32
        %dma_wait3A_1979 = tpu.memref_slice %arg4[%dma_wait3A_1971, %dma_wait3A_1972, %dma_wait3A_1973, %dma_wait3A_1977, %dma_wait3A_1978] : memref<50x4x128x8x128xf32, #tpu.memory_space<hbm>> -> memref<1x1x1x8x128xf32, #tpu.memory_space<hbm>>
        %dma_wait3A_1980 = tpu.memref_squeeze %dma_wait3A_1979 : memref<1x1x1x8x128xf32, #tpu.memory_space<hbm>> -> memref<8x128xf32, #tpu.memory_space<hbm>>
        %dma_wait3A_1981 = arith.constant 0 : i32
        %dma_wait3A_1982 = arith.constant 0 : i32
        %dma_wait3A_1983 = tpu.memref_slice %arg4[%dma_wait3A_1971, %dma_wait3A_1972, %dma_wait3A_1973, %dma_wait3A_1981, %dma_wait3A_1982] : memref<50x4x128x8x128xf32, #tpu.memory_space<hbm>> -> memref<1x1x1x8x128xf32, #tpu.memory_space<hbm>>
        %dma_wait3A_1984 = tpu.memref_squeeze %dma_wait3A_1983 : memref<1x1x1x8x128xf32, #tpu.memory_space<hbm>> -> memref<8x128xf32, #tpu.memory_space<hbm>>
        %dma_wait3A_1985 = arith.constant 0 : i32
        %dma_wait3A_1986 = arith.constant 0 : i32
        %dma_wait3A_1987 = tpu.memref_slice %arg8[%dma_wait3A_1985, %dma_wait3A_1986] : memref<32x129xf32, #tpu.memory_space<vmem>> -> memref<8x128xf32, #tpu.memory_space<vmem>>
        tpu.wait_dma2 semaphore(%arg20 : memref<!tpu.dma_semaphore, #tpu.memory_space<semaphore_mem>>) src(%dma_wait3A_1987 : memref<8x128xf32, #tpu.memory_space<vmem>>) dst(%dma_wait3A_1984 : memref<8x128xf32, #tpu.memory_space<hbm>>)
        %dma_wait3A_1988 = arith.constant 0 : i32
        %dma_wait3A_1989 = arith.constant 0 : i32
        %dma_wait3A_1990 = arith.constant 0 : i32
        %dma_wait3A_1991 = arith.constant 0 : i32
        %dma_wait3A_1992 = arith.constant 0 : i32
        %dma_wait3A_1993 = tpu.memref_slice %arg8[%dma_wait3A_1991, %dma_wait3A_1992] : memref<32x129xf32, #tpu.memory_space<vmem>> -> memref<8x128xf32, #tpu.memory_space<vmem>>
        %dma_wait3A_1994 = arith.constant 0 : i32
        %dma_wait3A_1995 = arith.constant 0 : i32
        %dma_wait3A_1996 = tpu.memref_slice %arg4[%dma_wait3A_1988, %dma_wait3A_1989, %dma_wait3A_1990, %dma_wait3A_1994, %dma_wait3A_1995] : memref<50x4x128x8x128xf32, #tpu.memory_space<hbm>> -> memref<1x1x1x8x128xf32, #tpu.memory_space<hbm>>
        %dma_wait3A_1997 = tpu.memref_squeeze %dma_wait3A_1996 : memref<1x1x1x8x128xf32, #tpu.memory_space<hbm>> -> memref<8x128xf32, #tpu.memory_space<hbm>>
        %dma_wait3A_1998 = arith.constant 0 : i32
        %dma_wait3A_1999 = arith.constant 0 : i32
        %dma_wait3A_2000 = tpu.memref_slice %arg4[%dma_wait3A_1988, %dma_wait3A_1989, %dma_wait3A_1990, %dma_wait3A_1998, %dma_wait3A_1999] : memref<50x4x128x8x128xf32, #tpu.memory_space<hbm>> -> memref<1x1x1x8x128xf32, #tpu.memory_space<hbm>>
        %dma_wait3A_2001 = tpu.memref_squeeze %dma_wait3A_2000 : memref<1x1x1x8x128xf32, #tpu.memory_space<hbm>> -> memref<8x128xf32, #tpu.memory_space<hbm>>
        %dma_wait3A_2002 = arith.constant 0 : i32
        %dma_wait3A_2003 = arith.constant 0 : i32
        %dma_wait3A_2004 = tpu.memref_slice %arg8[%dma_wait3A_2002, %dma_wait3A_2003] : memref<32x129xf32, #tpu.memory_space<vmem>> -> memref<8x128xf32, #tpu.memory_space<vmem>>
        tpu.wait_dma2 semaphore(%arg20 : memref<!tpu.dma_semaphore, #tpu.memory_space<semaphore_mem>>) src(%dma_wait3A_2004 : memref<8x128xf32, #tpu.memory_space<vmem>>) dst(%dma_wait3A_2001 : memref<8x128xf32, #tpu.memory_space<hbm>>)
        %dma_wait3A_2005 = arith.constant 0 : i32
        %dma_wait3A_2006 = arith.constant 0 : i32
        %dma_wait3A_2007 = arith.constant 0 : i32
        %dma_wait3A_2008 = arith.constant 0 : i32
        %dma_wait3A_2009 = arith.constant 0 : i32
        %dma_wait3A_2010 = tpu.memref_slice %arg8[%dma_wait3A_2008, %dma_wait3A_2009] : memref<32x129xf32, #tpu.memory_space<vmem>> -> memref<8x128xf32, #tpu.memory_space<vmem>>
        %dma_wait3A_2011 = arith.constant 0 : i32
        %dma_wait3A_2012 = arith.constant 0 : i32
        %dma_wait3A_2013 = tpu.memref_slice %arg4[%dma_wait3A_2005, %dma_wait3A_2006, %dma_wait3A_2007, %dma_wait3A_2011, %dma_wait3A_2012] : memref<50x4x128x8x128xf32, #tpu.memory_space<hbm>> -> memref<1x1x1x8x128xf32, #tpu.memory_space<hbm>>
        %dma_wait3A_2014 = tpu.memref_squeeze %dma_wait3A_2013 : memref<1x1x1x8x128xf32, #tpu.memory_space<hbm>> -> memref<8x128xf32, #tpu.memory_space<hbm>>
        %dma_wait3A_2015 = arith.constant 0 : i32
        %dma_wait3A_2016 = arith.constant 0 : i32
        %dma_wait3A_2017 = tpu.memref_slice %arg4[%dma_wait3A_2005, %dma_wait3A_2006, %dma_wait3A_2007, %dma_wait3A_2015, %dma_wait3A_2016] : memref<50x4x128x8x128xf32, #tpu.memory_space<hbm>> -> memref<1x1x1x8x128xf32, #tpu.memory_space<hbm>>
        %dma_wait3A_2018 = tpu.memref_squeeze %dma_wait3A_2017 : memref<1x1x1x8x128xf32, #tpu.memory_space<hbm>> -> memref<8x128xf32, #tpu.memory_space<hbm>>
        %dma_wait3A_2019 = arith.constant 0 : i32
        %dma_wait3A_2020 = arith.constant 0 : i32
        %dma_wait3A_2021 = tpu.memref_slice %arg8[%dma_wait3A_2019, %dma_wait3A_2020] : memref<32x129xf32, #tpu.memory_space<vmem>> -> memref<8x128xf32, #tpu.memory_space<vmem>>
        tpu.wait_dma2 semaphore(%arg20 : memref<!tpu.dma_semaphore, #tpu.memory_space<semaphore_mem>>) src(%dma_wait3A_2021 : memref<8x128xf32, #tpu.memory_space<vmem>>) dst(%dma_wait3A_2018 : memref<8x128xf32, #tpu.memory_space<hbm>>)
        %dma_wait3A_2022 = arith.constant 0 : i32
        %dma_wait3A_2023 = arith.constant 0 : i32
        %dma_wait3A_2024 = arith.constant 0 : i32
        %dma_wait3A_2025 = arith.constant 0 : i32
        %dma_wait3A_2026 = arith.constant 0 : i32
        %dma_wait3A_2027 = tpu.memref_slice %arg8[%dma_wait3A_2025, %dma_wait3A_2026] : memref<32x129xf32, #tpu.memory_space<vmem>> -> memref<8x128xf32, #tpu.memory_space<vmem>>
        %dma_wait3A_2028 = arith.constant 0 : i32
        %dma_wait3A_2029 = arith.constant 0 : i32
        %dma_wait3A_2030 = tpu.memref_slice %arg4[%dma_wait3A_2022, %dma_wait3A_2023, %dma_wait3A_2024, %dma_wait3A_2028, %dma_wait3A_2029] : memref<50x4x128x8x128xf32, #tpu.memory_space<hbm>> -> memref<1x1x1x8x128xf32, #tpu.memory_space<hbm>>
        %dma_wait3A_2031 = tpu.memref_squeeze %dma_wait3A_2030 : memref<1x1x1x8x128xf32, #tpu.memory_space<hbm>> -> memref<8x128xf32, #tpu.memory_space<hbm>>
        %dma_wait3A_2032 = arith.constant 0 : i32
        %dma_wait3A_2033 = arith.constant 0 : i32
        %dma_wait3A_2034 = tpu.memref_slice %arg4[%dma_wait3A_2022, %dma_wait3A_2023, %dma_wait3A_2024, %dma_wait3A_2032, %dma_wait3A_2033] : memref<50x4x128x8x128xf32, #tpu.memory_space<hbm>> -> memref<1x1x1x8x128xf32, #tpu.memory_space<hbm>>
        %dma_wait3A_2035 = tpu.memref_squeeze %dma_wait3A_2034 : memref<1x1x1x8x128xf32, #tpu.memory_space<hbm>> -> memref<8x128xf32, #tpu.memory_space<hbm>>
        %dma_wait3A_2036 = arith.constant 0 : i32
        %dma_wait3A_2037 = arith.constant 0 : i32
        %dma_wait3A_2038 = tpu.memref_slice %arg8[%dma_wait3A_2036, %dma_wait3A_2037] : memref<32x129xf32, #tpu.memory_space<vmem>> -> memref<8x128xf32, #tpu.memory_space<vmem>>
        tpu.wait_dma2 semaphore(%arg20 : memref<!tpu.dma_semaphore, #tpu.memory_space<semaphore_mem>>) src(%dma_wait3A_2038 : memref<8x128xf32, #tpu.memory_space<vmem>>) dst(%dma_wait3A_2035 : memref<8x128xf32, #tpu.memory_space<hbm>>)
        %dma_wait3A_2039 = arith.constant 0 : i32
        %dma_wait3A_2040 = arith.constant 0 : i32
        %dma_wait3A_2041 = arith.constant 0 : i32
        %dma_wait3A_2042 = arith.constant 0 : i32
        %dma_wait3A_2043 = arith.constant 0 : i32
        %dma_wait3A_2044 = tpu.memref_slice %arg8[%dma_wait3A_2042, %dma_wait3A_2043] : memref<32x129xf32, #tpu.memory_space<vmem>> -> memref<8x128xf32, #tpu.memory_space<vmem>>
        %dma_wait3A_2045 = arith.constant 0 : i32
        %dma_wait3A_2046 = arith.constant 0 : i32
        %dma_wait3A_2047 = tpu.memref_slice %arg4[%dma_wait3A_2039, %dma_wait3A_2040, %dma_wait3A_2041, %dma_wait3A_2045, %dma_wait3A_2046] : memref<50x4x128x8x128xf32, #tpu.memory_space<hbm>> -> memref<1x1x1x8x128xf32, #tpu.memory_space<hbm>>
        %dma_wait3A_2048 = tpu.memref_squeeze %dma_wait3A_2047 : memref<1x1x1x8x128xf32, #tpu.memory_space<hbm>> -> memref<8x128xf32, #tpu.memory_space<hbm>>
        %dma_wait3A_2049 = arith.constant 0 : i32
        %dma_wait3A_2050 = arith.constant 0 : i32
        %dma_wait3A_2051 = tpu.memref_slice %arg4[%dma_wait3A_2039, %dma_wait3A_2040, %dma_wait3A_2041, %dma_wait3A_2049, %dma_wait3A_2050] : memref<50x4x128x8x128xf32, #tpu.memory_space<hbm>> -> memref<1x1x1x8x128xf32, #tpu.memory_space<hbm>>
        %dma_wait3A_2052 = tpu.memref_squeeze %dma_wait3A_2051 : memref<1x1x1x8x128xf32, #tpu.memory_space<hbm>> -> memref<8x128xf32, #tpu.memory_space<hbm>>
        %dma_wait3A_2053 = arith.constant 0 : i32
        %dma_wait3A_2054 = arith.constant 0 : i32
        %dma_wait3A_2055 = tpu.memref_slice %arg8[%dma_wait3A_2053, %dma_wait3A_2054] : memref<32x129xf32, #tpu.memory_space<vmem>> -> memref<8x128xf32, #tpu.memory_space<vmem>>
        tpu.wait_dma2 semaphore(%arg20 : memref<!tpu.dma_semaphore, #tpu.memory_space<semaphore_mem>>) src(%dma_wait3A_2055 : memref<8x128xf32, #tpu.memory_space<vmem>>) dst(%dma_wait3A_2052 : memref<8x128xf32, #tpu.memory_space<hbm>>)
        %dma_wait3A_2056 = arith.constant 0 : i32
        %dma_wait3A_2057 = arith.constant 0 : i32
        %dma_wait3A_2058 = arith.constant 0 : i32
        %dma_wait3A_2059 = arith.constant 0 : i32
        %dma_wait3A_2060 = arith.constant 0 : i32
        %dma_wait3A_2061 = tpu.memref_slice %arg8[%dma_wait3A_2059, %dma_wait3A_2060] : memref<32x129xf32, #tpu.memory_space<vmem>> -> memref<8x128xf32, #tpu.memory_space<vmem>>
        %dma_wait3A_2062 = arith.constant 0 : i32
        %dma_wait3A_2063 = arith.constant 0 : i32
        %dma_wait3A_2064 = tpu.memref_slice %arg4[%dma_wait3A_2056, %dma_wait3A_2057, %dma_wait3A_2058, %dma_wait3A_2062, %dma_wait3A_2063] : memref<50x4x128x8x128xf32, #tpu.memory_space<hbm>> -> memref<1x1x1x8x128xf32, #tpu.memory_space<hbm>>
        %dma_wait3A_2065 = tpu.memref_squeeze %dma_wait3A_2064 : memref<1x1x1x8x128xf32, #tpu.memory_space<hbm>> -> memref<8x128xf32, #tpu.memory_space<hbm>>
        %dma_wait3A_2066 = arith.constant 0 : i32
        %dma_wait3A_2067 = arith.constant 0 : i32
        %dma_wait3A_2068 = tpu.memref_slice %arg4[%dma_wait3A_2056, %dma_wait3A_2057, %dma_wait3A_2058, %dma_wait3A_2066, %dma_wait3A_2067] : memref<50x4x128x8x128xf32, #tpu.memory_space<hbm>> -> memref<1x1x1x8x128xf32, #tpu.memory_space<hbm>>
        %dma_wait3A_2069 = tpu.memref_squeeze %dma_wait3A_2068 : memref<1x1x1x8x128xf32, #tpu.memory_space<hbm>> -> memref<8x128xf32, #tpu.memory_space<hbm>>
        %dma_wait3A_2070 = arith.constant 0 : i32
        %dma_wait3A_2071 = arith.constant 0 : i32
        %dma_wait3A_2072 = tpu.memref_slice %arg8[%dma_wait3A_2070, %dma_wait3A_2071] : memref<32x129xf32, #tpu.memory_space<vmem>> -> memref<8x128xf32, #tpu.memory_space<vmem>>
        tpu.wait_dma2 semaphore(%arg20 : memref<!tpu.dma_semaphore, #tpu.memory_space<semaphore_mem>>) src(%dma_wait3A_2072 : memref<8x128xf32, #tpu.memory_space<vmem>>) dst(%dma_wait3A_2069 : memref<8x128xf32, #tpu.memory_space<hbm>>)
        %dma_wait3A_2073 = arith.constant 0 : i32
        %dma_wait3A_2074 = arith.constant 0 : i32
        %dma_wait3A_2075 = arith.constant 0 : i32
        %dma_wait3A_2076 = arith.constant 0 : i32
        %dma_wait3A_2077 = arith.constant 0 : i32
        %dma_wait3A_2078 = tpu.memref_slice %arg8[%dma_wait3A_2076, %dma_wait3A_2077] : memref<32x129xf32, #tpu.memory_space<vmem>> -> memref<8x128xf32, #tpu.memory_space<vmem>>
        %dma_wait3A_2079 = arith.constant 0 : i32
        %dma_wait3A_2080 = arith.constant 0 : i32
        %dma_wait3A_2081 = tpu.memref_slice %arg4[%dma_wait3A_2073, %dma_wait3A_2074, %dma_wait3A_2075, %dma_wait3A_2079, %dma_wait3A_2080] : memref<50x4x128x8x128xf32, #tpu.memory_space<hbm>> -> memref<1x1x1x8x128xf32, #tpu.memory_space<hbm>>
        %dma_wait3A_2082 = tpu.memref_squeeze %dma_wait3A_2081 : memref<1x1x1x8x128xf32, #tpu.memory_space<hbm>> -> memref<8x128xf32, #tpu.memory_space<hbm>>
        %dma_wait3A_2083 = arith.constant 0 : i32
        %dma_wait3A_2084 = arith.constant 0 : i32
        %dma_wait3A_2085 = tpu.memref_slice %arg4[%dma_wait3A_2073, %dma_wait3A_2074, %dma_wait3A_2075, %dma_wait3A_2083, %dma_wait3A_2084] : memref<50x4x128x8x128xf32, #tpu.memory_space<hbm>> -> memref<1x1x1x8x128xf32, #tpu.memory_space<hbm>>
        %dma_wait3A_2086 = tpu.memref_squeeze %dma_wait3A_2085 : memref<1x1x1x8x128xf32, #tpu.memory_space<hbm>> -> memref<8x128xf32, #tpu.memory_space<hbm>>
        %dma_wait3A_2087 = arith.constant 0 : i32
        %dma_wait3A_2088 = arith.constant 0 : i32
        %dma_wait3A_2089 = tpu.memref_slice %arg8[%dma_wait3A_2087, %dma_wait3A_2088] : memref<32x129xf32, #tpu.memory_space<vmem>> -> memref<8x128xf32, #tpu.memory_space<vmem>>
        tpu.wait_dma2 semaphore(%arg20 : memref<!tpu.dma_semaphore, #tpu.memory_space<semaphore_mem>>) src(%dma_wait3A_2089 : memref<8x128xf32, #tpu.memory_space<vmem>>) dst(%dma_wait3A_2086 : memref<8x128xf32, #tpu.memory_space<hbm>>)
        %dma_wait3A_2090 = arith.constant 0 : i32
        %dma_wait3A_2091 = arith.constant 0 : i32
        %dma_wait3A_2092 = arith.constant 0 : i32
        %dma_wait3A_2093 = arith.constant 0 : i32
        %dma_wait3A_2094 = arith.constant 0 : i32
        %dma_wait3A_2095 = tpu.memref_slice %arg8[%dma_wait3A_2093, %dma_wait3A_2094] : memref<32x129xf32, #tpu.memory_space<vmem>> -> memref<8x128xf32, #tpu.memory_space<vmem>>
        %dma_wait3A_2096 = arith.constant 0 : i32
        %dma_wait3A_2097 = arith.constant 0 : i32
        %dma_wait3A_2098 = tpu.memref_slice %arg4[%dma_wait3A_2090, %dma_wait3A_2091, %dma_wait3A_2092, %dma_wait3A_2096, %dma_wait3A_2097] : memref<50x4x128x8x128xf32, #tpu.memory_space<hbm>> -> memref<1x1x1x8x128xf32, #tpu.memory_space<hbm>>
        %dma_wait3A_2099 = tpu.memref_squeeze %dma_wait3A_2098 : memref<1x1x1x8x128xf32, #tpu.memory_space<hbm>> -> memref<8x128xf32, #tpu.memory_space<hbm>>
        %dma_wait3A_2100 = arith.constant 0 : i32
        %dma_wait3A_2101 = arith.constant 0 : i32
        %dma_wait3A_2102 = tpu.memref_slice %arg4[%dma_wait3A_2090, %dma_wait3A_2091, %dma_wait3A_2092, %dma_wait3A_2100, %dma_wait3A_2101] : memref<50x4x128x8x128xf32, #tpu.memory_space<hbm>> -> memref<1x1x1x8x128xf32, #tpu.memory_space<hbm>>
        %dma_wait3A_2103 = tpu.memref_squeeze %dma_wait3A_2102 : memref<1x1x1x8x128xf32, #tpu.memory_space<hbm>> -> memref<8x128xf32, #tpu.memory_space<hbm>>
        %dma_wait3A_2104 = arith.constant 0 : i32
        %dma_wait3A_2105 = arith.constant 0 : i32
        %dma_wait3A_2106 = tpu.memref_slice %arg8[%dma_wait3A_2104, %dma_wait3A_2105] : memref<32x129xf32, #tpu.memory_space<vmem>> -> memref<8x128xf32, #tpu.memory_space<vmem>>
        tpu.wait_dma2 semaphore(%arg20 : memref<!tpu.dma_semaphore, #tpu.memory_space<semaphore_mem>>) src(%dma_wait3A_2106 : memref<8x128xf32, #tpu.memory_space<vmem>>) dst(%dma_wait3A_2103 : memref<8x128xf32, #tpu.memory_space<hbm>>)
        %dma_wait3A_2107 = arith.constant 0 : i32
        %dma_wait3A_2108 = arith.constant 0 : i32
        %dma_wait3A_2109 = arith.constant 0 : i32
        %dma_wait3A_2110 = arith.constant 0 : i32
        %dma_wait3A_2111 = arith.constant 0 : i32
        %dma_wait3A_2112 = tpu.memref_slice %arg8[%dma_wait3A_2110, %dma_wait3A_2111] : memref<32x129xf32, #tpu.memory_space<vmem>> -> memref<8x128xf32, #tpu.memory_space<vmem>>
        %dma_wait3A_2113 = arith.constant 0 : i32
        %dma_wait3A_2114 = arith.constant 0 : i32
        %dma_wait3A_2115 = tpu.memref_slice %arg4[%dma_wait3A_2107, %dma_wait3A_2108, %dma_wait3A_2109, %dma_wait3A_2113, %dma_wait3A_2114] : memref<50x4x128x8x128xf32, #tpu.memory_space<hbm>> -> memref<1x1x1x8x128xf32, #tpu.memory_space<hbm>>
        %dma_wait3A_2116 = tpu.memref_squeeze %dma_wait3A_2115 : memref<1x1x1x8x128xf32, #tpu.memory_space<hbm>> -> memref<8x128xf32, #tpu.memory_space<hbm>>
        %dma_wait3A_2117 = arith.constant 0 : i32
        %dma_wait3A_2118 = arith.constant 0 : i32
        %dma_wait3A_2119 = tpu.memref_slice %arg4[%dma_wait3A_2107, %dma_wait3A_2108, %dma_wait3A_2109, %dma_wait3A_2117, %dma_wait3A_2118] : memref<50x4x128x8x128xf32, #tpu.memory_space<hbm>> -> memref<1x1x1x8x128xf32, #tpu.memory_space<hbm>>
        %dma_wait3A_2120 = tpu.memref_squeeze %dma_wait3A_2119 : memref<1x1x1x8x128xf32, #tpu.memory_space<hbm>> -> memref<8x128xf32, #tpu.memory_space<hbm>>
        %dma_wait3A_2121 = arith.constant 0 : i32
        %dma_wait3A_2122 = arith.constant 0 : i32
        %dma_wait3A_2123 = tpu.memref_slice %arg8[%dma_wait3A_2121, %dma_wait3A_2122] : memref<32x129xf32, #tpu.memory_space<vmem>> -> memref<8x128xf32, #tpu.memory_space<vmem>>
        tpu.wait_dma2 semaphore(%arg20 : memref<!tpu.dma_semaphore, #tpu.memory_space<semaphore_mem>>) src(%dma_wait3A_2123 : memref<8x128xf32, #tpu.memory_space<vmem>>) dst(%dma_wait3A_2120 : memref<8x128xf32, #tpu.memory_space<hbm>>)
        %dma_wait3A_2124 = arith.constant 0 : i32
        %dma_wait3A_2125 = arith.constant 0 : i32
        %dma_wait3A_2126 = arith.constant 0 : i32
        %dma_wait3A_2127 = arith.constant 0 : i32
        %dma_wait3A_2128 = arith.constant 0 : i32
        %dma_wait3A_2129 = tpu.memref_slice %arg8[%dma_wait3A_2127, %dma_wait3A_2128] : memref<32x129xf32, #tpu.memory_space<vmem>> -> memref<8x128xf32, #tpu.memory_space<vmem>>
        %dma_wait3A_2130 = arith.constant 0 : i32
        %dma_wait3A_2131 = arith.constant 0 : i32
        %dma_wait3A_2132 = tpu.memref_slice %arg4[%dma_wait3A_2124, %dma_wait3A_2125, %dma_wait3A_2126, %dma_wait3A_2130, %dma_wait3A_2131] : memref<50x4x128x8x128xf32, #tpu.memory_space<hbm>> -> memref<1x1x1x8x128xf32, #tpu.memory_space<hbm>>
        %dma_wait3A_2133 = tpu.memref_squeeze %dma_wait3A_2132 : memref<1x1x1x8x128xf32, #tpu.memory_space<hbm>> -> memref<8x128xf32, #tpu.memory_space<hbm>>
        %dma_wait3A_2134 = arith.constant 0 : i32
        %dma_wait3A_2135 = arith.constant 0 : i32
        %dma_wait3A_2136 = tpu.memref_slice %arg4[%dma_wait3A_2124, %dma_wait3A_2125, %dma_wait3A_2126, %dma_wait3A_2134, %dma_wait3A_2135] : memref<50x4x128x8x128xf32, #tpu.memory_space<hbm>> -> memref<1x1x1x8x128xf32, #tpu.memory_space<hbm>>
        %dma_wait3A_2137 = tpu.memref_squeeze %dma_wait3A_2136 : memref<1x1x1x8x128xf32, #tpu.memory_space<hbm>> -> memref<8x128xf32, #tpu.memory_space<hbm>>
        %dma_wait3A_2138 = arith.constant 0 : i32
        %dma_wait3A_2139 = arith.constant 0 : i32
        %dma_wait3A_2140 = tpu.memref_slice %arg8[%dma_wait3A_2138, %dma_wait3A_2139] : memref<32x129xf32, #tpu.memory_space<vmem>> -> memref<8x128xf32, #tpu.memory_space<vmem>>
        tpu.wait_dma2 semaphore(%arg20 : memref<!tpu.dma_semaphore, #tpu.memory_space<semaphore_mem>>) src(%dma_wait3A_2140 : memref<8x128xf32, #tpu.memory_space<vmem>>) dst(%dma_wait3A_2137 : memref<8x128xf32, #tpu.memory_space<hbm>>)
        %dma_wait3A_2141 = arith.constant 0 : i32
        %dma_wait3A_2142 = arith.constant 0 : i32
        %dma_wait3A_2143 = arith.constant 0 : i32
        %dma_wait3A_2144 = arith.constant 0 : i32
        %dma_wait3A_2145 = arith.constant 0 : i32
        %dma_wait3A_2146 = tpu.memref_slice %arg8[%dma_wait3A_2144, %dma_wait3A_2145] : memref<32x129xf32, #tpu.memory_space<vmem>> -> memref<8x128xf32, #tpu.memory_space<vmem>>
        %dma_wait3A_2147 = arith.constant 0 : i32
        %dma_wait3A_2148 = arith.constant 0 : i32
        %dma_wait3A_2149 = tpu.memref_slice %arg4[%dma_wait3A_2141, %dma_wait3A_2142, %dma_wait3A_2143, %dma_wait3A_2147, %dma_wait3A_2148] : memref<50x4x128x8x128xf32, #tpu.memory_space<hbm>> -> memref<1x1x1x8x128xf32, #tpu.memory_space<hbm>>
        %dma_wait3A_2150 = tpu.memref_squeeze %dma_wait3A_2149 : memref<1x1x1x8x128xf32, #tpu.memory_space<hbm>> -> memref<8x128xf32, #tpu.memory_space<hbm>>
        %dma_wait3A_2151 = arith.constant 0 : i32
        %dma_wait3A_2152 = arith.constant 0 : i32
        %dma_wait3A_2153 = tpu.memref_slice %arg4[%dma_wait3A_2141, %dma_wait3A_2142, %dma_wait3A_2143, %dma_wait3A_2151, %dma_wait3A_2152] : memref<50x4x128x8x128xf32, #tpu.memory_space<hbm>> -> memref<1x1x1x8x128xf32, #tpu.memory_space<hbm>>
        %dma_wait3A_2154 = tpu.memref_squeeze %dma_wait3A_2153 : memref<1x1x1x8x128xf32, #tpu.memory_space<hbm>> -> memref<8x128xf32, #tpu.memory_space<hbm>>
        %dma_wait3A_2155 = arith.constant 0 : i32
        %dma_wait3A_2156 = arith.constant 0 : i32
        %dma_wait3A_2157 = tpu.memref_slice %arg8[%dma_wait3A_2155, %dma_wait3A_2156] : memref<32x129xf32, #tpu.memory_space<vmem>> -> memref<8x128xf32, #tpu.memory_space<vmem>>
        tpu.wait_dma2 semaphore(%arg20 : memref<!tpu.dma_semaphore, #tpu.memory_space<semaphore_mem>>) src(%dma_wait3A_2157 : memref<8x128xf32, #tpu.memory_space<vmem>>) dst(%dma_wait3A_2154 : memref<8x128xf32, #tpu.memory_space<hbm>>)
        %dma_wait3A_2158 = arith.constant 0 : i32
        %dma_wait3A_2159 = arith.constant 0 : i32
        %dma_wait3A_2160 = arith.constant 0 : i32
        %dma_wait3A_2161 = arith.constant 0 : i32
        %dma_wait3A_2162 = arith.constant 0 : i32
        %dma_wait3A_2163 = tpu.memref_slice %arg8[%dma_wait3A_2161, %dma_wait3A_2162] : memref<32x129xf32, #tpu.memory_space<vmem>> -> memref<8x128xf32, #tpu.memory_space<vmem>>
        %dma_wait3A_2164 = arith.constant 0 : i32
        %dma_wait3A_2165 = arith.constant 0 : i32
        %dma_wait3A_2166 = tpu.memref_slice %arg4[%dma_wait3A_2158, %dma_wait3A_2159, %dma_wait3A_2160, %dma_wait3A_2164, %dma_wait3A_2165] : memref<50x4x128x8x128xf32, #tpu.memory_space<hbm>> -> memref<1x1x1x8x128xf32, #tpu.memory_space<hbm>>
        %dma_wait3A_2167 = tpu.memref_squeeze %dma_wait3A_2166 : memref<1x1x1x8x128xf32, #tpu.memory_space<hbm>> -> memref<8x128xf32, #tpu.memory_space<hbm>>
        %dma_wait3A_2168 = arith.constant 0 : i32
        %dma_wait3A_2169 = arith.constant 0 : i32
        %dma_wait3A_2170 = tpu.memref_slice %arg4[%dma_wait3A_2158, %dma_wait3A_2159, %dma_wait3A_2160, %dma_wait3A_2168, %dma_wait3A_2169] : memref<50x4x128x8x128xf32, #tpu.memory_space<hbm>> -> memref<1x1x1x8x128xf32, #tpu.memory_space<hbm>>
        %dma_wait3A_2171 = tpu.memref_squeeze %dma_wait3A_2170 : memref<1x1x1x8x128xf32, #tpu.memory_space<hbm>> -> memref<8x128xf32, #tpu.memory_space<hbm>>
        %dma_wait3A_2172 = arith.constant 0 : i32
        %dma_wait3A_2173 = arith.constant 0 : i32
        %dma_wait3A_2174 = tpu.memref_slice %arg8[%dma_wait3A_2172, %dma_wait3A_2173] : memref<32x129xf32, #tpu.memory_space<vmem>> -> memref<8x128xf32, #tpu.memory_space<vmem>>
        tpu.wait_dma2 semaphore(%arg20 : memref<!tpu.dma_semaphore, #tpu.memory_space<semaphore_mem>>) src(%dma_wait3A_2174 : memref<8x128xf32, #tpu.memory_space<vmem>>) dst(%dma_wait3A_2171 : memref<8x128xf32, #tpu.memory_space<hbm>>)
        %dma_wait3A_2175 = arith.constant 0 : i32
        %dma_wait3A_2176 = arith.constant 0 : i32
        %dma_wait3A_2177 = arith.constant 0 : i32
        %dma_wait3A_2178 = arith.constant 0 : i32
        %dma_wait3A_2179 = arith.constant 0 : i32
        %dma_wait3A_2180 = tpu.memref_slice %arg8[%dma_wait3A_2178, %dma_wait3A_2179] : memref<32x129xf32, #tpu.memory_space<vmem>> -> memref<8x128xf32, #tpu.memory_space<vmem>>
        %dma_wait3A_2181 = arith.constant 0 : i32
        %dma_wait3A_2182 = arith.constant 0 : i32
        %dma_wait3A_2183 = tpu.memref_slice %arg4[%dma_wait3A_2175, %dma_wait3A_2176, %dma_wait3A_2177, %dma_wait3A_2181, %dma_wait3A_2182] : memref<50x4x128x8x128xf32, #tpu.memory_space<hbm>> -> memref<1x1x1x8x128xf32, #tpu.memory_space<hbm>>
        %dma_wait3A_2184 = tpu.memref_squeeze %dma_wait3A_2183 : memref<1x1x1x8x128xf32, #tpu.memory_space<hbm>> -> memref<8x128xf32, #tpu.memory_space<hbm>>
        %dma_wait3A_2185 = arith.constant 0 : i32
        %dma_wait3A_2186 = arith.constant 0 : i32
        %dma_wait3A_2187 = tpu.memref_slice %arg4[%dma_wait3A_2175, %dma_wait3A_2176, %dma_wait3A_2177, %dma_wait3A_2185, %dma_wait3A_2186] : memref<50x4x128x8x128xf32, #tpu.memory_space<hbm>> -> memref<1x1x1x8x128xf32, #tpu.memory_space<hbm>>
        %dma_wait3A_2188 = tpu.memref_squeeze %dma_wait3A_2187 : memref<1x1x1x8x128xf32, #tpu.memory_space<hbm>> -> memref<8x128xf32, #tpu.memory_space<hbm>>
        %dma_wait3A_2189 = arith.constant 0 : i32
        %dma_wait3A_2190 = arith.constant 0 : i32
        %dma_wait3A_2191 = tpu.memref_slice %arg8[%dma_wait3A_2189, %dma_wait3A_2190] : memref<32x129xf32, #tpu.memory_space<vmem>> -> memref<8x128xf32, #tpu.memory_space<vmem>>
        tpu.wait_dma2 semaphore(%arg20 : memref<!tpu.dma_semaphore, #tpu.memory_space<semaphore_mem>>) src(%dma_wait3A_2191 : memref<8x128xf32, #tpu.memory_space<vmem>>) dst(%dma_wait3A_2188 : memref<8x128xf32, #tpu.memory_space<hbm>>)
      } else {
      }
      %parallel_loop3A = arith.constant 0 : i32
      %parallel_loop3A_782 = arith.constant 128 : i32
      %parallel_loop3A_783 = arith.constant 1 : i32
      scf.for %parallel_loop3A_1852 = %parallel_loop3A to %parallel_loop3A_782 step %parallel_loop3A_783  : i32 {
        %parallel_loop3A_1853 = arith.constant 0 : i32
        %parallel_loop3A_1854 = vector.broadcast %parallel_loop3A_1853 : i32 to vector<16xi32>
        %parallel_loop3A_1855 = vector.broadcast %parallel_loop3A_1852 : i32 to vector<16xi32>
        %parallel_loop3A_1856 = arith.addi %parallel_loop3A_1854, %parallel_loop3A_1855 : vector<16xi32>
        %parallel_loop3A_1857 = arith.constant 0 : i32
        %parallel_loop3A_1858 = arith.addi %parallel_loop3A_1857, %parallel_loop3A_1852 : i32
        %parallel_loop3A_1859 = arith.index_cast %parallel_loop3A_1858 : i32 to index
        %parallel_loop3A_1860 = arith.constant 0 : index
        %parallel_loop3A_1861 = tpu.vector_load %arg6[%parallel_loop3A_1859, %parallel_loop3A_1860] {strides = array<i32>} : memref<640x32xf32, #tpu.memory_space<vmem>>, vector<16xf32>,
        %parallel_loop3A_1862 = arith.constant 0 : i32
        %parallel_loop3A_1863 = arith.addi %parallel_loop3A_1862, %parallel_loop3A_1852 : i32
        %parallel_loop3A_1864 = arith.index_cast %parallel_loop3A_1863 : i32 to index
        %parallel_loop3A_1865 = arith.constant 16 : index
        %parallel_loop3A_1866 = tpu.vector_load %arg6[%parallel_loop3A_1864, %parallel_loop3A_1865] {strides = array<i32>} : memref<640x32xf32, #tpu.memory_space<vmem>>, vector<16xf32>,
        tpu.vector_store_idx %arg8[%iota3A, %parallel_loop3A_1856], %parallel_loop3A_1861 : memref<32x129xf32, #tpu.memory_space<vmem>>[vector<16xi32>, vector<16xi32>], vector<16xf32>,
        tpu.vector_store_idx %arg8[%add3A_5, %parallel_loop3A_1856], %parallel_loop3A_1866 : memref<32x129xf32, #tpu.memory_space<vmem>>[vector<16xi32>, vector<16xi32>], vector<16xf32>,
        %parallel_loop3A_1867 = arith.constant 128 : i32
        %parallel_loop3A_1868 = arith.addi %parallel_loop3A_1867, %parallel_loop3A_1852 : i32
        %parallel_loop3A_1869 = arith.index_cast %parallel_loop3A_1868 : i32 to index
        %parallel_loop3A_1870 = arith.constant 0 : index
        %parallel_loop3A_1871 = tpu.vector_load %arg6[%parallel_loop3A_1869, %parallel_loop3A_1870] {strides = array<i32>} : memref<640x32xf32, #tpu.memory_space<vmem>>, vector<16xf32>,
        %parallel_loop3A_1872 = arith.constant 128 : i32
        %parallel_loop3A_1873 = arith.addi %parallel_loop3A_1872, %parallel_loop3A_1852 : i32
        %parallel_loop3A_1874 = arith.index_cast %parallel_loop3A_1873 : i32 to index
        %parallel_loop3A_1875 = arith.constant 16 : index
        %parallel_loop3A_1876 = tpu.vector_load %arg6[%parallel_loop3A_1874, %parallel_loop3A_1875] {strides = array<i32>} : memref<640x32xf32, #tpu.memory_space<vmem>>, vector<16xf32>,
        tpu.vector_store_idx %arg9[%iota3A, %parallel_loop3A_1856], %parallel_loop3A_1871 : memref<32x129xf32, #tpu.memory_space<vmem>>[vector<16xi32>, vector<16xi32>], vector<16xf32>,
        tpu.vector_store_idx %arg9[%add3A_5, %parallel_loop3A_1856], %parallel_loop3A_1876 : memref<32x129xf32, #tpu.memory_space<vmem>>[vector<16xi32>, vector<16xi32>], vector<16xf32>,
        %parallel_loop3A_1877 = arith.constant 256 : i32
        %parallel_loop3A_1878 = arith.addi %parallel_loop3A_1877, %parallel_loop3A_1852 : i32
        %parallel_loop3A_1879 = arith.index_cast %parallel_loop3A_1878 : i32 to index
        %parallel_loop3A_1880 = arith.constant 0 : index
        %parallel_loop3A_1881 = tpu.vector_load %arg6[%parallel_loop3A_1879, %parallel_loop3A_1880] {strides = array<i32>} : memref<640x32xf32, #tpu.memory_space<vmem>>, vector<16xf32>,
        %parallel_loop3A_1882 = arith.constant 256 : i32
        %parallel_loop3A_1883 = arith.addi %parallel_loop3A_1882, %parallel_loop3A_1852 : i32
        %parallel_loop3A_1884 = arith.index_cast %parallel_loop3A_1883 : i32 to index
        %parallel_loop3A_1885 = arith.constant 16 : index
        %parallel_loop3A_1886 = tpu.vector_load %arg6[%parallel_loop3A_1884, %parallel_loop3A_1885] {strides = array<i32>} : memref<640x32xf32, #tpu.memory_space<vmem>>, vector<16xf32>,
        tpu.vector_store_idx %arg10[%iota3A, %parallel_loop3A_1856], %parallel_loop3A_1881 : memref<32x129xf32, #tpu.memory_space<vmem>>[vector<16xi32>, vector<16xi32>], vector<16xf32>,
        tpu.vector_store_idx %arg10[%add3A_5, %parallel_loop3A_1856], %parallel_loop3A_1886 : memref<32x129xf32, #tpu.memory_space<vmem>>[vector<16xi32>, vector<16xi32>], vector<16xf32>,
        %parallel_loop3A_1887 = arith.constant 384 : i32
        %parallel_loop3A_1888 = arith.addi %parallel_loop3A_1887, %parallel_loop3A_1852 : i32
        %parallel_loop3A_1889 = arith.index_cast %parallel_loop3A_1888 : i32 to index
        %parallel_loop3A_1890 = arith.constant 0 : index
        %parallel_loop3A_1891 = tpu.vector_load %arg6[%parallel_loop3A_1889, %parallel_loop3A_1890] {strides = array<i32>} : memref<640x32xf32, #tpu.memory_space<vmem>>, vector<16xf32>,
        %parallel_loop3A_1892 = arith.constant 384 : i32
        %parallel_loop3A_1893 = arith.addi %parallel_loop3A_1892, %parallel_loop3A_1852 : i32
        %parallel_loop3A_1894 = arith.index_cast %parallel_loop3A_1893 : i32 to index
        %parallel_loop3A_1895 = arith.constant 16 : index
        %parallel_loop3A_1896 = tpu.vector_load %arg6[%parallel_loop3A_1894, %parallel_loop3A_1895] {strides = array<i32>} : memref<640x32xf32, #tpu.memory_space<vmem>>, vector<16xf32>,
        tpu.vector_store_idx %arg11[%iota3A, %parallel_loop3A_1856], %parallel_loop3A_1891 : memref<32x129xf32, #tpu.memory_space<vmem>>[vector<16xi32>, vector<16xi32>], vector<16xf32>,
        tpu.vector_store_idx %arg11[%add3A_5, %parallel_loop3A_1856], %parallel_loop3A_1896 : memref<32x129xf32, #tpu.memory_space<vmem>>[vector<16xi32>, vector<16xi32>], vector<16xf32>,
        %parallel_loop3A_1897 = arith.constant 512 : i32
        %parallel_loop3A_1898 = arith.addi %parallel_loop3A_1897, %parallel_loop3A_1852 : i32
        %parallel_loop3A_1899 = arith.index_cast %parallel_loop3A_1898 : i32 to index
        %parallel_loop3A_1900 = arith.constant 0 : index
        %parallel_loop3A_1901 = tpu.vector_load %arg6[%parallel_loop3A_1899, %parallel_loop3A_1900] {strides = array<i32>} : memref<640x32xf32, #tpu.memory_space<vmem>>, vector<16xf32>,
        %parallel_loop3A_1902 = arith.constant 512 : i32
        %parallel_loop3A_1903 = arith.addi %parallel_loop3A_1902, %parallel_loop3A_1852 : i32
        %parallel_loop3A_1904 = arith.index_cast %parallel_loop3A_1903 : i32 to index
        %parallel_loop3A_1905 = arith.constant 16 : index
        %parallel_loop3A_1906 = tpu.vector_load %arg6[%parallel_loop3A_1904, %parallel_loop3A_1905] {strides = array<i32>} : memref<640x32xf32, #tpu.memory_space<vmem>>, vector<16xf32>,
        tpu.vector_store_idx %arg12[%iota3A, %parallel_loop3A_1856], %parallel_loop3A_1901 : memref<32x129xf32, #tpu.memory_space<vmem>>[vector<16xi32>, vector<16xi32>], vector<16xf32>,
        tpu.vector_store_idx %arg12[%add3A_5, %parallel_loop3A_1856], %parallel_loop3A_1906 : memref<32x129xf32, #tpu.memory_space<vmem>>[vector<16xi32>, vector<16xi32>], vector<16xf32>,
      } {sc.loop_unroll_factor = 8 : i64, sc.parallel_access}
      %lt3A = arith.constant 19 : i32
      %lt3A_784 = arith.cmpi slt, %scan3A_771, %lt3A : i32
      %convert_element_type3A_785 = arith.extui %lt3A_784 : i1 to i32
      %cond3A_786 = arith.constant 0 : i32
      %cond3A_787 = arith.cmpi ne, %convert_element_type3A_785, %cond3A_786 : i32
      scf.if %cond3A_787 {
        %add3A_1852 = arith.constant 0 : i32
        %add3A_1853 = arith.addi %mul3A_773, %add3A_1852 : i32
        %add3A_1854 = arith.constant 2 : i32
        %add3A_1855 = arith.addi %add3A_1853, %add3A_1854 : i32
        %mul3A_1856 = arith.constant 5 : i32
        %mul3A_1857 = arith.muli %add3A_1855, %mul3A_1856 : i32
        %add3A_1858 = arith.constant 0 : i32
        %add3A_1859 = arith.addi %mul3A_1857, %add3A_1858 : i32
        %mul3A_1860 = arith.constant 128 : i32
        %mul3A_1861 = arith.muli %add3A_1859, %mul3A_1860 : i32
        %dma_start3A_1862 = arith.constant 0 : i32
        %dma_start3A_1863 = arith.constant 0 : i32
        %dma_start3A_1864 = tpu.memref_slice %arg6[%dma_start3A_1862, %dma_start3A_1863] : memref<640x32xf32, #tpu.memory_space<vmem>> -> memref<128x32xf32, #tpu.memory_space<vmem>>
        %dma_start3A_1865 = tpu.memref_slice %arg5[%mul3A_1861] : memref<25600xi32, #tpu.memory_space<vmem>> -> memref<128xi32, #tpu.memory_space<vmem>>
        %dma_start3A_1866 = arith.constant 0 : i32
        %dma_start3A_1867 = arith.constant 0 : i32
        %dma_start3A_1868 = tpu.memref_slice %arg3[%dma_start3A_1866, %dma_start3A_1867] : memref<100000x32xf32, #tpu.memory_space<hbm>> -> memref<100000x32xf32, #tpu.memory_space<hbm>>
        tpu.enqueue_indirect_dma source(%dma_start3A_1868 : memref<100000x32xf32, #tpu.memory_space<hbm>>) target(%dma_start3A_1864 : memref<128x32xf32, #tpu.memory_space<vmem>>) offsets(%dma_start3A_1865 : memref<128xi32, #tpu.memory_space<vmem>>) semaphore(%arg18 : memref<!tpu.dma_semaphore, #tpu.memory_space<semaphore_mem>>)
        %mul3A_1869 = arith.constant 5 : i32
        %mul3A_1870 = arith.muli %add3A_1855, %mul3A_1869 : i32
        %add3A_1871 = arith.constant 1 : i32
        %add3A_1872 = arith.addi %mul3A_1870, %add3A_1871 : i32
        %mul3A_1873 = arith.constant 128 : i32
        %mul3A_1874 = arith.muli %add3A_1872, %mul3A_1873 : i32
        %dma_start3A_1875 = arith.constant 128 : i32
        %dma_start3A_1876 = arith.constant 0 : i32
        %dma_start3A_1877 = tpu.memref_slice %arg6[%dma_start3A_1875, %dma_start3A_1876] : memref<640x32xf32, #tpu.memory_space<vmem>> -> memref<128x32xf32, #tpu.memory_space<vmem>>
        %dma_start3A_1878 = tpu.memref_slice %arg5[%mul3A_1874] : memref<25600xi32, #tpu.memory_space<vmem>> -> memref<128xi32, #tpu.memory_space<vmem>>
        %dma_start3A_1879 = arith.constant 0 : i32
        %dma_start3A_1880 = arith.constant 0 : i32
        %dma_start3A_1881 = tpu.memref_slice %arg3[%dma_start3A_1879, %dma_start3A_1880] : memref<100000x32xf32, #tpu.memory_space<hbm>> -> memref<100000x32xf32, #tpu.memory_space<hbm>>
        tpu.enqueue_indirect_dma source(%dma_start3A_1881 : memref<100000x32xf32, #tpu.memory_space<hbm>>) target(%dma_start3A_1877 : memref<128x32xf32, #tpu.memory_space<vmem>>) offsets(%dma_start3A_1878 : memref<128xi32, #tpu.memory_space<vmem>>) semaphore(%arg18 : memref<!tpu.dma_semaphore, #tpu.memory_space<semaphore_mem>>)
        %mul3A_1882 = arith.constant 5 : i32
        %mul3A_1883 = arith.muli %add3A_1855, %mul3A_1882 : i32
        %add3A_1884 = arith.constant 2 : i32
        %add3A_1885 = arith.addi %mul3A_1883, %add3A_1884 : i32
        %mul3A_1886 = arith.constant 128 : i32
        %mul3A_1887 = arith.muli %add3A_1885, %mul3A_1886 : i32
        %dma_start3A_1888 = arith.constant 256 : i32
        %dma_start3A_1889 = arith.constant 0 : i32
        %dma_start3A_1890 = tpu.memref_slice %arg6[%dma_start3A_1888, %dma_start3A_1889] : memref<640x32xf32, #tpu.memory_space<vmem>> -> memref<128x32xf32, #tpu.memory_space<vmem>>
        %dma_start3A_1891 = tpu.memref_slice %arg5[%mul3A_1887] : memref<25600xi32, #tpu.memory_space<vmem>> -> memref<128xi32, #tpu.memory_space<vmem>>
        %dma_start3A_1892 = arith.constant 0 : i32
        %dma_start3A_1893 = arith.constant 0 : i32
        %dma_start3A_1894 = tpu.memref_slice %arg3[%dma_start3A_1892, %dma_start3A_1893] : memref<100000x32xf32, #tpu.memory_space<hbm>> -> memref<100000x32xf32, #tpu.memory_space<hbm>>
        tpu.enqueue_indirect_dma source(%dma_start3A_1894 : memref<100000x32xf32, #tpu.memory_space<hbm>>) target(%dma_start3A_1890 : memref<128x32xf32, #tpu.memory_space<vmem>>) offsets(%dma_start3A_1891 : memref<128xi32, #tpu.memory_space<vmem>>) semaphore(%arg18 : memref<!tpu.dma_semaphore, #tpu.memory_space<semaphore_mem>>)
        %mul3A_1895 = arith.constant 5 : i32
        %mul3A_1896 = arith.muli %add3A_1855, %mul3A_1895 : i32
        %add3A_1897 = arith.constant 3 : i32
        %add3A_1898 = arith.addi %mul3A_1896, %add3A_1897 : i32
        %mul3A_1899 = arith.constant 128 : i32
        %mul3A_1900 = arith.muli %add3A_1898, %mul3A_1899 : i32
        %dma_start3A_1901 = arith.constant 384 : i32
        %dma_start3A_1902 = arith.constant 0 : i32
        %dma_start3A_1903 = tpu.memref_slice %arg6[%dma_start3A_1901, %dma_start3A_1902] : memref<640x32xf32, #tpu.memory_space<vmem>> -> memref<128x32xf32, #tpu.memory_space<vmem>>
        %dma_start3A_1904 = tpu.memref_slice %arg5[%mul3A_1900] : memref<25600xi32, #tpu.memory_space<vmem>> -> memref<128xi32, #tpu.memory_space<vmem>>
        %dma_start3A_1905 = arith.constant 0 : i32
        %dma_start3A_1906 = arith.constant 0 : i32
        %dma_start3A_1907 = tpu.memref_slice %arg3[%dma_start3A_1905, %dma_start3A_1906] : memref<100000x32xf32, #tpu.memory_space<hbm>> -> memref<100000x32xf32, #tpu.memory_space<hbm>>
        tpu.enqueue_indirect_dma source(%dma_start3A_1907 : memref<100000x32xf32, #tpu.memory_space<hbm>>) target(%dma_start3A_1903 : memref<128x32xf32, #tpu.memory_space<vmem>>) offsets(%dma_start3A_1904 : memref<128xi32, #tpu.memory_space<vmem>>) semaphore(%arg18 : memref<!tpu.dma_semaphore, #tpu.memory_space<semaphore_mem>>)
        %mul3A_1908 = arith.constant 5 : i32
        %mul3A_1909 = arith.muli %add3A_1855, %mul3A_1908 : i32
        %add3A_1910 = arith.constant 4 : i32
        %add3A_1911 = arith.addi %mul3A_1909, %add3A_1910 : i32
        %mul3A_1912 = arith.constant 128 : i32
        %mul3A_1913 = arith.muli %add3A_1911, %mul3A_1912 : i32
        %dma_start3A_1914 = arith.constant 512 : i32
        %dma_start3A_1915 = arith.constant 0 : i32
        %dma_start3A_1916 = tpu.memref_slice %arg6[%dma_start3A_1914, %dma_start3A_1915] : memref<640x32xf32, #tpu.memory_space<vmem>> -> memref<128x32xf32, #tpu.memory_space<vmem>>
        %dma_start3A_1917 = tpu.memref_slice %arg5[%mul3A_1913] : memref<25600xi32, #tpu.memory_space<vmem>> -> memref<128xi32, #tpu.memory_space<vmem>>
        %dma_start3A_1918 = arith.constant 0 : i32
        %dma_start3A_1919 = arith.constant 0 : i32
        %dma_start3A_1920 = tpu.memref_slice %arg3[%dma_start3A_1918, %dma_start3A_1919] : memref<100000x32xf32, #tpu.memory_space<hbm>> -> memref<100000x32xf32, #tpu.memory_space<hbm>>
        tpu.enqueue_indirect_dma source(%dma_start3A_1920 : memref<100000x32xf32, #tpu.memory_space<hbm>>) target(%dma_start3A_1916 : memref<128x32xf32, #tpu.memory_space<vmem>>) offsets(%dma_start3A_1917 : memref<128xi32, #tpu.memory_space<vmem>>) semaphore(%arg18 : memref<!tpu.dma_semaphore, #tpu.memory_space<semaphore_mem>>)
      } else {
      }
      %add3A_788 = arith.constant 0 : i32
      %add3A_789 = arith.addi %mul3A_773, %add3A_788 : i32
      %mul3A_790 = arith.constant 5 : i32
      %mul3A_791 = arith.muli %add3A_789, %mul3A_790 : i32
      %add3A_792 = arith.addi %mul3A_2, %mul3A_791 : i32
      %add3A_793 = arith.constant 0 : i32
      %add3A_794 = arith.addi %add3A_792, %add3A_793 : i32
      %jit3A = arith.constant 128 : i32
      %div3A = arith.divsi %add3A_794, %jit3A : i32
      %sign3A = arith.constant 0 : i32
      %sign3A_795 = arith.cmpi sgt, %add3A_794, %sign3A : i32
      %sign3A_796 = arith.extui %sign3A_795 : i1 to i32
      %sign3A_797 = arith.constant 0 : i32
      %sign3A_798 = arith.cmpi slt, %add3A_794, %sign3A_797 : i32
      %sign3A_799 = arith.extui %sign3A_798 : i1 to i32
      %sign3A_800 = arith.subi %sign3A_796, %sign3A_799 : i32
      %sign3A_801 = arith.constant 0 : i32
      %sign3A_802 = arith.cmpi sgt, %jit3A, %sign3A_801 : i32
      %sign3A_803 = arith.extui %sign3A_802 : i1 to i32
      %sign3A_804 = arith.constant 0 : i32
      %sign3A_805 = arith.cmpi slt, %jit3A, %sign3A_804 : i32
      %sign3A_806 = arith.extui %sign3A_805 : i1 to i32
      %sign3A_807 = arith.subi %sign3A_803, %sign3A_806 : i32
      %ne3A = arith.cmpi ne, %sign3A_800, %sign3A_807 : i32
      %rem3A = arith.remsi %add3A_794, %jit3A : i32
      %ne3A_808 = arith.constant 0 : i32
      %ne3A_809 = arith.cmpi ne, %rem3A, %ne3A_808 : i32
      %and3A = arith.andi %ne3A, %ne3A_809 : i1
      %sub3A = arith.constant 1 : i32
      %sub3A_810 = arith.subi %div3A, %sub3A : i32
      %select_n3A = arith.select %and3A, %sub3A_810, %div3A : i32
      %jit3A_811 = arith.constant 128 : i32
      %eq3A = arith.constant 0 : i32
      %eq3A_812 = arith.cmpi eq, %jit3A_811, %eq3A : i32
      %jit3A_813 = arith.constant 1 : i32
      %select_n3A_814 = arith.select %eq3A_812, %jit3A_813, %jit3A_811 : i32
      %rem3A_815 = arith.remsi %add3A_794, %select_n3A_814 : i32
      %ne3A_816 = arith.constant 0 : i32
      %ne3A_817 = arith.cmpi ne, %rem3A_815, %ne3A_816 : i32
      %lt3A_818 = arith.constant 0 : i32
      %lt3A_819 = arith.cmpi slt, %rem3A_815, %lt3A_818 : i32
      %lt3A_820 = arith.constant 0 : i32
      %lt3A_821 = arith.cmpi slt, %select_n3A_814, %lt3A_820 : i32
      %ne3A_822 = arith.xori %lt3A_819, %lt3A_821 : i1
      %and3A_823 = arith.andi %ne3A_822, %ne3A_817 : i1
      %add3A_824 = arith.addi %rem3A_815, %select_n3A_814 : i32
      %select_n3A_825 = arith.select %and3A_823, %add3A_824, %rem3A_815 : i32
      %dma_start3A_826 = arith.constant 0 : i32
      %dma_start3A_827 = arith.constant 0 : i32
      %dma_start3A_828 = arith.constant 0 : i32
      %dma_start3A_829 = tpu.memref_slice %arg8[%dma_start3A_827, %dma_start3A_828] : memref<32x129xf32, #tpu.memory_space<vmem>> -> memref<8x128xf32, #tpu.memory_space<vmem>>
      %dma_start3A_830 = arith.constant 0 : i32
      %dma_start3A_831 = arith.constant 0 : i32
      %dma_start3A_832 = tpu.memref_slice %arg4[%select_n3A, %dma_start3A_826, %select_n3A_825, %dma_start3A_830, %dma_start3A_831] : memref<50x4x128x8x128xf32, #tpu.memory_space<hbm>> -> memref<1x1x1x8x128xf32, #tpu.memory_space<hbm>>
      %dma_start3A_833 = tpu.memref_squeeze %dma_start3A_832 : memref<1x1x1x8x128xf32, #tpu.memory_space<hbm>> -> memref<8x128xf32, #tpu.memory_space<hbm>>
      %dma_start3A_834 = arith.constant 0 : i32
      %dma_start3A_835 = arith.constant 0 : i32
      %dma_start3A_836 = tpu.memref_slice %arg4[%select_n3A, %dma_start3A_826, %select_n3A_825, %dma_start3A_834, %dma_start3A_835] : memref<50x4x128x8x128xf32, #tpu.memory_space<hbm>> -> memref<1x1x1x8x128xf32, #tpu.memory_space<hbm>>
      %dma_start3A_837 = tpu.memref_squeeze %dma_start3A_836 : memref<1x1x1x8x128xf32, #tpu.memory_space<hbm>> -> memref<8x128xf32, #tpu.memory_space<hbm>>
      %dma_start3A_838 = arith.constant 0 : i32
      %dma_start3A_839 = arith.constant 0 : i32
      %dma_start3A_840 = tpu.memref_slice %arg8[%dma_start3A_838, %dma_start3A_839] : memref<32x129xf32, #tpu.memory_space<vmem>> -> memref<8x128xf32, #tpu.memory_space<vmem>>
      tpu.enqueue_dma source(%dma_start3A_840 : memref<8x128xf32, #tpu.memory_space<vmem>>) target(%dma_start3A_837 : memref<8x128xf32, #tpu.memory_space<hbm>>) target_semaphore(%arg20 : memref<!tpu.dma_semaphore, #tpu.memory_space<semaphore_mem>>)
      %dma_start3A_841 = arith.constant 1 : i32
      %dma_start3A_842 = arith.constant 8 : i32
      %dma_start3A_843 = arith.constant 0 : i32
      %dma_start3A_844 = tpu.memref_slice %arg8[%dma_start3A_842, %dma_start3A_843] : memref<32x129xf32, #tpu.memory_space<vmem>> -> memref<8x128xf32, #tpu.memory_space<vmem>>
      %dma_start3A_845 = arith.constant 0 : i32
      %dma_start3A_846 = arith.constant 0 : i32
      %dma_start3A_847 = tpu.memref_slice %arg4[%select_n3A, %dma_start3A_841, %select_n3A_825, %dma_start3A_845, %dma_start3A_846] : memref<50x4x128x8x128xf32, #tpu.memory_space<hbm>> -> memref<1x1x1x8x128xf32, #tpu.memory_space<hbm>>
      %dma_start3A_848 = tpu.memref_squeeze %dma_start3A_847 : memref<1x1x1x8x128xf32, #tpu.memory_space<hbm>> -> memref<8x128xf32, #tpu.memory_space<hbm>>
      %dma_start3A_849 = arith.constant 0 : i32
      %dma_start3A_850 = arith.constant 0 : i32
      %dma_start3A_851 = tpu.memref_slice %arg4[%select_n3A, %dma_start3A_841, %select_n3A_825, %dma_start3A_849, %dma_start3A_850] : memref<50x4x128x8x128xf32, #tpu.memory_space<hbm>> -> memref<1x1x1x8x128xf32, #tpu.memory_space<hbm>>
      %dma_start3A_852 = tpu.memref_squeeze %dma_start3A_851 : memref<1x1x1x8x128xf32, #tpu.memory_space<hbm>> -> memref<8x128xf32, #tpu.memory_space<hbm>>
      %dma_start3A_853 = arith.constant 8 : i32
      %dma_start3A_854 = arith.constant 0 : i32
      %dma_start3A_855 = tpu.memref_slice %arg8[%dma_start3A_853, %dma_start3A_854] : memref<32x129xf32, #tpu.memory_space<vmem>> -> memref<8x128xf32, #tpu.memory_space<vmem>>
      tpu.enqueue_dma source(%dma_start3A_855 : memref<8x128xf32, #tpu.memory_space<vmem>>) target(%dma_start3A_852 : memref<8x128xf32, #tpu.memory_space<hbm>>) target_semaphore(%arg20 : memref<!tpu.dma_semaphore, #tpu.memory_space<semaphore_mem>>)
      %dma_start3A_856 = arith.constant 2 : i32
      %dma_start3A_857 = arith.constant 16 : i32
      %dma_start3A_858 = arith.constant 0 : i32
      %dma_start3A_859 = tpu.memref_slice %arg8[%dma_start3A_857, %dma_start3A_858] : memref<32x129xf32, #tpu.memory_space<vmem>> -> memref<8x128xf32, #tpu.memory_space<vmem>>
      %dma_start3A_860 = arith.constant 0 : i32
      %dma_start3A_861 = arith.constant 0 : i32
      %dma_start3A_862 = tpu.memref_slice %arg4[%select_n3A, %dma_start3A_856, %select_n3A_825, %dma_start3A_860, %dma_start3A_861] : memref<50x4x128x8x128xf32, #tpu.memory_space<hbm>> -> memref<1x1x1x8x128xf32, #tpu.memory_space<hbm>>
      %dma_start3A_863 = tpu.memref_squeeze %dma_start3A_862 : memref<1x1x1x8x128xf32, #tpu.memory_space<hbm>> -> memref<8x128xf32, #tpu.memory_space<hbm>>
      %dma_start3A_864 = arith.constant 0 : i32
      %dma_start3A_865 = arith.constant 0 : i32
      %dma_start3A_866 = tpu.memref_slice %arg4[%select_n3A, %dma_start3A_856, %select_n3A_825, %dma_start3A_864, %dma_start3A_865] : memref<50x4x128x8x128xf32, #tpu.memory_space<hbm>> -> memref<1x1x1x8x128xf32, #tpu.memory_space<hbm>>
      %dma_start3A_867 = tpu.memref_squeeze %dma_start3A_866 : memref<1x1x1x8x128xf32, #tpu.memory_space<hbm>> -> memref<8x128xf32, #tpu.memory_space<hbm>>
      %dma_start3A_868 = arith.constant 16 : i32
      %dma_start3A_869 = arith.constant 0 : i32
      %dma_start3A_870 = tpu.memref_slice %arg8[%dma_start3A_868, %dma_start3A_869] : memref<32x129xf32, #tpu.memory_space<vmem>> -> memref<8x128xf32, #tpu.memory_space<vmem>>
      tpu.enqueue_dma source(%dma_start3A_870 : memref<8x128xf32, #tpu.memory_space<vmem>>) target(%dma_start3A_867 : memref<8x128xf32, #tpu.memory_space<hbm>>) target_semaphore(%arg20 : memref<!tpu.dma_semaphore, #tpu.memory_space<semaphore_mem>>)
      %dma_start3A_871 = arith.constant 3 : i32
      %dma_start3A_872 = arith.constant 24 : i32
      %dma_start3A_873 = arith.constant 0 : i32
      %dma_start3A_874 = tpu.memref_slice %arg8[%dma_start3A_872, %dma_start3A_873] : memref<32x129xf32, #tpu.memory_space<vmem>> -> memref<8x128xf32, #tpu.memory_space<vmem>>
      %dma_start3A_875 = arith.constant 0 : i32
      %dma_start3A_876 = arith.constant 0 : i32
      %dma_start3A_877 = tpu.memref_slice %arg4[%select_n3A, %dma_start3A_871, %select_n3A_825, %dma_start3A_875, %dma_start3A_876] : memref<50x4x128x8x128xf32, #tpu.memory_space<hbm>> -> memref<1x1x1x8x128xf32, #tpu.memory_space<hbm>>
      %dma_start3A_878 = tpu.memref_squeeze %dma_start3A_877 : memref<1x1x1x8x128xf32, #tpu.memory_space<hbm>> -> memref<8x128xf32, #tpu.memory_space<hbm>>
      %dma_start3A_879 = arith.constant 0 : i32
      %dma_start3A_880 = arith.constant 0 : i32
      %dma_start3A_881 = tpu.memref_slice %arg4[%select_n3A, %dma_start3A_871, %select_n3A_825, %dma_start3A_879, %dma_start3A_880] : memref<50x4x128x8x128xf32, #tpu.memory_space<hbm>> -> memref<1x1x1x8x128xf32, #tpu.memory_space<hbm>>
      %dma_start3A_882 = tpu.memref_squeeze %dma_start3A_881 : memref<1x1x1x8x128xf32, #tpu.memory_space<hbm>> -> memref<8x128xf32, #tpu.memory_space<hbm>>
      %dma_start3A_883 = arith.constant 24 : i32
      %dma_start3A_884 = arith.constant 0 : i32
      %dma_start3A_885 = tpu.memref_slice %arg8[%dma_start3A_883, %dma_start3A_884] : memref<32x129xf32, #tpu.memory_space<vmem>> -> memref<8x128xf32, #tpu.memory_space<vmem>>
      tpu.enqueue_dma source(%dma_start3A_885 : memref<8x128xf32, #tpu.memory_space<vmem>>) target(%dma_start3A_882 : memref<8x128xf32, #tpu.memory_space<hbm>>) target_semaphore(%arg20 : memref<!tpu.dma_semaphore, #tpu.memory_space<semaphore_mem>>)
      %mul3A_886 = arith.constant 5 : i32
      %mul3A_887 = arith.muli %add3A_789, %mul3A_886 : i32
      %add3A_888 = arith.addi %mul3A_2, %mul3A_887 : i32
      %add3A_889 = arith.constant 1 : i32
      %add3A_890 = arith.addi %add3A_888, %add3A_889 : i32
      %jit3A_891 = arith.constant 128 : i32
      %div3A_892 = arith.divsi %add3A_890, %jit3A_891 : i32
      %sign3A_893 = arith.constant 0 : i32
      %sign3A_894 = arith.cmpi sgt, %add3A_890, %sign3A_893 : i32
      %sign3A_895 = arith.extui %sign3A_894 : i1 to i32
      %sign3A_896 = arith.constant 0 : i32
      %sign3A_897 = arith.cmpi slt, %add3A_890, %sign3A_896 : i32
      %sign3A_898 = arith.extui %sign3A_897 : i1 to i32
      %sign3A_899 = arith.subi %sign3A_895, %sign3A_898 : i32
      %sign3A_900 = arith.constant 0 : i32
      %sign3A_901 = arith.cmpi sgt, %jit3A_891, %sign3A_900 : i32
      %sign3A_902 = arith.extui %sign3A_901 : i1 to i32
      %sign3A_903 = arith.constant 0 : i32
      %sign3A_904 = arith.cmpi slt, %jit3A_891, %sign3A_903 : i32
      %sign3A_905 = arith.extui %sign3A_904 : i1 to i32
      %sign3A_906 = arith.subi %sign3A_902, %sign3A_905 : i32
      %ne3A_907 = arith.cmpi ne, %sign3A_899, %sign3A_906 : i32
      %rem3A_908 = arith.remsi %add3A_890, %jit3A_891 : i32
      %ne3A_909 = arith.constant 0 : i32
      %ne3A_910 = arith.cmpi ne, %rem3A_908, %ne3A_909 : i32
      %and3A_911 = arith.andi %ne3A_907, %ne3A_910 : i1
      %sub3A_912 = arith.constant 1 : i32
      %sub3A_913 = arith.subi %div3A_892, %sub3A_912 : i32
      %select_n3A_914 = arith.select %and3A_911, %sub3A_913, %div3A_892 : i32
      %jit3A_915 = arith.constant 128 : i32
      %eq3A_916 = arith.constant 0 : i32
      %eq3A_917 = arith.cmpi eq, %jit3A_915, %eq3A_916 : i32
      %jit3A_918 = arith.constant 1 : i32
      %select_n3A_919 = arith.select %eq3A_917, %jit3A_918, %jit3A_915 : i32
      %rem3A_920 = arith.remsi %add3A_890, %select_n3A_919 : i32
      %ne3A_921 = arith.constant 0 : i32
      %ne3A_922 = arith.cmpi ne, %rem3A_920, %ne3A_921 : i32
      %lt3A_923 = arith.constant 0 : i32
      %lt3A_924 = arith.cmpi slt, %rem3A_920, %lt3A_923 : i32
      %lt3A_925 = arith.constant 0 : i32
      %lt3A_926 = arith.cmpi slt, %select_n3A_919, %lt3A_925 : i32
      %ne3A_927 = arith.xori %lt3A_924, %lt3A_926 : i1
      %and3A_928 = arith.andi %ne3A_927, %ne3A_922 : i1
      %add3A_929 = arith.addi %rem3A_920, %select_n3A_919 : i32
      %select_n3A_930 = arith.select %and3A_928, %add3A_929, %rem3A_920 : i32
      %dma_start3A_931 = arith.constant 0 : i32
      %dma_start3A_932 = arith.constant 0 : i32
      %dma_start3A_933 = arith.constant 0 : i32
      %dma_start3A_934 = tpu.memref_slice %arg9[%dma_start3A_932, %dma_start3A_933] : memref<32x129xf32, #tpu.memory_space<vmem>> -> memref<8x128xf32, #tpu.memory_space<vmem>>
      %dma_start3A_935 = arith.constant 0 : i32
      %dma_start3A_936 = arith.constant 0 : i32
      %dma_start3A_937 = tpu.memref_slice %arg4[%select_n3A_914, %dma_start3A_931, %select_n3A_930, %dma_start3A_935, %dma_start3A_936] : memref<50x4x128x8x128xf32, #tpu.memory_space<hbm>> -> memref<1x1x1x8x128xf32, #tpu.memory_space<hbm>>
      %dma_start3A_938 = tpu.memref_squeeze %dma_start3A_937 : memref<1x1x1x8x128xf32, #tpu.memory_space<hbm>> -> memref<8x128xf32, #tpu.memory_space<hbm>>
      %dma_start3A_939 = arith.constant 0 : i32
      %dma_start3A_940 = arith.constant 0 : i32
      %dma_start3A_941 = tpu.memref_slice %arg4[%select_n3A_914, %dma_start3A_931, %select_n3A_930, %dma_start3A_939, %dma_start3A_940] : memref<50x4x128x8x128xf32, #tpu.memory_space<hbm>> -> memref<1x1x1x8x128xf32, #tpu.memory_space<hbm>>
      %dma_start3A_942 = tpu.memref_squeeze %dma_start3A_941 : memref<1x1x1x8x128xf32, #tpu.memory_space<hbm>> -> memref<8x128xf32, #tpu.memory_space<hbm>>
      %dma_start3A_943 = arith.constant 0 : i32
      %dma_start3A_944 = arith.constant 0 : i32
      %dma_start3A_945 = tpu.memref_slice %arg9[%dma_start3A_943, %dma_start3A_944] : memref<32x129xf32, #tpu.memory_space<vmem>> -> memref<8x128xf32, #tpu.memory_space<vmem>>
      tpu.enqueue_dma source(%dma_start3A_945 : memref<8x128xf32, #tpu.memory_space<vmem>>) target(%dma_start3A_942 : memref<8x128xf32, #tpu.memory_space<hbm>>) target_semaphore(%arg20 : memref<!tpu.dma_semaphore, #tpu.memory_space<semaphore_mem>>)
      %dma_start3A_946 = arith.constant 1 : i32
      %dma_start3A_947 = arith.constant 8 : i32
      %dma_start3A_948 = arith.constant 0 : i32
      %dma_start3A_949 = tpu.memref_slice %arg9[%dma_start3A_947, %dma_start3A_948] : memref<32x129xf32, #tpu.memory_space<vmem>> -> memref<8x128xf32, #tpu.memory_space<vmem>>
      %dma_start3A_950 = arith.constant 0 : i32
      %dma_start3A_951 = arith.constant 0 : i32
      %dma_start3A_952 = tpu.memref_slice %arg4[%select_n3A_914, %dma_start3A_946, %select_n3A_930, %dma_start3A_950, %dma_start3A_951] : memref<50x4x128x8x128xf32, #tpu.memory_space<hbm>> -> memref<1x1x1x8x128xf32, #tpu.memory_space<hbm>>
      %dma_start3A_953 = tpu.memref_squeeze %dma_start3A_952 : memref<1x1x1x8x128xf32, #tpu.memory_space<hbm>> -> memref<8x128xf32, #tpu.memory_space<hbm>>
      %dma_start3A_954 = arith.constant 0 : i32
      %dma_start3A_955 = arith.constant 0 : i32
      %dma_start3A_956 = tpu.memref_slice %arg4[%select_n3A_914, %dma_start3A_946, %select_n3A_930, %dma_start3A_954, %dma_start3A_955] : memref<50x4x128x8x128xf32, #tpu.memory_space<hbm>> -> memref<1x1x1x8x128xf32, #tpu.memory_space<hbm>>
      %dma_start3A_957 = tpu.memref_squeeze %dma_start3A_956 : memref<1x1x1x8x128xf32, #tpu.memory_space<hbm>> -> memref<8x128xf32, #tpu.memory_space<hbm>>
      %dma_start3A_958 = arith.constant 8 : i32
      %dma_start3A_959 = arith.constant 0 : i32
      %dma_start3A_960 = tpu.memref_slice %arg9[%dma_start3A_958, %dma_start3A_959] : memref<32x129xf32, #tpu.memory_space<vmem>> -> memref<8x128xf32, #tpu.memory_space<vmem>>
      tpu.enqueue_dma source(%dma_start3A_960 : memref<8x128xf32, #tpu.memory_space<vmem>>) target(%dma_start3A_957 : memref<8x128xf32, #tpu.memory_space<hbm>>) target_semaphore(%arg20 : memref<!tpu.dma_semaphore, #tpu.memory_space<semaphore_mem>>)
      %dma_start3A_961 = arith.constant 2 : i32
      %dma_start3A_962 = arith.constant 16 : i32
      %dma_start3A_963 = arith.constant 0 : i32
      %dma_start3A_964 = tpu.memref_slice %arg9[%dma_start3A_962, %dma_start3A_963] : memref<32x129xf32, #tpu.memory_space<vmem>> -> memref<8x128xf32, #tpu.memory_space<vmem>>
      %dma_start3A_965 = arith.constant 0 : i32
      %dma_start3A_966 = arith.constant 0 : i32
      %dma_start3A_967 = tpu.memref_slice %arg4[%select_n3A_914, %dma_start3A_961, %select_n3A_930, %dma_start3A_965, %dma_start3A_966] : memref<50x4x128x8x128xf32, #tpu.memory_space<hbm>> -> memref<1x1x1x8x128xf32, #tpu.memory_space<hbm>>
      %dma_start3A_968 = tpu.memref_squeeze %dma_start3A_967 : memref<1x1x1x8x128xf32, #tpu.memory_space<hbm>> -> memref<8x128xf32, #tpu.memory_space<hbm>>
      %dma_start3A_969 = arith.constant 0 : i32
      %dma_start3A_970 = arith.constant 0 : i32
      %dma_start3A_971 = tpu.memref_slice %arg4[%select_n3A_914, %dma_start3A_961, %select_n3A_930, %dma_start3A_969, %dma_start3A_970] : memref<50x4x128x8x128xf32, #tpu.memory_space<hbm>> -> memref<1x1x1x8x128xf32, #tpu.memory_space<hbm>>
      %dma_start3A_972 = tpu.memref_squeeze %dma_start3A_971 : memref<1x1x1x8x128xf32, #tpu.memory_space<hbm>> -> memref<8x128xf32, #tpu.memory_space<hbm>>
      %dma_start3A_973 = arith.constant 16 : i32
      %dma_start3A_974 = arith.constant 0 : i32
      %dma_start3A_975 = tpu.memref_slice %arg9[%dma_start3A_973, %dma_start3A_974] : memref<32x129xf32, #tpu.memory_space<vmem>> -> memref<8x128xf32, #tpu.memory_space<vmem>>
      tpu.enqueue_dma source(%dma_start3A_975 : memref<8x128xf32, #tpu.memory_space<vmem>>) target(%dma_start3A_972 : memref<8x128xf32, #tpu.memory_space<hbm>>) target_semaphore(%arg20 : memref<!tpu.dma_semaphore, #tpu.memory_space<semaphore_mem>>)
      %dma_start3A_976 = arith.constant 3 : i32
      %dma_start3A_977 = arith.constant 24 : i32
      %dma_start3A_978 = arith.constant 0 : i32
      %dma_start3A_979 = tpu.memref_slice %arg9[%dma_start3A_977, %dma_start3A_978] : memref<32x129xf32, #tpu.memory_space<vmem>> -> memref<8x128xf32, #tpu.memory_space<vmem>>
      %dma_start3A_980 = arith.constant 0 : i32
      %dma_start3A_981 = arith.constant 0 : i32
      %dma_start3A_982 = tpu.memref_slice %arg4[%select_n3A_914, %dma_start3A_976, %select_n3A_930, %dma_start3A_980, %dma_start3A_981] : memref<50x4x128x8x128xf32, #tpu.memory_space<hbm>> -> memref<1x1x1x8x128xf32, #tpu.memory_space<hbm>>
      %dma_start3A_983 = tpu.memref_squeeze %dma_start3A_982 : memref<1x1x1x8x128xf32, #tpu.memory_space<hbm>> -> memref<8x128xf32, #tpu.memory_space<hbm>>
      %dma_start3A_984 = arith.constant 0 : i32
      %dma_start3A_985 = arith.constant 0 : i32
      %dma_start3A_986 = tpu.memref_slice %arg4[%select_n3A_914, %dma_start3A_976, %select_n3A_930, %dma_start3A_984, %dma_start3A_985] : memref<50x4x128x8x128xf32, #tpu.memory_space<hbm>> -> memref<1x1x1x8x128xf32, #tpu.memory_space<hbm>>
      %dma_start3A_987 = tpu.memref_squeeze %dma_start3A_986 : memref<1x1x1x8x128xf32, #tpu.memory_space<hbm>> -> memref<8x128xf32, #tpu.memory_space<hbm>>
      %dma_start3A_988 = arith.constant 24 : i32
      %dma_start3A_989 = arith.constant 0 : i32
      %dma_start3A_990 = tpu.memref_slice %arg9[%dma_start3A_988, %dma_start3A_989] : memref<32x129xf32, #tpu.memory_space<vmem>> -> memref<8x128xf32, #tpu.memory_space<vmem>>
      tpu.enqueue_dma source(%dma_start3A_990 : memref<8x128xf32, #tpu.memory_space<vmem>>) target(%dma_start3A_987 : memref<8x128xf32, #tpu.memory_space<hbm>>) target_semaphore(%arg20 : memref<!tpu.dma_semaphore, #tpu.memory_space<semaphore_mem>>)
      %mul3A_991 = arith.constant 5 : i32
      %mul3A_992 = arith.muli %add3A_789, %mul3A_991 : i32
      %add3A_993 = arith.addi %mul3A_2, %mul3A_992 : i32
      %add3A_994 = arith.constant 2 : i32
      %add3A_995 = arith.addi %add3A_993, %add3A_994 : i32
      %jit3A_996 = arith.constant 128 : i32
      %div3A_997 = arith.divsi %add3A_995, %jit3A_996 : i32
      %sign3A_998 = arith.constant 0 : i32
      %sign3A_999 = arith.cmpi sgt, %add3A_995, %sign3A_998 : i32
      %sign3A_1000 = arith.extui %sign3A_999 : i1 to i32
      %sign3A_1001 = arith.constant 0 : i32
      %sign3A_1002 = arith.cmpi slt, %add3A_995, %sign3A_1001 : i32
      %sign3A_1003 = arith.extui %sign3A_1002 : i1 to i32
      %sign3A_1004 = arith.subi %sign3A_1000, %sign3A_1003 : i32
      %sign3A_1005 = arith.constant 0 : i32
      %sign3A_1006 = arith.cmpi sgt, %jit3A_996, %sign3A_1005 : i32
      %sign3A_1007 = arith.extui %sign3A_1006 : i1 to i32
      %sign3A_1008 = arith.constant 0 : i32
      %sign3A_1009 = arith.cmpi slt, %jit3A_996, %sign3A_1008 : i32
      %sign3A_1010 = arith.extui %sign3A_1009 : i1 to i32
      %sign3A_1011 = arith.subi %sign3A_1007, %sign3A_1010 : i32
      %ne3A_1012 = arith.cmpi ne, %sign3A_1004, %sign3A_1011 : i32
      %rem3A_1013 = arith.remsi %add3A_995, %jit3A_996 : i32
      %ne3A_1014 = arith.constant 0 : i32
      %ne3A_1015 = arith.cmpi ne, %rem3A_1013, %ne3A_1014 : i32
      %and3A_1016 = arith.andi %ne3A_1012, %ne3A_1015 : i1
      %sub3A_1017 = arith.constant 1 : i32
      %sub3A_1018 = arith.subi %div3A_997, %sub3A_1017 : i32
      %select_n3A_1019 = arith.select %and3A_1016, %sub3A_1018, %div3A_997 : i32
      %jit3A_1020 = arith.constant 128 : i32
      %eq3A_1021 = arith.constant 0 : i32
      %eq3A_1022 = arith.cmpi eq, %jit3A_1020, %eq3A_1021 : i32
      %jit3A_1023 = arith.constant 1 : i32
      %select_n3A_1024 = arith.select %eq3A_1022, %jit3A_1023, %jit3A_1020 : i32
      %rem3A_1025 = arith.remsi %add3A_995, %select_n3A_1024 : i32
      %ne3A_1026 = arith.constant 0 : i32
      %ne3A_1027 = arith.cmpi ne, %rem3A_1025, %ne3A_1026 : i32
      %lt3A_1028 = arith.constant 0 : i32
      %lt3A_1029 = arith.cmpi slt, %rem3A_1025, %lt3A_1028 : i32
      %lt3A_1030 = arith.constant 0 : i32
      %lt3A_1031 = arith.cmpi slt, %select_n3A_1024, %lt3A_1030 : i32
      %ne3A_1032 = arith.xori %lt3A_1029, %lt3A_1031 : i1
      %and3A_1033 = arith.andi %ne3A_1032, %ne3A_1027 : i1
      %add3A_1034 = arith.addi %rem3A_1025, %select_n3A_1024 : i32
      %select_n3A_1035 = arith.select %and3A_1033, %add3A_1034, %rem3A_1025 : i32
      %dma_start3A_1036 = arith.constant 0 : i32
      %dma_start3A_1037 = arith.constant 0 : i32
      %dma_start3A_1038 = arith.constant 0 : i32
      %dma_start3A_1039 = tpu.memref_slice %arg10[%dma_start3A_1037, %dma_start3A_1038] : memref<32x129xf32, #tpu.memory_space<vmem>> -> memref<8x128xf32, #tpu.memory_space<vmem>>
      %dma_start3A_1040 = arith.constant 0 : i32
      %dma_start3A_1041 = arith.constant 0 : i32
      %dma_start3A_1042 = tpu.memref_slice %arg4[%select_n3A_1019, %dma_start3A_1036, %select_n3A_1035, %dma_start3A_1040, %dma_start3A_1041] : memref<50x4x128x8x128xf32, #tpu.memory_space<hbm>> -> memref<1x1x1x8x128xf32, #tpu.memory_space<hbm>>
      %dma_start3A_1043 = tpu.memref_squeeze %dma_start3A_1042 : memref<1x1x1x8x128xf32, #tpu.memory_space<hbm>> -> memref<8x128xf32, #tpu.memory_space<hbm>>
      %dma_start3A_1044 = arith.constant 0 : i32
      %dma_start3A_1045 = arith.constant 0 : i32
      %dma_start3A_1046 = tpu.memref_slice %arg4[%select_n3A_1019, %dma_start3A_1036, %select_n3A_1035, %dma_start3A_1044, %dma_start3A_1045] : memref<50x4x128x8x128xf32, #tpu.memory_space<hbm>> -> memref<1x1x1x8x128xf32, #tpu.memory_space<hbm>>
      %dma_start3A_1047 = tpu.memref_squeeze %dma_start3A_1046 : memref<1x1x1x8x128xf32, #tpu.memory_space<hbm>> -> memref<8x128xf32, #tpu.memory_space<hbm>>
      %dma_start3A_1048 = arith.constant 0 : i32
      %dma_start3A_1049 = arith.constant 0 : i32
      %dma_start3A_1050 = tpu.memref_slice %arg10[%dma_start3A_1048, %dma_start3A_1049] : memref<32x129xf32, #tpu.memory_space<vmem>> -> memref<8x128xf32, #tpu.memory_space<vmem>>
      tpu.enqueue_dma source(%dma_start3A_1050 : memref<8x128xf32, #tpu.memory_space<vmem>>) target(%dma_start3A_1047 : memref<8x128xf32, #tpu.memory_space<hbm>>) target_semaphore(%arg20 : memref<!tpu.dma_semaphore, #tpu.memory_space<semaphore_mem>>)
      %dma_start3A_1051 = arith.constant 1 : i32
      %dma_start3A_1052 = arith.constant 8 : i32
      %dma_start3A_1053 = arith.constant 0 : i32
      %dma_start3A_1054 = tpu.memref_slice %arg10[%dma_start3A_1052, %dma_start3A_1053] : memref<32x129xf32, #tpu.memory_space<vmem>> -> memref<8x128xf32, #tpu.memory_space<vmem>>
      %dma_start3A_1055 = arith.constant 0 : i32
      %dma_start3A_1056 = arith.constant 0 : i32
      %dma_start3A_1057 = tpu.memref_slice %arg4[%select_n3A_1019, %dma_start3A_1051, %select_n3A_1035, %dma_start3A_1055, %dma_start3A_1056] : memref<50x4x128x8x128xf32, #tpu.memory_space<hbm>> -> memref<1x1x1x8x128xf32, #tpu.memory_space<hbm>>
      %dma_start3A_1058 = tpu.memref_squeeze %dma_start3A_1057 : memref<1x1x1x8x128xf32, #tpu.memory_space<hbm>> -> memref<8x128xf32, #tpu.memory_space<hbm>>
      %dma_start3A_1059 = arith.constant 0 : i32
      %dma_start3A_1060 = arith.constant 0 : i32
      %dma_start3A_1061 = tpu.memref_slice %arg4[%select_n3A_1019, %dma_start3A_1051, %select_n3A_1035, %dma_start3A_1059, %dma_start3A_1060] : memref<50x4x128x8x128xf32, #tpu.memory_space<hbm>> -> memref<1x1x1x8x128xf32, #tpu.memory_space<hbm>>
      %dma_start3A_1062 = tpu.memref_squeeze %dma_start3A_1061 : memref<1x1x1x8x128xf32, #tpu.memory_space<hbm>> -> memref<8x128xf32, #tpu.memory_space<hbm>>
      %dma_start3A_1063 = arith.constant 8 : i32
      %dma_start3A_1064 = arith.constant 0 : i32
      %dma_start3A_1065 = tpu.memref_slice %arg10[%dma_start3A_1063, %dma_start3A_1064] : memref<32x129xf32, #tpu.memory_space<vmem>> -> memref<8x128xf32, #tpu.memory_space<vmem>>
      tpu.enqueue_dma source(%dma_start3A_1065 : memref<8x128xf32, #tpu.memory_space<vmem>>) target(%dma_start3A_1062 : memref<8x128xf32, #tpu.memory_space<hbm>>) target_semaphore(%arg20 : memref<!tpu.dma_semaphore, #tpu.memory_space<semaphore_mem>>)
      %dma_start3A_1066 = arith.constant 2 : i32
      %dma_start3A_1067 = arith.constant 16 : i32
      %dma_start3A_1068 = arith.constant 0 : i32
      %dma_start3A_1069 = tpu.memref_slice %arg10[%dma_start3A_1067, %dma_start3A_1068] : memref<32x129xf32, #tpu.memory_space<vmem>> -> memref<8x128xf32, #tpu.memory_space<vmem>>
      %dma_start3A_1070 = arith.constant 0 : i32
      %dma_start3A_1071 = arith.constant 0 : i32
      %dma_start3A_1072 = tpu.memref_slice %arg4[%select_n3A_1019, %dma_start3A_1066, %select_n3A_1035, %dma_start3A_1070, %dma_start3A_1071] : memref<50x4x128x8x128xf32, #tpu.memory_space<hbm>> -> memref<1x1x1x8x128xf32, #tpu.memory_space<hbm>>
      %dma_start3A_1073 = tpu.memref_squeeze %dma_start3A_1072 : memref<1x1x1x8x128xf32, #tpu.memory_space<hbm>> -> memref<8x128xf32, #tpu.memory_space<hbm>>
      %dma_start3A_1074 = arith.constant 0 : i32
      %dma_start3A_1075 = arith.constant 0 : i32
      %dma_start3A_1076 = tpu.memref_slice %arg4[%select_n3A_1019, %dma_start3A_1066, %select_n3A_1035, %dma_start3A_1074, %dma_start3A_1075] : memref<50x4x128x8x128xf32, #tpu.memory_space<hbm>> -> memref<1x1x1x8x128xf32, #tpu.memory_space<hbm>>
      %dma_start3A_1077 = tpu.memref_squeeze %dma_start3A_1076 : memref<1x1x1x8x128xf32, #tpu.memory_space<hbm>> -> memref<8x128xf32, #tpu.memory_space<hbm>>
      %dma_start3A_1078 = arith.constant 16 : i32
      %dma_start3A_1079 = arith.constant 0 : i32
      %dma_start3A_1080 = tpu.memref_slice %arg10[%dma_start3A_1078, %dma_start3A_1079] : memref<32x129xf32, #tpu.memory_space<vmem>> -> memref<8x128xf32, #tpu.memory_space<vmem>>
      tpu.enqueue_dma source(%dma_start3A_1080 : memref<8x128xf32, #tpu.memory_space<vmem>>) target(%dma_start3A_1077 : memref<8x128xf32, #tpu.memory_space<hbm>>) target_semaphore(%arg20 : memref<!tpu.dma_semaphore, #tpu.memory_space<semaphore_mem>>)
      %dma_start3A_1081 = arith.constant 3 : i32
      %dma_start3A_1082 = arith.constant 24 : i32
      %dma_start3A_1083 = arith.constant 0 : i32
      %dma_start3A_1084 = tpu.memref_slice %arg10[%dma_start3A_1082, %dma_start3A_1083] : memref<32x129xf32, #tpu.memory_space<vmem>> -> memref<8x128xf32, #tpu.memory_space<vmem>>
      %dma_start3A_1085 = arith.constant 0 : i32
      %dma_start3A_1086 = arith.constant 0 : i32
      %dma_start3A_1087 = tpu.memref_slice %arg4[%select_n3A_1019, %dma_start3A_1081, %select_n3A_1035, %dma_start3A_1085, %dma_start3A_1086] : memref<50x4x128x8x128xf32, #tpu.memory_space<hbm>> -> memref<1x1x1x8x128xf32, #tpu.memory_space<hbm>>
      %dma_start3A_1088 = tpu.memref_squeeze %dma_start3A_1087 : memref<1x1x1x8x128xf32, #tpu.memory_space<hbm>> -> memref<8x128xf32, #tpu.memory_space<hbm>>
      %dma_start3A_1089 = arith.constant 0 : i32
      %dma_start3A_1090 = arith.constant 0 : i32
      %dma_start3A_1091 = tpu.memref_slice %arg4[%select_n3A_1019, %dma_start3A_1081, %select_n3A_1035, %dma_start3A_1089, %dma_start3A_1090] : memref<50x4x128x8x128xf32, #tpu.memory_space<hbm>> -> memref<1x1x1x8x128xf32, #tpu.memory_space<hbm>>
      %dma_start3A_1092 = tpu.memref_squeeze %dma_start3A_1091 : memref<1x1x1x8x128xf32, #tpu.memory_space<hbm>> -> memref<8x128xf32, #tpu.memory_space<hbm>>
      %dma_start3A_1093 = arith.constant 24 : i32
      %dma_start3A_1094 = arith.constant 0 : i32
      %dma_start3A_1095 = tpu.memref_slice %arg10[%dma_start3A_1093, %dma_start3A_1094] : memref<32x129xf32, #tpu.memory_space<vmem>> -> memref<8x128xf32, #tpu.memory_space<vmem>>
      tpu.enqueue_dma source(%dma_start3A_1095 : memref<8x128xf32, #tpu.memory_space<vmem>>) target(%dma_start3A_1092 : memref<8x128xf32, #tpu.memory_space<hbm>>) target_semaphore(%arg20 : memref<!tpu.dma_semaphore, #tpu.memory_space<semaphore_mem>>)
      %mul3A_1096 = arith.constant 5 : i32
      %mul3A_1097 = arith.muli %add3A_789, %mul3A_1096 : i32
      %add3A_1098 = arith.addi %mul3A_2, %mul3A_1097 : i32
      %add3A_1099 = arith.constant 3 : i32
      %add3A_1100 = arith.addi %add3A_1098, %add3A_1099 : i32
      %jit3A_1101 = arith.constant 128 : i32
      %div3A_1102 = arith.divsi %add3A_1100, %jit3A_1101 : i32
      %sign3A_1103 = arith.constant 0 : i32
      %sign3A_1104 = arith.cmpi sgt, %add3A_1100, %sign3A_1103 : i32
      %sign3A_1105 = arith.extui %sign3A_1104 : i1 to i32
      %sign3A_1106 = arith.constant 0 : i32
      %sign3A_1107 = arith.cmpi slt, %add3A_1100, %sign3A_1106 : i32
      %sign3A_1108 = arith.extui %sign3A_1107 : i1 to i32
      %sign3A_1109 = arith.subi %sign3A_1105, %sign3A_1108 : i32
      %sign3A_1110 = arith.constant 0 : i32
      %sign3A_1111 = arith.cmpi sgt, %jit3A_1101, %sign3A_1110 : i32
      %sign3A_1112 = arith.extui %sign3A_1111 : i1 to i32
      %sign3A_1113 = arith.constant 0 : i32
      %sign3A_1114 = arith.cmpi slt, %jit3A_1101, %sign3A_1113 : i32
      %sign3A_1115 = arith.extui %sign3A_1114 : i1 to i32
      %sign3A_1116 = arith.subi %sign3A_1112, %sign3A_1115 : i32
      %ne3A_1117 = arith.cmpi ne, %sign3A_1109, %sign3A_1116 : i32
      %rem3A_1118 = arith.remsi %add3A_1100, %jit3A_1101 : i32
      %ne3A_1119 = arith.constant 0 : i32
      %ne3A_1120 = arith.cmpi ne, %rem3A_1118, %ne3A_1119 : i32
      %and3A_1121 = arith.andi %ne3A_1117, %ne3A_1120 : i1
      %sub3A_1122 = arith.constant 1 : i32
      %sub3A_1123 = arith.subi %div3A_1102, %sub3A_1122 : i32
      %select_n3A_1124 = arith.select %and3A_1121, %sub3A_1123, %div3A_1102 : i32
      %jit3A_1125 = arith.constant 128 : i32
      %eq3A_1126 = arith.constant 0 : i32
      %eq3A_1127 = arith.cmpi eq, %jit3A_1125, %eq3A_1126 : i32
      %jit3A_1128 = arith.constant 1 : i32
      %select_n3A_1129 = arith.select %eq3A_1127, %jit3A_1128, %jit3A_1125 : i32
      %rem3A_1130 = arith.remsi %add3A_1100, %select_n3A_1129 : i32
      %ne3A_1131 = arith.constant 0 : i32
      %ne3A_1132 = arith.cmpi ne, %rem3A_1130, %ne3A_1131 : i32
      %lt3A_1133 = arith.constant 0 : i32
      %lt3A_1134 = arith.cmpi slt, %rem3A_1130, %lt3A_1133 : i32
      %lt3A_1135 = arith.constant 0 : i32
      %lt3A_1136 = arith.cmpi slt, %select_n3A_1129, %lt3A_1135 : i32
      %ne3A_1137 = arith.xori %lt3A_1134, %lt3A_1136 : i1
      %and3A_1138 = arith.andi %ne3A_1137, %ne3A_1132 : i1
      %add3A_1139 = arith.addi %rem3A_1130, %select_n3A_1129 : i32
      %select_n3A_1140 = arith.select %and3A_1138, %add3A_1139, %rem3A_1130 : i32
      %dma_start3A_1141 = arith.constant 0 : i32
      %dma_start3A_1142 = arith.constant 0 : i32
      %dma_start3A_1143 = arith.constant 0 : i32
      %dma_start3A_1144 = tpu.memref_slice %arg11[%dma_start3A_1142, %dma_start3A_1143] : memref<32x129xf32, #tpu.memory_space<vmem>> -> memref<8x128xf32, #tpu.memory_space<vmem>>
      %dma_start3A_1145 = arith.constant 0 : i32
      %dma_start3A_1146 = arith.constant 0 : i32
      %dma_start3A_1147 = tpu.memref_slice %arg4[%select_n3A_1124, %dma_start3A_1141, %select_n3A_1140, %dma_start3A_1145, %dma_start3A_1146] : memref<50x4x128x8x128xf32, #tpu.memory_space<hbm>> -> memref<1x1x1x8x128xf32, #tpu.memory_space<hbm>>
      %dma_start3A_1148 = tpu.memref_squeeze %dma_start3A_1147 : memref<1x1x1x8x128xf32, #tpu.memory_space<hbm>> -> memref<8x128xf32, #tpu.memory_space<hbm>>
      %dma_start3A_1149 = arith.constant 0 : i32
      %dma_start3A_1150 = arith.constant 0 : i32
      %dma_start3A_1151 = tpu.memref_slice %arg4[%select_n3A_1124, %dma_start3A_1141, %select_n3A_1140, %dma_start3A_1149, %dma_start3A_1150] : memref<50x4x128x8x128xf32, #tpu.memory_space<hbm>> -> memref<1x1x1x8x128xf32, #tpu.memory_space<hbm>>
      %dma_start3A_1152 = tpu.memref_squeeze %dma_start3A_1151 : memref<1x1x1x8x128xf32, #tpu.memory_space<hbm>> -> memref<8x128xf32, #tpu.memory_space<hbm>>
      %dma_start3A_1153 = arith.constant 0 : i32
      %dma_start3A_1154 = arith.constant 0 : i32
      %dma_start3A_1155 = tpu.memref_slice %arg11[%dma_start3A_1153, %dma_start3A_1154] : memref<32x129xf32, #tpu.memory_space<vmem>> -> memref<8x128xf32, #tpu.memory_space<vmem>>
      tpu.enqueue_dma source(%dma_start3A_1155 : memref<8x128xf32, #tpu.memory_space<vmem>>) target(%dma_start3A_1152 : memref<8x128xf32, #tpu.memory_space<hbm>>) target_semaphore(%arg20 : memref<!tpu.dma_semaphore, #tpu.memory_space<semaphore_mem>>)
      %dma_start3A_1156 = arith.constant 1 : i32
      %dma_start3A_1157 = arith.constant 8 : i32
      %dma_start3A_1158 = arith.constant 0 : i32
      %dma_start3A_1159 = tpu.memref_slice %arg11[%dma_start3A_1157, %dma_start3A_1158] : memref<32x129xf32, #tpu.memory_space<vmem>> -> memref<8x128xf32, #tpu.memory_space<vmem>>
      %dma_start3A_1160 = arith.constant 0 : i32
      %dma_start3A_1161 = arith.constant 0 : i32
      %dma_start3A_1162 = tpu.memref_slice %arg4[%select_n3A_1124, %dma_start3A_1156, %select_n3A_1140, %dma_start3A_1160, %dma_start3A_1161] : memref<50x4x128x8x128xf32, #tpu.memory_space<hbm>> -> memref<1x1x1x8x128xf32, #tpu.memory_space<hbm>>
      %dma_start3A_1163 = tpu.memref_squeeze %dma_start3A_1162 : memref<1x1x1x8x128xf32, #tpu.memory_space<hbm>> -> memref<8x128xf32, #tpu.memory_space<hbm>>
      %dma_start3A_1164 = arith.constant 0 : i32
      %dma_start3A_1165 = arith.constant 0 : i32
      %dma_start3A_1166 = tpu.memref_slice %arg4[%select_n3A_1124, %dma_start3A_1156, %select_n3A_1140, %dma_start3A_1164, %dma_start3A_1165] : memref<50x4x128x8x128xf32, #tpu.memory_space<hbm>> -> memref<1x1x1x8x128xf32, #tpu.memory_space<hbm>>
      %dma_start3A_1167 = tpu.memref_squeeze %dma_start3A_1166 : memref<1x1x1x8x128xf32, #tpu.memory_space<hbm>> -> memref<8x128xf32, #tpu.memory_space<hbm>>
      %dma_start3A_1168 = arith.constant 8 : i32
      %dma_start3A_1169 = arith.constant 0 : i32
      %dma_start3A_1170 = tpu.memref_slice %arg11[%dma_start3A_1168, %dma_start3A_1169] : memref<32x129xf32, #tpu.memory_space<vmem>> -> memref<8x128xf32, #tpu.memory_space<vmem>>
      tpu.enqueue_dma source(%dma_start3A_1170 : memref<8x128xf32, #tpu.memory_space<vmem>>) target(%dma_start3A_1167 : memref<8x128xf32, #tpu.memory_space<hbm>>) target_semaphore(%arg20 : memref<!tpu.dma_semaphore, #tpu.memory_space<semaphore_mem>>)
      %dma_start3A_1171 = arith.constant 2 : i32
      %dma_start3A_1172 = arith.constant 16 : i32
      %dma_start3A_1173 = arith.constant 0 : i32
      %dma_start3A_1174 = tpu.memref_slice %arg11[%dma_start3A_1172, %dma_start3A_1173] : memref<32x129xf32, #tpu.memory_space<vmem>> -> memref<8x128xf32, #tpu.memory_space<vmem>>
      %dma_start3A_1175 = arith.constant 0 : i32
      %dma_start3A_1176 = arith.constant 0 : i32
      %dma_start3A_1177 = tpu.memref_slice %arg4[%select_n3A_1124, %dma_start3A_1171, %select_n3A_1140, %dma_start3A_1175, %dma_start3A_1176] : memref<50x4x128x8x128xf32, #tpu.memory_space<hbm>> -> memref<1x1x1x8x128xf32, #tpu.memory_space<hbm>>
      %dma_start3A_1178 = tpu.memref_squeeze %dma_start3A_1177 : memref<1x1x1x8x128xf32, #tpu.memory_space<hbm>> -> memref<8x128xf32, #tpu.memory_space<hbm>>
      %dma_start3A_1179 = arith.constant 0 : i32
      %dma_start3A_1180 = arith.constant 0 : i32
      %dma_start3A_1181 = tpu.memref_slice %arg4[%select_n3A_1124, %dma_start3A_1171, %select_n3A_1140, %dma_start3A_1179, %dma_start3A_1180] : memref<50x4x128x8x128xf32, #tpu.memory_space<hbm>> -> memref<1x1x1x8x128xf32, #tpu.memory_space<hbm>>
      %dma_start3A_1182 = tpu.memref_squeeze %dma_start3A_1181 : memref<1x1x1x8x128xf32, #tpu.memory_space<hbm>> -> memref<8x128xf32, #tpu.memory_space<hbm>>
      %dma_start3A_1183 = arith.constant 16 : i32
      %dma_start3A_1184 = arith.constant 0 : i32
      %dma_start3A_1185 = tpu.memref_slice %arg11[%dma_start3A_1183, %dma_start3A_1184] : memref<32x129xf32, #tpu.memory_space<vmem>> -> memref<8x128xf32, #tpu.memory_space<vmem>>
      tpu.enqueue_dma source(%dma_start3A_1185 : memref<8x128xf32, #tpu.memory_space<vmem>>) target(%dma_start3A_1182 : memref<8x128xf32, #tpu.memory_space<hbm>>) target_semaphore(%arg20 : memref<!tpu.dma_semaphore, #tpu.memory_space<semaphore_mem>>)
      %dma_start3A_1186 = arith.constant 3 : i32
      %dma_start3A_1187 = arith.constant 24 : i32
      %dma_start3A_1188 = arith.constant 0 : i32
      %dma_start3A_1189 = tpu.memref_slice %arg11[%dma_start3A_1187, %dma_start3A_1188] : memref<32x129xf32, #tpu.memory_space<vmem>> -> memref<8x128xf32, #tpu.memory_space<vmem>>
      %dma_start3A_1190 = arith.constant 0 : i32
      %dma_start3A_1191 = arith.constant 0 : i32
      %dma_start3A_1192 = tpu.memref_slice %arg4[%select_n3A_1124, %dma_start3A_1186, %select_n3A_1140, %dma_start3A_1190, %dma_start3A_1191] : memref<50x4x128x8x128xf32, #tpu.memory_space<hbm>> -> memref<1x1x1x8x128xf32, #tpu.memory_space<hbm>>
      %dma_start3A_1193 = tpu.memref_squeeze %dma_start3A_1192 : memref<1x1x1x8x128xf32, #tpu.memory_space<hbm>> -> memref<8x128xf32, #tpu.memory_space<hbm>>
      %dma_start3A_1194 = arith.constant 0 : i32
      %dma_start3A_1195 = arith.constant 0 : i32
      %dma_start3A_1196 = tpu.memref_slice %arg4[%select_n3A_1124, %dma_start3A_1186, %select_n3A_1140, %dma_start3A_1194, %dma_start3A_1195] : memref<50x4x128x8x128xf32, #tpu.memory_space<hbm>> -> memref<1x1x1x8x128xf32, #tpu.memory_space<hbm>>
      %dma_start3A_1197 = tpu.memref_squeeze %dma_start3A_1196 : memref<1x1x1x8x128xf32, #tpu.memory_space<hbm>> -> memref<8x128xf32, #tpu.memory_space<hbm>>
      %dma_start3A_1198 = arith.constant 24 : i32
      %dma_start3A_1199 = arith.constant 0 : i32
      %dma_start3A_1200 = tpu.memref_slice %arg11[%dma_start3A_1198, %dma_start3A_1199] : memref<32x129xf32, #tpu.memory_space<vmem>> -> memref<8x128xf32, #tpu.memory_space<vmem>>
      tpu.enqueue_dma source(%dma_start3A_1200 : memref<8x128xf32, #tpu.memory_space<vmem>>) target(%dma_start3A_1197 : memref<8x128xf32, #tpu.memory_space<hbm>>) target_semaphore(%arg20 : memref<!tpu.dma_semaphore, #tpu.memory_space<semaphore_mem>>)
      %mul3A_1201 = arith.constant 5 : i32
      %mul3A_1202 = arith.muli %add3A_789, %mul3A_1201 : i32
      %add3A_1203 = arith.addi %mul3A_2, %mul3A_1202 : i32
      %add3A_1204 = arith.constant 4 : i32
      %add3A_1205 = arith.addi %add3A_1203, %add3A_1204 : i32
      %jit3A_1206 = arith.constant 128 : i32
      %div3A_1207 = arith.divsi %add3A_1205, %jit3A_1206 : i32
      %sign3A_1208 = arith.constant 0 : i32
      %sign3A_1209 = arith.cmpi sgt, %add3A_1205, %sign3A_1208 : i32
      %sign3A_1210 = arith.extui %sign3A_1209 : i1 to i32
      %sign3A_1211 = arith.constant 0 : i32
      %sign3A_1212 = arith.cmpi slt, %add3A_1205, %sign3A_1211 : i32
      %sign3A_1213 = arith.extui %sign3A_1212 : i1 to i32
      %sign3A_1214 = arith.subi %sign3A_1210, %sign3A_1213 : i32
      %sign3A_1215 = arith.constant 0 : i32
      %sign3A_1216 = arith.cmpi sgt, %jit3A_1206, %sign3A_1215 : i32
      %sign3A_1217 = arith.extui %sign3A_1216 : i1 to i32
      %sign3A_1218 = arith.constant 0 : i32
      %sign3A_1219 = arith.cmpi slt, %jit3A_1206, %sign3A_1218 : i32
      %sign3A_1220 = arith.extui %sign3A_1219 : i1 to i32
      %sign3A_1221 = arith.subi %sign3A_1217, %sign3A_1220 : i32
      %ne3A_1222 = arith.cmpi ne, %sign3A_1214, %sign3A_1221 : i32
      %rem3A_1223 = arith.remsi %add3A_1205, %jit3A_1206 : i32
      %ne3A_1224 = arith.constant 0 : i32
      %ne3A_1225 = arith.cmpi ne, %rem3A_1223, %ne3A_1224 : i32
      %and3A_1226 = arith.andi %ne3A_1222, %ne3A_1225 : i1
      %sub3A_1227 = arith.constant 1 : i32
      %sub3A_1228 = arith.subi %div3A_1207, %sub3A_1227 : i32
      %select_n3A_1229 = arith.select %and3A_1226, %sub3A_1228, %div3A_1207 : i32
      %jit3A_1230 = arith.constant 128 : i32
      %eq3A_1231 = arith.constant 0 : i32
      %eq3A_1232 = arith.cmpi eq, %jit3A_1230, %eq3A_1231 : i32
      %jit3A_1233 = arith.constant 1 : i32
      %select_n3A_1234 = arith.select %eq3A_1232, %jit3A_1233, %jit3A_1230 : i32
      %rem3A_1235 = arith.remsi %add3A_1205, %select_n3A_1234 : i32
      %ne3A_1236 = arith.constant 0 : i32
      %ne3A_1237 = arith.cmpi ne, %rem3A_1235, %ne3A_1236 : i32
      %lt3A_1238 = arith.constant 0 : i32
      %lt3A_1239 = arith.cmpi slt, %rem3A_1235, %lt3A_1238 : i32
      %lt3A_1240 = arith.constant 0 : i32
      %lt3A_1241 = arith.cmpi slt, %select_n3A_1234, %lt3A_1240 : i32
      %ne3A_1242 = arith.xori %lt3A_1239, %lt3A_1241 : i1
      %and3A_1243 = arith.andi %ne3A_1242, %ne3A_1237 : i1
      %add3A_1244 = arith.addi %rem3A_1235, %select_n3A_1234 : i32
      %select_n3A_1245 = arith.select %and3A_1243, %add3A_1244, %rem3A_1235 : i32
      %dma_start3A_1246 = arith.constant 0 : i32
      %dma_start3A_1247 = arith.constant 0 : i32
      %dma_start3A_1248 = arith.constant 0 : i32
      %dma_start3A_1249 = tpu.memref_slice %arg12[%dma_start3A_1247, %dma_start3A_1248] : memref<32x129xf32, #tpu.memory_space<vmem>> -> memref<8x128xf32, #tpu.memory_space<vmem>>
      %dma_start3A_1250 = arith.constant 0 : i32
      %dma_start3A_1251 = arith.constant 0 : i32
      %dma_start3A_1252 = tpu.memref_slice %arg4[%select_n3A_1229, %dma_start3A_1246, %select_n3A_1245, %dma_start3A_1250, %dma_start3A_1251] : memref<50x4x128x8x128xf32, #tpu.memory_space<hbm>> -> memref<1x1x1x8x128xf32, #tpu.memory_space<hbm>>
      %dma_start3A_1253 = tpu.memref_squeeze %dma_start3A_1252 : memref<1x1x1x8x128xf32, #tpu.memory_space<hbm>> -> memref<8x128xf32, #tpu.memory_space<hbm>>
      %dma_start3A_1254 = arith.constant 0 : i32
      %dma_start3A_1255 = arith.constant 0 : i32
      %dma_start3A_1256 = tpu.memref_slice %arg4[%select_n3A_1229, %dma_start3A_1246, %select_n3A_1245, %dma_start3A_1254, %dma_start3A_1255] : memref<50x4x128x8x128xf32, #tpu.memory_space<hbm>> -> memref<1x1x1x8x128xf32, #tpu.memory_space<hbm>>
      %dma_start3A_1257 = tpu.memref_squeeze %dma_start3A_1256 : memref<1x1x1x8x128xf32, #tpu.memory_space<hbm>> -> memref<8x128xf32, #tpu.memory_space<hbm>>
      %dma_start3A_1258 = arith.constant 0 : i32
      %dma_start3A_1259 = arith.constant 0 : i32
      %dma_start3A_1260 = tpu.memref_slice %arg12[%dma_start3A_1258, %dma_start3A_1259] : memref<32x129xf32, #tpu.memory_space<vmem>> -> memref<8x128xf32, #tpu.memory_space<vmem>>
      tpu.enqueue_dma source(%dma_start3A_1260 : memref<8x128xf32, #tpu.memory_space<vmem>>) target(%dma_start3A_1257 : memref<8x128xf32, #tpu.memory_space<hbm>>) target_semaphore(%arg20 : memref<!tpu.dma_semaphore, #tpu.memory_space<semaphore_mem>>)
      %dma_start3A_1261 = arith.constant 1 : i32
      %dma_start3A_1262 = arith.constant 8 : i32
      %dma_start3A_1263 = arith.constant 0 : i32
      %dma_start3A_1264 = tpu.memref_slice %arg12[%dma_start3A_1262, %dma_start3A_1263] : memref<32x129xf32, #tpu.memory_space<vmem>> -> memref<8x128xf32, #tpu.memory_space<vmem>>
      %dma_start3A_1265 = arith.constant 0 : i32
      %dma_start3A_1266 = arith.constant 0 : i32
      %dma_start3A_1267 = tpu.memref_slice %arg4[%select_n3A_1229, %dma_start3A_1261, %select_n3A_1245, %dma_start3A_1265, %dma_start3A_1266] : memref<50x4x128x8x128xf32, #tpu.memory_space<hbm>> -> memref<1x1x1x8x128xf32, #tpu.memory_space<hbm>>
      %dma_start3A_1268 = tpu.memref_squeeze %dma_start3A_1267 : memref<1x1x1x8x128xf32, #tpu.memory_space<hbm>> -> memref<8x128xf32, #tpu.memory_space<hbm>>
      %dma_start3A_1269 = arith.constant 0 : i32
      %dma_start3A_1270 = arith.constant 0 : i32
      %dma_start3A_1271 = tpu.memref_slice %arg4[%select_n3A_1229, %dma_start3A_1261, %select_n3A_1245, %dma_start3A_1269, %dma_start3A_1270] : memref<50x4x128x8x128xf32, #tpu.memory_space<hbm>> -> memref<1x1x1x8x128xf32, #tpu.memory_space<hbm>>
      %dma_start3A_1272 = tpu.memref_squeeze %dma_start3A_1271 : memref<1x1x1x8x128xf32, #tpu.memory_space<hbm>> -> memref<8x128xf32, #tpu.memory_space<hbm>>
      %dma_start3A_1273 = arith.constant 8 : i32
      %dma_start3A_1274 = arith.constant 0 : i32
      %dma_start3A_1275 = tpu.memref_slice %arg12[%dma_start3A_1273, %dma_start3A_1274] : memref<32x129xf32, #tpu.memory_space<vmem>> -> memref<8x128xf32, #tpu.memory_space<vmem>>
      tpu.enqueue_dma source(%dma_start3A_1275 : memref<8x128xf32, #tpu.memory_space<vmem>>) target(%dma_start3A_1272 : memref<8x128xf32, #tpu.memory_space<hbm>>) target_semaphore(%arg20 : memref<!tpu.dma_semaphore, #tpu.memory_space<semaphore_mem>>)
      %dma_start3A_1276 = arith.constant 2 : i32
      %dma_start3A_1277 = arith.constant 16 : i32
      %dma_start3A_1278 = arith.constant 0 : i32
      %dma_start3A_1279 = tpu.memref_slice %arg12[%dma_start3A_1277, %dma_start3A_1278] : memref<32x129xf32, #tpu.memory_space<vmem>> -> memref<8x128xf32, #tpu.memory_space<vmem>>
      %dma_start3A_1280 = arith.constant 0 : i32
      %dma_start3A_1281 = arith.constant 0 : i32
      %dma_start3A_1282 = tpu.memref_slice %arg4[%select_n3A_1229, %dma_start3A_1276, %select_n3A_1245, %dma_start3A_1280, %dma_start3A_1281] : memref<50x4x128x8x128xf32, #tpu.memory_space<hbm>> -> memref<1x1x1x8x128xf32, #tpu.memory_space<hbm>>
      %dma_start3A_1283 = tpu.memref_squeeze %dma_start3A_1282 : memref<1x1x1x8x128xf32, #tpu.memory_space<hbm>> -> memref<8x128xf32, #tpu.memory_space<hbm>>
      %dma_start3A_1284 = arith.constant 0 : i32
      %dma_start3A_1285 = arith.constant 0 : i32
      %dma_start3A_1286 = tpu.memref_slice %arg4[%select_n3A_1229, %dma_start3A_1276, %select_n3A_1245, %dma_start3A_1284, %dma_start3A_1285] : memref<50x4x128x8x128xf32, #tpu.memory_space<hbm>> -> memref<1x1x1x8x128xf32, #tpu.memory_space<hbm>>
      %dma_start3A_1287 = tpu.memref_squeeze %dma_start3A_1286 : memref<1x1x1x8x128xf32, #tpu.memory_space<hbm>> -> memref<8x128xf32, #tpu.memory_space<hbm>>
      %dma_start3A_1288 = arith.constant 16 : i32
      %dma_start3A_1289 = arith.constant 0 : i32
      %dma_start3A_1290 = tpu.memref_slice %arg12[%dma_start3A_1288, %dma_start3A_1289] : memref<32x129xf32, #tpu.memory_space<vmem>> -> memref<8x128xf32, #tpu.memory_space<vmem>>
      tpu.enqueue_dma source(%dma_start3A_1290 : memref<8x128xf32, #tpu.memory_space<vmem>>) target(%dma_start3A_1287 : memref<8x128xf32, #tpu.memory_space<hbm>>) target_semaphore(%arg20 : memref<!tpu.dma_semaphore, #tpu.memory_space<semaphore_mem>>)
      %dma_start3A_1291 = arith.constant 3 : i32
      %dma_start3A_1292 = arith.constant 24 : i32
      %dma_start3A_1293 = arith.constant 0 : i32
      %dma_start3A_1294 = tpu.memref_slice %arg12[%dma_start3A_1292, %dma_start3A_1293] : memref<32x129xf32, #tpu.memory_space<vmem>> -> memref<8x128xf32, #tpu.memory_space<vmem>>
      %dma_start3A_1295 = arith.constant 0 : i32
      %dma_start3A_1296 = arith.constant 0 : i32
      %dma_start3A_1297 = tpu.memref_slice %arg4[%select_n3A_1229, %dma_start3A_1291, %select_n3A_1245, %dma_start3A_1295, %dma_start3A_1296] : memref<50x4x128x8x128xf32, #tpu.memory_space<hbm>> -> memref<1x1x1x8x128xf32, #tpu.memory_space<hbm>>
      %dma_start3A_1298 = tpu.memref_squeeze %dma_start3A_1297 : memref<1x1x1x8x128xf32, #tpu.memory_space<hbm>> -> memref<8x128xf32, #tpu.memory_space<hbm>>
      %dma_start3A_1299 = arith.constant 0 : i32
      %dma_start3A_1300 = arith.constant 0 : i32
      %dma_start3A_1301 = tpu.memref_slice %arg4[%select_n3A_1229, %dma_start3A_1291, %select_n3A_1245, %dma_start3A_1299, %dma_start3A_1300] : memref<50x4x128x8x128xf32, #tpu.memory_space<hbm>> -> memref<1x1x1x8x128xf32, #tpu.memory_space<hbm>>
      %dma_start3A_1302 = tpu.memref_squeeze %dma_start3A_1301 : memref<1x1x1x8x128xf32, #tpu.memory_space<hbm>> -> memref<8x128xf32, #tpu.memory_space<hbm>>
      %dma_start3A_1303 = arith.constant 24 : i32
      %dma_start3A_1304 = arith.constant 0 : i32
      %dma_start3A_1305 = tpu.memref_slice %arg12[%dma_start3A_1303, %dma_start3A_1304] : memref<32x129xf32, #tpu.memory_space<vmem>> -> memref<8x128xf32, #tpu.memory_space<vmem>>
      tpu.enqueue_dma source(%dma_start3A_1305 : memref<8x128xf32, #tpu.memory_space<vmem>>) target(%dma_start3A_1302 : memref<8x128xf32, #tpu.memory_space<hbm>>) target_semaphore(%arg20 : memref<!tpu.dma_semaphore, #tpu.memory_space<semaphore_mem>>)
      %dma_wait3A_1306 = arith.constant 0 : i32
      %dma_wait3A_1307 = arith.constant 0 : i32
      %dma_wait3A_1308 = tpu.memref_slice %arg3[%dma_wait3A_1306, %dma_wait3A_1307] : memref<100000x32xf32, #tpu.memory_space<hbm>> -> memref<640x32xf32, #tpu.memory_space<hbm>>
      %dma_wait3A_1309 = arith.constant 0 : i32
      %dma_wait3A_1310 = arith.constant 0 : i32
      %dma_wait3A_1311 = tpu.memref_slice %arg3[%dma_wait3A_1309, %dma_wait3A_1310] : memref<100000x32xf32, #tpu.memory_space<hbm>> -> memref<640x32xf32, #tpu.memory_space<hbm>>
      tpu.wait_dma2 semaphore(%arg19 : memref<!tpu.dma_semaphore, #tpu.memory_space<semaphore_mem>>) src(%dma_wait3A_1311 : memref<640x32xf32, #tpu.memory_space<hbm>>) dst(%arg7 : memref<640x32xf32, #tpu.memory_space<vmem>>)
      %gt3A_1312 = arith.constant 0 : i32
      %gt3A_1313 = arith.cmpi sgt, %scan3A_771, %gt3A_1312 : i32
      %convert_element_type3A_1314 = arith.extui %gt3A_1313 : i1 to i32
      %cond3A_1315 = arith.constant 0 : i32
      %cond3A_1316 = arith.cmpi ne, %convert_element_type3A_1314, %cond3A_1315 : i32
      scf.if %cond3A_1316 {
        %dma_wait3A_1852 = arith.constant 0 : i32
        %dma_wait3A_1853 = arith.constant 0 : i32
        %dma_wait3A_1854 = arith.constant 0 : i32
        %dma_wait3A_1855 = arith.constant 0 : i32
        %dma_wait3A_1856 = arith.constant 0 : i32
        %dma_wait3A_1857 = tpu.memref_slice %arg13[%dma_wait3A_1855, %dma_wait3A_1856] : memref<32x129xf32, #tpu.memory_space<vmem>> -> memref<8x128xf32, #tpu.memory_space<vmem>>
        %dma_wait3A_1858 = arith.constant 0 : i32
        %dma_wait3A_1859 = arith.constant 0 : i32
        %dma_wait3A_1860 = tpu.memref_slice %arg4[%dma_wait3A_1852, %dma_wait3A_1853, %dma_wait3A_1854, %dma_wait3A_1858, %dma_wait3A_1859] : memref<50x4x128x8x128xf32, #tpu.memory_space<hbm>> -> memref<1x1x1x8x128xf32, #tpu.memory_space<hbm>>
        %dma_wait3A_1861 = tpu.memref_squeeze %dma_wait3A_1860 : memref<1x1x1x8x128xf32, #tpu.memory_space<hbm>> -> memref<8x128xf32, #tpu.memory_space<hbm>>
        %dma_wait3A_1862 = arith.constant 0 : i32
        %dma_wait3A_1863 = arith.constant 0 : i32
        %dma_wait3A_1864 = tpu.memref_slice %arg4[%dma_wait3A_1852, %dma_wait3A_1853, %dma_wait3A_1854, %dma_wait3A_1862, %dma_wait3A_1863] : memref<50x4x128x8x128xf32, #tpu.memory_space<hbm>> -> memref<1x1x1x8x128xf32, #tpu.memory_space<hbm>>
        %dma_wait3A_1865 = tpu.memref_squeeze %dma_wait3A_1864 : memref<1x1x1x8x128xf32, #tpu.memory_space<hbm>> -> memref<8x128xf32, #tpu.memory_space<hbm>>
        %dma_wait3A_1866 = arith.constant 0 : i32
        %dma_wait3A_1867 = arith.constant 0 : i32
        %dma_wait3A_1868 = tpu.memref_slice %arg13[%dma_wait3A_1866, %dma_wait3A_1867] : memref<32x129xf32, #tpu.memory_space<vmem>> -> memref<8x128xf32, #tpu.memory_space<vmem>>
        tpu.wait_dma2 semaphore(%arg21 : memref<!tpu.dma_semaphore, #tpu.memory_space<semaphore_mem>>) src(%dma_wait3A_1868 : memref<8x128xf32, #tpu.memory_space<vmem>>) dst(%dma_wait3A_1865 : memref<8x128xf32, #tpu.memory_space<hbm>>)
        %dma_wait3A_1869 = arith.constant 0 : i32
        %dma_wait3A_1870 = arith.constant 0 : i32
        %dma_wait3A_1871 = arith.constant 0 : i32
        %dma_wait3A_1872 = arith.constant 0 : i32
        %dma_wait3A_1873 = arith.constant 0 : i32
        %dma_wait3A_1874 = tpu.memref_slice %arg13[%dma_wait3A_1872, %dma_wait3A_1873] : memref<32x129xf32, #tpu.memory_space<vmem>> -> memref<8x128xf32, #tpu.memory_space<vmem>>
        %dma_wait3A_1875 = arith.constant 0 : i32
        %dma_wait3A_1876 = arith.constant 0 : i32
        %dma_wait3A_1877 = tpu.memref_slice %arg4[%dma_wait3A_1869, %dma_wait3A_1870, %dma_wait3A_1871, %dma_wait3A_1875, %dma_wait3A_1876] : memref<50x4x128x8x128xf32, #tpu.memory_space<hbm>> -> memref<1x1x1x8x128xf32, #tpu.memory_space<hbm>>
        %dma_wait3A_1878 = tpu.memref_squeeze %dma_wait3A_1877 : memref<1x1x1x8x128xf32, #tpu.memory_space<hbm>> -> memref<8x128xf32, #tpu.memory_space<hbm>>
        %dma_wait3A_1879 = arith.constant 0 : i32
        %dma_wait3A_1880 = arith.constant 0 : i32
        %dma_wait3A_1881 = tpu.memref_slice %arg4[%dma_wait3A_1869, %dma_wait3A_1870, %dma_wait3A_1871, %dma_wait3A_1879, %dma_wait3A_1880] : memref<50x4x128x8x128xf32, #tpu.memory_space<hbm>> -> memref<1x1x1x8x128xf32, #tpu.memory_space<hbm>>
        %dma_wait3A_1882 = tpu.memref_squeeze %dma_wait3A_1881 : memref<1x1x1x8x128xf32, #tpu.memory_space<hbm>> -> memref<8x128xf32, #tpu.memory_space<hbm>>
        %dma_wait3A_1883 = arith.constant 0 : i32
        %dma_wait3A_1884 = arith.constant 0 : i32
        %dma_wait3A_1885 = tpu.memref_slice %arg13[%dma_wait3A_1883, %dma_wait3A_1884] : memref<32x129xf32, #tpu.memory_space<vmem>> -> memref<8x128xf32, #tpu.memory_space<vmem>>
        tpu.wait_dma2 semaphore(%arg21 : memref<!tpu.dma_semaphore, #tpu.memory_space<semaphore_mem>>) src(%dma_wait3A_1885 : memref<8x128xf32, #tpu.memory_space<vmem>>) dst(%dma_wait3A_1882 : memref<8x128xf32, #tpu.memory_space<hbm>>)
        %dma_wait3A_1886 = arith.constant 0 : i32
        %dma_wait3A_1887 = arith.constant 0 : i32
        %dma_wait3A_1888 = arith.constant 0 : i32
        %dma_wait3A_1889 = arith.constant 0 : i32
        %dma_wait3A_1890 = arith.constant 0 : i32
        %dma_wait3A_1891 = tpu.memref_slice %arg13[%dma_wait3A_1889, %dma_wait3A_1890] : memref<32x129xf32, #tpu.memory_space<vmem>> -> memref<8x128xf32, #tpu.memory_space<vmem>>
        %dma_wait3A_1892 = arith.constant 0 : i32
        %dma_wait3A_1893 = arith.constant 0 : i32
        %dma_wait3A_1894 = tpu.memref_slice %arg4[%dma_wait3A_1886, %dma_wait3A_1887, %dma_wait3A_1888, %dma_wait3A_1892, %dma_wait3A_1893] : memref<50x4x128x8x128xf32, #tpu.memory_space<hbm>> -> memref<1x1x1x8x128xf32, #tpu.memory_space<hbm>>
        %dma_wait3A_1895 = tpu.memref_squeeze %dma_wait3A_1894 : memref<1x1x1x8x128xf32, #tpu.memory_space<hbm>> -> memref<8x128xf32, #tpu.memory_space<hbm>>
        %dma_wait3A_1896 = arith.constant 0 : i32
        %dma_wait3A_1897 = arith.constant 0 : i32
        %dma_wait3A_1898 = tpu.memref_slice %arg4[%dma_wait3A_1886, %dma_wait3A_1887, %dma_wait3A_1888, %dma_wait3A_1896, %dma_wait3A_1897] : memref<50x4x128x8x128xf32, #tpu.memory_space<hbm>> -> memref<1x1x1x8x128xf32, #tpu.memory_space<hbm>>
        %dma_wait3A_1899 = tpu.memref_squeeze %dma_wait3A_1898 : memref<1x1x1x8x128xf32, #tpu.memory_space<hbm>> -> memref<8x128xf32, #tpu.memory_space<hbm>>
        %dma_wait3A_1900 = arith.constant 0 : i32
        %dma_wait3A_1901 = arith.constant 0 : i32
        %dma_wait3A_1902 = tpu.memref_slice %arg13[%dma_wait3A_1900, %dma_wait3A_1901] : memref<32x129xf32, #tpu.memory_space<vmem>> -> memref<8x128xf32, #tpu.memory_space<vmem>>
        tpu.wait_dma2 semaphore(%arg21 : memref<!tpu.dma_semaphore, #tpu.memory_space<semaphore_mem>>) src(%dma_wait3A_1902 : memref<8x128xf32, #tpu.memory_space<vmem>>) dst(%dma_wait3A_1899 : memref<8x128xf32, #tpu.memory_space<hbm>>)
        %dma_wait3A_1903 = arith.constant 0 : i32
        %dma_wait3A_1904 = arith.constant 0 : i32
        %dma_wait3A_1905 = arith.constant 0 : i32
        %dma_wait3A_1906 = arith.constant 0 : i32
        %dma_wait3A_1907 = arith.constant 0 : i32
        %dma_wait3A_1908 = tpu.memref_slice %arg13[%dma_wait3A_1906, %dma_wait3A_1907] : memref<32x129xf32, #tpu.memory_space<vmem>> -> memref<8x128xf32, #tpu.memory_space<vmem>>
        %dma_wait3A_1909 = arith.constant 0 : i32
        %dma_wait3A_1910 = arith.constant 0 : i32
        %dma_wait3A_1911 = tpu.memref_slice %arg4[%dma_wait3A_1903, %dma_wait3A_1904, %dma_wait3A_1905, %dma_wait3A_1909, %dma_wait3A_1910] : memref<50x4x128x8x128xf32, #tpu.memory_space<hbm>> -> memref<1x1x1x8x128xf32, #tpu.memory_space<hbm>>
        %dma_wait3A_1912 = tpu.memref_squeeze %dma_wait3A_1911 : memref<1x1x1x8x128xf32, #tpu.memory_space<hbm>> -> memref<8x128xf32, #tpu.memory_space<hbm>>
        %dma_wait3A_1913 = arith.constant 0 : i32
        %dma_wait3A_1914 = arith.constant 0 : i32
        %dma_wait3A_1915 = tpu.memref_slice %arg4[%dma_wait3A_1903, %dma_wait3A_1904, %dma_wait3A_1905, %dma_wait3A_1913, %dma_wait3A_1914] : memref<50x4x128x8x128xf32, #tpu.memory_space<hbm>> -> memref<1x1x1x8x128xf32, #tpu.memory_space<hbm>>
        %dma_wait3A_1916 = tpu.memref_squeeze %dma_wait3A_1915 : memref<1x1x1x8x128xf32, #tpu.memory_space<hbm>> -> memref<8x128xf32, #tpu.memory_space<hbm>>
        %dma_wait3A_1917 = arith.constant 0 : i32
        %dma_wait3A_1918 = arith.constant 0 : i32
        %dma_wait3A_1919 = tpu.memref_slice %arg13[%dma_wait3A_1917, %dma_wait3A_1918] : memref<32x129xf32, #tpu.memory_space<vmem>> -> memref<8x128xf32, #tpu.memory_space<vmem>>
        tpu.wait_dma2 semaphore(%arg21 : memref<!tpu.dma_semaphore, #tpu.memory_space<semaphore_mem>>) src(%dma_wait3A_1919 : memref<8x128xf32, #tpu.memory_space<vmem>>) dst(%dma_wait3A_1916 : memref<8x128xf32, #tpu.memory_space<hbm>>)
        %dma_wait3A_1920 = arith.constant 0 : i32
        %dma_wait3A_1921 = arith.constant 0 : i32
        %dma_wait3A_1922 = arith.constant 0 : i32
        %dma_wait3A_1923 = arith.constant 0 : i32
        %dma_wait3A_1924 = arith.constant 0 : i32
        %dma_wait3A_1925 = tpu.memref_slice %arg13[%dma_wait3A_1923, %dma_wait3A_1924] : memref<32x129xf32, #tpu.memory_space<vmem>> -> memref<8x128xf32, #tpu.memory_space<vmem>>
        %dma_wait3A_1926 = arith.constant 0 : i32
        %dma_wait3A_1927 = arith.constant 0 : i32
        %dma_wait3A_1928 = tpu.memref_slice %arg4[%dma_wait3A_1920, %dma_wait3A_1921, %dma_wait3A_1922, %dma_wait3A_1926, %dma_wait3A_1927] : memref<50x4x128x8x128xf32, #tpu.memory_space<hbm>> -> memref<1x1x1x8x128xf32, #tpu.memory_space<hbm>>
        %dma_wait3A_1929 = tpu.memref_squeeze %dma_wait3A_1928 : memref<1x1x1x8x128xf32, #tpu.memory_space<hbm>> -> memref<8x128xf32, #tpu.memory_space<hbm>>
        %dma_wait3A_1930 = arith.constant 0 : i32
        %dma_wait3A_1931 = arith.constant 0 : i32
        %dma_wait3A_1932 = tpu.memref_slice %arg4[%dma_wait3A_1920, %dma_wait3A_1921, %dma_wait3A_1922, %dma_wait3A_1930, %dma_wait3A_1931] : memref<50x4x128x8x128xf32, #tpu.memory_space<hbm>> -> memref<1x1x1x8x128xf32, #tpu.memory_space<hbm>>
        %dma_wait3A_1933 = tpu.memref_squeeze %dma_wait3A_1932 : memref<1x1x1x8x128xf32, #tpu.memory_space<hbm>> -> memref<8x128xf32, #tpu.memory_space<hbm>>
        %dma_wait3A_1934 = arith.constant 0 : i32
        %dma_wait3A_1935 = arith.constant 0 : i32
        %dma_wait3A_1936 = tpu.memref_slice %arg13[%dma_wait3A_1934, %dma_wait3A_1935] : memref<32x129xf32, #tpu.memory_space<vmem>> -> memref<8x128xf32, #tpu.memory_space<vmem>>
        tpu.wait_dma2 semaphore(%arg21 : memref<!tpu.dma_semaphore, #tpu.memory_space<semaphore_mem>>) src(%dma_wait3A_1936 : memref<8x128xf32, #tpu.memory_space<vmem>>) dst(%dma_wait3A_1933 : memref<8x128xf32, #tpu.memory_space<hbm>>)
        %dma_wait3A_1937 = arith.constant 0 : i32
        %dma_wait3A_1938 = arith.constant 0 : i32
        %dma_wait3A_1939 = arith.constant 0 : i32
        %dma_wait3A_1940 = arith.constant 0 : i32
        %dma_wait3A_1941 = arith.constant 0 : i32
        %dma_wait3A_1942 = tpu.memref_slice %arg13[%dma_wait3A_1940, %dma_wait3A_1941] : memref<32x129xf32, #tpu.memory_space<vmem>> -> memref<8x128xf32, #tpu.memory_space<vmem>>
        %dma_wait3A_1943 = arith.constant 0 : i32
        %dma_wait3A_1944 = arith.constant 0 : i32
        %dma_wait3A_1945 = tpu.memref_slice %arg4[%dma_wait3A_1937, %dma_wait3A_1938, %dma_wait3A_1939, %dma_wait3A_1943, %dma_wait3A_1944] : memref<50x4x128x8x128xf32, #tpu.memory_space<hbm>> -> memref<1x1x1x8x128xf32, #tpu.memory_space<hbm>>
        %dma_wait3A_1946 = tpu.memref_squeeze %dma_wait3A_1945 : memref<1x1x1x8x128xf32, #tpu.memory_space<hbm>> -> memref<8x128xf32, #tpu.memory_space<hbm>>
        %dma_wait3A_1947 = arith.constant 0 : i32
        %dma_wait3A_1948 = arith.constant 0 : i32
        %dma_wait3A_1949 = tpu.memref_slice %arg4[%dma_wait3A_1937, %dma_wait3A_1938, %dma_wait3A_1939, %dma_wait3A_1947, %dma_wait3A_1948] : memref<50x4x128x8x128xf32, #tpu.memory_space<hbm>> -> memref<1x1x1x8x128xf32, #tpu.memory_space<hbm>>
        %dma_wait3A_1950 = tpu.memref_squeeze %dma_wait3A_1949 : memref<1x1x1x8x128xf32, #tpu.memory_space<hbm>> -> memref<8x128xf32, #tpu.memory_space<hbm>>
        %dma_wait3A_1951 = arith.constant 0 : i32
        %dma_wait3A_1952 = arith.constant 0 : i32
        %dma_wait3A_1953 = tpu.memref_slice %arg13[%dma_wait3A_1951, %dma_wait3A_1952] : memref<32x129xf32, #tpu.memory_space<vmem>> -> memref<8x128xf32, #tpu.memory_space<vmem>>
        tpu.wait_dma2 semaphore(%arg21 : memref<!tpu.dma_semaphore, #tpu.memory_space<semaphore_mem>>) src(%dma_wait3A_1953 : memref<8x128xf32, #tpu.memory_space<vmem>>) dst(%dma_wait3A_1950 : memref<8x128xf32, #tpu.memory_space<hbm>>)
        %dma_wait3A_1954 = arith.constant 0 : i32
        %dma_wait3A_1955 = arith.constant 0 : i32
        %dma_wait3A_1956 = arith.constant 0 : i32
        %dma_wait3A_1957 = arith.constant 0 : i32
        %dma_wait3A_1958 = arith.constant 0 : i32
        %dma_wait3A_1959 = tpu.memref_slice %arg13[%dma_wait3A_1957, %dma_wait3A_1958] : memref<32x129xf32, #tpu.memory_space<vmem>> -> memref<8x128xf32, #tpu.memory_space<vmem>>
        %dma_wait3A_1960 = arith.constant 0 : i32
        %dma_wait3A_1961 = arith.constant 0 : i32
        %dma_wait3A_1962 = tpu.memref_slice %arg4[%dma_wait3A_1954, %dma_wait3A_1955, %dma_wait3A_1956, %dma_wait3A_1960, %dma_wait3A_1961] : memref<50x4x128x8x128xf32, #tpu.memory_space<hbm>> -> memref<1x1x1x8x128xf32, #tpu.memory_space<hbm>>
        %dma_wait3A_1963 = tpu.memref_squeeze %dma_wait3A_1962 : memref<1x1x1x8x128xf32, #tpu.memory_space<hbm>> -> memref<8x128xf32, #tpu.memory_space<hbm>>
        %dma_wait3A_1964 = arith.constant 0 : i32
        %dma_wait3A_1965 = arith.constant 0 : i32
        %dma_wait3A_1966 = tpu.memref_slice %arg4[%dma_wait3A_1954, %dma_wait3A_1955, %dma_wait3A_1956, %dma_wait3A_1964, %dma_wait3A_1965] : memref<50x4x128x8x128xf32, #tpu.memory_space<hbm>> -> memref<1x1x1x8x128xf32, #tpu.memory_space<hbm>>
        %dma_wait3A_1967 = tpu.memref_squeeze %dma_wait3A_1966 : memref<1x1x1x8x128xf32, #tpu.memory_space<hbm>> -> memref<8x128xf32, #tpu.memory_space<hbm>>
        %dma_wait3A_1968 = arith.constant 0 : i32
        %dma_wait3A_1969 = arith.constant 0 : i32
        %dma_wait3A_1970 = tpu.memref_slice %arg13[%dma_wait3A_1968, %dma_wait3A_1969] : memref<32x129xf32, #tpu.memory_space<vmem>> -> memref<8x128xf32, #tpu.memory_space<vmem>>
        tpu.wait_dma2 semaphore(%arg21 : memref<!tpu.dma_semaphore, #tpu.memory_space<semaphore_mem>>) src(%dma_wait3A_1970 : memref<8x128xf32, #tpu.memory_space<vmem>>) dst(%dma_wait3A_1967 : memref<8x128xf32, #tpu.memory_space<hbm>>)
        %dma_wait3A_1971 = arith.constant 0 : i32
        %dma_wait3A_1972 = arith.constant 0 : i32
        %dma_wait3A_1973 = arith.constant 0 : i32
        %dma_wait3A_1974 = arith.constant 0 : i32
        %dma_wait3A_1975 = arith.constant 0 : i32
        %dma_wait3A_1976 = tpu.memref_slice %arg13[%dma_wait3A_1974, %dma_wait3A_1975] : memref<32x129xf32, #tpu.memory_space<vmem>> -> memref<8x128xf32, #tpu.memory_space<vmem>>
        %dma_wait3A_1977 = arith.constant 0 : i32
        %dma_wait3A_1978 = arith.constant 0 : i32
        %dma_wait3A_1979 = tpu.memref_slice %arg4[%dma_wait3A_1971, %dma_wait3A_1972, %dma_wait3A_1973, %dma_wait3A_1977, %dma_wait3A_1978] : memref<50x4x128x8x128xf32, #tpu.memory_space<hbm>> -> memref<1x1x1x8x128xf32, #tpu.memory_space<hbm>>
        %dma_wait3A_1980 = tpu.memref_squeeze %dma_wait3A_1979 : memref<1x1x1x8x128xf32, #tpu.memory_space<hbm>> -> memref<8x128xf32, #tpu.memory_space<hbm>>
        %dma_wait3A_1981 = arith.constant 0 : i32
        %dma_wait3A_1982 = arith.constant 0 : i32
        %dma_wait3A_1983 = tpu.memref_slice %arg4[%dma_wait3A_1971, %dma_wait3A_1972, %dma_wait3A_1973, %dma_wait3A_1981, %dma_wait3A_1982] : memref<50x4x128x8x128xf32, #tpu.memory_space<hbm>> -> memref<1x1x1x8x128xf32, #tpu.memory_space<hbm>>
        %dma_wait3A_1984 = tpu.memref_squeeze %dma_wait3A_1983 : memref<1x1x1x8x128xf32, #tpu.memory_space<hbm>> -> memref<8x128xf32, #tpu.memory_space<hbm>>
        %dma_wait3A_1985 = arith.constant 0 : i32
        %dma_wait3A_1986 = arith.constant 0 : i32
        %dma_wait3A_1987 = tpu.memref_slice %arg13[%dma_wait3A_1985, %dma_wait3A_1986] : memref<32x129xf32, #tpu.memory_space<vmem>> -> memref<8x128xf32, #tpu.memory_space<vmem>>
        tpu.wait_dma2 semaphore(%arg21 : memref<!tpu.dma_semaphore, #tpu.memory_space<semaphore_mem>>) src(%dma_wait3A_1987 : memref<8x128xf32, #tpu.memory_space<vmem>>) dst(%dma_wait3A_1984 : memref<8x128xf32, #tpu.memory_space<hbm>>)
        %dma_wait3A_1988 = arith.constant 0 : i32
        %dma_wait3A_1989 = arith.constant 0 : i32
        %dma_wait3A_1990 = arith.constant 0 : i32
        %dma_wait3A_1991 = arith.constant 0 : i32
        %dma_wait3A_1992 = arith.constant 0 : i32
        %dma_wait3A_1993 = tpu.memref_slice %arg13[%dma_wait3A_1991, %dma_wait3A_1992] : memref<32x129xf32, #tpu.memory_space<vmem>> -> memref<8x128xf32, #tpu.memory_space<vmem>>
        %dma_wait3A_1994 = arith.constant 0 : i32
        %dma_wait3A_1995 = arith.constant 0 : i32
        %dma_wait3A_1996 = tpu.memref_slice %arg4[%dma_wait3A_1988, %dma_wait3A_1989, %dma_wait3A_1990, %dma_wait3A_1994, %dma_wait3A_1995] : memref<50x4x128x8x128xf32, #tpu.memory_space<hbm>> -> memref<1x1x1x8x128xf32, #tpu.memory_space<hbm>>
        %dma_wait3A_1997 = tpu.memref_squeeze %dma_wait3A_1996 : memref<1x1x1x8x128xf32, #tpu.memory_space<hbm>> -> memref<8x128xf32, #tpu.memory_space<hbm>>
        %dma_wait3A_1998 = arith.constant 0 : i32
        %dma_wait3A_1999 = arith.constant 0 : i32
        %dma_wait3A_2000 = tpu.memref_slice %arg4[%dma_wait3A_1988, %dma_wait3A_1989, %dma_wait3A_1990, %dma_wait3A_1998, %dma_wait3A_1999] : memref<50x4x128x8x128xf32, #tpu.memory_space<hbm>> -> memref<1x1x1x8x128xf32, #tpu.memory_space<hbm>>
        %dma_wait3A_2001 = tpu.memref_squeeze %dma_wait3A_2000 : memref<1x1x1x8x128xf32, #tpu.memory_space<hbm>> -> memref<8x128xf32, #tpu.memory_space<hbm>>
        %dma_wait3A_2002 = arith.constant 0 : i32
        %dma_wait3A_2003 = arith.constant 0 : i32
        %dma_wait3A_2004 = tpu.memref_slice %arg13[%dma_wait3A_2002, %dma_wait3A_2003] : memref<32x129xf32, #tpu.memory_space<vmem>> -> memref<8x128xf32, #tpu.memory_space<vmem>>
        tpu.wait_dma2 semaphore(%arg21 : memref<!tpu.dma_semaphore, #tpu.memory_space<semaphore_mem>>) src(%dma_wait3A_2004 : memref<8x128xf32, #tpu.memory_space<vmem>>) dst(%dma_wait3A_2001 : memref<8x128xf32, #tpu.memory_space<hbm>>)
        %dma_wait3A_2005 = arith.constant 0 : i32
        %dma_wait3A_2006 = arith.constant 0 : i32
        %dma_wait3A_2007 = arith.constant 0 : i32
        %dma_wait3A_2008 = arith.constant 0 : i32
        %dma_wait3A_2009 = arith.constant 0 : i32
        %dma_wait3A_2010 = tpu.memref_slice %arg13[%dma_wait3A_2008, %dma_wait3A_2009] : memref<32x129xf32, #tpu.memory_space<vmem>> -> memref<8x128xf32, #tpu.memory_space<vmem>>
        %dma_wait3A_2011 = arith.constant 0 : i32
        %dma_wait3A_2012 = arith.constant 0 : i32
        %dma_wait3A_2013 = tpu.memref_slice %arg4[%dma_wait3A_2005, %dma_wait3A_2006, %dma_wait3A_2007, %dma_wait3A_2011, %dma_wait3A_2012] : memref<50x4x128x8x128xf32, #tpu.memory_space<hbm>> -> memref<1x1x1x8x128xf32, #tpu.memory_space<hbm>>
        %dma_wait3A_2014 = tpu.memref_squeeze %dma_wait3A_2013 : memref<1x1x1x8x128xf32, #tpu.memory_space<hbm>> -> memref<8x128xf32, #tpu.memory_space<hbm>>
        %dma_wait3A_2015 = arith.constant 0 : i32
        %dma_wait3A_2016 = arith.constant 0 : i32
        %dma_wait3A_2017 = tpu.memref_slice %arg4[%dma_wait3A_2005, %dma_wait3A_2006, %dma_wait3A_2007, %dma_wait3A_2015, %dma_wait3A_2016] : memref<50x4x128x8x128xf32, #tpu.memory_space<hbm>> -> memref<1x1x1x8x128xf32, #tpu.memory_space<hbm>>
        %dma_wait3A_2018 = tpu.memref_squeeze %dma_wait3A_2017 : memref<1x1x1x8x128xf32, #tpu.memory_space<hbm>> -> memref<8x128xf32, #tpu.memory_space<hbm>>
        %dma_wait3A_2019 = arith.constant 0 : i32
        %dma_wait3A_2020 = arith.constant 0 : i32
        %dma_wait3A_2021 = tpu.memref_slice %arg13[%dma_wait3A_2019, %dma_wait3A_2020] : memref<32x129xf32, #tpu.memory_space<vmem>> -> memref<8x128xf32, #tpu.memory_space<vmem>>
        tpu.wait_dma2 semaphore(%arg21 : memref<!tpu.dma_semaphore, #tpu.memory_space<semaphore_mem>>) src(%dma_wait3A_2021 : memref<8x128xf32, #tpu.memory_space<vmem>>) dst(%dma_wait3A_2018 : memref<8x128xf32, #tpu.memory_space<hbm>>)
        %dma_wait3A_2022 = arith.constant 0 : i32
        %dma_wait3A_2023 = arith.constant 0 : i32
        %dma_wait3A_2024 = arith.constant 0 : i32
        %dma_wait3A_2025 = arith.constant 0 : i32
        %dma_wait3A_2026 = arith.constant 0 : i32
        %dma_wait3A_2027 = tpu.memref_slice %arg13[%dma_wait3A_2025, %dma_wait3A_2026] : memref<32x129xf32, #tpu.memory_space<vmem>> -> memref<8x128xf32, #tpu.memory_space<vmem>>
        %dma_wait3A_2028 = arith.constant 0 : i32
        %dma_wait3A_2029 = arith.constant 0 : i32
        %dma_wait3A_2030 = tpu.memref_slice %arg4[%dma_wait3A_2022, %dma_wait3A_2023, %dma_wait3A_2024, %dma_wait3A_2028, %dma_wait3A_2029] : memref<50x4x128x8x128xf32, #tpu.memory_space<hbm>> -> memref<1x1x1x8x128xf32, #tpu.memory_space<hbm>>
        %dma_wait3A_2031 = tpu.memref_squeeze %dma_wait3A_2030 : memref<1x1x1x8x128xf32, #tpu.memory_space<hbm>> -> memref<8x128xf32, #tpu.memory_space<hbm>>
        %dma_wait3A_2032 = arith.constant 0 : i32
        %dma_wait3A_2033 = arith.constant 0 : i32
        %dma_wait3A_2034 = tpu.memref_slice %arg4[%dma_wait3A_2022, %dma_wait3A_2023, %dma_wait3A_2024, %dma_wait3A_2032, %dma_wait3A_2033] : memref<50x4x128x8x128xf32, #tpu.memory_space<hbm>> -> memref<1x1x1x8x128xf32, #tpu.memory_space<hbm>>
        %dma_wait3A_2035 = tpu.memref_squeeze %dma_wait3A_2034 : memref<1x1x1x8x128xf32, #tpu.memory_space<hbm>> -> memref<8x128xf32, #tpu.memory_space<hbm>>
        %dma_wait3A_2036 = arith.constant 0 : i32
        %dma_wait3A_2037 = arith.constant 0 : i32
        %dma_wait3A_2038 = tpu.memref_slice %arg13[%dma_wait3A_2036, %dma_wait3A_2037] : memref<32x129xf32, #tpu.memory_space<vmem>> -> memref<8x128xf32, #tpu.memory_space<vmem>>
        tpu.wait_dma2 semaphore(%arg21 : memref<!tpu.dma_semaphore, #tpu.memory_space<semaphore_mem>>) src(%dma_wait3A_2038 : memref<8x128xf32, #tpu.memory_space<vmem>>) dst(%dma_wait3A_2035 : memref<8x128xf32, #tpu.memory_space<hbm>>)
        %dma_wait3A_2039 = arith.constant 0 : i32
        %dma_wait3A_2040 = arith.constant 0 : i32
        %dma_wait3A_2041 = arith.constant 0 : i32
        %dma_wait3A_2042 = arith.constant 0 : i32
        %dma_wait3A_2043 = arith.constant 0 : i32
        %dma_wait3A_2044 = tpu.memref_slice %arg13[%dma_wait3A_2042, %dma_wait3A_2043] : memref<32x129xf32, #tpu.memory_space<vmem>> -> memref<8x128xf32, #tpu.memory_space<vmem>>
        %dma_wait3A_2045 = arith.constant 0 : i32
        %dma_wait3A_2046 = arith.constant 0 : i32
        %dma_wait3A_2047 = tpu.memref_slice %arg4[%dma_wait3A_2039, %dma_wait3A_2040, %dma_wait3A_2041, %dma_wait3A_2045, %dma_wait3A_2046] : memref<50x4x128x8x128xf32, #tpu.memory_space<hbm>> -> memref<1x1x1x8x128xf32, #tpu.memory_space<hbm>>
        %dma_wait3A_2048 = tpu.memref_squeeze %dma_wait3A_2047 : memref<1x1x1x8x128xf32, #tpu.memory_space<hbm>> -> memref<8x128xf32, #tpu.memory_space<hbm>>
        %dma_wait3A_2049 = arith.constant 0 : i32
        %dma_wait3A_2050 = arith.constant 0 : i32
        %dma_wait3A_2051 = tpu.memref_slice %arg4[%dma_wait3A_2039, %dma_wait3A_2040, %dma_wait3A_2041, %dma_wait3A_2049, %dma_wait3A_2050] : memref<50x4x128x8x128xf32, #tpu.memory_space<hbm>> -> memref<1x1x1x8x128xf32, #tpu.memory_space<hbm>>
        %dma_wait3A_2052 = tpu.memref_squeeze %dma_wait3A_2051 : memref<1x1x1x8x128xf32, #tpu.memory_space<hbm>> -> memref<8x128xf32, #tpu.memory_space<hbm>>
        %dma_wait3A_2053 = arith.constant 0 : i32
        %dma_wait3A_2054 = arith.constant 0 : i32
        %dma_wait3A_2055 = tpu.memref_slice %arg13[%dma_wait3A_2053, %dma_wait3A_2054] : memref<32x129xf32, #tpu.memory_space<vmem>> -> memref<8x128xf32, #tpu.memory_space<vmem>>
        tpu.wait_dma2 semaphore(%arg21 : memref<!tpu.dma_semaphore, #tpu.memory_space<semaphore_mem>>) src(%dma_wait3A_2055 : memref<8x128xf32, #tpu.memory_space<vmem>>) dst(%dma_wait3A_2052 : memref<8x128xf32, #tpu.memory_space<hbm>>)
        %dma_wait3A_2056 = arith.constant 0 : i32
        %dma_wait3A_2057 = arith.constant 0 : i32
        %dma_wait3A_2058 = arith.constant 0 : i32
        %dma_wait3A_2059 = arith.constant 0 : i32
        %dma_wait3A_2060 = arith.constant 0 : i32
        %dma_wait3A_2061 = tpu.memref_slice %arg13[%dma_wait3A_2059, %dma_wait3A_2060] : memref<32x129xf32, #tpu.memory_space<vmem>> -> memref<8x128xf32, #tpu.memory_space<vmem>>
        %dma_wait3A_2062 = arith.constant 0 : i32
        %dma_wait3A_2063 = arith.constant 0 : i32
        %dma_wait3A_2064 = tpu.memref_slice %arg4[%dma_wait3A_2056, %dma_wait3A_2057, %dma_wait3A_2058, %dma_wait3A_2062, %dma_wait3A_2063] : memref<50x4x128x8x128xf32, #tpu.memory_space<hbm>> -> memref<1x1x1x8x128xf32, #tpu.memory_space<hbm>>
        %dma_wait3A_2065 = tpu.memref_squeeze %dma_wait3A_2064 : memref<1x1x1x8x128xf32, #tpu.memory_space<hbm>> -> memref<8x128xf32, #tpu.memory_space<hbm>>
        %dma_wait3A_2066 = arith.constant 0 : i32
        %dma_wait3A_2067 = arith.constant 0 : i32
        %dma_wait3A_2068 = tpu.memref_slice %arg4[%dma_wait3A_2056, %dma_wait3A_2057, %dma_wait3A_2058, %dma_wait3A_2066, %dma_wait3A_2067] : memref<50x4x128x8x128xf32, #tpu.memory_space<hbm>> -> memref<1x1x1x8x128xf32, #tpu.memory_space<hbm>>
        %dma_wait3A_2069 = tpu.memref_squeeze %dma_wait3A_2068 : memref<1x1x1x8x128xf32, #tpu.memory_space<hbm>> -> memref<8x128xf32, #tpu.memory_space<hbm>>
        %dma_wait3A_2070 = arith.constant 0 : i32
        %dma_wait3A_2071 = arith.constant 0 : i32
        %dma_wait3A_2072 = tpu.memref_slice %arg13[%dma_wait3A_2070, %dma_wait3A_2071] : memref<32x129xf32, #tpu.memory_space<vmem>> -> memref<8x128xf32, #tpu.memory_space<vmem>>
        tpu.wait_dma2 semaphore(%arg21 : memref<!tpu.dma_semaphore, #tpu.memory_space<semaphore_mem>>) src(%dma_wait3A_2072 : memref<8x128xf32, #tpu.memory_space<vmem>>) dst(%dma_wait3A_2069 : memref<8x128xf32, #tpu.memory_space<hbm>>)
        %dma_wait3A_2073 = arith.constant 0 : i32
        %dma_wait3A_2074 = arith.constant 0 : i32
        %dma_wait3A_2075 = arith.constant 0 : i32
        %dma_wait3A_2076 = arith.constant 0 : i32
        %dma_wait3A_2077 = arith.constant 0 : i32
        %dma_wait3A_2078 = tpu.memref_slice %arg13[%dma_wait3A_2076, %dma_wait3A_2077] : memref<32x129xf32, #tpu.memory_space<vmem>> -> memref<8x128xf32, #tpu.memory_space<vmem>>
        %dma_wait3A_2079 = arith.constant 0 : i32
        %dma_wait3A_2080 = arith.constant 0 : i32
        %dma_wait3A_2081 = tpu.memref_slice %arg4[%dma_wait3A_2073, %dma_wait3A_2074, %dma_wait3A_2075, %dma_wait3A_2079, %dma_wait3A_2080] : memref<50x4x128x8x128xf32, #tpu.memory_space<hbm>> -> memref<1x1x1x8x128xf32, #tpu.memory_space<hbm>>
        %dma_wait3A_2082 = tpu.memref_squeeze %dma_wait3A_2081 : memref<1x1x1x8x128xf32, #tpu.memory_space<hbm>> -> memref<8x128xf32, #tpu.memory_space<hbm>>
        %dma_wait3A_2083 = arith.constant 0 : i32
        %dma_wait3A_2084 = arith.constant 0 : i32
        %dma_wait3A_2085 = tpu.memref_slice %arg4[%dma_wait3A_2073, %dma_wait3A_2074, %dma_wait3A_2075, %dma_wait3A_2083, %dma_wait3A_2084] : memref<50x4x128x8x128xf32, #tpu.memory_space<hbm>> -> memref<1x1x1x8x128xf32, #tpu.memory_space<hbm>>
        %dma_wait3A_2086 = tpu.memref_squeeze %dma_wait3A_2085 : memref<1x1x1x8x128xf32, #tpu.memory_space<hbm>> -> memref<8x128xf32, #tpu.memory_space<hbm>>
        %dma_wait3A_2087 = arith.constant 0 : i32
        %dma_wait3A_2088 = arith.constant 0 : i32
        %dma_wait3A_2089 = tpu.memref_slice %arg13[%dma_wait3A_2087, %dma_wait3A_2088] : memref<32x129xf32, #tpu.memory_space<vmem>> -> memref<8x128xf32, #tpu.memory_space<vmem>>
        tpu.wait_dma2 semaphore(%arg21 : memref<!tpu.dma_semaphore, #tpu.memory_space<semaphore_mem>>) src(%dma_wait3A_2089 : memref<8x128xf32, #tpu.memory_space<vmem>>) dst(%dma_wait3A_2086 : memref<8x128xf32, #tpu.memory_space<hbm>>)
        %dma_wait3A_2090 = arith.constant 0 : i32
        %dma_wait3A_2091 = arith.constant 0 : i32
        %dma_wait3A_2092 = arith.constant 0 : i32
        %dma_wait3A_2093 = arith.constant 0 : i32
        %dma_wait3A_2094 = arith.constant 0 : i32
        %dma_wait3A_2095 = tpu.memref_slice %arg13[%dma_wait3A_2093, %dma_wait3A_2094] : memref<32x129xf32, #tpu.memory_space<vmem>> -> memref<8x128xf32, #tpu.memory_space<vmem>>
        %dma_wait3A_2096 = arith.constant 0 : i32
        %dma_wait3A_2097 = arith.constant 0 : i32
        %dma_wait3A_2098 = tpu.memref_slice %arg4[%dma_wait3A_2090, %dma_wait3A_2091, %dma_wait3A_2092, %dma_wait3A_2096, %dma_wait3A_2097] : memref<50x4x128x8x128xf32, #tpu.memory_space<hbm>> -> memref<1x1x1x8x128xf32, #tpu.memory_space<hbm>>
        %dma_wait3A_2099 = tpu.memref_squeeze %dma_wait3A_2098 : memref<1x1x1x8x128xf32, #tpu.memory_space<hbm>> -> memref<8x128xf32, #tpu.memory_space<hbm>>
        %dma_wait3A_2100 = arith.constant 0 : i32
        %dma_wait3A_2101 = arith.constant 0 : i32
        %dma_wait3A_2102 = tpu.memref_slice %arg4[%dma_wait3A_2090, %dma_wait3A_2091, %dma_wait3A_2092, %dma_wait3A_2100, %dma_wait3A_2101] : memref<50x4x128x8x128xf32, #tpu.memory_space<hbm>> -> memref<1x1x1x8x128xf32, #tpu.memory_space<hbm>>
        %dma_wait3A_2103 = tpu.memref_squeeze %dma_wait3A_2102 : memref<1x1x1x8x128xf32, #tpu.memory_space<hbm>> -> memref<8x128xf32, #tpu.memory_space<hbm>>
        %dma_wait3A_2104 = arith.constant 0 : i32
        %dma_wait3A_2105 = arith.constant 0 : i32
        %dma_wait3A_2106 = tpu.memref_slice %arg13[%dma_wait3A_2104, %dma_wait3A_2105] : memref<32x129xf32, #tpu.memory_space<vmem>> -> memref<8x128xf32, #tpu.memory_space<vmem>>
        tpu.wait_dma2 semaphore(%arg21 : memref<!tpu.dma_semaphore, #tpu.memory_space<semaphore_mem>>) src(%dma_wait3A_2106 : memref<8x128xf32, #tpu.memory_space<vmem>>) dst(%dma_wait3A_2103 : memref<8x128xf32, #tpu.memory_space<hbm>>)
        %dma_wait3A_2107 = arith.constant 0 : i32
        %dma_wait3A_2108 = arith.constant 0 : i32
        %dma_wait3A_2109 = arith.constant 0 : i32
        %dma_wait3A_2110 = arith.constant 0 : i32
        %dma_wait3A_2111 = arith.constant 0 : i32
        %dma_wait3A_2112 = tpu.memref_slice %arg13[%dma_wait3A_2110, %dma_wait3A_2111] : memref<32x129xf32, #tpu.memory_space<vmem>> -> memref<8x128xf32, #tpu.memory_space<vmem>>
        %dma_wait3A_2113 = arith.constant 0 : i32
        %dma_wait3A_2114 = arith.constant 0 : i32
        %dma_wait3A_2115 = tpu.memref_slice %arg4[%dma_wait3A_2107, %dma_wait3A_2108, %dma_wait3A_2109, %dma_wait3A_2113, %dma_wait3A_2114] : memref<50x4x128x8x128xf32, #tpu.memory_space<hbm>> -> memref<1x1x1x8x128xf32, #tpu.memory_space<hbm>>
        %dma_wait3A_2116 = tpu.memref_squeeze %dma_wait3A_2115 : memref<1x1x1x8x128xf32, #tpu.memory_space<hbm>> -> memref<8x128xf32, #tpu.memory_space<hbm>>
        %dma_wait3A_2117 = arith.constant 0 : i32
        %dma_wait3A_2118 = arith.constant 0 : i32
        %dma_wait3A_2119 = tpu.memref_slice %arg4[%dma_wait3A_2107, %dma_wait3A_2108, %dma_wait3A_2109, %dma_wait3A_2117, %dma_wait3A_2118] : memref<50x4x128x8x128xf32, #tpu.memory_space<hbm>> -> memref<1x1x1x8x128xf32, #tpu.memory_space<hbm>>
        %dma_wait3A_2120 = tpu.memref_squeeze %dma_wait3A_2119 : memref<1x1x1x8x128xf32, #tpu.memory_space<hbm>> -> memref<8x128xf32, #tpu.memory_space<hbm>>
        %dma_wait3A_2121 = arith.constant 0 : i32
        %dma_wait3A_2122 = arith.constant 0 : i32
        %dma_wait3A_2123 = tpu.memref_slice %arg13[%dma_wait3A_2121, %dma_wait3A_2122] : memref<32x129xf32, #tpu.memory_space<vmem>> -> memref<8x128xf32, #tpu.memory_space<vmem>>
        tpu.wait_dma2 semaphore(%arg21 : memref<!tpu.dma_semaphore, #tpu.memory_space<semaphore_mem>>) src(%dma_wait3A_2123 : memref<8x128xf32, #tpu.memory_space<vmem>>) dst(%dma_wait3A_2120 : memref<8x128xf32, #tpu.memory_space<hbm>>)
        %dma_wait3A_2124 = arith.constant 0 : i32
        %dma_wait3A_2125 = arith.constant 0 : i32
        %dma_wait3A_2126 = arith.constant 0 : i32
        %dma_wait3A_2127 = arith.constant 0 : i32
        %dma_wait3A_2128 = arith.constant 0 : i32
        %dma_wait3A_2129 = tpu.memref_slice %arg13[%dma_wait3A_2127, %dma_wait3A_2128] : memref<32x129xf32, #tpu.memory_space<vmem>> -> memref<8x128xf32, #tpu.memory_space<vmem>>
        %dma_wait3A_2130 = arith.constant 0 : i32
        %dma_wait3A_2131 = arith.constant 0 : i32
        %dma_wait3A_2132 = tpu.memref_slice %arg4[%dma_wait3A_2124, %dma_wait3A_2125, %dma_wait3A_2126, %dma_wait3A_2130, %dma_wait3A_2131] : memref<50x4x128x8x128xf32, #tpu.memory_space<hbm>> -> memref<1x1x1x8x128xf32, #tpu.memory_space<hbm>>
        %dma_wait3A_2133 = tpu.memref_squeeze %dma_wait3A_2132 : memref<1x1x1x8x128xf32, #tpu.memory_space<hbm>> -> memref<8x128xf32, #tpu.memory_space<hbm>>
        %dma_wait3A_2134 = arith.constant 0 : i32
        %dma_wait3A_2135 = arith.constant 0 : i32
        %dma_wait3A_2136 = tpu.memref_slice %arg4[%dma_wait3A_2124, %dma_wait3A_2125, %dma_wait3A_2126, %dma_wait3A_2134, %dma_wait3A_2135] : memref<50x4x128x8x128xf32, #tpu.memory_space<hbm>> -> memref<1x1x1x8x128xf32, #tpu.memory_space<hbm>>
        %dma_wait3A_2137 = tpu.memref_squeeze %dma_wait3A_2136 : memref<1x1x1x8x128xf32, #tpu.memory_space<hbm>> -> memref<8x128xf32, #tpu.memory_space<hbm>>
        %dma_wait3A_2138 = arith.constant 0 : i32
        %dma_wait3A_2139 = arith.constant 0 : i32
        %dma_wait3A_2140 = tpu.memref_slice %arg13[%dma_wait3A_2138, %dma_wait3A_2139] : memref<32x129xf32, #tpu.memory_space<vmem>> -> memref<8x128xf32, #tpu.memory_space<vmem>>
        tpu.wait_dma2 semaphore(%arg21 : memref<!tpu.dma_semaphore, #tpu.memory_space<semaphore_mem>>) src(%dma_wait3A_2140 : memref<8x128xf32, #tpu.memory_space<vmem>>) dst(%dma_wait3A_2137 : memref<8x128xf32, #tpu.memory_space<hbm>>)
        %dma_wait3A_2141 = arith.constant 0 : i32
        %dma_wait3A_2142 = arith.constant 0 : i32
        %dma_wait3A_2143 = arith.constant 0 : i32
        %dma_wait3A_2144 = arith.constant 0 : i32
        %dma_wait3A_2145 = arith.constant 0 : i32
        %dma_wait3A_2146 = tpu.memref_slice %arg13[%dma_wait3A_2144, %dma_wait3A_2145] : memref<32x129xf32, #tpu.memory_space<vmem>> -> memref<8x128xf32, #tpu.memory_space<vmem>>
        %dma_wait3A_2147 = arith.constant 0 : i32
        %dma_wait3A_2148 = arith.constant 0 : i32
        %dma_wait3A_2149 = tpu.memref_slice %arg4[%dma_wait3A_2141, %dma_wait3A_2142, %dma_wait3A_2143, %dma_wait3A_2147, %dma_wait3A_2148] : memref<50x4x128x8x128xf32, #tpu.memory_space<hbm>> -> memref<1x1x1x8x128xf32, #tpu.memory_space<hbm>>
        %dma_wait3A_2150 = tpu.memref_squeeze %dma_wait3A_2149 : memref<1x1x1x8x128xf32, #tpu.memory_space<hbm>> -> memref<8x128xf32, #tpu.memory_space<hbm>>
        %dma_wait3A_2151 = arith.constant 0 : i32
        %dma_wait3A_2152 = arith.constant 0 : i32
        %dma_wait3A_2153 = tpu.memref_slice %arg4[%dma_wait3A_2141, %dma_wait3A_2142, %dma_wait3A_2143, %dma_wait3A_2151, %dma_wait3A_2152] : memref<50x4x128x8x128xf32, #tpu.memory_space<hbm>> -> memref<1x1x1x8x128xf32, #tpu.memory_space<hbm>>
        %dma_wait3A_2154 = tpu.memref_squeeze %dma_wait3A_2153 : memref<1x1x1x8x128xf32, #tpu.memory_space<hbm>> -> memref<8x128xf32, #tpu.memory_space<hbm>>
        %dma_wait3A_2155 = arith.constant 0 : i32
        %dma_wait3A_2156 = arith.constant 0 : i32
        %dma_wait3A_2157 = tpu.memref_slice %arg13[%dma_wait3A_2155, %dma_wait3A_2156] : memref<32x129xf32, #tpu.memory_space<vmem>> -> memref<8x128xf32, #tpu.memory_space<vmem>>
        tpu.wait_dma2 semaphore(%arg21 : memref<!tpu.dma_semaphore, #tpu.memory_space<semaphore_mem>>) src(%dma_wait3A_2157 : memref<8x128xf32, #tpu.memory_space<vmem>>) dst(%dma_wait3A_2154 : memref<8x128xf32, #tpu.memory_space<hbm>>)
        %dma_wait3A_2158 = arith.constant 0 : i32
        %dma_wait3A_2159 = arith.constant 0 : i32
        %dma_wait3A_2160 = arith.constant 0 : i32
        %dma_wait3A_2161 = arith.constant 0 : i32
        %dma_wait3A_2162 = arith.constant 0 : i32
        %dma_wait3A_2163 = tpu.memref_slice %arg13[%dma_wait3A_2161, %dma_wait3A_2162] : memref<32x129xf32, #tpu.memory_space<vmem>> -> memref<8x128xf32, #tpu.memory_space<vmem>>
        %dma_wait3A_2164 = arith.constant 0 : i32
        %dma_wait3A_2165 = arith.constant 0 : i32
        %dma_wait3A_2166 = tpu.memref_slice %arg4[%dma_wait3A_2158, %dma_wait3A_2159, %dma_wait3A_2160, %dma_wait3A_2164, %dma_wait3A_2165] : memref<50x4x128x8x128xf32, #tpu.memory_space<hbm>> -> memref<1x1x1x8x128xf32, #tpu.memory_space<hbm>>
        %dma_wait3A_2167 = tpu.memref_squeeze %dma_wait3A_2166 : memref<1x1x1x8x128xf32, #tpu.memory_space<hbm>> -> memref<8x128xf32, #tpu.memory_space<hbm>>
        %dma_wait3A_2168 = arith.constant 0 : i32
        %dma_wait3A_2169 = arith.constant 0 : i32
        %dma_wait3A_2170 = tpu.memref_slice %arg4[%dma_wait3A_2158, %dma_wait3A_2159, %dma_wait3A_2160, %dma_wait3A_2168, %dma_wait3A_2169] : memref<50x4x128x8x128xf32, #tpu.memory_space<hbm>> -> memref<1x1x1x8x128xf32, #tpu.memory_space<hbm>>
        %dma_wait3A_2171 = tpu.memref_squeeze %dma_wait3A_2170 : memref<1x1x1x8x128xf32, #tpu.memory_space<hbm>> -> memref<8x128xf32, #tpu.memory_space<hbm>>
        %dma_wait3A_2172 = arith.constant 0 : i32
        %dma_wait3A_2173 = arith.constant 0 : i32
        %dma_wait3A_2174 = tpu.memref_slice %arg13[%dma_wait3A_2172, %dma_wait3A_2173] : memref<32x129xf32, #tpu.memory_space<vmem>> -> memref<8x128xf32, #tpu.memory_space<vmem>>
        tpu.wait_dma2 semaphore(%arg21 : memref<!tpu.dma_semaphore, #tpu.memory_space<semaphore_mem>>) src(%dma_wait3A_2174 : memref<8x128xf32, #tpu.memory_space<vmem>>) dst(%dma_wait3A_2171 : memref<8x128xf32, #tpu.memory_space<hbm>>)
        %dma_wait3A_2175 = arith.constant 0 : i32
        %dma_wait3A_2176 = arith.constant 0 : i32
        %dma_wait3A_2177 = arith.constant 0 : i32
        %dma_wait3A_2178 = arith.constant 0 : i32
        %dma_wait3A_2179 = arith.constant 0 : i32
        %dma_wait3A_2180 = tpu.memref_slice %arg13[%dma_wait3A_2178, %dma_wait3A_2179] : memref<32x129xf32, #tpu.memory_space<vmem>> -> memref<8x128xf32, #tpu.memory_space<vmem>>
        %dma_wait3A_2181 = arith.constant 0 : i32
        %dma_wait3A_2182 = arith.constant 0 : i32
        %dma_wait3A_2183 = tpu.memref_slice %arg4[%dma_wait3A_2175, %dma_wait3A_2176, %dma_wait3A_2177, %dma_wait3A_2181, %dma_wait3A_2182] : memref<50x4x128x8x128xf32, #tpu.memory_space<hbm>> -> memref<1x1x1x8x128xf32, #tpu.memory_space<hbm>>
        %dma_wait3A_2184 = tpu.memref_squeeze %dma_wait3A_2183 : memref<1x1x1x8x128xf32, #tpu.memory_space<hbm>> -> memref<8x128xf32, #tpu.memory_space<hbm>>
        %dma_wait3A_2185 = arith.constant 0 : i32
        %dma_wait3A_2186 = arith.constant 0 : i32
        %dma_wait3A_2187 = tpu.memref_slice %arg4[%dma_wait3A_2175, %dma_wait3A_2176, %dma_wait3A_2177, %dma_wait3A_2185, %dma_wait3A_2186] : memref<50x4x128x8x128xf32, #tpu.memory_space<hbm>> -> memref<1x1x1x8x128xf32, #tpu.memory_space<hbm>>
        %dma_wait3A_2188 = tpu.memref_squeeze %dma_wait3A_2187 : memref<1x1x1x8x128xf32, #tpu.memory_space<hbm>> -> memref<8x128xf32, #tpu.memory_space<hbm>>
        %dma_wait3A_2189 = arith.constant 0 : i32
        %dma_wait3A_2190 = arith.constant 0 : i32
        %dma_wait3A_2191 = tpu.memref_slice %arg13[%dma_wait3A_2189, %dma_wait3A_2190] : memref<32x129xf32, #tpu.memory_space<vmem>> -> memref<8x128xf32, #tpu.memory_space<vmem>>
        tpu.wait_dma2 semaphore(%arg21 : memref<!tpu.dma_semaphore, #tpu.memory_space<semaphore_mem>>) src(%dma_wait3A_2191 : memref<8x128xf32, #tpu.memory_space<vmem>>) dst(%dma_wait3A_2188 : memref<8x128xf32, #tpu.memory_space<hbm>>)
      } else {
      }
      %parallel_loop3A_1317 = arith.constant 0 : i32
      %parallel_loop3A_1318 = arith.constant 128 : i32
      %parallel_loop3A_1319 = arith.constant 1 : i32
      scf.for %parallel_loop3A_1852 = %parallel_loop3A_1317 to %parallel_loop3A_1318 step %parallel_loop3A_1319  : i32 {
        %parallel_loop3A_1853 = arith.constant 0 : i32
        %parallel_loop3A_1854 = vector.broadcast %parallel_loop3A_1853 : i32 to vector<16xi32>
        %parallel_loop3A_1855 = vector.broadcast %parallel_loop3A_1852 : i32 to vector<16xi32>
        %parallel_loop3A_1856 = arith.addi %parallel_loop3A_1854, %parallel_loop3A_1855 : vector<16xi32>
        %parallel_loop3A_1857 = arith.constant 0 : i32
        %parallel_loop3A_1858 = arith.addi %parallel_loop3A_1857, %parallel_loop3A_1852 : i32
        %parallel_loop3A_1859 = arith.index_cast %parallel_loop3A_1858 : i32 to index
        %parallel_loop3A_1860 = arith.constant 0 : index
        %parallel_loop3A_1861 = tpu.vector_load %arg7[%parallel_loop3A_1859, %parallel_loop3A_1860] {strides = array<i32>} : memref<640x32xf32, #tpu.memory_space<vmem>>, vector<16xf32>,
        %parallel_loop3A_1862 = arith.constant 0 : i32
        %parallel_loop3A_1863 = arith.addi %parallel_loop3A_1862, %parallel_loop3A_1852 : i32
        %parallel_loop3A_1864 = arith.index_cast %parallel_loop3A_1863 : i32 to index
        %parallel_loop3A_1865 = arith.constant 16 : index
        %parallel_loop3A_1866 = tpu.vector_load %arg7[%parallel_loop3A_1864, %parallel_loop3A_1865] {strides = array<i32>} : memref<640x32xf32, #tpu.memory_space<vmem>>, vector<16xf32>,
        tpu.vector_store_idx %arg13[%iota3A, %parallel_loop3A_1856], %parallel_loop3A_1861 : memref<32x129xf32, #tpu.memory_space<vmem>>[vector<16xi32>, vector<16xi32>], vector<16xf32>,
        tpu.vector_store_idx %arg13[%add3A_5, %parallel_loop3A_1856], %parallel_loop3A_1866 : memref<32x129xf32, #tpu.memory_space<vmem>>[vector<16xi32>, vector<16xi32>], vector<16xf32>,
        %parallel_loop3A_1867 = arith.constant 128 : i32
        %parallel_loop3A_1868 = arith.addi %parallel_loop3A_1867, %parallel_loop3A_1852 : i32
        %parallel_loop3A_1869 = arith.index_cast %parallel_loop3A_1868 : i32 to index
        %parallel_loop3A_1870 = arith.constant 0 : index
        %parallel_loop3A_1871 = tpu.vector_load %arg7[%parallel_loop3A_1869, %parallel_loop3A_1870] {strides = array<i32>} : memref<640x32xf32, #tpu.memory_space<vmem>>, vector<16xf32>,
        %parallel_loop3A_1872 = arith.constant 128 : i32
        %parallel_loop3A_1873 = arith.addi %parallel_loop3A_1872, %parallel_loop3A_1852 : i32
        %parallel_loop3A_1874 = arith.index_cast %parallel_loop3A_1873 : i32 to index
        %parallel_loop3A_1875 = arith.constant 16 : index
        %parallel_loop3A_1876 = tpu.vector_load %arg7[%parallel_loop3A_1874, %parallel_loop3A_1875] {strides = array<i32>} : memref<640x32xf32, #tpu.memory_space<vmem>>, vector<16xf32>,
        tpu.vector_store_idx %arg14[%iota3A, %parallel_loop3A_1856], %parallel_loop3A_1871 : memref<32x129xf32, #tpu.memory_space<vmem>>[vector<16xi32>, vector<16xi32>], vector<16xf32>,
        tpu.vector_store_idx %arg14[%add3A_5, %parallel_loop3A_1856], %parallel_loop3A_1876 : memref<32x129xf32, #tpu.memory_space<vmem>>[vector<16xi32>, vector<16xi32>], vector<16xf32>,
        %parallel_loop3A_1877 = arith.constant 256 : i32
        %parallel_loop3A_1878 = arith.addi %parallel_loop3A_1877, %parallel_loop3A_1852 : i32
        %parallel_loop3A_1879 = arith.index_cast %parallel_loop3A_1878 : i32 to index
        %parallel_loop3A_1880 = arith.constant 0 : index
        %parallel_loop3A_1881 = tpu.vector_load %arg7[%parallel_loop3A_1879, %parallel_loop3A_1880] {strides = array<i32>} : memref<640x32xf32, #tpu.memory_space<vmem>>, vector<16xf32>,
        %parallel_loop3A_1882 = arith.constant 256 : i32
        %parallel_loop3A_1883 = arith.addi %parallel_loop3A_1882, %parallel_loop3A_1852 : i32
        %parallel_loop3A_1884 = arith.index_cast %parallel_loop3A_1883 : i32 to index
        %parallel_loop3A_1885 = arith.constant 16 : index
        %parallel_loop3A_1886 = tpu.vector_load %arg7[%parallel_loop3A_1884, %parallel_loop3A_1885] {strides = array<i32>} : memref<640x32xf32, #tpu.memory_space<vmem>>, vector<16xf32>,
        tpu.vector_store_idx %arg15[%iota3A, %parallel_loop3A_1856], %parallel_loop3A_1881 : memref<32x129xf32, #tpu.memory_space<vmem>>[vector<16xi32>, vector<16xi32>], vector<16xf32>,
        tpu.vector_store_idx %arg15[%add3A_5, %parallel_loop3A_1856], %parallel_loop3A_1886 : memref<32x129xf32, #tpu.memory_space<vmem>>[vector<16xi32>, vector<16xi32>], vector<16xf32>,
        %parallel_loop3A_1887 = arith.constant 384 : i32
        %parallel_loop3A_1888 = arith.addi %parallel_loop3A_1887, %parallel_loop3A_1852 : i32
        %parallel_loop3A_1889 = arith.index_cast %parallel_loop3A_1888 : i32 to index
        %parallel_loop3A_1890 = arith.constant 0 : index
        %parallel_loop3A_1891 = tpu.vector_load %arg7[%parallel_loop3A_1889, %parallel_loop3A_1890] {strides = array<i32>} : memref<640x32xf32, #tpu.memory_space<vmem>>, vector<16xf32>,
        %parallel_loop3A_1892 = arith.constant 384 : i32
        %parallel_loop3A_1893 = arith.addi %parallel_loop3A_1892, %parallel_loop3A_1852 : i32
        %parallel_loop3A_1894 = arith.index_cast %parallel_loop3A_1893 : i32 to index
        %parallel_loop3A_1895 = arith.constant 16 : index
        %parallel_loop3A_1896 = tpu.vector_load %arg7[%parallel_loop3A_1894, %parallel_loop3A_1895] {strides = array<i32>} : memref<640x32xf32, #tpu.memory_space<vmem>>, vector<16xf32>,
        tpu.vector_store_idx %arg16[%iota3A, %parallel_loop3A_1856], %parallel_loop3A_1891 : memref<32x129xf32, #tpu.memory_space<vmem>>[vector<16xi32>, vector<16xi32>], vector<16xf32>,
        tpu.vector_store_idx %arg16[%add3A_5, %parallel_loop3A_1856], %parallel_loop3A_1896 : memref<32x129xf32, #tpu.memory_space<vmem>>[vector<16xi32>, vector<16xi32>], vector<16xf32>,
        %parallel_loop3A_1897 = arith.constant 512 : i32
        %parallel_loop3A_1898 = arith.addi %parallel_loop3A_1897, %parallel_loop3A_1852 : i32
        %parallel_loop3A_1899 = arith.index_cast %parallel_loop3A_1898 : i32 to index
        %parallel_loop3A_1900 = arith.constant 0 : index
        %parallel_loop3A_1901 = tpu.vector_load %arg7[%parallel_loop3A_1899, %parallel_loop3A_1900] {strides = array<i32>} : memref<640x32xf32, #tpu.memory_space<vmem>>, vector<16xf32>,
        %parallel_loop3A_1902 = arith.constant 512 : i32
        %parallel_loop3A_1903 = arith.addi %parallel_loop3A_1902, %parallel_loop3A_1852 : i32
        %parallel_loop3A_1904 = arith.index_cast %parallel_loop3A_1903 : i32 to index
        %parallel_loop3A_1905 = arith.constant 16 : index
        %parallel_loop3A_1906 = tpu.vector_load %arg7[%parallel_loop3A_1904, %parallel_loop3A_1905] {strides = array<i32>} : memref<640x32xf32, #tpu.memory_space<vmem>>, vector<16xf32>,
        tpu.vector_store_idx %arg17[%iota3A, %parallel_loop3A_1856], %parallel_loop3A_1901 : memref<32x129xf32, #tpu.memory_space<vmem>>[vector<16xi32>, vector<16xi32>], vector<16xf32>,
        tpu.vector_store_idx %arg17[%add3A_5, %parallel_loop3A_1856], %parallel_loop3A_1906 : memref<32x129xf32, #tpu.memory_space<vmem>>[vector<16xi32>, vector<16xi32>], vector<16xf32>,
      } {sc.loop_unroll_factor = 8 : i64, sc.parallel_access}
      %lt3A_1320 = arith.constant 19 : i32
      %lt3A_1321 = arith.cmpi slt, %scan3A_771, %lt3A_1320 : i32
      %convert_element_type3A_1322 = arith.extui %lt3A_1321 : i1 to i32
      %cond3A_1323 = arith.constant 0 : i32
      %cond3A_1324 = arith.cmpi ne, %convert_element_type3A_1322, %cond3A_1323 : i32
      scf.if %cond3A_1324 {
        %add3A_1852 = arith.constant 1 : i32
        %add3A_1853 = arith.addi %mul3A_773, %add3A_1852 : i32
        %add3A_1854 = arith.constant 2 : i32
        %add3A_1855 = arith.addi %add3A_1853, %add3A_1854 : i32
        %mul3A_1856 = arith.constant 5 : i32
        %mul3A_1857 = arith.muli %add3A_1855, %mul3A_1856 : i32
        %add3A_1858 = arith.constant 0 : i32
        %add3A_1859 = arith.addi %mul3A_1857, %add3A_1858 : i32
        %mul3A_1860 = arith.constant 128 : i32
        %mul3A_1861 = arith.muli %add3A_1859, %mul3A_1860 : i32
        %dma_start3A_1862 = arith.constant 0 : i32
        %dma_start3A_1863 = arith.constant 0 : i32
        %dma_start3A_1864 = tpu.memref_slice %arg7[%dma_start3A_1862, %dma_start3A_1863] : memref<640x32xf32, #tpu.memory_space<vmem>> -> memref<128x32xf32, #tpu.memory_space<vmem>>
        %dma_start3A_1865 = tpu.memref_slice %arg5[%mul3A_1861] : memref<25600xi32, #tpu.memory_space<vmem>> -> memref<128xi32, #tpu.memory_space<vmem>>
        %dma_start3A_1866 = arith.constant 0 : i32
        %dma_start3A_1867 = arith.constant 0 : i32
        %dma_start3A_1868 = tpu.memref_slice %arg3[%dma_start3A_1866, %dma_start3A_1867] : memref<100000x32xf32, #tpu.memory_space<hbm>> -> memref<100000x32xf32, #tpu.memory_space<hbm>>
        tpu.enqueue_indirect_dma source(%dma_start3A_1868 : memref<100000x32xf32, #tpu.memory_space<hbm>>) target(%dma_start3A_1864 : memref<128x32xf32, #tpu.memory_space<vmem>>) offsets(%dma_start3A_1865 : memref<128xi32, #tpu.memory_space<vmem>>) semaphore(%arg19 : memref<!tpu.dma_semaphore, #tpu.memory_space<semaphore_mem>>)
        %mul3A_1869 = arith.constant 5 : i32
        %mul3A_1870 = arith.muli %add3A_1855, %mul3A_1869 : i32
        %add3A_1871 = arith.constant 1 : i32
        %add3A_1872 = arith.addi %mul3A_1870, %add3A_1871 : i32
        %mul3A_1873 = arith.constant 128 : i32
        %mul3A_1874 = arith.muli %add3A_1872, %mul3A_1873 : i32
        %dma_start3A_1875 = arith.constant 128 : i32
        %dma_start3A_1876 = arith.constant 0 : i32
        %dma_start3A_1877 = tpu.memref_slice %arg7[%dma_start3A_1875, %dma_start3A_1876] : memref<640x32xf32, #tpu.memory_space<vmem>> -> memref<128x32xf32, #tpu.memory_space<vmem>>
        %dma_start3A_1878 = tpu.memref_slice %arg5[%mul3A_1874] : memref<25600xi32, #tpu.memory_space<vmem>> -> memref<128xi32, #tpu.memory_space<vmem>>
        %dma_start3A_1879 = arith.constant 0 : i32
        %dma_start3A_1880 = arith.constant 0 : i32
        %dma_start3A_1881 = tpu.memref_slice %arg3[%dma_start3A_1879, %dma_start3A_1880] : memref<100000x32xf32, #tpu.memory_space<hbm>> -> memref<100000x32xf32, #tpu.memory_space<hbm>>
        tpu.enqueue_indirect_dma source(%dma_start3A_1881 : memref<100000x32xf32, #tpu.memory_space<hbm>>) target(%dma_start3A_1877 : memref<128x32xf32, #tpu.memory_space<vmem>>) offsets(%dma_start3A_1878 : memref<128xi32, #tpu.memory_space<vmem>>) semaphore(%arg19 : memref<!tpu.dma_semaphore, #tpu.memory_space<semaphore_mem>>)
        %mul3A_1882 = arith.constant 5 : i32
        %mul3A_1883 = arith.muli %add3A_1855, %mul3A_1882 : i32
        %add3A_1884 = arith.constant 2 : i32
        %add3A_1885 = arith.addi %mul3A_1883, %add3A_1884 : i32
        %mul3A_1886 = arith.constant 128 : i32
        %mul3A_1887 = arith.muli %add3A_1885, %mul3A_1886 : i32
        %dma_start3A_1888 = arith.constant 256 : i32
        %dma_start3A_1889 = arith.constant 0 : i32
        %dma_start3A_1890 = tpu.memref_slice %arg7[%dma_start3A_1888, %dma_start3A_1889] : memref<640x32xf32, #tpu.memory_space<vmem>> -> memref<128x32xf32, #tpu.memory_space<vmem>>
        %dma_start3A_1891 = tpu.memref_slice %arg5[%mul3A_1887] : memref<25600xi32, #tpu.memory_space<vmem>> -> memref<128xi32, #tpu.memory_space<vmem>>
        %dma_start3A_1892 = arith.constant 0 : i32
        %dma_start3A_1893 = arith.constant 0 : i32
        %dma_start3A_1894 = tpu.memref_slice %arg3[%dma_start3A_1892, %dma_start3A_1893] : memref<100000x32xf32, #tpu.memory_space<hbm>> -> memref<100000x32xf32, #tpu.memory_space<hbm>>
        tpu.enqueue_indirect_dma source(%dma_start3A_1894 : memref<100000x32xf32, #tpu.memory_space<hbm>>) target(%dma_start3A_1890 : memref<128x32xf32, #tpu.memory_space<vmem>>) offsets(%dma_start3A_1891 : memref<128xi32, #tpu.memory_space<vmem>>) semaphore(%arg19 : memref<!tpu.dma_semaphore, #tpu.memory_space<semaphore_mem>>)
        %mul3A_1895 = arith.constant 5 : i32
        %mul3A_1896 = arith.muli %add3A_1855, %mul3A_1895 : i32
        %add3A_1897 = arith.constant 3 : i32
        %add3A_1898 = arith.addi %mul3A_1896, %add3A_1897 : i32
        %mul3A_1899 = arith.constant 128 : i32
        %mul3A_1900 = arith.muli %add3A_1898, %mul3A_1899 : i32
        %dma_start3A_1901 = arith.constant 384 : i32
        %dma_start3A_1902 = arith.constant 0 : i32
        %dma_start3A_1903 = tpu.memref_slice %arg7[%dma_start3A_1901, %dma_start3A_1902] : memref<640x32xf32, #tpu.memory_space<vmem>> -> memref<128x32xf32, #tpu.memory_space<vmem>>
        %dma_start3A_1904 = tpu.memref_slice %arg5[%mul3A_1900] : memref<25600xi32, #tpu.memory_space<vmem>> -> memref<128xi32, #tpu.memory_space<vmem>>
        %dma_start3A_1905 = arith.constant 0 : i32
        %dma_start3A_1906 = arith.constant 0 : i32
        %dma_start3A_1907 = tpu.memref_slice %arg3[%dma_start3A_1905, %dma_start3A_1906] : memref<100000x32xf32, #tpu.memory_space<hbm>> -> memref<100000x32xf32, #tpu.memory_space<hbm>>
        tpu.enqueue_indirect_dma source(%dma_start3A_1907 : memref<100000x32xf32, #tpu.memory_space<hbm>>) target(%dma_start3A_1903 : memref<128x32xf32, #tpu.memory_space<vmem>>) offsets(%dma_start3A_1904 : memref<128xi32, #tpu.memory_space<vmem>>) semaphore(%arg19 : memref<!tpu.dma_semaphore, #tpu.memory_space<semaphore_mem>>)
        %mul3A_1908 = arith.constant 5 : i32
        %mul3A_1909 = arith.muli %add3A_1855, %mul3A_1908 : i32
        %add3A_1910 = arith.constant 4 : i32
        %add3A_1911 = arith.addi %mul3A_1909, %add3A_1910 : i32
        %mul3A_1912 = arith.constant 128 : i32
        %mul3A_1913 = arith.muli %add3A_1911, %mul3A_1912 : i32
        %dma_start3A_1914 = arith.constant 512 : i32
        %dma_start3A_1915 = arith.constant 0 : i32
        %dma_start3A_1916 = tpu.memref_slice %arg7[%dma_start3A_1914, %dma_start3A_1915] : memref<640x32xf32, #tpu.memory_space<vmem>> -> memref<128x32xf32, #tpu.memory_space<vmem>>
        %dma_start3A_1917 = tpu.memref_slice %arg5[%mul3A_1913] : memref<25600xi32, #tpu.memory_space<vmem>> -> memref<128xi32, #tpu.memory_space<vmem>>
        %dma_start3A_1918 = arith.constant 0 : i32
        %dma_start3A_1919 = arith.constant 0 : i32
        %dma_start3A_1920 = tpu.memref_slice %arg3[%dma_start3A_1918, %dma_start3A_1919] : memref<100000x32xf32, #tpu.memory_space<hbm>> -> memref<100000x32xf32, #tpu.memory_space<hbm>>
        tpu.enqueue_indirect_dma source(%dma_start3A_1920 : memref<100000x32xf32, #tpu.memory_space<hbm>>) target(%dma_start3A_1916 : memref<128x32xf32, #tpu.memory_space<vmem>>) offsets(%dma_start3A_1917 : memref<128xi32, #tpu.memory_space<vmem>>) semaphore(%arg19 : memref<!tpu.dma_semaphore, #tpu.memory_space<semaphore_mem>>)
      } else {
      }
      %add3A_1325 = arith.constant 1 : i32
      %add3A_1326 = arith.addi %mul3A_773, %add3A_1325 : i32
      %mul3A_1327 = arith.constant 5 : i32
      %mul3A_1328 = arith.muli %add3A_1326, %mul3A_1327 : i32
      %add3A_1329 = arith.addi %mul3A_2, %mul3A_1328 : i32
      %add3A_1330 = arith.constant 0 : i32
      %add3A_1331 = arith.addi %add3A_1329, %add3A_1330 : i32
      %jit3A_1332 = arith.constant 128 : i32
      %div3A_1333 = arith.divsi %add3A_1331, %jit3A_1332 : i32
      %sign3A_1334 = arith.constant 0 : i32
      %sign3A_1335 = arith.cmpi sgt, %add3A_1331, %sign3A_1334 : i32
      %sign3A_1336 = arith.extui %sign3A_1335 : i1 to i32
      %sign3A_1337 = arith.constant 0 : i32
      %sign3A_1338 = arith.cmpi slt, %add3A_1331, %sign3A_1337 : i32
      %sign3A_1339 = arith.extui %sign3A_1338 : i1 to i32
      %sign3A_1340 = arith.subi %sign3A_1336, %sign3A_1339 : i32
      %sign3A_1341 = arith.constant 0 : i32
      %sign3A_1342 = arith.cmpi sgt, %jit3A_1332, %sign3A_1341 : i32
      %sign3A_1343 = arith.extui %sign3A_1342 : i1 to i32
      %sign3A_1344 = arith.constant 0 : i32
      %sign3A_1345 = arith.cmpi slt, %jit3A_1332, %sign3A_1344 : i32
      %sign3A_1346 = arith.extui %sign3A_1345 : i1 to i32
      %sign3A_1347 = arith.subi %sign3A_1343, %sign3A_1346 : i32
      %ne3A_1348 = arith.cmpi ne, %sign3A_1340, %sign3A_1347 : i32
      %rem3A_1349 = arith.remsi %add3A_1331, %jit3A_1332 : i32
      %ne3A_1350 = arith.constant 0 : i32
      %ne3A_1351 = arith.cmpi ne, %rem3A_1349, %ne3A_1350 : i32
      %and3A_1352 = arith.andi %ne3A_1348, %ne3A_1351 : i1
      %sub3A_1353 = arith.constant 1 : i32
      %sub3A_1354 = arith.subi %div3A_1333, %sub3A_1353 : i32
      %select_n3A_1355 = arith.select %and3A_1352, %sub3A_1354, %div3A_1333 : i32
      %jit3A_1356 = arith.constant 128 : i32
      %eq3A_1357 = arith.constant 0 : i32
      %eq3A_1358 = arith.cmpi eq, %jit3A_1356, %eq3A_1357 : i32
      %jit3A_1359 = arith.constant 1 : i32
      %select_n3A_1360 = arith.select %eq3A_1358, %jit3A_1359, %jit3A_1356 : i32
      %rem3A_1361 = arith.remsi %add3A_1331, %select_n3A_1360 : i32
      %ne3A_1362 = arith.constant 0 : i32
      %ne3A_1363 = arith.cmpi ne, %rem3A_1361, %ne3A_1362 : i32
      %lt3A_1364 = arith.constant 0 : i32
      %lt3A_1365 = arith.cmpi slt, %rem3A_1361, %lt3A_1364 : i32
      %lt3A_1366 = arith.constant 0 : i32
      %lt3A_1367 = arith.cmpi slt, %select_n3A_1360, %lt3A_1366 : i32
      %ne3A_1368 = arith.xori %lt3A_1365, %lt3A_1367 : i1
      %and3A_1369 = arith.andi %ne3A_1368, %ne3A_1363 : i1
      %add3A_1370 = arith.addi %rem3A_1361, %select_n3A_1360 : i32
      %select_n3A_1371 = arith.select %and3A_1369, %add3A_1370, %rem3A_1361 : i32
      %dma_start3A_1372 = arith.constant 0 : i32
      %dma_start3A_1373 = arith.constant 0 : i32
      %dma_start3A_1374 = arith.constant 0 : i32
      %dma_start3A_1375 = tpu.memref_slice %arg13[%dma_start3A_1373, %dma_start3A_1374] : memref<32x129xf32, #tpu.memory_space<vmem>> -> memref<8x128xf32, #tpu.memory_space<vmem>>
      %dma_start3A_1376 = arith.constant 0 : i32
      %dma_start3A_1377 = arith.constant 0 : i32
      %dma_start3A_1378 = tpu.memref_slice %arg4[%select_n3A_1355, %dma_start3A_1372, %select_n3A_1371, %dma_start3A_1376, %dma_start3A_1377] : memref<50x4x128x8x128xf32, #tpu.memory_space<hbm>> -> memref<1x1x1x8x128xf32, #tpu.memory_space<hbm>>
      %dma_start3A_1379 = tpu.memref_squeeze %dma_start3A_1378 : memref<1x1x1x8x128xf32, #tpu.memory_space<hbm>> -> memref<8x128xf32, #tpu.memory_space<hbm>>
      %dma_start3A_1380 = arith.constant 0 : i32
      %dma_start3A_1381 = arith.constant 0 : i32
      %dma_start3A_1382 = tpu.memref_slice %arg4[%select_n3A_1355, %dma_start3A_1372, %select_n3A_1371, %dma_start3A_1380, %dma_start3A_1381] : memref<50x4x128x8x128xf32, #tpu.memory_space<hbm>> -> memref<1x1x1x8x128xf32, #tpu.memory_space<hbm>>
      %dma_start3A_1383 = tpu.memref_squeeze %dma_start3A_1382 : memref<1x1x1x8x128xf32, #tpu.memory_space<hbm>> -> memref<8x128xf32, #tpu.memory_space<hbm>>
      %dma_start3A_1384 = arith.constant 0 : i32
      %dma_start3A_1385 = arith.constant 0 : i32
      %dma_start3A_1386 = tpu.memref_slice %arg13[%dma_start3A_1384, %dma_start3A_1385] : memref<32x129xf32, #tpu.memory_space<vmem>> -> memref<8x128xf32, #tpu.memory_space<vmem>>
      tpu.enqueue_dma source(%dma_start3A_1386 : memref<8x128xf32, #tpu.memory_space<vmem>>) target(%dma_start3A_1383 : memref<8x128xf32, #tpu.memory_space<hbm>>) target_semaphore(%arg21 : memref<!tpu.dma_semaphore, #tpu.memory_space<semaphore_mem>>)
      %dma_start3A_1387 = arith.constant 1 : i32
      %dma_start3A_1388 = arith.constant 8 : i32
      %dma_start3A_1389 = arith.constant 0 : i32
      %dma_start3A_1390 = tpu.memref_slice %arg13[%dma_start3A_1388, %dma_start3A_1389] : memref<32x129xf32, #tpu.memory_space<vmem>> -> memref<8x128xf32, #tpu.memory_space<vmem>>
      %dma_start3A_1391 = arith.constant 0 : i32
      %dma_start3A_1392 = arith.constant 0 : i32
      %dma_start3A_1393 = tpu.memref_slice %arg4[%select_n3A_1355, %dma_start3A_1387, %select_n3A_1371, %dma_start3A_1391, %dma_start3A_1392] : memref<50x4x128x8x128xf32, #tpu.memory_space<hbm>> -> memref<1x1x1x8x128xf32, #tpu.memory_space<hbm>>
      %dma_start3A_1394 = tpu.memref_squeeze %dma_start3A_1393 : memref<1x1x1x8x128xf32, #tpu.memory_space<hbm>> -> memref<8x128xf32, #tpu.memory_space<hbm>>
      %dma_start3A_1395 = arith.constant 0 : i32
      %dma_start3A_1396 = arith.constant 0 : i32
      %dma_start3A_1397 = tpu.memref_slice %arg4[%select_n3A_1355, %dma_start3A_1387, %select_n3A_1371, %dma_start3A_1395, %dma_start3A_1396] : memref<50x4x128x8x128xf32, #tpu.memory_space<hbm>> -> memref<1x1x1x8x128xf32, #tpu.memory_space<hbm>>
      %dma_start3A_1398 = tpu.memref_squeeze %dma_start3A_1397 : memref<1x1x1x8x128xf32, #tpu.memory_space<hbm>> -> memref<8x128xf32, #tpu.memory_space<hbm>>
      %dma_start3A_1399 = arith.constant 8 : i32
      %dma_start3A_1400 = arith.constant 0 : i32
      %dma_start3A_1401 = tpu.memref_slice %arg13[%dma_start3A_1399, %dma_start3A_1400] : memref<32x129xf32, #tpu.memory_space<vmem>> -> memref<8x128xf32, #tpu.memory_space<vmem>>
      tpu.enqueue_dma source(%dma_start3A_1401 : memref<8x128xf32, #tpu.memory_space<vmem>>) target(%dma_start3A_1398 : memref<8x128xf32, #tpu.memory_space<hbm>>) target_semaphore(%arg21 : memref<!tpu.dma_semaphore, #tpu.memory_space<semaphore_mem>>)
      %dma_start3A_1402 = arith.constant 2 : i32
      %dma_start3A_1403 = arith.constant 16 : i32
      %dma_start3A_1404 = arith.constant 0 : i32
      %dma_start3A_1405 = tpu.memref_slice %arg13[%dma_start3A_1403, %dma_start3A_1404] : memref<32x129xf32, #tpu.memory_space<vmem>> -> memref<8x128xf32, #tpu.memory_space<vmem>>
      %dma_start3A_1406 = arith.constant 0 : i32
      %dma_start3A_1407 = arith.constant 0 : i32
      %dma_start3A_1408 = tpu.memref_slice %arg4[%select_n3A_1355, %dma_start3A_1402, %select_n3A_1371, %dma_start3A_1406, %dma_start3A_1407] : memref<50x4x128x8x128xf32, #tpu.memory_space<hbm>> -> memref<1x1x1x8x128xf32, #tpu.memory_space<hbm>>
      %dma_start3A_1409 = tpu.memref_squeeze %dma_start3A_1408 : memref<1x1x1x8x128xf32, #tpu.memory_space<hbm>> -> memref<8x128xf32, #tpu.memory_space<hbm>>
      %dma_start3A_1410 = arith.constant 0 : i32
      %dma_start3A_1411 = arith.constant 0 : i32
      %dma_start3A_1412 = tpu.memref_slice %arg4[%select_n3A_1355, %dma_start3A_1402, %select_n3A_1371, %dma_start3A_1410, %dma_start3A_1411] : memref<50x4x128x8x128xf32, #tpu.memory_space<hbm>> -> memref<1x1x1x8x128xf32, #tpu.memory_space<hbm>>
      %dma_start3A_1413 = tpu.memref_squeeze %dma_start3A_1412 : memref<1x1x1x8x128xf32, #tpu.memory_space<hbm>> -> memref<8x128xf32, #tpu.memory_space<hbm>>
      %dma_start3A_1414 = arith.constant 16 : i32
      %dma_start3A_1415 = arith.constant 0 : i32
      %dma_start3A_1416 = tpu.memref_slice %arg13[%dma_start3A_1414, %dma_start3A_1415] : memref<32x129xf32, #tpu.memory_space<vmem>> -> memref<8x128xf32, #tpu.memory_space<vmem>>
      tpu.enqueue_dma source(%dma_start3A_1416 : memref<8x128xf32, #tpu.memory_space<vmem>>) target(%dma_start3A_1413 : memref<8x128xf32, #tpu.memory_space<hbm>>) target_semaphore(%arg21 : memref<!tpu.dma_semaphore, #tpu.memory_space<semaphore_mem>>)
      %dma_start3A_1417 = arith.constant 3 : i32
      %dma_start3A_1418 = arith.constant 24 : i32
      %dma_start3A_1419 = arith.constant 0 : i32
      %dma_start3A_1420 = tpu.memref_slice %arg13[%dma_start3A_1418, %dma_start3A_1419] : memref<32x129xf32, #tpu.memory_space<vmem>> -> memref<8x128xf32, #tpu.memory_space<vmem>>
      %dma_start3A_1421 = arith.constant 0 : i32
      %dma_start3A_1422 = arith.constant 0 : i32
      %dma_start3A_1423 = tpu.memref_slice %arg4[%select_n3A_1355, %dma_start3A_1417, %select_n3A_1371, %dma_start3A_1421, %dma_start3A_1422] : memref<50x4x128x8x128xf32, #tpu.memory_space<hbm>> -> memref<1x1x1x8x128xf32, #tpu.memory_space<hbm>>
      %dma_start3A_1424 = tpu.memref_squeeze %dma_start3A_1423 : memref<1x1x1x8x128xf32, #tpu.memory_space<hbm>> -> memref<8x128xf32, #tpu.memory_space<hbm>>
      %dma_start3A_1425 = arith.constant 0 : i32
      %dma_start3A_1426 = arith.constant 0 : i32
      %dma_start3A_1427 = tpu.memref_slice %arg4[%select_n3A_1355, %dma_start3A_1417, %select_n3A_1371, %dma_start3A_1425, %dma_start3A_1426] : memref<50x4x128x8x128xf32, #tpu.memory_space<hbm>> -> memref<1x1x1x8x128xf32, #tpu.memory_space<hbm>>
      %dma_start3A_1428 = tpu.memref_squeeze %dma_start3A_1427 : memref<1x1x1x8x128xf32, #tpu.memory_space<hbm>> -> memref<8x128xf32, #tpu.memory_space<hbm>>
      %dma_start3A_1429 = arith.constant 24 : i32
      %dma_start3A_1430 = arith.constant 0 : i32
      %dma_start3A_1431 = tpu.memref_slice %arg13[%dma_start3A_1429, %dma_start3A_1430] : memref<32x129xf32, #tpu.memory_space<vmem>> -> memref<8x128xf32, #tpu.memory_space<vmem>>
      tpu.enqueue_dma source(%dma_start3A_1431 : memref<8x128xf32, #tpu.memory_space<vmem>>) target(%dma_start3A_1428 : memref<8x128xf32, #tpu.memory_space<hbm>>) target_semaphore(%arg21 : memref<!tpu.dma_semaphore, #tpu.memory_space<semaphore_mem>>)
      %mul3A_1432 = arith.constant 5 : i32
      %mul3A_1433 = arith.muli %add3A_1326, %mul3A_1432 : i32
      %add3A_1434 = arith.addi %mul3A_2, %mul3A_1433 : i32
      %add3A_1435 = arith.constant 1 : i32
      %add3A_1436 = arith.addi %add3A_1434, %add3A_1435 : i32
      %jit3A_1437 = arith.constant 128 : i32
      %div3A_1438 = arith.divsi %add3A_1436, %jit3A_1437 : i32
      %sign3A_1439 = arith.constant 0 : i32
      %sign3A_1440 = arith.cmpi sgt, %add3A_1436, %sign3A_1439 : i32
      %sign3A_1441 = arith.extui %sign3A_1440 : i1 to i32
      %sign3A_1442 = arith.constant 0 : i32
      %sign3A_1443 = arith.cmpi slt, %add3A_1436, %sign3A_1442 : i32
      %sign3A_1444 = arith.extui %sign3A_1443 : i1 to i32
      %sign3A_1445 = arith.subi %sign3A_1441, %sign3A_1444 : i32
      %sign3A_1446 = arith.constant 0 : i32
      %sign3A_1447 = arith.cmpi sgt, %jit3A_1437, %sign3A_1446 : i32
      %sign3A_1448 = arith.extui %sign3A_1447 : i1 to i32
      %sign3A_1449 = arith.constant 0 : i32
      %sign3A_1450 = arith.cmpi slt, %jit3A_1437, %sign3A_1449 : i32
      %sign3A_1451 = arith.extui %sign3A_1450 : i1 to i32
      %sign3A_1452 = arith.subi %sign3A_1448, %sign3A_1451 : i32
      %ne3A_1453 = arith.cmpi ne, %sign3A_1445, %sign3A_1452 : i32
      %rem3A_1454 = arith.remsi %add3A_1436, %jit3A_1437 : i32
      %ne3A_1455 = arith.constant 0 : i32
      %ne3A_1456 = arith.cmpi ne, %rem3A_1454, %ne3A_1455 : i32
      %and3A_1457 = arith.andi %ne3A_1453, %ne3A_1456 : i1
      %sub3A_1458 = arith.constant 1 : i32
      %sub3A_1459 = arith.subi %div3A_1438, %sub3A_1458 : i32
      %select_n3A_1460 = arith.select %and3A_1457, %sub3A_1459, %div3A_1438 : i32
      %jit3A_1461 = arith.constant 128 : i32
      %eq3A_1462 = arith.constant 0 : i32
      %eq3A_1463 = arith.cmpi eq, %jit3A_1461, %eq3A_1462 : i32
      %jit3A_1464 = arith.constant 1 : i32
      %select_n3A_1465 = arith.select %eq3A_1463, %jit3A_1464, %jit3A_1461 : i32
      %rem3A_1466 = arith.remsi %add3A_1436, %select_n3A_1465 : i32
      %ne3A_1467 = arith.constant 0 : i32
      %ne3A_1468 = arith.cmpi ne, %rem3A_1466, %ne3A_1467 : i32
      %lt3A_1469 = arith.constant 0 : i32
      %lt3A_1470 = arith.cmpi slt, %rem3A_1466, %lt3A_1469 : i32
      %lt3A_1471 = arith.constant 0 : i32
      %lt3A_1472 = arith.cmpi slt, %select_n3A_1465, %lt3A_1471 : i32
      %ne3A_1473 = arith.xori %lt3A_1470, %lt3A_1472 : i1
      %and3A_1474 = arith.andi %ne3A_1473, %ne3A_1468 : i1
      %add3A_1475 = arith.addi %rem3A_1466, %select_n3A_1465 : i32
      %select_n3A_1476 = arith.select %and3A_1474, %add3A_1475, %rem3A_1466 : i32
      %dma_start3A_1477 = arith.constant 0 : i32
      %dma_start3A_1478 = arith.constant 0 : i32
      %dma_start3A_1479 = arith.constant 0 : i32
      %dma_start3A_1480 = tpu.memref_slice %arg14[%dma_start3A_1478, %dma_start3A_1479] : memref<32x129xf32, #tpu.memory_space<vmem>> -> memref<8x128xf32, #tpu.memory_space<vmem>>
      %dma_start3A_1481 = arith.constant 0 : i32
      %dma_start3A_1482 = arith.constant 0 : i32
      %dma_start3A_1483 = tpu.memref_slice %arg4[%select_n3A_1460, %dma_start3A_1477, %select_n3A_1476, %dma_start3A_1481, %dma_start3A_1482] : memref<50x4x128x8x128xf32, #tpu.memory_space<hbm>> -> memref<1x1x1x8x128xf32, #tpu.memory_space<hbm>>
      %dma_start3A_1484 = tpu.memref_squeeze %dma_start3A_1483 : memref<1x1x1x8x128xf32, #tpu.memory_space<hbm>> -> memref<8x128xf32, #tpu.memory_space<hbm>>
      %dma_start3A_1485 = arith.constant 0 : i32
      %dma_start3A_1486 = arith.constant 0 : i32
      %dma_start3A_1487 = tpu.memref_slice %arg4[%select_n3A_1460, %dma_start3A_1477, %select_n3A_1476, %dma_start3A_1485, %dma_start3A_1486] : memref<50x4x128x8x128xf32, #tpu.memory_space<hbm>> -> memref<1x1x1x8x128xf32, #tpu.memory_space<hbm>>
      %dma_start3A_1488 = tpu.memref_squeeze %dma_start3A_1487 : memref<1x1x1x8x128xf32, #tpu.memory_space<hbm>> -> memref<8x128xf32, #tpu.memory_space<hbm>>
      %dma_start3A_1489 = arith.constant 0 : i32
      %dma_start3A_1490 = arith.constant 0 : i32
      %dma_start3A_1491 = tpu.memref_slice %arg14[%dma_start3A_1489, %dma_start3A_1490] : memref<32x129xf32, #tpu.memory_space<vmem>> -> memref<8x128xf32, #tpu.memory_space<vmem>>
      tpu.enqueue_dma source(%dma_start3A_1491 : memref<8x128xf32, #tpu.memory_space<vmem>>) target(%dma_start3A_1488 : memref<8x128xf32, #tpu.memory_space<hbm>>) target_semaphore(%arg21 : memref<!tpu.dma_semaphore, #tpu.memory_space<semaphore_mem>>)
      %dma_start3A_1492 = arith.constant 1 : i32
      %dma_start3A_1493 = arith.constant 8 : i32
      %dma_start3A_1494 = arith.constant 0 : i32
      %dma_start3A_1495 = tpu.memref_slice %arg14[%dma_start3A_1493, %dma_start3A_1494] : memref<32x129xf32, #tpu.memory_space<vmem>> -> memref<8x128xf32, #tpu.memory_space<vmem>>
      %dma_start3A_1496 = arith.constant 0 : i32
      %dma_start3A_1497 = arith.constant 0 : i32
      %dma_start3A_1498 = tpu.memref_slice %arg4[%select_n3A_1460, %dma_start3A_1492, %select_n3A_1476, %dma_start3A_1496, %dma_start3A_1497] : memref<50x4x128x8x128xf32, #tpu.memory_space<hbm>> -> memref<1x1x1x8x128xf32, #tpu.memory_space<hbm>>
      %dma_start3A_1499 = tpu.memref_squeeze %dma_start3A_1498 : memref<1x1x1x8x128xf32, #tpu.memory_space<hbm>> -> memref<8x128xf32, #tpu.memory_space<hbm>>
      %dma_start3A_1500 = arith.constant 0 : i32
      %dma_start3A_1501 = arith.constant 0 : i32
      %dma_start3A_1502 = tpu.memref_slice %arg4[%select_n3A_1460, %dma_start3A_1492, %select_n3A_1476, %dma_start3A_1500, %dma_start3A_1501] : memref<50x4x128x8x128xf32, #tpu.memory_space<hbm>> -> memref<1x1x1x8x128xf32, #tpu.memory_space<hbm>>
      %dma_start3A_1503 = tpu.memref_squeeze %dma_start3A_1502 : memref<1x1x1x8x128xf32, #tpu.memory_space<hbm>> -> memref<8x128xf32, #tpu.memory_space<hbm>>
      %dma_start3A_1504 = arith.constant 8 : i32
      %dma_start3A_1505 = arith.constant 0 : i32
      %dma_start3A_1506 = tpu.memref_slice %arg14[%dma_start3A_1504, %dma_start3A_1505] : memref<32x129xf32, #tpu.memory_space<vmem>> -> memref<8x128xf32, #tpu.memory_space<vmem>>
      tpu.enqueue_dma source(%dma_start3A_1506 : memref<8x128xf32, #tpu.memory_space<vmem>>) target(%dma_start3A_1503 : memref<8x128xf32, #tpu.memory_space<hbm>>) target_semaphore(%arg21 : memref<!tpu.dma_semaphore, #tpu.memory_space<semaphore_mem>>)
      %dma_start3A_1507 = arith.constant 2 : i32
      %dma_start3A_1508 = arith.constant 16 : i32
      %dma_start3A_1509 = arith.constant 0 : i32
      %dma_start3A_1510 = tpu.memref_slice %arg14[%dma_start3A_1508, %dma_start3A_1509] : memref<32x129xf32, #tpu.memory_space<vmem>> -> memref<8x128xf32, #tpu.memory_space<vmem>>
      %dma_start3A_1511 = arith.constant 0 : i32
      %dma_start3A_1512 = arith.constant 0 : i32
      %dma_start3A_1513 = tpu.memref_slice %arg4[%select_n3A_1460, %dma_start3A_1507, %select_n3A_1476, %dma_start3A_1511, %dma_start3A_1512] : memref<50x4x128x8x128xf32, #tpu.memory_space<hbm>> -> memref<1x1x1x8x128xf32, #tpu.memory_space<hbm>>
      %dma_start3A_1514 = tpu.memref_squeeze %dma_start3A_1513 : memref<1x1x1x8x128xf32, #tpu.memory_space<hbm>> -> memref<8x128xf32, #tpu.memory_space<hbm>>
      %dma_start3A_1515 = arith.constant 0 : i32
      %dma_start3A_1516 = arith.constant 0 : i32
      %dma_start3A_1517 = tpu.memref_slice %arg4[%select_n3A_1460, %dma_start3A_1507, %select_n3A_1476, %dma_start3A_1515, %dma_start3A_1516] : memref<50x4x128x8x128xf32, #tpu.memory_space<hbm>> -> memref<1x1x1x8x128xf32, #tpu.memory_space<hbm>>
      %dma_start3A_1518 = tpu.memref_squeeze %dma_start3A_1517 : memref<1x1x1x8x128xf32, #tpu.memory_space<hbm>> -> memref<8x128xf32, #tpu.memory_space<hbm>>
      %dma_start3A_1519 = arith.constant 16 : i32
      %dma_start3A_1520 = arith.constant 0 : i32
      %dma_start3A_1521 = tpu.memref_slice %arg14[%dma_start3A_1519, %dma_start3A_1520] : memref<32x129xf32, #tpu.memory_space<vmem>> -> memref<8x128xf32, #tpu.memory_space<vmem>>
      tpu.enqueue_dma source(%dma_start3A_1521 : memref<8x128xf32, #tpu.memory_space<vmem>>) target(%dma_start3A_1518 : memref<8x128xf32, #tpu.memory_space<hbm>>) target_semaphore(%arg21 : memref<!tpu.dma_semaphore, #tpu.memory_space<semaphore_mem>>)
      %dma_start3A_1522 = arith.constant 3 : i32
      %dma_start3A_1523 = arith.constant 24 : i32
      %dma_start3A_1524 = arith.constant 0 : i32
      %dma_start3A_1525 = tpu.memref_slice %arg14[%dma_start3A_1523, %dma_start3A_1524] : memref<32x129xf32, #tpu.memory_space<vmem>> -> memref<8x128xf32, #tpu.memory_space<vmem>>
      %dma_start3A_1526 = arith.constant 0 : i32
      %dma_start3A_1527 = arith.constant 0 : i32
      %dma_start3A_1528 = tpu.memref_slice %arg4[%select_n3A_1460, %dma_start3A_1522, %select_n3A_1476, %dma_start3A_1526, %dma_start3A_1527] : memref<50x4x128x8x128xf32, #tpu.memory_space<hbm>> -> memref<1x1x1x8x128xf32, #tpu.memory_space<hbm>>
      %dma_start3A_1529 = tpu.memref_squeeze %dma_start3A_1528 : memref<1x1x1x8x128xf32, #tpu.memory_space<hbm>> -> memref<8x128xf32, #tpu.memory_space<hbm>>
      %dma_start3A_1530 = arith.constant 0 : i32
      %dma_start3A_1531 = arith.constant 0 : i32
      %dma_start3A_1532 = tpu.memref_slice %arg4[%select_n3A_1460, %dma_start3A_1522, %select_n3A_1476, %dma_start3A_1530, %dma_start3A_1531] : memref<50x4x128x8x128xf32, #tpu.memory_space<hbm>> -> memref<1x1x1x8x128xf32, #tpu.memory_space<hbm>>
      %dma_start3A_1533 = tpu.memref_squeeze %dma_start3A_1532 : memref<1x1x1x8x128xf32, #tpu.memory_space<hbm>> -> memref<8x128xf32, #tpu.memory_space<hbm>>
      %dma_start3A_1534 = arith.constant 24 : i32
      %dma_start3A_1535 = arith.constant 0 : i32
      %dma_start3A_1536 = tpu.memref_slice %arg14[%dma_start3A_1534, %dma_start3A_1535] : memref<32x129xf32, #tpu.memory_space<vmem>> -> memref<8x128xf32, #tpu.memory_space<vmem>>
      tpu.enqueue_dma source(%dma_start3A_1536 : memref<8x128xf32, #tpu.memory_space<vmem>>) target(%dma_start3A_1533 : memref<8x128xf32, #tpu.memory_space<hbm>>) target_semaphore(%arg21 : memref<!tpu.dma_semaphore, #tpu.memory_space<semaphore_mem>>)
      %mul3A_1537 = arith.constant 5 : i32
      %mul3A_1538 = arith.muli %add3A_1326, %mul3A_1537 : i32
      %add3A_1539 = arith.addi %mul3A_2, %mul3A_1538 : i32
      %add3A_1540 = arith.constant 2 : i32
      %add3A_1541 = arith.addi %add3A_1539, %add3A_1540 : i32
      %jit3A_1542 = arith.constant 128 : i32
      %div3A_1543 = arith.divsi %add3A_1541, %jit3A_1542 : i32
      %sign3A_1544 = arith.constant 0 : i32
      %sign3A_1545 = arith.cmpi sgt, %add3A_1541, %sign3A_1544 : i32
      %sign3A_1546 = arith.extui %sign3A_1545 : i1 to i32
      %sign3A_1547 = arith.constant 0 : i32
      %sign3A_1548 = arith.cmpi slt, %add3A_1541, %sign3A_1547 : i32
      %sign3A_1549 = arith.extui %sign3A_1548 : i1 to i32
      %sign3A_1550 = arith.subi %sign3A_1546, %sign3A_1549 : i32
      %sign3A_1551 = arith.constant 0 : i32
      %sign3A_1552 = arith.cmpi sgt, %jit3A_1542, %sign3A_1551 : i32
      %sign3A_1553 = arith.extui %sign3A_1552 : i1 to i32
      %sign3A_1554 = arith.constant 0 : i32
      %sign3A_1555 = arith.cmpi slt, %jit3A_1542, %sign3A_1554 : i32
      %sign3A_1556 = arith.extui %sign3A_1555 : i1 to i32
      %sign3A_1557 = arith.subi %sign3A_1553, %sign3A_1556 : i32
      %ne3A_1558 = arith.cmpi ne, %sign3A_1550, %sign3A_1557 : i32
      %rem3A_1559 = arith.remsi %add3A_1541, %jit3A_1542 : i32
      %ne3A_1560 = arith.constant 0 : i32
      %ne3A_1561 = arith.cmpi ne, %rem3A_1559, %ne3A_1560 : i32
      %and3A_1562 = arith.andi %ne3A_1558, %ne3A_1561 : i1
      %sub3A_1563 = arith.constant 1 : i32
      %sub3A_1564 = arith.subi %div3A_1543, %sub3A_1563 : i32
      %select_n3A_1565 = arith.select %and3A_1562, %sub3A_1564, %div3A_1543 : i32
      %jit3A_1566 = arith.constant 128 : i32
      %eq3A_1567 = arith.constant 0 : i32
      %eq3A_1568 = arith.cmpi eq, %jit3A_1566, %eq3A_1567 : i32
      %jit3A_1569 = arith.constant 1 : i32
      %select_n3A_1570 = arith.select %eq3A_1568, %jit3A_1569, %jit3A_1566 : i32
      %rem3A_1571 = arith.remsi %add3A_1541, %select_n3A_1570 : i32
      %ne3A_1572 = arith.constant 0 : i32
      %ne3A_1573 = arith.cmpi ne, %rem3A_1571, %ne3A_1572 : i32
      %lt3A_1574 = arith.constant 0 : i32
      %lt3A_1575 = arith.cmpi slt, %rem3A_1571, %lt3A_1574 : i32
      %lt3A_1576 = arith.constant 0 : i32
      %lt3A_1577 = arith.cmpi slt, %select_n3A_1570, %lt3A_1576 : i32
      %ne3A_1578 = arith.xori %lt3A_1575, %lt3A_1577 : i1
      %and3A_1579 = arith.andi %ne3A_1578, %ne3A_1573 : i1
      %add3A_1580 = arith.addi %rem3A_1571, %select_n3A_1570 : i32
      %select_n3A_1581 = arith.select %and3A_1579, %add3A_1580, %rem3A_1571 : i32
      %dma_start3A_1582 = arith.constant 0 : i32
      %dma_start3A_1583 = arith.constant 0 : i32
      %dma_start3A_1584 = arith.constant 0 : i32
      %dma_start3A_1585 = tpu.memref_slice %arg15[%dma_start3A_1583, %dma_start3A_1584] : memref<32x129xf32, #tpu.memory_space<vmem>> -> memref<8x128xf32, #tpu.memory_space<vmem>>
      %dma_start3A_1586 = arith.constant 0 : i32
      %dma_start3A_1587 = arith.constant 0 : i32
      %dma_start3A_1588 = tpu.memref_slice %arg4[%select_n3A_1565, %dma_start3A_1582, %select_n3A_1581, %dma_start3A_1586, %dma_start3A_1587] : memref<50x4x128x8x128xf32, #tpu.memory_space<hbm>> -> memref<1x1x1x8x128xf32, #tpu.memory_space<hbm>>
      %dma_start3A_1589 = tpu.memref_squeeze %dma_start3A_1588 : memref<1x1x1x8x128xf32, #tpu.memory_space<hbm>> -> memref<8x128xf32, #tpu.memory_space<hbm>>
      %dma_start3A_1590 = arith.constant 0 : i32
      %dma_start3A_1591 = arith.constant 0 : i32
      %dma_start3A_1592 = tpu.memref_slice %arg4[%select_n3A_1565, %dma_start3A_1582, %select_n3A_1581, %dma_start3A_1590, %dma_start3A_1591] : memref<50x4x128x8x128xf32, #tpu.memory_space<hbm>> -> memref<1x1x1x8x128xf32, #tpu.memory_space<hbm>>
      %dma_start3A_1593 = tpu.memref_squeeze %dma_start3A_1592 : memref<1x1x1x8x128xf32, #tpu.memory_space<hbm>> -> memref<8x128xf32, #tpu.memory_space<hbm>>
      %dma_start3A_1594 = arith.constant 0 : i32
      %dma_start3A_1595 = arith.constant 0 : i32
      %dma_start3A_1596 = tpu.memref_slice %arg15[%dma_start3A_1594, %dma_start3A_1595] : memref<32x129xf32, #tpu.memory_space<vmem>> -> memref<8x128xf32, #tpu.memory_space<vmem>>
      tpu.enqueue_dma source(%dma_start3A_1596 : memref<8x128xf32, #tpu.memory_space<vmem>>) target(%dma_start3A_1593 : memref<8x128xf32, #tpu.memory_space<hbm>>) target_semaphore(%arg21 : memref<!tpu.dma_semaphore, #tpu.memory_space<semaphore_mem>>)
      %dma_start3A_1597 = arith.constant 1 : i32
      %dma_start3A_1598 = arith.constant 8 : i32
      %dma_start3A_1599 = arith.constant 0 : i32
      %dma_start3A_1600 = tpu.memref_slice %arg15[%dma_start3A_1598, %dma_start3A_1599] : memref<32x129xf32, #tpu.memory_space<vmem>> -> memref<8x128xf32, #tpu.memory_space<vmem>>
      %dma_start3A_1601 = arith.constant 0 : i32
      %dma_start3A_1602 = arith.constant 0 : i32
      %dma_start3A_1603 = tpu.memref_slice %arg4[%select_n3A_1565, %dma_start3A_1597, %select_n3A_1581, %dma_start3A_1601, %dma_start3A_1602] : memref<50x4x128x8x128xf32, #tpu.memory_space<hbm>> -> memref<1x1x1x8x128xf32, #tpu.memory_space<hbm>>
      %dma_start3A_1604 = tpu.memref_squeeze %dma_start3A_1603 : memref<1x1x1x8x128xf32, #tpu.memory_space<hbm>> -> memref<8x128xf32, #tpu.memory_space<hbm>>
      %dma_start3A_1605 = arith.constant 0 : i32
      %dma_start3A_1606 = arith.constant 0 : i32
      %dma_start3A_1607 = tpu.memref_slice %arg4[%select_n3A_1565, %dma_start3A_1597, %select_n3A_1581, %dma_start3A_1605, %dma_start3A_1606] : memref<50x4x128x8x128xf32, #tpu.memory_space<hbm>> -> memref<1x1x1x8x128xf32, #tpu.memory_space<hbm>>
      %dma_start3A_1608 = tpu.memref_squeeze %dma_start3A_1607 : memref<1x1x1x8x128xf32, #tpu.memory_space<hbm>> -> memref<8x128xf32, #tpu.memory_space<hbm>>
      %dma_start3A_1609 = arith.constant 8 : i32
      %dma_start3A_1610 = arith.constant 0 : i32
      %dma_start3A_1611 = tpu.memref_slice %arg15[%dma_start3A_1609, %dma_start3A_1610] : memref<32x129xf32, #tpu.memory_space<vmem>> -> memref<8x128xf32, #tpu.memory_space<vmem>>
      tpu.enqueue_dma source(%dma_start3A_1611 : memref<8x128xf32, #tpu.memory_space<vmem>>) target(%dma_start3A_1608 : memref<8x128xf32, #tpu.memory_space<hbm>>) target_semaphore(%arg21 : memref<!tpu.dma_semaphore, #tpu.memory_space<semaphore_mem>>)
      %dma_start3A_1612 = arith.constant 2 : i32
      %dma_start3A_1613 = arith.constant 16 : i32
      %dma_start3A_1614 = arith.constant 0 : i32
      %dma_start3A_1615 = tpu.memref_slice %arg15[%dma_start3A_1613, %dma_start3A_1614] : memref<32x129xf32, #tpu.memory_space<vmem>> -> memref<8x128xf32, #tpu.memory_space<vmem>>
      %dma_start3A_1616 = arith.constant 0 : i32
      %dma_start3A_1617 = arith.constant 0 : i32
      %dma_start3A_1618 = tpu.memref_slice %arg4[%select_n3A_1565, %dma_start3A_1612, %select_n3A_1581, %dma_start3A_1616, %dma_start3A_1617] : memref<50x4x128x8x128xf32, #tpu.memory_space<hbm>> -> memref<1x1x1x8x128xf32, #tpu.memory_space<hbm>>
      %dma_start3A_1619 = tpu.memref_squeeze %dma_start3A_1618 : memref<1x1x1x8x128xf32, #tpu.memory_space<hbm>> -> memref<8x128xf32, #tpu.memory_space<hbm>>
      %dma_start3A_1620 = arith.constant 0 : i32
      %dma_start3A_1621 = arith.constant 0 : i32
      %dma_start3A_1622 = tpu.memref_slice %arg4[%select_n3A_1565, %dma_start3A_1612, %select_n3A_1581, %dma_start3A_1620, %dma_start3A_1621] : memref<50x4x128x8x128xf32, #tpu.memory_space<hbm>> -> memref<1x1x1x8x128xf32, #tpu.memory_space<hbm>>
      %dma_start3A_1623 = tpu.memref_squeeze %dma_start3A_1622 : memref<1x1x1x8x128xf32, #tpu.memory_space<hbm>> -> memref<8x128xf32, #tpu.memory_space<hbm>>
      %dma_start3A_1624 = arith.constant 16 : i32
      %dma_start3A_1625 = arith.constant 0 : i32
      %dma_start3A_1626 = tpu.memref_slice %arg15[%dma_start3A_1624, %dma_start3A_1625] : memref<32x129xf32, #tpu.memory_space<vmem>> -> memref<8x128xf32, #tpu.memory_space<vmem>>
      tpu.enqueue_dma source(%dma_start3A_1626 : memref<8x128xf32, #tpu.memory_space<vmem>>) target(%dma_start3A_1623 : memref<8x128xf32, #tpu.memory_space<hbm>>) target_semaphore(%arg21 : memref<!tpu.dma_semaphore, #tpu.memory_space<semaphore_mem>>)
      %dma_start3A_1627 = arith.constant 3 : i32
      %dma_start3A_1628 = arith.constant 24 : i32
      %dma_start3A_1629 = arith.constant 0 : i32
      %dma_start3A_1630 = tpu.memref_slice %arg15[%dma_start3A_1628, %dma_start3A_1629] : memref<32x129xf32, #tpu.memory_space<vmem>> -> memref<8x128xf32, #tpu.memory_space<vmem>>
      %dma_start3A_1631 = arith.constant 0 : i32
      %dma_start3A_1632 = arith.constant 0 : i32
      %dma_start3A_1633 = tpu.memref_slice %arg4[%select_n3A_1565, %dma_start3A_1627, %select_n3A_1581, %dma_start3A_1631, %dma_start3A_1632] : memref<50x4x128x8x128xf32, #tpu.memory_space<hbm>> -> memref<1x1x1x8x128xf32, #tpu.memory_space<hbm>>
      %dma_start3A_1634 = tpu.memref_squeeze %dma_start3A_1633 : memref<1x1x1x8x128xf32, #tpu.memory_space<hbm>> -> memref<8x128xf32, #tpu.memory_space<hbm>>
      %dma_start3A_1635 = arith.constant 0 : i32
      %dma_start3A_1636 = arith.constant 0 : i32
      %dma_start3A_1637 = tpu.memref_slice %arg4[%select_n3A_1565, %dma_start3A_1627, %select_n3A_1581, %dma_start3A_1635, %dma_start3A_1636] : memref<50x4x128x8x128xf32, #tpu.memory_space<hbm>> -> memref<1x1x1x8x128xf32, #tpu.memory_space<hbm>>
      %dma_start3A_1638 = tpu.memref_squeeze %dma_start3A_1637 : memref<1x1x1x8x128xf32, #tpu.memory_space<hbm>> -> memref<8x128xf32, #tpu.memory_space<hbm>>
      %dma_start3A_1639 = arith.constant 24 : i32
      %dma_start3A_1640 = arith.constant 0 : i32
      %dma_start3A_1641 = tpu.memref_slice %arg15[%dma_start3A_1639, %dma_start3A_1640] : memref<32x129xf32, #tpu.memory_space<vmem>> -> memref<8x128xf32, #tpu.memory_space<vmem>>
      tpu.enqueue_dma source(%dma_start3A_1641 : memref<8x128xf32, #tpu.memory_space<vmem>>) target(%dma_start3A_1638 : memref<8x128xf32, #tpu.memory_space<hbm>>) target_semaphore(%arg21 : memref<!tpu.dma_semaphore, #tpu.memory_space<semaphore_mem>>)
      %mul3A_1642 = arith.constant 5 : i32
      %mul3A_1643 = arith.muli %add3A_1326, %mul3A_1642 : i32
      %add3A_1644 = arith.addi %mul3A_2, %mul3A_1643 : i32
      %add3A_1645 = arith.constant 3 : i32
      %add3A_1646 = arith.addi %add3A_1644, %add3A_1645 : i32
      %jit3A_1647 = arith.constant 128 : i32
      %div3A_1648 = arith.divsi %add3A_1646, %jit3A_1647 : i32
      %sign3A_1649 = arith.constant 0 : i32
      %sign3A_1650 = arith.cmpi sgt, %add3A_1646, %sign3A_1649 : i32
      %sign3A_1651 = arith.extui %sign3A_1650 : i1 to i32
      %sign3A_1652 = arith.constant 0 : i32
      %sign3A_1653 = arith.cmpi slt, %add3A_1646, %sign3A_1652 : i32
      %sign3A_1654 = arith.extui %sign3A_1653 : i1 to i32
      %sign3A_1655 = arith.subi %sign3A_1651, %sign3A_1654 : i32
      %sign3A_1656 = arith.constant 0 : i32
      %sign3A_1657 = arith.cmpi sgt, %jit3A_1647, %sign3A_1656 : i32
      %sign3A_1658 = arith.extui %sign3A_1657 : i1 to i32
      %sign3A_1659 = arith.constant 0 : i32
      %sign3A_1660 = arith.cmpi slt, %jit3A_1647, %sign3A_1659 : i32
      %sign3A_1661 = arith.extui %sign3A_1660 : i1 to i32
      %sign3A_1662 = arith.subi %sign3A_1658, %sign3A_1661 : i32
      %ne3A_1663 = arith.cmpi ne, %sign3A_1655, %sign3A_1662 : i32
      %rem3A_1664 = arith.remsi %add3A_1646, %jit3A_1647 : i32
      %ne3A_1665 = arith.constant 0 : i32
      %ne3A_1666 = arith.cmpi ne, %rem3A_1664, %ne3A_1665 : i32
      %and3A_1667 = arith.andi %ne3A_1663, %ne3A_1666 : i1
      %sub3A_1668 = arith.constant 1 : i32
      %sub3A_1669 = arith.subi %div3A_1648, %sub3A_1668 : i32
      %select_n3A_1670 = arith.select %and3A_1667, %sub3A_1669, %div3A_1648 : i32
      %jit3A_1671 = arith.constant 128 : i32
      %eq3A_1672 = arith.constant 0 : i32
      %eq3A_1673 = arith.cmpi eq, %jit3A_1671, %eq3A_1672 : i32
      %jit3A_1674 = arith.constant 1 : i32
      %select_n3A_1675 = arith.select %eq3A_1673, %jit3A_1674, %jit3A_1671 : i32
      %rem3A_1676 = arith.remsi %add3A_1646, %select_n3A_1675 : i32
      %ne3A_1677 = arith.constant 0 : i32
      %ne3A_1678 = arith.cmpi ne, %rem3A_1676, %ne3A_1677 : i32
      %lt3A_1679 = arith.constant 0 : i32
      %lt3A_1680 = arith.cmpi slt, %rem3A_1676, %lt3A_1679 : i32
      %lt3A_1681 = arith.constant 0 : i32
      %lt3A_1682 = arith.cmpi slt, %select_n3A_1675, %lt3A_1681 : i32
      %ne3A_1683 = arith.xori %lt3A_1680, %lt3A_1682 : i1
      %and3A_1684 = arith.andi %ne3A_1683, %ne3A_1678 : i1
      %add3A_1685 = arith.addi %rem3A_1676, %select_n3A_1675 : i32
      %select_n3A_1686 = arith.select %and3A_1684, %add3A_1685, %rem3A_1676 : i32
      %dma_start3A_1687 = arith.constant 0 : i32
      %dma_start3A_1688 = arith.constant 0 : i32
      %dma_start3A_1689 = arith.constant 0 : i32
      %dma_start3A_1690 = tpu.memref_slice %arg16[%dma_start3A_1688, %dma_start3A_1689] : memref<32x129xf32, #tpu.memory_space<vmem>> -> memref<8x128xf32, #tpu.memory_space<vmem>>
      %dma_start3A_1691 = arith.constant 0 : i32
      %dma_start3A_1692 = arith.constant 0 : i32
      %dma_start3A_1693 = tpu.memref_slice %arg4[%select_n3A_1670, %dma_start3A_1687, %select_n3A_1686, %dma_start3A_1691, %dma_start3A_1692] : memref<50x4x128x8x128xf32, #tpu.memory_space<hbm>> -> memref<1x1x1x8x128xf32, #tpu.memory_space<hbm>>
      %dma_start3A_1694 = tpu.memref_squeeze %dma_start3A_1693 : memref<1x1x1x8x128xf32, #tpu.memory_space<hbm>> -> memref<8x128xf32, #tpu.memory_space<hbm>>
      %dma_start3A_1695 = arith.constant 0 : i32
      %dma_start3A_1696 = arith.constant 0 : i32
      %dma_start3A_1697 = tpu.memref_slice %arg4[%select_n3A_1670, %dma_start3A_1687, %select_n3A_1686, %dma_start3A_1695, %dma_start3A_1696] : memref<50x4x128x8x128xf32, #tpu.memory_space<hbm>> -> memref<1x1x1x8x128xf32, #tpu.memory_space<hbm>>
      %dma_start3A_1698 = tpu.memref_squeeze %dma_start3A_1697 : memref<1x1x1x8x128xf32, #tpu.memory_space<hbm>> -> memref<8x128xf32, #tpu.memory_space<hbm>>
      %dma_start3A_1699 = arith.constant 0 : i32
      %dma_start3A_1700 = arith.constant 0 : i32
      %dma_start3A_1701 = tpu.memref_slice %arg16[%dma_start3A_1699, %dma_start3A_1700] : memref<32x129xf32, #tpu.memory_space<vmem>> -> memref<8x128xf32, #tpu.memory_space<vmem>>
      tpu.enqueue_dma source(%dma_start3A_1701 : memref<8x128xf32, #tpu.memory_space<vmem>>) target(%dma_start3A_1698 : memref<8x128xf32, #tpu.memory_space<hbm>>) target_semaphore(%arg21 : memref<!tpu.dma_semaphore, #tpu.memory_space<semaphore_mem>>)
      %dma_start3A_1702 = arith.constant 1 : i32
      %dma_start3A_1703 = arith.constant 8 : i32
      %dma_start3A_1704 = arith.constant 0 : i32
      %dma_start3A_1705 = tpu.memref_slice %arg16[%dma_start3A_1703, %dma_start3A_1704] : memref<32x129xf32, #tpu.memory_space<vmem>> -> memref<8x128xf32, #tpu.memory_space<vmem>>
      %dma_start3A_1706 = arith.constant 0 : i32
      %dma_start3A_1707 = arith.constant 0 : i32
      %dma_start3A_1708 = tpu.memref_slice %arg4[%select_n3A_1670, %dma_start3A_1702, %select_n3A_1686, %dma_start3A_1706, %dma_start3A_1707] : memref<50x4x128x8x128xf32, #tpu.memory_space<hbm>> -> memref<1x1x1x8x128xf32, #tpu.memory_space<hbm>>
      %dma_start3A_1709 = tpu.memref_squeeze %dma_start3A_1708 : memref<1x1x1x8x128xf32, #tpu.memory_space<hbm>> -> memref<8x128xf32, #tpu.memory_space<hbm>>
      %dma_start3A_1710 = arith.constant 0 : i32
      %dma_start3A_1711 = arith.constant 0 : i32
      %dma_start3A_1712 = tpu.memref_slice %arg4[%select_n3A_1670, %dma_start3A_1702, %select_n3A_1686, %dma_start3A_1710, %dma_start3A_1711] : memref<50x4x128x8x128xf32, #tpu.memory_space<hbm>> -> memref<1x1x1x8x128xf32, #tpu.memory_space<hbm>>
      %dma_start3A_1713 = tpu.memref_squeeze %dma_start3A_1712 : memref<1x1x1x8x128xf32, #tpu.memory_space<hbm>> -> memref<8x128xf32, #tpu.memory_space<hbm>>
      %dma_start3A_1714 = arith.constant 8 : i32
      %dma_start3A_1715 = arith.constant 0 : i32
      %dma_start3A_1716 = tpu.memref_slice %arg16[%dma_start3A_1714, %dma_start3A_1715] : memref<32x129xf32, #tpu.memory_space<vmem>> -> memref<8x128xf32, #tpu.memory_space<vmem>>
      tpu.enqueue_dma source(%dma_start3A_1716 : memref<8x128xf32, #tpu.memory_space<vmem>>) target(%dma_start3A_1713 : memref<8x128xf32, #tpu.memory_space<hbm>>) target_semaphore(%arg21 : memref<!tpu.dma_semaphore, #tpu.memory_space<semaphore_mem>>)
      %dma_start3A_1717 = arith.constant 2 : i32
      %dma_start3A_1718 = arith.constant 16 : i32
      %dma_start3A_1719 = arith.constant 0 : i32
      %dma_start3A_1720 = tpu.memref_slice %arg16[%dma_start3A_1718, %dma_start3A_1719] : memref<32x129xf32, #tpu.memory_space<vmem>> -> memref<8x128xf32, #tpu.memory_space<vmem>>
      %dma_start3A_1721 = arith.constant 0 : i32
      %dma_start3A_1722 = arith.constant 0 : i32
      %dma_start3A_1723 = tpu.memref_slice %arg4[%select_n3A_1670, %dma_start3A_1717, %select_n3A_1686, %dma_start3A_1721, %dma_start3A_1722] : memref<50x4x128x8x128xf32, #tpu.memory_space<hbm>> -> memref<1x1x1x8x128xf32, #tpu.memory_space<hbm>>
      %dma_start3A_1724 = tpu.memref_squeeze %dma_start3A_1723 : memref<1x1x1x8x128xf32, #tpu.memory_space<hbm>> -> memref<8x128xf32, #tpu.memory_space<hbm>>
      %dma_start3A_1725 = arith.constant 0 : i32
      %dma_start3A_1726 = arith.constant 0 : i32
      %dma_start3A_1727 = tpu.memref_slice %arg4[%select_n3A_1670, %dma_start3A_1717, %select_n3A_1686, %dma_start3A_1725, %dma_start3A_1726] : memref<50x4x128x8x128xf32, #tpu.memory_space<hbm>> -> memref<1x1x1x8x128xf32, #tpu.memory_space<hbm>>
      %dma_start3A_1728 = tpu.memref_squeeze %dma_start3A_1727 : memref<1x1x1x8x128xf32, #tpu.memory_space<hbm>> -> memref<8x128xf32, #tpu.memory_space<hbm>>
      %dma_start3A_1729 = arith.constant 16 : i32
      %dma_start3A_1730 = arith.constant 0 : i32
      %dma_start3A_1731 = tpu.memref_slice %arg16[%dma_start3A_1729, %dma_start3A_1730] : memref<32x129xf32, #tpu.memory_space<vmem>> -> memref<8x128xf32, #tpu.memory_space<vmem>>
      tpu.enqueue_dma source(%dma_start3A_1731 : memref<8x128xf32, #tpu.memory_space<vmem>>) target(%dma_start3A_1728 : memref<8x128xf32, #tpu.memory_space<hbm>>) target_semaphore(%arg21 : memref<!tpu.dma_semaphore, #tpu.memory_space<semaphore_mem>>)
      %dma_start3A_1732 = arith.constant 3 : i32
      %dma_start3A_1733 = arith.constant 24 : i32
      %dma_start3A_1734 = arith.constant 0 : i32
      %dma_start3A_1735 = tpu.memref_slice %arg16[%dma_start3A_1733, %dma_start3A_1734] : memref<32x129xf32, #tpu.memory_space<vmem>> -> memref<8x128xf32, #tpu.memory_space<vmem>>
      %dma_start3A_1736 = arith.constant 0 : i32
      %dma_start3A_1737 = arith.constant 0 : i32
      %dma_start3A_1738 = tpu.memref_slice %arg4[%select_n3A_1670, %dma_start3A_1732, %select_n3A_1686, %dma_start3A_1736, %dma_start3A_1737] : memref<50x4x128x8x128xf32, #tpu.memory_space<hbm>> -> memref<1x1x1x8x128xf32, #tpu.memory_space<hbm>>
      %dma_start3A_1739 = tpu.memref_squeeze %dma_start3A_1738 : memref<1x1x1x8x128xf32, #tpu.memory_space<hbm>> -> memref<8x128xf32, #tpu.memory_space<hbm>>
      %dma_start3A_1740 = arith.constant 0 : i32
      %dma_start3A_1741 = arith.constant 0 : i32
      %dma_start3A_1742 = tpu.memref_slice %arg4[%select_n3A_1670, %dma_start3A_1732, %select_n3A_1686, %dma_start3A_1740, %dma_start3A_1741] : memref<50x4x128x8x128xf32, #tpu.memory_space<hbm>> -> memref<1x1x1x8x128xf32, #tpu.memory_space<hbm>>
      %dma_start3A_1743 = tpu.memref_squeeze %dma_start3A_1742 : memref<1x1x1x8x128xf32, #tpu.memory_space<hbm>> -> memref<8x128xf32, #tpu.memory_space<hbm>>
      %dma_start3A_1744 = arith.constant 24 : i32
      %dma_start3A_1745 = arith.constant 0 : i32
      %dma_start3A_1746 = tpu.memref_slice %arg16[%dma_start3A_1744, %dma_start3A_1745] : memref<32x129xf32, #tpu.memory_space<vmem>> -> memref<8x128xf32, #tpu.memory_space<vmem>>
      tpu.enqueue_dma source(%dma_start3A_1746 : memref<8x128xf32, #tpu.memory_space<vmem>>) target(%dma_start3A_1743 : memref<8x128xf32, #tpu.memory_space<hbm>>) target_semaphore(%arg21 : memref<!tpu.dma_semaphore, #tpu.memory_space<semaphore_mem>>)
      %mul3A_1747 = arith.constant 5 : i32
      %mul3A_1748 = arith.muli %add3A_1326, %mul3A_1747 : i32
      %add3A_1749 = arith.addi %mul3A_2, %mul3A_1748 : i32
      %add3A_1750 = arith.constant 4 : i32
      %add3A_1751 = arith.addi %add3A_1749, %add3A_1750 : i32
      %jit3A_1752 = arith.constant 128 : i32
      %div3A_1753 = arith.divsi %add3A_1751, %jit3A_1752 : i32
      %sign3A_1754 = arith.constant 0 : i32
      %sign3A_1755 = arith.cmpi sgt, %add3A_1751, %sign3A_1754 : i32
      %sign3A_1756 = arith.extui %sign3A_1755 : i1 to i32
      %sign3A_1757 = arith.constant 0 : i32
      %sign3A_1758 = arith.cmpi slt, %add3A_1751, %sign3A_1757 : i32
      %sign3A_1759 = arith.extui %sign3A_1758 : i1 to i32
      %sign3A_1760 = arith.subi %sign3A_1756, %sign3A_1759 : i32
      %sign3A_1761 = arith.constant 0 : i32
      %sign3A_1762 = arith.cmpi sgt, %jit3A_1752, %sign3A_1761 : i32
      %sign3A_1763 = arith.extui %sign3A_1762 : i1 to i32
      %sign3A_1764 = arith.constant 0 : i32
      %sign3A_1765 = arith.cmpi slt, %jit3A_1752, %sign3A_1764 : i32
      %sign3A_1766 = arith.extui %sign3A_1765 : i1 to i32
      %sign3A_1767 = arith.subi %sign3A_1763, %sign3A_1766 : i32
      %ne3A_1768 = arith.cmpi ne, %sign3A_1760, %sign3A_1767 : i32
      %rem3A_1769 = arith.remsi %add3A_1751, %jit3A_1752 : i32
      %ne3A_1770 = arith.constant 0 : i32
      %ne3A_1771 = arith.cmpi ne, %rem3A_1769, %ne3A_1770 : i32
      %and3A_1772 = arith.andi %ne3A_1768, %ne3A_1771 : i1
      %sub3A_1773 = arith.constant 1 : i32
      %sub3A_1774 = arith.subi %div3A_1753, %sub3A_1773 : i32
      %select_n3A_1775 = arith.select %and3A_1772, %sub3A_1774, %div3A_1753 : i32
      %jit3A_1776 = arith.constant 128 : i32
      %eq3A_1777 = arith.constant 0 : i32
      %eq3A_1778 = arith.cmpi eq, %jit3A_1776, %eq3A_1777 : i32
      %jit3A_1779 = arith.constant 1 : i32
      %select_n3A_1780 = arith.select %eq3A_1778, %jit3A_1779, %jit3A_1776 : i32
      %rem3A_1781 = arith.remsi %add3A_1751, %select_n3A_1780 : i32
      %ne3A_1782 = arith.constant 0 : i32
      %ne3A_1783 = arith.cmpi ne, %rem3A_1781, %ne3A_1782 : i32
      %lt3A_1784 = arith.constant 0 : i32
      %lt3A_1785 = arith.cmpi slt, %rem3A_1781, %lt3A_1784 : i32
      %lt3A_1786 = arith.constant 0 : i32
      %lt3A_1787 = arith.cmpi slt, %select_n3A_1780, %lt3A_1786 : i32
      %ne3A_1788 = arith.xori %lt3A_1785, %lt3A_1787 : i1
      %and3A_1789 = arith.andi %ne3A_1788, %ne3A_1783 : i1
      %add3A_1790 = arith.addi %rem3A_1781, %select_n3A_1780 : i32
      %select_n3A_1791 = arith.select %and3A_1789, %add3A_1790, %rem3A_1781 : i32
      %dma_start3A_1792 = arith.constant 0 : i32
      %dma_start3A_1793 = arith.constant 0 : i32
      %dma_start3A_1794 = arith.constant 0 : i32
      %dma_start3A_1795 = tpu.memref_slice %arg17[%dma_start3A_1793, %dma_start3A_1794] : memref<32x129xf32, #tpu.memory_space<vmem>> -> memref<8x128xf32, #tpu.memory_space<vmem>>
      %dma_start3A_1796 = arith.constant 0 : i32
      %dma_start3A_1797 = arith.constant 0 : i32
      %dma_start3A_1798 = tpu.memref_slice %arg4[%select_n3A_1775, %dma_start3A_1792, %select_n3A_1791, %dma_start3A_1796, %dma_start3A_1797] : memref<50x4x128x8x128xf32, #tpu.memory_space<hbm>> -> memref<1x1x1x8x128xf32, #tpu.memory_space<hbm>>
      %dma_start3A_1799 = tpu.memref_squeeze %dma_start3A_1798 : memref<1x1x1x8x128xf32, #tpu.memory_space<hbm>> -> memref<8x128xf32, #tpu.memory_space<hbm>>
      %dma_start3A_1800 = arith.constant 0 : i32
      %dma_start3A_1801 = arith.constant 0 : i32
      %dma_start3A_1802 = tpu.memref_slice %arg4[%select_n3A_1775, %dma_start3A_1792, %select_n3A_1791, %dma_start3A_1800, %dma_start3A_1801] : memref<50x4x128x8x128xf32, #tpu.memory_space<hbm>> -> memref<1x1x1x8x128xf32, #tpu.memory_space<hbm>>
      %dma_start3A_1803 = tpu.memref_squeeze %dma_start3A_1802 : memref<1x1x1x8x128xf32, #tpu.memory_space<hbm>> -> memref<8x128xf32, #tpu.memory_space<hbm>>
      %dma_start3A_1804 = arith.constant 0 : i32
      %dma_start3A_1805 = arith.constant 0 : i32
      %dma_start3A_1806 = tpu.memref_slice %arg17[%dma_start3A_1804, %dma_start3A_1805] : memref<32x129xf32, #tpu.memory_space<vmem>> -> memref<8x128xf32, #tpu.memory_space<vmem>>
      tpu.enqueue_dma source(%dma_start3A_1806 : memref<8x128xf32, #tpu.memory_space<vmem>>) target(%dma_start3A_1803 : memref<8x128xf32, #tpu.memory_space<hbm>>) target_semaphore(%arg21 : memref<!tpu.dma_semaphore, #tpu.memory_space<semaphore_mem>>)
      %dma_start3A_1807 = arith.constant 1 : i32
      %dma_start3A_1808 = arith.constant 8 : i32
      %dma_start3A_1809 = arith.constant 0 : i32
      %dma_start3A_1810 = tpu.memref_slice %arg17[%dma_start3A_1808, %dma_start3A_1809] : memref<32x129xf32, #tpu.memory_space<vmem>> -> memref<8x128xf32, #tpu.memory_space<vmem>>
      %dma_start3A_1811 = arith.constant 0 : i32
      %dma_start3A_1812 = arith.constant 0 : i32
      %dma_start3A_1813 = tpu.memref_slice %arg4[%select_n3A_1775, %dma_start3A_1807, %select_n3A_1791, %dma_start3A_1811, %dma_start3A_1812] : memref<50x4x128x8x128xf32, #tpu.memory_space<hbm>> -> memref<1x1x1x8x128xf32, #tpu.memory_space<hbm>>
      %dma_start3A_1814 = tpu.memref_squeeze %dma_start3A_1813 : memref<1x1x1x8x128xf32, #tpu.memory_space<hbm>> -> memref<8x128xf32, #tpu.memory_space<hbm>>
      %dma_start3A_1815 = arith.constant 0 : i32
      %dma_start3A_1816 = arith.constant 0 : i32
      %dma_start3A_1817 = tpu.memref_slice %arg4[%select_n3A_1775, %dma_start3A_1807, %select_n3A_1791, %dma_start3A_1815, %dma_start3A_1816] : memref<50x4x128x8x128xf32, #tpu.memory_space<hbm>> -> memref<1x1x1x8x128xf32, #tpu.memory_space<hbm>>
      %dma_start3A_1818 = tpu.memref_squeeze %dma_start3A_1817 : memref<1x1x1x8x128xf32, #tpu.memory_space<hbm>> -> memref<8x128xf32, #tpu.memory_space<hbm>>
      %dma_start3A_1819 = arith.constant 8 : i32
      %dma_start3A_1820 = arith.constant 0 : i32
      %dma_start3A_1821 = tpu.memref_slice %arg17[%dma_start3A_1819, %dma_start3A_1820] : memref<32x129xf32, #tpu.memory_space<vmem>> -> memref<8x128xf32, #tpu.memory_space<vmem>>
      tpu.enqueue_dma source(%dma_start3A_1821 : memref<8x128xf32, #tpu.memory_space<vmem>>) target(%dma_start3A_1818 : memref<8x128xf32, #tpu.memory_space<hbm>>) target_semaphore(%arg21 : memref<!tpu.dma_semaphore, #tpu.memory_space<semaphore_mem>>)
      %dma_start3A_1822 = arith.constant 2 : i32
      %dma_start3A_1823 = arith.constant 16 : i32
      %dma_start3A_1824 = arith.constant 0 : i32
      %dma_start3A_1825 = tpu.memref_slice %arg17[%dma_start3A_1823, %dma_start3A_1824] : memref<32x129xf32, #tpu.memory_space<vmem>> -> memref<8x128xf32, #tpu.memory_space<vmem>>
      %dma_start3A_1826 = arith.constant 0 : i32
      %dma_start3A_1827 = arith.constant 0 : i32
      %dma_start3A_1828 = tpu.memref_slice %arg4[%select_n3A_1775, %dma_start3A_1822, %select_n3A_1791, %dma_start3A_1826, %dma_start3A_1827] : memref<50x4x128x8x128xf32, #tpu.memory_space<hbm>> -> memref<1x1x1x8x128xf32, #tpu.memory_space<hbm>>
      %dma_start3A_1829 = tpu.memref_squeeze %dma_start3A_1828 : memref<1x1x1x8x128xf32, #tpu.memory_space<hbm>> -> memref<8x128xf32, #tpu.memory_space<hbm>>
      %dma_start3A_1830 = arith.constant 0 : i32
      %dma_start3A_1831 = arith.constant 0 : i32
      %dma_start3A_1832 = tpu.memref_slice %arg4[%select_n3A_1775, %dma_start3A_1822, %select_n3A_1791, %dma_start3A_1830, %dma_start3A_1831] : memref<50x4x128x8x128xf32, #tpu.memory_space<hbm>> -> memref<1x1x1x8x128xf32, #tpu.memory_space<hbm>>
      %dma_start3A_1833 = tpu.memref_squeeze %dma_start3A_1832 : memref<1x1x1x8x128xf32, #tpu.memory_space<hbm>> -> memref<8x128xf32, #tpu.memory_space<hbm>>
      %dma_start3A_1834 = arith.constant 16 : i32
      %dma_start3A_1835 = arith.constant 0 : i32
      %dma_start3A_1836 = tpu.memref_slice %arg17[%dma_start3A_1834, %dma_start3A_1835] : memref<32x129xf32, #tpu.memory_space<vmem>> -> memref<8x128xf32, #tpu.memory_space<vmem>>
      tpu.enqueue_dma source(%dma_start3A_1836 : memref<8x128xf32, #tpu.memory_space<vmem>>) target(%dma_start3A_1833 : memref<8x128xf32, #tpu.memory_space<hbm>>) target_semaphore(%arg21 : memref<!tpu.dma_semaphore, #tpu.memory_space<semaphore_mem>>)
      %dma_start3A_1837 = arith.constant 3 : i32
      %dma_start3A_1838 = arith.constant 24 : i32
      %dma_start3A_1839 = arith.constant 0 : i32
      %dma_start3A_1840 = tpu.memref_slice %arg17[%dma_start3A_1838, %dma_start3A_1839] : memref<32x129xf32, #tpu.memory_space<vmem>> -> memref<8x128xf32, #tpu.memory_space<vmem>>
      %dma_start3A_1841 = arith.constant 0 : i32
      %dma_start3A_1842 = arith.constant 0 : i32
      %dma_start3A_1843 = tpu.memref_slice %arg4[%select_n3A_1775, %dma_start3A_1837, %select_n3A_1791, %dma_start3A_1841, %dma_start3A_1842] : memref<50x4x128x8x128xf32, #tpu.memory_space<hbm>> -> memref<1x1x1x8x128xf32, #tpu.memory_space<hbm>>
      %dma_start3A_1844 = tpu.memref_squeeze %dma_start3A_1843 : memref<1x1x1x8x128xf32, #tpu.memory_space<hbm>> -> memref<8x128xf32, #tpu.memory_space<hbm>>
      %dma_start3A_1845 = arith.constant 0 : i32
      %dma_start3A_1846 = arith.constant 0 : i32
      %dma_start3A_1847 = tpu.memref_slice %arg4[%select_n3A_1775, %dma_start3A_1837, %select_n3A_1791, %dma_start3A_1845, %dma_start3A_1846] : memref<50x4x128x8x128xf32, #tpu.memory_space<hbm>> -> memref<1x1x1x8x128xf32, #tpu.memory_space<hbm>>
      %dma_start3A_1848 = tpu.memref_squeeze %dma_start3A_1847 : memref<1x1x1x8x128xf32, #tpu.memory_space<hbm>> -> memref<8x128xf32, #tpu.memory_space<hbm>>
      %dma_start3A_1849 = arith.constant 24 : i32
      %dma_start3A_1850 = arith.constant 0 : i32
      %dma_start3A_1851 = tpu.memref_slice %arg17[%dma_start3A_1849, %dma_start3A_1850] : memref<32x129xf32, #tpu.memory_space<vmem>> -> memref<8x128xf32, #tpu.memory_space<vmem>>
      tpu.enqueue_dma source(%dma_start3A_1851 : memref<8x128xf32, #tpu.memory_space<vmem>>) target(%dma_start3A_1848 : memref<8x128xf32, #tpu.memory_space<hbm>>) target_semaphore(%arg21 : memref<!tpu.dma_semaphore, #tpu.memory_space<semaphore_mem>>)
    }
    %scan3A_91 = arith.constant 20 : i32
    %dma_wait3A = arith.constant 0 : i32
    %dma_wait3A_92 = arith.constant 0 : i32
    %dma_wait3A_93 = arith.constant 0 : i32
    %dma_wait3A_94 = arith.constant 0 : i32
    %dma_wait3A_95 = arith.constant 0 : i32
    %dma_wait3A_96 = tpu.memref_slice %arg8[%dma_wait3A_94, %dma_wait3A_95] : memref<32x129xf32, #tpu.memory_space<vmem>> -> memref<8x128xf32, #tpu.memory_space<vmem>>
    %dma_wait3A_97 = arith.constant 0 : i32
    %dma_wait3A_98 = arith.constant 0 : i32
    %dma_wait3A_99 = tpu.memref_slice %arg4[%dma_wait3A, %dma_wait3A_92, %dma_wait3A_93, %dma_wait3A_97, %dma_wait3A_98] : memref<50x4x128x8x128xf32, #tpu.memory_space<hbm>> -> memref<1x1x1x8x128xf32, #tpu.memory_space<hbm>>
    %dma_wait3A_100 = tpu.memref_squeeze %dma_wait3A_99 : memref<1x1x1x8x128xf32, #tpu.memory_space<hbm>> -> memref<8x128xf32, #tpu.memory_space<hbm>>
    %dma_wait3A_101 = arith.constant 0 : i32
    %dma_wait3A_102 = arith.constant 0 : i32
    %dma_wait3A_103 = tpu.memref_slice %arg4[%dma_wait3A, %dma_wait3A_92, %dma_wait3A_93, %dma_wait3A_101, %dma_wait3A_102] : memref<50x4x128x8x128xf32, #tpu.memory_space<hbm>> -> memref<1x1x1x8x128xf32, #tpu.memory_space<hbm>>
    %dma_wait3A_104 = tpu.memref_squeeze %dma_wait3A_103 : memref<1x1x1x8x128xf32, #tpu.memory_space<hbm>> -> memref<8x128xf32, #tpu.memory_space<hbm>>
    %dma_wait3A_105 = arith.constant 0 : i32
    %dma_wait3A_106 = arith.constant 0 : i32
    %dma_wait3A_107 = tpu.memref_slice %arg8[%dma_wait3A_105, %dma_wait3A_106] : memref<32x129xf32, #tpu.memory_space<vmem>> -> memref<8x128xf32, #tpu.memory_space<vmem>>
    tpu.wait_dma2 semaphore(%arg20 : memref<!tpu.dma_semaphore, #tpu.memory_space<semaphore_mem>>) src(%dma_wait3A_107 : memref<8x128xf32, #tpu.memory_space<vmem>>) dst(%dma_wait3A_104 : memref<8x128xf32, #tpu.memory_space<hbm>>)
    %dma_wait3A_108 = arith.constant 0 : i32
    %dma_wait3A_109 = arith.constant 0 : i32
    %dma_wait3A_110 = arith.constant 0 : i32
    %dma_wait3A_111 = arith.constant 0 : i32
    %dma_wait3A_112 = arith.constant 0 : i32
    %dma_wait3A_113 = tpu.memref_slice %arg8[%dma_wait3A_111, %dma_wait3A_112] : memref<32x129xf32, #tpu.memory_space<vmem>> -> memref<8x128xf32, #tpu.memory_space<vmem>>
    %dma_wait3A_114 = arith.constant 0 : i32
    %dma_wait3A_115 = arith.constant 0 : i32
    %dma_wait3A_116 = tpu.memref_slice %arg4[%dma_wait3A_108, %dma_wait3A_109, %dma_wait3A_110, %dma_wait3A_114, %dma_wait3A_115] : memref<50x4x128x8x128xf32, #tpu.memory_space<hbm>> -> memref<1x1x1x8x128xf32, #tpu.memory_space<hbm>>
    %dma_wait3A_117 = tpu.memref_squeeze %dma_wait3A_116 : memref<1x1x1x8x128xf32, #tpu.memory_space<hbm>> -> memref<8x128xf32, #tpu.memory_space<hbm>>
    %dma_wait3A_118 = arith.constant 0 : i32
    %dma_wait3A_119 = arith.constant 0 : i32
    %dma_wait3A_120 = tpu.memref_slice %arg4[%dma_wait3A_108, %dma_wait3A_109, %dma_wait3A_110, %dma_wait3A_118, %dma_wait3A_119] : memref<50x4x128x8x128xf32, #tpu.memory_space<hbm>> -> memref<1x1x1x8x128xf32, #tpu.memory_space<hbm>>
    %dma_wait3A_121 = tpu.memref_squeeze %dma_wait3A_120 : memref<1x1x1x8x128xf32, #tpu.memory_space<hbm>> -> memref<8x128xf32, #tpu.memory_space<hbm>>
    %dma_wait3A_122 = arith.constant 0 : i32
    %dma_wait3A_123 = arith.constant 0 : i32
    %dma_wait3A_124 = tpu.memref_slice %arg8[%dma_wait3A_122, %dma_wait3A_123] : memref<32x129xf32, #tpu.memory_space<vmem>> -> memref<8x128xf32, #tpu.memory_space<vmem>>
    tpu.wait_dma2 semaphore(%arg20 : memref<!tpu.dma_semaphore, #tpu.memory_space<semaphore_mem>>) src(%dma_wait3A_124 : memref<8x128xf32, #tpu.memory_space<vmem>>) dst(%dma_wait3A_121 : memref<8x128xf32, #tpu.memory_space<hbm>>)
    %dma_wait3A_125 = arith.constant 0 : i32
    %dma_wait3A_126 = arith.constant 0 : i32
    %dma_wait3A_127 = arith.constant 0 : i32
    %dma_wait3A_128 = arith.constant 0 : i32
    %dma_wait3A_129 = arith.constant 0 : i32
    %dma_wait3A_130 = tpu.memref_slice %arg8[%dma_wait3A_128, %dma_wait3A_129] : memref<32x129xf32, #tpu.memory_space<vmem>> -> memref<8x128xf32, #tpu.memory_space<vmem>>
    %dma_wait3A_131 = arith.constant 0 : i32
    %dma_wait3A_132 = arith.constant 0 : i32
    %dma_wait3A_133 = tpu.memref_slice %arg4[%dma_wait3A_125, %dma_wait3A_126, %dma_wait3A_127, %dma_wait3A_131, %dma_wait3A_132] : memref<50x4x128x8x128xf32, #tpu.memory_space<hbm>> -> memref<1x1x1x8x128xf32, #tpu.memory_space<hbm>>
    %dma_wait3A_134 = tpu.memref_squeeze %dma_wait3A_133 : memref<1x1x1x8x128xf32, #tpu.memory_space<hbm>> -> memref<8x128xf32, #tpu.memory_space<hbm>>
    %dma_wait3A_135 = arith.constant 0 : i32
    %dma_wait3A_136 = arith.constant 0 : i32
    %dma_wait3A_137 = tpu.memref_slice %arg4[%dma_wait3A_125, %dma_wait3A_126, %dma_wait3A_127, %dma_wait3A_135, %dma_wait3A_136] : memref<50x4x128x8x128xf32, #tpu.memory_space<hbm>> -> memref<1x1x1x8x128xf32, #tpu.memory_space<hbm>>
    %dma_wait3A_138 = tpu.memref_squeeze %dma_wait3A_137 : memref<1x1x1x8x128xf32, #tpu.memory_space<hbm>> -> memref<8x128xf32, #tpu.memory_space<hbm>>
    %dma_wait3A_139 = arith.constant 0 : i32
    %dma_wait3A_140 = arith.constant 0 : i32
    %dma_wait3A_141 = tpu.memref_slice %arg8[%dma_wait3A_139, %dma_wait3A_140] : memref<32x129xf32, #tpu.memory_space<vmem>> -> memref<8x128xf32, #tpu.memory_space<vmem>>
    tpu.wait_dma2 semaphore(%arg20 : memref<!tpu.dma_semaphore, #tpu.memory_space<semaphore_mem>>) src(%dma_wait3A_141 : memref<8x128xf32, #tpu.memory_space<vmem>>) dst(%dma_wait3A_138 : memref<8x128xf32, #tpu.memory_space<hbm>>)
    %dma_wait3A_142 = arith.constant 0 : i32
    %dma_wait3A_143 = arith.constant 0 : i32
    %dma_wait3A_144 = arith.constant 0 : i32
    %dma_wait3A_145 = arith.constant 0 : i32
    %dma_wait3A_146 = arith.constant 0 : i32
    %dma_wait3A_147 = tpu.memref_slice %arg8[%dma_wait3A_145, %dma_wait3A_146] : memref<32x129xf32, #tpu.memory_space<vmem>> -> memref<8x128xf32, #tpu.memory_space<vmem>>
    %dma_wait3A_148 = arith.constant 0 : i32
    %dma_wait3A_149 = arith.constant 0 : i32
    %dma_wait3A_150 = tpu.memref_slice %arg4[%dma_wait3A_142, %dma_wait3A_143, %dma_wait3A_144, %dma_wait3A_148, %dma_wait3A_149] : memref<50x4x128x8x128xf32, #tpu.memory_space<hbm>> -> memref<1x1x1x8x128xf32, #tpu.memory_space<hbm>>
    %dma_wait3A_151 = tpu.memref_squeeze %dma_wait3A_150 : memref<1x1x1x8x128xf32, #tpu.memory_space<hbm>> -> memref<8x128xf32, #tpu.memory_space<hbm>>
    %dma_wait3A_152 = arith.constant 0 : i32
    %dma_wait3A_153 = arith.constant 0 : i32
    %dma_wait3A_154 = tpu.memref_slice %arg4[%dma_wait3A_142, %dma_wait3A_143, %dma_wait3A_144, %dma_wait3A_152, %dma_wait3A_153] : memref<50x4x128x8x128xf32, #tpu.memory_space<hbm>> -> memref<1x1x1x8x128xf32, #tpu.memory_space<hbm>>
    %dma_wait3A_155 = tpu.memref_squeeze %dma_wait3A_154 : memref<1x1x1x8x128xf32, #tpu.memory_space<hbm>> -> memref<8x128xf32, #tpu.memory_space<hbm>>
    %dma_wait3A_156 = arith.constant 0 : i32
    %dma_wait3A_157 = arith.constant 0 : i32
    %dma_wait3A_158 = tpu.memref_slice %arg8[%dma_wait3A_156, %dma_wait3A_157] : memref<32x129xf32, #tpu.memory_space<vmem>> -> memref<8x128xf32, #tpu.memory_space<vmem>>
    tpu.wait_dma2 semaphore(%arg20 : memref<!tpu.dma_semaphore, #tpu.memory_space<semaphore_mem>>) src(%dma_wait3A_158 : memref<8x128xf32, #tpu.memory_space<vmem>>) dst(%dma_wait3A_155 : memref<8x128xf32, #tpu.memory_space<hbm>>)
    %dma_wait3A_159 = arith.constant 0 : i32
    %dma_wait3A_160 = arith.constant 0 : i32
    %dma_wait3A_161 = arith.constant 0 : i32
    %dma_wait3A_162 = arith.constant 0 : i32
    %dma_wait3A_163 = arith.constant 0 : i32
    %dma_wait3A_164 = tpu.memref_slice %arg8[%dma_wait3A_162, %dma_wait3A_163] : memref<32x129xf32, #tpu.memory_space<vmem>> -> memref<8x128xf32, #tpu.memory_space<vmem>>
    %dma_wait3A_165 = arith.constant 0 : i32
    %dma_wait3A_166 = arith.constant 0 : i32
    %dma_wait3A_167 = tpu.memref_slice %arg4[%dma_wait3A_159, %dma_wait3A_160, %dma_wait3A_161, %dma_wait3A_165, %dma_wait3A_166] : memref<50x4x128x8x128xf32, #tpu.memory_space<hbm>> -> memref<1x1x1x8x128xf32, #tpu.memory_space<hbm>>
    %dma_wait3A_168 = tpu.memref_squeeze %dma_wait3A_167 : memref<1x1x1x8x128xf32, #tpu.memory_space<hbm>> -> memref<8x128xf32, #tpu.memory_space<hbm>>
    %dma_wait3A_169 = arith.constant 0 : i32
    %dma_wait3A_170 = arith.constant 0 : i32
    %dma_wait3A_171 = tpu.memref_slice %arg4[%dma_wait3A_159, %dma_wait3A_160, %dma_wait3A_161, %dma_wait3A_169, %dma_wait3A_170] : memref<50x4x128x8x128xf32, #tpu.memory_space<hbm>> -> memref<1x1x1x8x128xf32, #tpu.memory_space<hbm>>
    %dma_wait3A_172 = tpu.memref_squeeze %dma_wait3A_171 : memref<1x1x1x8x128xf32, #tpu.memory_space<hbm>> -> memref<8x128xf32, #tpu.memory_space<hbm>>
    %dma_wait3A_173 = arith.constant 0 : i32
    %dma_wait3A_174 = arith.constant 0 : i32
    %dma_wait3A_175 = tpu.memref_slice %arg8[%dma_wait3A_173, %dma_wait3A_174] : memref<32x129xf32, #tpu.memory_space<vmem>> -> memref<8x128xf32, #tpu.memory_space<vmem>>
    tpu.wait_dma2 semaphore(%arg20 : memref<!tpu.dma_semaphore, #tpu.memory_space<semaphore_mem>>) src(%dma_wait3A_175 : memref<8x128xf32, #tpu.memory_space<vmem>>) dst(%dma_wait3A_172 : memref<8x128xf32, #tpu.memory_space<hbm>>)
    %dma_wait3A_176 = arith.constant 0 : i32
    %dma_wait3A_177 = arith.constant 0 : i32
    %dma_wait3A_178 = arith.constant 0 : i32
    %dma_wait3A_179 = arith.constant 0 : i32
    %dma_wait3A_180 = arith.constant 0 : i32
    %dma_wait3A_181 = tpu.memref_slice %arg8[%dma_wait3A_179, %dma_wait3A_180] : memref<32x129xf32, #tpu.memory_space<vmem>> -> memref<8x128xf32, #tpu.memory_space<vmem>>
    %dma_wait3A_182 = arith.constant 0 : i32
    %dma_wait3A_183 = arith.constant 0 : i32
    %dma_wait3A_184 = tpu.memref_slice %arg4[%dma_wait3A_176, %dma_wait3A_177, %dma_wait3A_178, %dma_wait3A_182, %dma_wait3A_183] : memref<50x4x128x8x128xf32, #tpu.memory_space<hbm>> -> memref<1x1x1x8x128xf32, #tpu.memory_space<hbm>>
    %dma_wait3A_185 = tpu.memref_squeeze %dma_wait3A_184 : memref<1x1x1x8x128xf32, #tpu.memory_space<hbm>> -> memref<8x128xf32, #tpu.memory_space<hbm>>
    %dma_wait3A_186 = arith.constant 0 : i32
    %dma_wait3A_187 = arith.constant 0 : i32
    %dma_wait3A_188 = tpu.memref_slice %arg4[%dma_wait3A_176, %dma_wait3A_177, %dma_wait3A_178, %dma_wait3A_186, %dma_wait3A_187] : memref<50x4x128x8x128xf32, #tpu.memory_space<hbm>> -> memref<1x1x1x8x128xf32, #tpu.memory_space<hbm>>
    %dma_wait3A_189 = tpu.memref_squeeze %dma_wait3A_188 : memref<1x1x1x8x128xf32, #tpu.memory_space<hbm>> -> memref<8x128xf32, #tpu.memory_space<hbm>>
    %dma_wait3A_190 = arith.constant 0 : i32
    %dma_wait3A_191 = arith.constant 0 : i32
    %dma_wait3A_192 = tpu.memref_slice %arg8[%dma_wait3A_190, %dma_wait3A_191] : memref<32x129xf32, #tpu.memory_space<vmem>> -> memref<8x128xf32, #tpu.memory_space<vmem>>
    tpu.wait_dma2 semaphore(%arg20 : memref<!tpu.dma_semaphore, #tpu.memory_space<semaphore_mem>>) src(%dma_wait3A_192 : memref<8x128xf32, #tpu.memory_space<vmem>>) dst(%dma_wait3A_189 : memref<8x128xf32, #tpu.memory_space<hbm>>)
    %dma_wait3A_193 = arith.constant 0 : i32
    %dma_wait3A_194 = arith.constant 0 : i32
    %dma_wait3A_195 = arith.constant 0 : i32
    %dma_wait3A_196 = arith.constant 0 : i32
    %dma_wait3A_197 = arith.constant 0 : i32
    %dma_wait3A_198 = tpu.memref_slice %arg8[%dma_wait3A_196, %dma_wait3A_197] : memref<32x129xf32, #tpu.memory_space<vmem>> -> memref<8x128xf32, #tpu.memory_space<vmem>>
    %dma_wait3A_199 = arith.constant 0 : i32
    %dma_wait3A_200 = arith.constant 0 : i32
    %dma_wait3A_201 = tpu.memref_slice %arg4[%dma_wait3A_193, %dma_wait3A_194, %dma_wait3A_195, %dma_wait3A_199, %dma_wait3A_200] : memref<50x4x128x8x128xf32, #tpu.memory_space<hbm>> -> memref<1x1x1x8x128xf32, #tpu.memory_space<hbm>>
    %dma_wait3A_202 = tpu.memref_squeeze %dma_wait3A_201 : memref<1x1x1x8x128xf32, #tpu.memory_space<hbm>> -> memref<8x128xf32, #tpu.memory_space<hbm>>
    %dma_wait3A_203 = arith.constant 0 : i32
    %dma_wait3A_204 = arith.constant 0 : i32
    %dma_wait3A_205 = tpu.memref_slice %arg4[%dma_wait3A_193, %dma_wait3A_194, %dma_wait3A_195, %dma_wait3A_203, %dma_wait3A_204] : memref<50x4x128x8x128xf32, #tpu.memory_space<hbm>> -> memref<1x1x1x8x128xf32, #tpu.memory_space<hbm>>
    %dma_wait3A_206 = tpu.memref_squeeze %dma_wait3A_205 : memref<1x1x1x8x128xf32, #tpu.memory_space<hbm>> -> memref<8x128xf32, #tpu.memory_space<hbm>>
    %dma_wait3A_207 = arith.constant 0 : i32
    %dma_wait3A_208 = arith.constant 0 : i32
    %dma_wait3A_209 = tpu.memref_slice %arg8[%dma_wait3A_207, %dma_wait3A_208] : memref<32x129xf32, #tpu.memory_space<vmem>> -> memref<8x128xf32, #tpu.memory_space<vmem>>
    tpu.wait_dma2 semaphore(%arg20 : memref<!tpu.dma_semaphore, #tpu.memory_space<semaphore_mem>>) src(%dma_wait3A_209 : memref<8x128xf32, #tpu.memory_space<vmem>>) dst(%dma_wait3A_206 : memref<8x128xf32, #tpu.memory_space<hbm>>)
    %dma_wait3A_210 = arith.constant 0 : i32
    %dma_wait3A_211 = arith.constant 0 : i32
    %dma_wait3A_212 = arith.constant 0 : i32
    %dma_wait3A_213 = arith.constant 0 : i32
    %dma_wait3A_214 = arith.constant 0 : i32
    %dma_wait3A_215 = tpu.memref_slice %arg8[%dma_wait3A_213, %dma_wait3A_214] : memref<32x129xf32, #tpu.memory_space<vmem>> -> memref<8x128xf32, #tpu.memory_space<vmem>>
    %dma_wait3A_216 = arith.constant 0 : i32
    %dma_wait3A_217 = arith.constant 0 : i32
    %dma_wait3A_218 = tpu.memref_slice %arg4[%dma_wait3A_210, %dma_wait3A_211, %dma_wait3A_212, %dma_wait3A_216, %dma_wait3A_217] : memref<50x4x128x8x128xf32, #tpu.memory_space<hbm>> -> memref<1x1x1x8x128xf32, #tpu.memory_space<hbm>>
    %dma_wait3A_219 = tpu.memref_squeeze %dma_wait3A_218 : memref<1x1x1x8x128xf32, #tpu.memory_space<hbm>> -> memref<8x128xf32, #tpu.memory_space<hbm>>
    %dma_wait3A_220 = arith.constant 0 : i32
    %dma_wait3A_221 = arith.constant 0 : i32
    %dma_wait3A_222 = tpu.memref_slice %arg4[%dma_wait3A_210, %dma_wait3A_211, %dma_wait3A_212, %dma_wait3A_220, %dma_wait3A_221] : memref<50x4x128x8x128xf32, #tpu.memory_space<hbm>> -> memref<1x1x1x8x128xf32, #tpu.memory_space<hbm>>
    %dma_wait3A_223 = tpu.memref_squeeze %dma_wait3A_222 : memref<1x1x1x8x128xf32, #tpu.memory_space<hbm>> -> memref<8x128xf32, #tpu.memory_space<hbm>>
    %dma_wait3A_224 = arith.constant 0 : i32
    %dma_wait3A_225 = arith.constant 0 : i32
    %dma_wait3A_226 = tpu.memref_slice %arg8[%dma_wait3A_224, %dma_wait3A_225] : memref<32x129xf32, #tpu.memory_space<vmem>> -> memref<8x128xf32, #tpu.memory_space<vmem>>
    tpu.wait_dma2 semaphore(%arg20 : memref<!tpu.dma_semaphore, #tpu.memory_space<semaphore_mem>>) src(%dma_wait3A_226 : memref<8x128xf32, #tpu.memory_space<vmem>>) dst(%dma_wait3A_223 : memref<8x128xf32, #tpu.memory_space<hbm>>)
    %dma_wait3A_227 = arith.constant 0 : i32
    %dma_wait3A_228 = arith.constant 0 : i32
    %dma_wait3A_229 = arith.constant 0 : i32
    %dma_wait3A_230 = arith.constant 0 : i32
    %dma_wait3A_231 = arith.constant 0 : i32
    %dma_wait3A_232 = tpu.memref_slice %arg8[%dma_wait3A_230, %dma_wait3A_231] : memref<32x129xf32, #tpu.memory_space<vmem>> -> memref<8x128xf32, #tpu.memory_space<vmem>>
    %dma_wait3A_233 = arith.constant 0 : i32
    %dma_wait3A_234 = arith.constant 0 : i32
    %dma_wait3A_235 = tpu.memref_slice %arg4[%dma_wait3A_227, %dma_wait3A_228, %dma_wait3A_229, %dma_wait3A_233, %dma_wait3A_234] : memref<50x4x128x8x128xf32, #tpu.memory_space<hbm>> -> memref<1x1x1x8x128xf32, #tpu.memory_space<hbm>>
    %dma_wait3A_236 = tpu.memref_squeeze %dma_wait3A_235 : memref<1x1x1x8x128xf32, #tpu.memory_space<hbm>> -> memref<8x128xf32, #tpu.memory_space<hbm>>
    %dma_wait3A_237 = arith.constant 0 : i32
    %dma_wait3A_238 = arith.constant 0 : i32
    %dma_wait3A_239 = tpu.memref_slice %arg4[%dma_wait3A_227, %dma_wait3A_228, %dma_wait3A_229, %dma_wait3A_237, %dma_wait3A_238] : memref<50x4x128x8x128xf32, #tpu.memory_space<hbm>> -> memref<1x1x1x8x128xf32, #tpu.memory_space<hbm>>
    %dma_wait3A_240 = tpu.memref_squeeze %dma_wait3A_239 : memref<1x1x1x8x128xf32, #tpu.memory_space<hbm>> -> memref<8x128xf32, #tpu.memory_space<hbm>>
    %dma_wait3A_241 = arith.constant 0 : i32
    %dma_wait3A_242 = arith.constant 0 : i32
    %dma_wait3A_243 = tpu.memref_slice %arg8[%dma_wait3A_241, %dma_wait3A_242] : memref<32x129xf32, #tpu.memory_space<vmem>> -> memref<8x128xf32, #tpu.memory_space<vmem>>
    tpu.wait_dma2 semaphore(%arg20 : memref<!tpu.dma_semaphore, #tpu.memory_space<semaphore_mem>>) src(%dma_wait3A_243 : memref<8x128xf32, #tpu.memory_space<vmem>>) dst(%dma_wait3A_240 : memref<8x128xf32, #tpu.memory_space<hbm>>)
    %dma_wait3A_244 = arith.constant 0 : i32
    %dma_wait3A_245 = arith.constant 0 : i32
    %dma_wait3A_246 = arith.constant 0 : i32
    %dma_wait3A_247 = arith.constant 0 : i32
    %dma_wait3A_248 = arith.constant 0 : i32
    %dma_wait3A_249 = tpu.memref_slice %arg8[%dma_wait3A_247, %dma_wait3A_248] : memref<32x129xf32, #tpu.memory_space<vmem>> -> memref<8x128xf32, #tpu.memory_space<vmem>>
    %dma_wait3A_250 = arith.constant 0 : i32
    %dma_wait3A_251 = arith.constant 0 : i32
    %dma_wait3A_252 = tpu.memref_slice %arg4[%dma_wait3A_244, %dma_wait3A_245, %dma_wait3A_246, %dma_wait3A_250, %dma_wait3A_251] : memref<50x4x128x8x128xf32, #tpu.memory_space<hbm>> -> memref<1x1x1x8x128xf32, #tpu.memory_space<hbm>>
    %dma_wait3A_253 = tpu.memref_squeeze %dma_wait3A_252 : memref<1x1x1x8x128xf32, #tpu.memory_space<hbm>> -> memref<8x128xf32, #tpu.memory_space<hbm>>
    %dma_wait3A_254 = arith.constant 0 : i32
    %dma_wait3A_255 = arith.constant 0 : i32
    %dma_wait3A_256 = tpu.memref_slice %arg4[%dma_wait3A_244, %dma_wait3A_245, %dma_wait3A_246, %dma_wait3A_254, %dma_wait3A_255] : memref<50x4x128x8x128xf32, #tpu.memory_space<hbm>> -> memref<1x1x1x8x128xf32, #tpu.memory_space<hbm>>
    %dma_wait3A_257 = tpu.memref_squeeze %dma_wait3A_256 : memref<1x1x1x8x128xf32, #tpu.memory_space<hbm>> -> memref<8x128xf32, #tpu.memory_space<hbm>>
    %dma_wait3A_258 = arith.constant 0 : i32
    %dma_wait3A_259 = arith.constant 0 : i32
    %dma_wait3A_260 = tpu.memref_slice %arg8[%dma_wait3A_258, %dma_wait3A_259] : memref<32x129xf32, #tpu.memory_space<vmem>> -> memref<8x128xf32, #tpu.memory_space<vmem>>
    tpu.wait_dma2 semaphore(%arg20 : memref<!tpu.dma_semaphore, #tpu.memory_space<semaphore_mem>>) src(%dma_wait3A_260 : memref<8x128xf32, #tpu.memory_space<vmem>>) dst(%dma_wait3A_257 : memref<8x128xf32, #tpu.memory_space<hbm>>)
    %dma_wait3A_261 = arith.constant 0 : i32
    %dma_wait3A_262 = arith.constant 0 : i32
    %dma_wait3A_263 = arith.constant 0 : i32
    %dma_wait3A_264 = arith.constant 0 : i32
    %dma_wait3A_265 = arith.constant 0 : i32
    %dma_wait3A_266 = tpu.memref_slice %arg8[%dma_wait3A_264, %dma_wait3A_265] : memref<32x129xf32, #tpu.memory_space<vmem>> -> memref<8x128xf32, #tpu.memory_space<vmem>>
    %dma_wait3A_267 = arith.constant 0 : i32
    %dma_wait3A_268 = arith.constant 0 : i32
    %dma_wait3A_269 = tpu.memref_slice %arg4[%dma_wait3A_261, %dma_wait3A_262, %dma_wait3A_263, %dma_wait3A_267, %dma_wait3A_268] : memref<50x4x128x8x128xf32, #tpu.memory_space<hbm>> -> memref<1x1x1x8x128xf32, #tpu.memory_space<hbm>>
    %dma_wait3A_270 = tpu.memref_squeeze %dma_wait3A_269 : memref<1x1x1x8x128xf32, #tpu.memory_space<hbm>> -> memref<8x128xf32, #tpu.memory_space<hbm>>
    %dma_wait3A_271 = arith.constant 0 : i32
    %dma_wait3A_272 = arith.constant 0 : i32
    %dma_wait3A_273 = tpu.memref_slice %arg4[%dma_wait3A_261, %dma_wait3A_262, %dma_wait3A_263, %dma_wait3A_271, %dma_wait3A_272] : memref<50x4x128x8x128xf32, #tpu.memory_space<hbm>> -> memref<1x1x1x8x128xf32, #tpu.memory_space<hbm>>
    %dma_wait3A_274 = tpu.memref_squeeze %dma_wait3A_273 : memref<1x1x1x8x128xf32, #tpu.memory_space<hbm>> -> memref<8x128xf32, #tpu.memory_space<hbm>>
    %dma_wait3A_275 = arith.constant 0 : i32
    %dma_wait3A_276 = arith.constant 0 : i32
    %dma_wait3A_277 = tpu.memref_slice %arg8[%dma_wait3A_275, %dma_wait3A_276] : memref<32x129xf32, #tpu.memory_space<vmem>> -> memref<8x128xf32, #tpu.memory_space<vmem>>
    tpu.wait_dma2 semaphore(%arg20 : memref<!tpu.dma_semaphore, #tpu.memory_space<semaphore_mem>>) src(%dma_wait3A_277 : memref<8x128xf32, #tpu.memory_space<vmem>>) dst(%dma_wait3A_274 : memref<8x128xf32, #tpu.memory_space<hbm>>)
    %dma_wait3A_278 = arith.constant 0 : i32
    %dma_wait3A_279 = arith.constant 0 : i32
    %dma_wait3A_280 = arith.constant 0 : i32
    %dma_wait3A_281 = arith.constant 0 : i32
    %dma_wait3A_282 = arith.constant 0 : i32
    %dma_wait3A_283 = tpu.memref_slice %arg8[%dma_wait3A_281, %dma_wait3A_282] : memref<32x129xf32, #tpu.memory_space<vmem>> -> memref<8x128xf32, #tpu.memory_space<vmem>>
    %dma_wait3A_284 = arith.constant 0 : i32
    %dma_wait3A_285 = arith.constant 0 : i32
    %dma_wait3A_286 = tpu.memref_slice %arg4[%dma_wait3A_278, %dma_wait3A_279, %dma_wait3A_280, %dma_wait3A_284, %dma_wait3A_285] : memref<50x4x128x8x128xf32, #tpu.memory_space<hbm>> -> memref<1x1x1x8x128xf32, #tpu.memory_space<hbm>>
    %dma_wait3A_287 = tpu.memref_squeeze %dma_wait3A_286 : memref<1x1x1x8x128xf32, #tpu.memory_space<hbm>> -> memref<8x128xf32, #tpu.memory_space<hbm>>
    %dma_wait3A_288 = arith.constant 0 : i32
    %dma_wait3A_289 = arith.constant 0 : i32
    %dma_wait3A_290 = tpu.memref_slice %arg4[%dma_wait3A_278, %dma_wait3A_279, %dma_wait3A_280, %dma_wait3A_288, %dma_wait3A_289] : memref<50x4x128x8x128xf32, #tpu.memory_space<hbm>> -> memref<1x1x1x8x128xf32, #tpu.memory_space<hbm>>
    %dma_wait3A_291 = tpu.memref_squeeze %dma_wait3A_290 : memref<1x1x1x8x128xf32, #tpu.memory_space<hbm>> -> memref<8x128xf32, #tpu.memory_space<hbm>>
    %dma_wait3A_292 = arith.constant 0 : i32
    %dma_wait3A_293 = arith.constant 0 : i32
    %dma_wait3A_294 = tpu.memref_slice %arg8[%dma_wait3A_292, %dma_wait3A_293] : memref<32x129xf32, #tpu.memory_space<vmem>> -> memref<8x128xf32, #tpu.memory_space<vmem>>
    tpu.wait_dma2 semaphore(%arg20 : memref<!tpu.dma_semaphore, #tpu.memory_space<semaphore_mem>>) src(%dma_wait3A_294 : memref<8x128xf32, #tpu.memory_space<vmem>>) dst(%dma_wait3A_291 : memref<8x128xf32, #tpu.memory_space<hbm>>)
    %dma_wait3A_295 = arith.constant 0 : i32
    %dma_wait3A_296 = arith.constant 0 : i32
    %dma_wait3A_297 = arith.constant 0 : i32
    %dma_wait3A_298 = arith.constant 0 : i32
    %dma_wait3A_299 = arith.constant 0 : i32
    %dma_wait3A_300 = tpu.memref_slice %arg8[%dma_wait3A_298, %dma_wait3A_299] : memref<32x129xf32, #tpu.memory_space<vmem>> -> memref<8x128xf32, #tpu.memory_space<vmem>>
    %dma_wait3A_301 = arith.constant 0 : i32
    %dma_wait3A_302 = arith.constant 0 : i32
    %dma_wait3A_303 = tpu.memref_slice %arg4[%dma_wait3A_295, %dma_wait3A_296, %dma_wait3A_297, %dma_wait3A_301, %dma_wait3A_302] : memref<50x4x128x8x128xf32, #tpu.memory_space<hbm>> -> memref<1x1x1x8x128xf32, #tpu.memory_space<hbm>>
    %dma_wait3A_304 = tpu.memref_squeeze %dma_wait3A_303 : memref<1x1x1x8x128xf32, #tpu.memory_space<hbm>> -> memref<8x128xf32, #tpu.memory_space<hbm>>
    %dma_wait3A_305 = arith.constant 0 : i32
    %dma_wait3A_306 = arith.constant 0 : i32
    %dma_wait3A_307 = tpu.memref_slice %arg4[%dma_wait3A_295, %dma_wait3A_296, %dma_wait3A_297, %dma_wait3A_305, %dma_wait3A_306] : memref<50x4x128x8x128xf32, #tpu.memory_space<hbm>> -> memref<1x1x1x8x128xf32, #tpu.memory_space<hbm>>
    %dma_wait3A_308 = tpu.memref_squeeze %dma_wait3A_307 : memref<1x1x1x8x128xf32, #tpu.memory_space<hbm>> -> memref<8x128xf32, #tpu.memory_space<hbm>>
    %dma_wait3A_309 = arith.constant 0 : i32
    %dma_wait3A_310 = arith.constant 0 : i32
    %dma_wait3A_311 = tpu.memref_slice %arg8[%dma_wait3A_309, %dma_wait3A_310] : memref<32x129xf32, #tpu.memory_space<vmem>> -> memref<8x128xf32, #tpu.memory_space<vmem>>
    tpu.wait_dma2 semaphore(%arg20 : memref<!tpu.dma_semaphore, #tpu.memory_space<semaphore_mem>>) src(%dma_wait3A_311 : memref<8x128xf32, #tpu.memory_space<vmem>>) dst(%dma_wait3A_308 : memref<8x128xf32, #tpu.memory_space<hbm>>)
    %dma_wait3A_312 = arith.constant 0 : i32
    %dma_wait3A_313 = arith.constant 0 : i32
    %dma_wait3A_314 = arith.constant 0 : i32
    %dma_wait3A_315 = arith.constant 0 : i32
    %dma_wait3A_316 = arith.constant 0 : i32
    %dma_wait3A_317 = tpu.memref_slice %arg8[%dma_wait3A_315, %dma_wait3A_316] : memref<32x129xf32, #tpu.memory_space<vmem>> -> memref<8x128xf32, #tpu.memory_space<vmem>>
    %dma_wait3A_318 = arith.constant 0 : i32
    %dma_wait3A_319 = arith.constant 0 : i32
    %dma_wait3A_320 = tpu.memref_slice %arg4[%dma_wait3A_312, %dma_wait3A_313, %dma_wait3A_314, %dma_wait3A_318, %dma_wait3A_319] : memref<50x4x128x8x128xf32, #tpu.memory_space<hbm>> -> memref<1x1x1x8x128xf32, #tpu.memory_space<hbm>>
    %dma_wait3A_321 = tpu.memref_squeeze %dma_wait3A_320 : memref<1x1x1x8x128xf32, #tpu.memory_space<hbm>> -> memref<8x128xf32, #tpu.memory_space<hbm>>
    %dma_wait3A_322 = arith.constant 0 : i32
    %dma_wait3A_323 = arith.constant 0 : i32
    %dma_wait3A_324 = tpu.memref_slice %arg4[%dma_wait3A_312, %dma_wait3A_313, %dma_wait3A_314, %dma_wait3A_322, %dma_wait3A_323] : memref<50x4x128x8x128xf32, #tpu.memory_space<hbm>> -> memref<1x1x1x8x128xf32, #tpu.memory_space<hbm>>
    %dma_wait3A_325 = tpu.memref_squeeze %dma_wait3A_324 : memref<1x1x1x8x128xf32, #tpu.memory_space<hbm>> -> memref<8x128xf32, #tpu.memory_space<hbm>>
    %dma_wait3A_326 = arith.constant 0 : i32
    %dma_wait3A_327 = arith.constant 0 : i32
    %dma_wait3A_328 = tpu.memref_slice %arg8[%dma_wait3A_326, %dma_wait3A_327] : memref<32x129xf32, #tpu.memory_space<vmem>> -> memref<8x128xf32, #tpu.memory_space<vmem>>
    tpu.wait_dma2 semaphore(%arg20 : memref<!tpu.dma_semaphore, #tpu.memory_space<semaphore_mem>>) src(%dma_wait3A_328 : memref<8x128xf32, #tpu.memory_space<vmem>>) dst(%dma_wait3A_325 : memref<8x128xf32, #tpu.memory_space<hbm>>)
    %dma_wait3A_329 = arith.constant 0 : i32
    %dma_wait3A_330 = arith.constant 0 : i32
    %dma_wait3A_331 = arith.constant 0 : i32
    %dma_wait3A_332 = arith.constant 0 : i32
    %dma_wait3A_333 = arith.constant 0 : i32
    %dma_wait3A_334 = tpu.memref_slice %arg8[%dma_wait3A_332, %dma_wait3A_333] : memref<32x129xf32, #tpu.memory_space<vmem>> -> memref<8x128xf32, #tpu.memory_space<vmem>>
    %dma_wait3A_335 = arith.constant 0 : i32
    %dma_wait3A_336 = arith.constant 0 : i32
    %dma_wait3A_337 = tpu.memref_slice %arg4[%dma_wait3A_329, %dma_wait3A_330, %dma_wait3A_331, %dma_wait3A_335, %dma_wait3A_336] : memref<50x4x128x8x128xf32, #tpu.memory_space<hbm>> -> memref<1x1x1x8x128xf32, #tpu.memory_space<hbm>>
    %dma_wait3A_338 = tpu.memref_squeeze %dma_wait3A_337 : memref<1x1x1x8x128xf32, #tpu.memory_space<hbm>> -> memref<8x128xf32, #tpu.memory_space<hbm>>
    %dma_wait3A_339 = arith.constant 0 : i32
    %dma_wait3A_340 = arith.constant 0 : i32
    %dma_wait3A_341 = tpu.memref_slice %arg4[%dma_wait3A_329, %dma_wait3A_330, %dma_wait3A_331, %dma_wait3A_339, %dma_wait3A_340] : memref<50x4x128x8x128xf32, #tpu.memory_space<hbm>> -> memref<1x1x1x8x128xf32, #tpu.memory_space<hbm>>
    %dma_wait3A_342 = tpu.memref_squeeze %dma_wait3A_341 : memref<1x1x1x8x128xf32, #tpu.memory_space<hbm>> -> memref<8x128xf32, #tpu.memory_space<hbm>>
    %dma_wait3A_343 = arith.constant 0 : i32
    %dma_wait3A_344 = arith.constant 0 : i32
    %dma_wait3A_345 = tpu.memref_slice %arg8[%dma_wait3A_343, %dma_wait3A_344] : memref<32x129xf32, #tpu.memory_space<vmem>> -> memref<8x128xf32, #tpu.memory_space<vmem>>
    tpu.wait_dma2 semaphore(%arg20 : memref<!tpu.dma_semaphore, #tpu.memory_space<semaphore_mem>>) src(%dma_wait3A_345 : memref<8x128xf32, #tpu.memory_space<vmem>>) dst(%dma_wait3A_342 : memref<8x128xf32, #tpu.memory_space<hbm>>)
    %dma_wait3A_346 = arith.constant 0 : i32
    %dma_wait3A_347 = arith.constant 0 : i32
    %dma_wait3A_348 = arith.constant 0 : i32
    %dma_wait3A_349 = arith.constant 0 : i32
    %dma_wait3A_350 = arith.constant 0 : i32
    %dma_wait3A_351 = tpu.memref_slice %arg8[%dma_wait3A_349, %dma_wait3A_350] : memref<32x129xf32, #tpu.memory_space<vmem>> -> memref<8x128xf32, #tpu.memory_space<vmem>>
    %dma_wait3A_352 = arith.constant 0 : i32
    %dma_wait3A_353 = arith.constant 0 : i32
    %dma_wait3A_354 = tpu.memref_slice %arg4[%dma_wait3A_346, %dma_wait3A_347, %dma_wait3A_348, %dma_wait3A_352, %dma_wait3A_353] : memref<50x4x128x8x128xf32, #tpu.memory_space<hbm>> -> memref<1x1x1x8x128xf32, #tpu.memory_space<hbm>>
    %dma_wait3A_355 = tpu.memref_squeeze %dma_wait3A_354 : memref<1x1x1x8x128xf32, #tpu.memory_space<hbm>> -> memref<8x128xf32, #tpu.memory_space<hbm>>
    %dma_wait3A_356 = arith.constant 0 : i32
    %dma_wait3A_357 = arith.constant 0 : i32
    %dma_wait3A_358 = tpu.memref_slice %arg4[%dma_wait3A_346, %dma_wait3A_347, %dma_wait3A_348, %dma_wait3A_356, %dma_wait3A_357] : memref<50x4x128x8x128xf32, #tpu.memory_space<hbm>> -> memref<1x1x1x8x128xf32, #tpu.memory_space<hbm>>
    %dma_wait3A_359 = tpu.memref_squeeze %dma_wait3A_358 : memref<1x1x1x8x128xf32, #tpu.memory_space<hbm>> -> memref<8x128xf32, #tpu.memory_space<hbm>>
    %dma_wait3A_360 = arith.constant 0 : i32
    %dma_wait3A_361 = arith.constant 0 : i32
    %dma_wait3A_362 = tpu.memref_slice %arg8[%dma_wait3A_360, %dma_wait3A_361] : memref<32x129xf32, #tpu.memory_space<vmem>> -> memref<8x128xf32, #tpu.memory_space<vmem>>
    tpu.wait_dma2 semaphore(%arg20 : memref<!tpu.dma_semaphore, #tpu.memory_space<semaphore_mem>>) src(%dma_wait3A_362 : memref<8x128xf32, #tpu.memory_space<vmem>>) dst(%dma_wait3A_359 : memref<8x128xf32, #tpu.memory_space<hbm>>)
    %dma_wait3A_363 = arith.constant 0 : i32
    %dma_wait3A_364 = arith.constant 0 : i32
    %dma_wait3A_365 = arith.constant 0 : i32
    %dma_wait3A_366 = arith.constant 0 : i32
    %dma_wait3A_367 = arith.constant 0 : i32
    %dma_wait3A_368 = tpu.memref_slice %arg8[%dma_wait3A_366, %dma_wait3A_367] : memref<32x129xf32, #tpu.memory_space<vmem>> -> memref<8x128xf32, #tpu.memory_space<vmem>>
    %dma_wait3A_369 = arith.constant 0 : i32
    %dma_wait3A_370 = arith.constant 0 : i32
    %dma_wait3A_371 = tpu.memref_slice %arg4[%dma_wait3A_363, %dma_wait3A_364, %dma_wait3A_365, %dma_wait3A_369, %dma_wait3A_370] : memref<50x4x128x8x128xf32, #tpu.memory_space<hbm>> -> memref<1x1x1x8x128xf32, #tpu.memory_space<hbm>>
    %dma_wait3A_372 = tpu.memref_squeeze %dma_wait3A_371 : memref<1x1x1x8x128xf32, #tpu.memory_space<hbm>> -> memref<8x128xf32, #tpu.memory_space<hbm>>
    %dma_wait3A_373 = arith.constant 0 : i32
    %dma_wait3A_374 = arith.constant 0 : i32
    %dma_wait3A_375 = tpu.memref_slice %arg4[%dma_wait3A_363, %dma_wait3A_364, %dma_wait3A_365, %dma_wait3A_373, %dma_wait3A_374] : memref<50x4x128x8x128xf32, #tpu.memory_space<hbm>> -> memref<1x1x1x8x128xf32, #tpu.memory_space<hbm>>
    %dma_wait3A_376 = tpu.memref_squeeze %dma_wait3A_375 : memref<1x1x1x8x128xf32, #tpu.memory_space<hbm>> -> memref<8x128xf32, #tpu.memory_space<hbm>>
    %dma_wait3A_377 = arith.constant 0 : i32
    %dma_wait3A_378 = arith.constant 0 : i32
    %dma_wait3A_379 = tpu.memref_slice %arg8[%dma_wait3A_377, %dma_wait3A_378] : memref<32x129xf32, #tpu.memory_space<vmem>> -> memref<8x128xf32, #tpu.memory_space<vmem>>
    tpu.wait_dma2 semaphore(%arg20 : memref<!tpu.dma_semaphore, #tpu.memory_space<semaphore_mem>>) src(%dma_wait3A_379 : memref<8x128xf32, #tpu.memory_space<vmem>>) dst(%dma_wait3A_376 : memref<8x128xf32, #tpu.memory_space<hbm>>)
    %dma_wait3A_380 = arith.constant 0 : i32
    %dma_wait3A_381 = arith.constant 0 : i32
    %dma_wait3A_382 = arith.constant 0 : i32
    %dma_wait3A_383 = arith.constant 0 : i32
    %dma_wait3A_384 = arith.constant 0 : i32
    %dma_wait3A_385 = tpu.memref_slice %arg8[%dma_wait3A_383, %dma_wait3A_384] : memref<32x129xf32, #tpu.memory_space<vmem>> -> memref<8x128xf32, #tpu.memory_space<vmem>>
    %dma_wait3A_386 = arith.constant 0 : i32
    %dma_wait3A_387 = arith.constant 0 : i32
    %dma_wait3A_388 = tpu.memref_slice %arg4[%dma_wait3A_380, %dma_wait3A_381, %dma_wait3A_382, %dma_wait3A_386, %dma_wait3A_387] : memref<50x4x128x8x128xf32, #tpu.memory_space<hbm>> -> memref<1x1x1x8x128xf32, #tpu.memory_space<hbm>>
    %dma_wait3A_389 = tpu.memref_squeeze %dma_wait3A_388 : memref<1x1x1x8x128xf32, #tpu.memory_space<hbm>> -> memref<8x128xf32, #tpu.memory_space<hbm>>
    %dma_wait3A_390 = arith.constant 0 : i32
    %dma_wait3A_391 = arith.constant 0 : i32
    %dma_wait3A_392 = tpu.memref_slice %arg4[%dma_wait3A_380, %dma_wait3A_381, %dma_wait3A_382, %dma_wait3A_390, %dma_wait3A_391] : memref<50x4x128x8x128xf32, #tpu.memory_space<hbm>> -> memref<1x1x1x8x128xf32, #tpu.memory_space<hbm>>
    %dma_wait3A_393 = tpu.memref_squeeze %dma_wait3A_392 : memref<1x1x1x8x128xf32, #tpu.memory_space<hbm>> -> memref<8x128xf32, #tpu.memory_space<hbm>>
    %dma_wait3A_394 = arith.constant 0 : i32
    %dma_wait3A_395 = arith.constant 0 : i32
    %dma_wait3A_396 = tpu.memref_slice %arg8[%dma_wait3A_394, %dma_wait3A_395] : memref<32x129xf32, #tpu.memory_space<vmem>> -> memref<8x128xf32, #tpu.memory_space<vmem>>
    tpu.wait_dma2 semaphore(%arg20 : memref<!tpu.dma_semaphore, #tpu.memory_space<semaphore_mem>>) src(%dma_wait3A_396 : memref<8x128xf32, #tpu.memory_space<vmem>>) dst(%dma_wait3A_393 : memref<8x128xf32, #tpu.memory_space<hbm>>)
    %dma_wait3A_397 = arith.constant 0 : i32
    %dma_wait3A_398 = arith.constant 0 : i32
    %dma_wait3A_399 = arith.constant 0 : i32
    %dma_wait3A_400 = arith.constant 0 : i32
    %dma_wait3A_401 = arith.constant 0 : i32
    %dma_wait3A_402 = tpu.memref_slice %arg8[%dma_wait3A_400, %dma_wait3A_401] : memref<32x129xf32, #tpu.memory_space<vmem>> -> memref<8x128xf32, #tpu.memory_space<vmem>>
    %dma_wait3A_403 = arith.constant 0 : i32
    %dma_wait3A_404 = arith.constant 0 : i32
    %dma_wait3A_405 = tpu.memref_slice %arg4[%dma_wait3A_397, %dma_wait3A_398, %dma_wait3A_399, %dma_wait3A_403, %dma_wait3A_404] : memref<50x4x128x8x128xf32, #tpu.memory_space<hbm>> -> memref<1x1x1x8x128xf32, #tpu.memory_space<hbm>>
    %dma_wait3A_406 = tpu.memref_squeeze %dma_wait3A_405 : memref<1x1x1x8x128xf32, #tpu.memory_space<hbm>> -> memref<8x128xf32, #tpu.memory_space<hbm>>
    %dma_wait3A_407 = arith.constant 0 : i32
    %dma_wait3A_408 = arith.constant 0 : i32
    %dma_wait3A_409 = tpu.memref_slice %arg4[%dma_wait3A_397, %dma_wait3A_398, %dma_wait3A_399, %dma_wait3A_407, %dma_wait3A_408] : memref<50x4x128x8x128xf32, #tpu.memory_space<hbm>> -> memref<1x1x1x8x128xf32, #tpu.memory_space<hbm>>
    %dma_wait3A_410 = tpu.memref_squeeze %dma_wait3A_409 : memref<1x1x1x8x128xf32, #tpu.memory_space<hbm>> -> memref<8x128xf32, #tpu.memory_space<hbm>>
    %dma_wait3A_411 = arith.constant 0 : i32
    %dma_wait3A_412 = arith.constant 0 : i32
    %dma_wait3A_413 = tpu.memref_slice %arg8[%dma_wait3A_411, %dma_wait3A_412] : memref<32x129xf32, #tpu.memory_space<vmem>> -> memref<8x128xf32, #tpu.memory_space<vmem>>
    tpu.wait_dma2 semaphore(%arg20 : memref<!tpu.dma_semaphore, #tpu.memory_space<semaphore_mem>>) src(%dma_wait3A_413 : memref<8x128xf32, #tpu.memory_space<vmem>>) dst(%dma_wait3A_410 : memref<8x128xf32, #tpu.memory_space<hbm>>)
    %dma_wait3A_414 = arith.constant 0 : i32
    %dma_wait3A_415 = arith.constant 0 : i32
    %dma_wait3A_416 = arith.constant 0 : i32
    %dma_wait3A_417 = arith.constant 0 : i32
    %dma_wait3A_418 = arith.constant 0 : i32
    %dma_wait3A_419 = tpu.memref_slice %arg8[%dma_wait3A_417, %dma_wait3A_418] : memref<32x129xf32, #tpu.memory_space<vmem>> -> memref<8x128xf32, #tpu.memory_space<vmem>>
    %dma_wait3A_420 = arith.constant 0 : i32
    %dma_wait3A_421 = arith.constant 0 : i32
    %dma_wait3A_422 = tpu.memref_slice %arg4[%dma_wait3A_414, %dma_wait3A_415, %dma_wait3A_416, %dma_wait3A_420, %dma_wait3A_421] : memref<50x4x128x8x128xf32, #tpu.memory_space<hbm>> -> memref<1x1x1x8x128xf32, #tpu.memory_space<hbm>>
    %dma_wait3A_423 = tpu.memref_squeeze %dma_wait3A_422 : memref<1x1x1x8x128xf32, #tpu.memory_space<hbm>> -> memref<8x128xf32, #tpu.memory_space<hbm>>
    %dma_wait3A_424 = arith.constant 0 : i32
    %dma_wait3A_425 = arith.constant 0 : i32
    %dma_wait3A_426 = tpu.memref_slice %arg4[%dma_wait3A_414, %dma_wait3A_415, %dma_wait3A_416, %dma_wait3A_424, %dma_wait3A_425] : memref<50x4x128x8x128xf32, #tpu.memory_space<hbm>> -> memref<1x1x1x8x128xf32, #tpu.memory_space<hbm>>
    %dma_wait3A_427 = tpu.memref_squeeze %dma_wait3A_426 : memref<1x1x1x8x128xf32, #tpu.memory_space<hbm>> -> memref<8x128xf32, #tpu.memory_space<hbm>>
    %dma_wait3A_428 = arith.constant 0 : i32
    %dma_wait3A_429 = arith.constant 0 : i32
    %dma_wait3A_430 = tpu.memref_slice %arg8[%dma_wait3A_428, %dma_wait3A_429] : memref<32x129xf32, #tpu.memory_space<vmem>> -> memref<8x128xf32, #tpu.memory_space<vmem>>
    tpu.wait_dma2 semaphore(%arg20 : memref<!tpu.dma_semaphore, #tpu.memory_space<semaphore_mem>>) src(%dma_wait3A_430 : memref<8x128xf32, #tpu.memory_space<vmem>>) dst(%dma_wait3A_427 : memref<8x128xf32, #tpu.memory_space<hbm>>)
    %dma_wait3A_431 = arith.constant 0 : i32
    %dma_wait3A_432 = arith.constant 0 : i32
    %dma_wait3A_433 = arith.constant 0 : i32
    %dma_wait3A_434 = arith.constant 0 : i32
    %dma_wait3A_435 = arith.constant 0 : i32
    %dma_wait3A_436 = tpu.memref_slice %arg13[%dma_wait3A_434, %dma_wait3A_435] : memref<32x129xf32, #tpu.memory_space<vmem>> -> memref<8x128xf32, #tpu.memory_space<vmem>>
    %dma_wait3A_437 = arith.constant 0 : i32
    %dma_wait3A_438 = arith.constant 0 : i32
    %dma_wait3A_439 = tpu.memref_slice %arg4[%dma_wait3A_431, %dma_wait3A_432, %dma_wait3A_433, %dma_wait3A_437, %dma_wait3A_438] : memref<50x4x128x8x128xf32, #tpu.memory_space<hbm>> -> memref<1x1x1x8x128xf32, #tpu.memory_space<hbm>>
    %dma_wait3A_440 = tpu.memref_squeeze %dma_wait3A_439 : memref<1x1x1x8x128xf32, #tpu.memory_space<hbm>> -> memref<8x128xf32, #tpu.memory_space<hbm>>
    %dma_wait3A_441 = arith.constant 0 : i32
    %dma_wait3A_442 = arith.constant 0 : i32
    %dma_wait3A_443 = tpu.memref_slice %arg4[%dma_wait3A_431, %dma_wait3A_432, %dma_wait3A_433, %dma_wait3A_441, %dma_wait3A_442] : memref<50x4x128x8x128xf32, #tpu.memory_space<hbm>> -> memref<1x1x1x8x128xf32, #tpu.memory_space<hbm>>
    %dma_wait3A_444 = tpu.memref_squeeze %dma_wait3A_443 : memref<1x1x1x8x128xf32, #tpu.memory_space<hbm>> -> memref<8x128xf32, #tpu.memory_space<hbm>>
    %dma_wait3A_445 = arith.constant 0 : i32
    %dma_wait3A_446 = arith.constant 0 : i32
    %dma_wait3A_447 = tpu.memref_slice %arg13[%dma_wait3A_445, %dma_wait3A_446] : memref<32x129xf32, #tpu.memory_space<vmem>> -> memref<8x128xf32, #tpu.memory_space<vmem>>
    tpu.wait_dma2 semaphore(%arg21 : memref<!tpu.dma_semaphore, #tpu.memory_space<semaphore_mem>>) src(%dma_wait3A_447 : memref<8x128xf32, #tpu.memory_space<vmem>>) dst(%dma_wait3A_444 : memref<8x128xf32, #tpu.memory_space<hbm>>)
    %dma_wait3A_448 = arith.constant 0 : i32
    %dma_wait3A_449 = arith.constant 0 : i32
    %dma_wait3A_450 = arith.constant 0 : i32
    %dma_wait3A_451 = arith.constant 0 : i32
    %dma_wait3A_452 = arith.constant 0 : i32
    %dma_wait3A_453 = tpu.memref_slice %arg13[%dma_wait3A_451, %dma_wait3A_452] : memref<32x129xf32, #tpu.memory_space<vmem>> -> memref<8x128xf32, #tpu.memory_space<vmem>>
    %dma_wait3A_454 = arith.constant 0 : i32
    %dma_wait3A_455 = arith.constant 0 : i32
    %dma_wait3A_456 = tpu.memref_slice %arg4[%dma_wait3A_448, %dma_wait3A_449, %dma_wait3A_450, %dma_wait3A_454, %dma_wait3A_455] : memref<50x4x128x8x128xf32, #tpu.memory_space<hbm>> -> memref<1x1x1x8x128xf32, #tpu.memory_space<hbm>>
    %dma_wait3A_457 = tpu.memref_squeeze %dma_wait3A_456 : memref<1x1x1x8x128xf32, #tpu.memory_space<hbm>> -> memref<8x128xf32, #tpu.memory_space<hbm>>
    %dma_wait3A_458 = arith.constant 0 : i32
    %dma_wait3A_459 = arith.constant 0 : i32
    %dma_wait3A_460 = tpu.memref_slice %arg4[%dma_wait3A_448, %dma_wait3A_449, %dma_wait3A_450, %dma_wait3A_458, %dma_wait3A_459] : memref<50x4x128x8x128xf32, #tpu.memory_space<hbm>> -> memref<1x1x1x8x128xf32, #tpu.memory_space<hbm>>
    %dma_wait3A_461 = tpu.memref_squeeze %dma_wait3A_460 : memref<1x1x1x8x128xf32, #tpu.memory_space<hbm>> -> memref<8x128xf32, #tpu.memory_space<hbm>>
    %dma_wait3A_462 = arith.constant 0 : i32
    %dma_wait3A_463 = arith.constant 0 : i32
    %dma_wait3A_464 = tpu.memref_slice %arg13[%dma_wait3A_462, %dma_wait3A_463] : memref<32x129xf32, #tpu.memory_space<vmem>> -> memref<8x128xf32, #tpu.memory_space<vmem>>
    tpu.wait_dma2 semaphore(%arg21 : memref<!tpu.dma_semaphore, #tpu.memory_space<semaphore_mem>>) src(%dma_wait3A_464 : memref<8x128xf32, #tpu.memory_space<vmem>>) dst(%dma_wait3A_461 : memref<8x128xf32, #tpu.memory_space<hbm>>)
    %dma_wait3A_465 = arith.constant 0 : i32
    %dma_wait3A_466 = arith.constant 0 : i32
    %dma_wait3A_467 = arith.constant 0 : i32
    %dma_wait3A_468 = arith.constant 0 : i32
    %dma_wait3A_469 = arith.constant 0 : i32
    %dma_wait3A_470 = tpu.memref_slice %arg13[%dma_wait3A_468, %dma_wait3A_469] : memref<32x129xf32, #tpu.memory_space<vmem>> -> memref<8x128xf32, #tpu.memory_space<vmem>>
    %dma_wait3A_471 = arith.constant 0 : i32
    %dma_wait3A_472 = arith.constant 0 : i32
    %dma_wait3A_473 = tpu.memref_slice %arg4[%dma_wait3A_465, %dma_wait3A_466, %dma_wait3A_467, %dma_wait3A_471, %dma_wait3A_472] : memref<50x4x128x8x128xf32, #tpu.memory_space<hbm>> -> memref<1x1x1x8x128xf32, #tpu.memory_space<hbm>>
    %dma_wait3A_474 = tpu.memref_squeeze %dma_wait3A_473 : memref<1x1x1x8x128xf32, #tpu.memory_space<hbm>> -> memref<8x128xf32, #tpu.memory_space<hbm>>
    %dma_wait3A_475 = arith.constant 0 : i32
    %dma_wait3A_476 = arith.constant 0 : i32
    %dma_wait3A_477 = tpu.memref_slice %arg4[%dma_wait3A_465, %dma_wait3A_466, %dma_wait3A_467, %dma_wait3A_475, %dma_wait3A_476] : memref<50x4x128x8x128xf32, #tpu.memory_space<hbm>> -> memref<1x1x1x8x128xf32, #tpu.memory_space<hbm>>
    %dma_wait3A_478 = tpu.memref_squeeze %dma_wait3A_477 : memref<1x1x1x8x128xf32, #tpu.memory_space<hbm>> -> memref<8x128xf32, #tpu.memory_space<hbm>>
    %dma_wait3A_479 = arith.constant 0 : i32
    %dma_wait3A_480 = arith.constant 0 : i32
    %dma_wait3A_481 = tpu.memref_slice %arg13[%dma_wait3A_479, %dma_wait3A_480] : memref<32x129xf32, #tpu.memory_space<vmem>> -> memref<8x128xf32, #tpu.memory_space<vmem>>
    tpu.wait_dma2 semaphore(%arg21 : memref<!tpu.dma_semaphore, #tpu.memory_space<semaphore_mem>>) src(%dma_wait3A_481 : memref<8x128xf32, #tpu.memory_space<vmem>>) dst(%dma_wait3A_478 : memref<8x128xf32, #tpu.memory_space<hbm>>)
    %dma_wait3A_482 = arith.constant 0 : i32
    %dma_wait3A_483 = arith.constant 0 : i32
    %dma_wait3A_484 = arith.constant 0 : i32
    %dma_wait3A_485 = arith.constant 0 : i32
    %dma_wait3A_486 = arith.constant 0 : i32
    %dma_wait3A_487 = tpu.memref_slice %arg13[%dma_wait3A_485, %dma_wait3A_486] : memref<32x129xf32, #tpu.memory_space<vmem>> -> memref<8x128xf32, #tpu.memory_space<vmem>>
    %dma_wait3A_488 = arith.constant 0 : i32
    %dma_wait3A_489 = arith.constant 0 : i32
    %dma_wait3A_490 = tpu.memref_slice %arg4[%dma_wait3A_482, %dma_wait3A_483, %dma_wait3A_484, %dma_wait3A_488, %dma_wait3A_489] : memref<50x4x128x8x128xf32, #tpu.memory_space<hbm>> -> memref<1x1x1x8x128xf32, #tpu.memory_space<hbm>>
    %dma_wait3A_491 = tpu.memref_squeeze %dma_wait3A_490 : memref<1x1x1x8x128xf32, #tpu.memory_space<hbm>> -> memref<8x128xf32, #tpu.memory_space<hbm>>
    %dma_wait3A_492 = arith.constant 0 : i32
    %dma_wait3A_493 = arith.constant 0 : i32
    %dma_wait3A_494 = tpu.memref_slice %arg4[%dma_wait3A_482, %dma_wait3A_483, %dma_wait3A_484, %dma_wait3A_492, %dma_wait3A_493] : memref<50x4x128x8x128xf32, #tpu.memory_space<hbm>> -> memref<1x1x1x8x128xf32, #tpu.memory_space<hbm>>
    %dma_wait3A_495 = tpu.memref_squeeze %dma_wait3A_494 : memref<1x1x1x8x128xf32, #tpu.memory_space<hbm>> -> memref<8x128xf32, #tpu.memory_space<hbm>>
    %dma_wait3A_496 = arith.constant 0 : i32
    %dma_wait3A_497 = arith.constant 0 : i32
    %dma_wait3A_498 = tpu.memref_slice %arg13[%dma_wait3A_496, %dma_wait3A_497] : memref<32x129xf32, #tpu.memory_space<vmem>> -> memref<8x128xf32, #tpu.memory_space<vmem>>
    tpu.wait_dma2 semaphore(%arg21 : memref<!tpu.dma_semaphore, #tpu.memory_space<semaphore_mem>>) src(%dma_wait3A_498 : memref<8x128xf32, #tpu.memory_space<vmem>>) dst(%dma_wait3A_495 : memref<8x128xf32, #tpu.memory_space<hbm>>)
    %dma_wait3A_499 = arith.constant 0 : i32
    %dma_wait3A_500 = arith.constant 0 : i32
    %dma_wait3A_501 = arith.constant 0 : i32
    %dma_wait3A_502 = arith.constant 0 : i32
    %dma_wait3A_503 = arith.constant 0 : i32
    %dma_wait3A_504 = tpu.memref_slice %arg13[%dma_wait3A_502, %dma_wait3A_503] : memref<32x129xf32, #tpu.memory_space<vmem>> -> memref<8x128xf32, #tpu.memory_space<vmem>>
    %dma_wait3A_505 = arith.constant 0 : i32
    %dma_wait3A_506 = arith.constant 0 : i32
    %dma_wait3A_507 = tpu.memref_slice %arg4[%dma_wait3A_499, %dma_wait3A_500, %dma_wait3A_501, %dma_wait3A_505, %dma_wait3A_506] : memref<50x4x128x8x128xf32, #tpu.memory_space<hbm>> -> memref<1x1x1x8x128xf32, #tpu.memory_space<hbm>>
    %dma_wait3A_508 = tpu.memref_squeeze %dma_wait3A_507 : memref<1x1x1x8x128xf32, #tpu.memory_space<hbm>> -> memref<8x128xf32, #tpu.memory_space<hbm>>
    %dma_wait3A_509 = arith.constant 0 : i32
    %dma_wait3A_510 = arith.constant 0 : i32
    %dma_wait3A_511 = tpu.memref_slice %arg4[%dma_wait3A_499, %dma_wait3A_500, %dma_wait3A_501, %dma_wait3A_509, %dma_wait3A_510] : memref<50x4x128x8x128xf32, #tpu.memory_space<hbm>> -> memref<1x1x1x8x128xf32, #tpu.memory_space<hbm>>
    %dma_wait3A_512 = tpu.memref_squeeze %dma_wait3A_511 : memref<1x1x1x8x128xf32, #tpu.memory_space<hbm>> -> memref<8x128xf32, #tpu.memory_space<hbm>>
    %dma_wait3A_513 = arith.constant 0 : i32
    %dma_wait3A_514 = arith.constant 0 : i32
    %dma_wait3A_515 = tpu.memref_slice %arg13[%dma_wait3A_513, %dma_wait3A_514] : memref<32x129xf32, #tpu.memory_space<vmem>> -> memref<8x128xf32, #tpu.memory_space<vmem>>
    tpu.wait_dma2 semaphore(%arg21 : memref<!tpu.dma_semaphore, #tpu.memory_space<semaphore_mem>>) src(%dma_wait3A_515 : memref<8x128xf32, #tpu.memory_space<vmem>>) dst(%dma_wait3A_512 : memref<8x128xf32, #tpu.memory_space<hbm>>)
    %dma_wait3A_516 = arith.constant 0 : i32
    %dma_wait3A_517 = arith.constant 0 : i32
    %dma_wait3A_518 = arith.constant 0 : i32
    %dma_wait3A_519 = arith.constant 0 : i32
    %dma_wait3A_520 = arith.constant 0 : i32
    %dma_wait3A_521 = tpu.memref_slice %arg13[%dma_wait3A_519, %dma_wait3A_520] : memref<32x129xf32, #tpu.memory_space<vmem>> -> memref<8x128xf32, #tpu.memory_space<vmem>>
    %dma_wait3A_522 = arith.constant 0 : i32
    %dma_wait3A_523 = arith.constant 0 : i32
    %dma_wait3A_524 = tpu.memref_slice %arg4[%dma_wait3A_516, %dma_wait3A_517, %dma_wait3A_518, %dma_wait3A_522, %dma_wait3A_523] : memref<50x4x128x8x128xf32, #tpu.memory_space<hbm>> -> memref<1x1x1x8x128xf32, #tpu.memory_space<hbm>>
    %dma_wait3A_525 = tpu.memref_squeeze %dma_wait3A_524 : memref<1x1x1x8x128xf32, #tpu.memory_space<hbm>> -> memref<8x128xf32, #tpu.memory_space<hbm>>
    %dma_wait3A_526 = arith.constant 0 : i32
    %dma_wait3A_527 = arith.constant 0 : i32
    %dma_wait3A_528 = tpu.memref_slice %arg4[%dma_wait3A_516, %dma_wait3A_517, %dma_wait3A_518, %dma_wait3A_526, %dma_wait3A_527] : memref<50x4x128x8x128xf32, #tpu.memory_space<hbm>> -> memref<1x1x1x8x128xf32, #tpu.memory_space<hbm>>
    %dma_wait3A_529 = tpu.memref_squeeze %dma_wait3A_528 : memref<1x1x1x8x128xf32, #tpu.memory_space<hbm>> -> memref<8x128xf32, #tpu.memory_space<hbm>>
    %dma_wait3A_530 = arith.constant 0 : i32
    %dma_wait3A_531 = arith.constant 0 : i32
    %dma_wait3A_532 = tpu.memref_slice %arg13[%dma_wait3A_530, %dma_wait3A_531] : memref<32x129xf32, #tpu.memory_space<vmem>> -> memref<8x128xf32, #tpu.memory_space<vmem>>
    tpu.wait_dma2 semaphore(%arg21 : memref<!tpu.dma_semaphore, #tpu.memory_space<semaphore_mem>>) src(%dma_wait3A_532 : memref<8x128xf32, #tpu.memory_space<vmem>>) dst(%dma_wait3A_529 : memref<8x128xf32, #tpu.memory_space<hbm>>)
    %dma_wait3A_533 = arith.constant 0 : i32
    %dma_wait3A_534 = arith.constant 0 : i32
    %dma_wait3A_535 = arith.constant 0 : i32
    %dma_wait3A_536 = arith.constant 0 : i32
    %dma_wait3A_537 = arith.constant 0 : i32
    %dma_wait3A_538 = tpu.memref_slice %arg13[%dma_wait3A_536, %dma_wait3A_537] : memref<32x129xf32, #tpu.memory_space<vmem>> -> memref<8x128xf32, #tpu.memory_space<vmem>>
    %dma_wait3A_539 = arith.constant 0 : i32
    %dma_wait3A_540 = arith.constant 0 : i32
    %dma_wait3A_541 = tpu.memref_slice %arg4[%dma_wait3A_533, %dma_wait3A_534, %dma_wait3A_535, %dma_wait3A_539, %dma_wait3A_540] : memref<50x4x128x8x128xf32, #tpu.memory_space<hbm>> -> memref<1x1x1x8x128xf32, #tpu.memory_space<hbm>>
    %dma_wait3A_542 = tpu.memref_squeeze %dma_wait3A_541 : memref<1x1x1x8x128xf32, #tpu.memory_space<hbm>> -> memref<8x128xf32, #tpu.memory_space<hbm>>
    %dma_wait3A_543 = arith.constant 0 : i32
    %dma_wait3A_544 = arith.constant 0 : i32
    %dma_wait3A_545 = tpu.memref_slice %arg4[%dma_wait3A_533, %dma_wait3A_534, %dma_wait3A_535, %dma_wait3A_543, %dma_wait3A_544] : memref<50x4x128x8x128xf32, #tpu.memory_space<hbm>> -> memref<1x1x1x8x128xf32, #tpu.memory_space<hbm>>
    %dma_wait3A_546 = tpu.memref_squeeze %dma_wait3A_545 : memref<1x1x1x8x128xf32, #tpu.memory_space<hbm>> -> memref<8x128xf32, #tpu.memory_space<hbm>>
    %dma_wait3A_547 = arith.constant 0 : i32
    %dma_wait3A_548 = arith.constant 0 : i32
    %dma_wait3A_549 = tpu.memref_slice %arg13[%dma_wait3A_547, %dma_wait3A_548] : memref<32x129xf32, #tpu.memory_space<vmem>> -> memref<8x128xf32, #tpu.memory_space<vmem>>
    tpu.wait_dma2 semaphore(%arg21 : memref<!tpu.dma_semaphore, #tpu.memory_space<semaphore_mem>>) src(%dma_wait3A_549 : memref<8x128xf32, #tpu.memory_space<vmem>>) dst(%dma_wait3A_546 : memref<8x128xf32, #tpu.memory_space<hbm>>)
    %dma_wait3A_550 = arith.constant 0 : i32
    %dma_wait3A_551 = arith.constant 0 : i32
    %dma_wait3A_552 = arith.constant 0 : i32
    %dma_wait3A_553 = arith.constant 0 : i32
    %dma_wait3A_554 = arith.constant 0 : i32
    %dma_wait3A_555 = tpu.memref_slice %arg13[%dma_wait3A_553, %dma_wait3A_554] : memref<32x129xf32, #tpu.memory_space<vmem>> -> memref<8x128xf32, #tpu.memory_space<vmem>>
    %dma_wait3A_556 = arith.constant 0 : i32
    %dma_wait3A_557 = arith.constant 0 : i32
    %dma_wait3A_558 = tpu.memref_slice %arg4[%dma_wait3A_550, %dma_wait3A_551, %dma_wait3A_552, %dma_wait3A_556, %dma_wait3A_557] : memref<50x4x128x8x128xf32, #tpu.memory_space<hbm>> -> memref<1x1x1x8x128xf32, #tpu.memory_space<hbm>>
    %dma_wait3A_559 = tpu.memref_squeeze %dma_wait3A_558 : memref<1x1x1x8x128xf32, #tpu.memory_space<hbm>> -> memref<8x128xf32, #tpu.memory_space<hbm>>
    %dma_wait3A_560 = arith.constant 0 : i32
    %dma_wait3A_561 = arith.constant 0 : i32
    %dma_wait3A_562 = tpu.memref_slice %arg4[%dma_wait3A_550, %dma_wait3A_551, %dma_wait3A_552, %dma_wait3A_560, %dma_wait3A_561] : memref<50x4x128x8x128xf32, #tpu.memory_space<hbm>> -> memref<1x1x1x8x128xf32, #tpu.memory_space<hbm>>
    %dma_wait3A_563 = tpu.memref_squeeze %dma_wait3A_562 : memref<1x1x1x8x128xf32, #tpu.memory_space<hbm>> -> memref<8x128xf32, #tpu.memory_space<hbm>>
    %dma_wait3A_564 = arith.constant 0 : i32
    %dma_wait3A_565 = arith.constant 0 : i32
    %dma_wait3A_566 = tpu.memref_slice %arg13[%dma_wait3A_564, %dma_wait3A_565] : memref<32x129xf32, #tpu.memory_space<vmem>> -> memref<8x128xf32, #tpu.memory_space<vmem>>
    tpu.wait_dma2 semaphore(%arg21 : memref<!tpu.dma_semaphore, #tpu.memory_space<semaphore_mem>>) src(%dma_wait3A_566 : memref<8x128xf32, #tpu.memory_space<vmem>>) dst(%dma_wait3A_563 : memref<8x128xf32, #tpu.memory_space<hbm>>)
    %dma_wait3A_567 = arith.constant 0 : i32
    %dma_wait3A_568 = arith.constant 0 : i32
    %dma_wait3A_569 = arith.constant 0 : i32
    %dma_wait3A_570 = arith.constant 0 : i32
    %dma_wait3A_571 = arith.constant 0 : i32
    %dma_wait3A_572 = tpu.memref_slice %arg13[%dma_wait3A_570, %dma_wait3A_571] : memref<32x129xf32, #tpu.memory_space<vmem>> -> memref<8x128xf32, #tpu.memory_space<vmem>>
    %dma_wait3A_573 = arith.constant 0 : i32
    %dma_wait3A_574 = arith.constant 0 : i32
    %dma_wait3A_575 = tpu.memref_slice %arg4[%dma_wait3A_567, %dma_wait3A_568, %dma_wait3A_569, %dma_wait3A_573, %dma_wait3A_574] : memref<50x4x128x8x128xf32, #tpu.memory_space<hbm>> -> memref<1x1x1x8x128xf32, #tpu.memory_space<hbm>>
    %dma_wait3A_576 = tpu.memref_squeeze %dma_wait3A_575 : memref<1x1x1x8x128xf32, #tpu.memory_space<hbm>> -> memref<8x128xf32, #tpu.memory_space<hbm>>
    %dma_wait3A_577 = arith.constant 0 : i32
    %dma_wait3A_578 = arith.constant 0 : i32
    %dma_wait3A_579 = tpu.memref_slice %arg4[%dma_wait3A_567, %dma_wait3A_568, %dma_wait3A_569, %dma_wait3A_577, %dma_wait3A_578] : memref<50x4x128x8x128xf32, #tpu.memory_space<hbm>> -> memref<1x1x1x8x128xf32, #tpu.memory_space<hbm>>
    %dma_wait3A_580 = tpu.memref_squeeze %dma_wait3A_579 : memref<1x1x1x8x128xf32, #tpu.memory_space<hbm>> -> memref<8x128xf32, #tpu.memory_space<hbm>>
    %dma_wait3A_581 = arith.constant 0 : i32
    %dma_wait3A_582 = arith.constant 0 : i32
    %dma_wait3A_583 = tpu.memref_slice %arg13[%dma_wait3A_581, %dma_wait3A_582] : memref<32x129xf32, #tpu.memory_space<vmem>> -> memref<8x128xf32, #tpu.memory_space<vmem>>
    tpu.wait_dma2 semaphore(%arg21 : memref<!tpu.dma_semaphore, #tpu.memory_space<semaphore_mem>>) src(%dma_wait3A_583 : memref<8x128xf32, #tpu.memory_space<vmem>>) dst(%dma_wait3A_580 : memref<8x128xf32, #tpu.memory_space<hbm>>)
    %dma_wait3A_584 = arith.constant 0 : i32
    %dma_wait3A_585 = arith.constant 0 : i32
    %dma_wait3A_586 = arith.constant 0 : i32
    %dma_wait3A_587 = arith.constant 0 : i32
    %dma_wait3A_588 = arith.constant 0 : i32
    %dma_wait3A_589 = tpu.memref_slice %arg13[%dma_wait3A_587, %dma_wait3A_588] : memref<32x129xf32, #tpu.memory_space<vmem>> -> memref<8x128xf32, #tpu.memory_space<vmem>>
    %dma_wait3A_590 = arith.constant 0 : i32
    %dma_wait3A_591 = arith.constant 0 : i32
    %dma_wait3A_592 = tpu.memref_slice %arg4[%dma_wait3A_584, %dma_wait3A_585, %dma_wait3A_586, %dma_wait3A_590, %dma_wait3A_591] : memref<50x4x128x8x128xf32, #tpu.memory_space<hbm>> -> memref<1x1x1x8x128xf32, #tpu.memory_space<hbm>>
    %dma_wait3A_593 = tpu.memref_squeeze %dma_wait3A_592 : memref<1x1x1x8x128xf32, #tpu.memory_space<hbm>> -> memref<8x128xf32, #tpu.memory_space<hbm>>
    %dma_wait3A_594 = arith.constant 0 : i32
    %dma_wait3A_595 = arith.constant 0 : i32
    %dma_wait3A_596 = tpu.memref_slice %arg4[%dma_wait3A_584, %dma_wait3A_585, %dma_wait3A_586, %dma_wait3A_594, %dma_wait3A_595] : memref<50x4x128x8x128xf32, #tpu.memory_space<hbm>> -> memref<1x1x1x8x128xf32, #tpu.memory_space<hbm>>
    %dma_wait3A_597 = tpu.memref_squeeze %dma_wait3A_596 : memref<1x1x1x8x128xf32, #tpu.memory_space<hbm>> -> memref<8x128xf32, #tpu.memory_space<hbm>>
    %dma_wait3A_598 = arith.constant 0 : i32
    %dma_wait3A_599 = arith.constant 0 : i32
    %dma_wait3A_600 = tpu.memref_slice %arg13[%dma_wait3A_598, %dma_wait3A_599] : memref<32x129xf32, #tpu.memory_space<vmem>> -> memref<8x128xf32, #tpu.memory_space<vmem>>
    tpu.wait_dma2 semaphore(%arg21 : memref<!tpu.dma_semaphore, #tpu.memory_space<semaphore_mem>>) src(%dma_wait3A_600 : memref<8x128xf32, #tpu.memory_space<vmem>>) dst(%dma_wait3A_597 : memref<8x128xf32, #tpu.memory_space<hbm>>)
    %dma_wait3A_601 = arith.constant 0 : i32
    %dma_wait3A_602 = arith.constant 0 : i32
    %dma_wait3A_603 = arith.constant 0 : i32
    %dma_wait3A_604 = arith.constant 0 : i32
    %dma_wait3A_605 = arith.constant 0 : i32
    %dma_wait3A_606 = tpu.memref_slice %arg13[%dma_wait3A_604, %dma_wait3A_605] : memref<32x129xf32, #tpu.memory_space<vmem>> -> memref<8x128xf32, #tpu.memory_space<vmem>>
    %dma_wait3A_607 = arith.constant 0 : i32
    %dma_wait3A_608 = arith.constant 0 : i32
    %dma_wait3A_609 = tpu.memref_slice %arg4[%dma_wait3A_601, %dma_wait3A_602, %dma_wait3A_603, %dma_wait3A_607, %dma_wait3A_608] : memref<50x4x128x8x128xf32, #tpu.memory_space<hbm>> -> memref<1x1x1x8x128xf32, #tpu.memory_space<hbm>>
    %dma_wait3A_610 = tpu.memref_squeeze %dma_wait3A_609 : memref<1x1x1x8x128xf32, #tpu.memory_space<hbm>> -> memref<8x128xf32, #tpu.memory_space<hbm>>
    %dma_wait3A_611 = arith.constant 0 : i32
    %dma_wait3A_612 = arith.constant 0 : i32
    %dma_wait3A_613 = tpu.memref_slice %arg4[%dma_wait3A_601, %dma_wait3A_602, %dma_wait3A_603, %dma_wait3A_611, %dma_wait3A_612] : memref<50x4x128x8x128xf32, #tpu.memory_space<hbm>> -> memref<1x1x1x8x128xf32, #tpu.memory_space<hbm>>
    %dma_wait3A_614 = tpu.memref_squeeze %dma_wait3A_613 : memref<1x1x1x8x128xf32, #tpu.memory_space<hbm>> -> memref<8x128xf32, #tpu.memory_space<hbm>>
    %dma_wait3A_615 = arith.constant 0 : i32
    %dma_wait3A_616 = arith.constant 0 : i32
    %dma_wait3A_617 = tpu.memref_slice %arg13[%dma_wait3A_615, %dma_wait3A_616] : memref<32x129xf32, #tpu.memory_space<vmem>> -> memref<8x128xf32, #tpu.memory_space<vmem>>
    tpu.wait_dma2 semaphore(%arg21 : memref<!tpu.dma_semaphore, #tpu.memory_space<semaphore_mem>>) src(%dma_wait3A_617 : memref<8x128xf32, #tpu.memory_space<vmem>>) dst(%dma_wait3A_614 : memref<8x128xf32, #tpu.memory_space<hbm>>)
    %dma_wait3A_618 = arith.constant 0 : i32
    %dma_wait3A_619 = arith.constant 0 : i32
    %dma_wait3A_620 = arith.constant 0 : i32
    %dma_wait3A_621 = arith.constant 0 : i32
    %dma_wait3A_622 = arith.constant 0 : i32
    %dma_wait3A_623 = tpu.memref_slice %arg13[%dma_wait3A_621, %dma_wait3A_622] : memref<32x129xf32, #tpu.memory_space<vmem>> -> memref<8x128xf32, #tpu.memory_space<vmem>>
    %dma_wait3A_624 = arith.constant 0 : i32
    %dma_wait3A_625 = arith.constant 0 : i32
    %dma_wait3A_626 = tpu.memref_slice %arg4[%dma_wait3A_618, %dma_wait3A_619, %dma_wait3A_620, %dma_wait3A_624, %dma_wait3A_625] : memref<50x4x128x8x128xf32, #tpu.memory_space<hbm>> -> memref<1x1x1x8x128xf32, #tpu.memory_space<hbm>>
    %dma_wait3A_627 = tpu.memref_squeeze %dma_wait3A_626 : memref<1x1x1x8x128xf32, #tpu.memory_space<hbm>> -> memref<8x128xf32, #tpu.memory_space<hbm>>
    %dma_wait3A_628 = arith.constant 0 : i32
    %dma_wait3A_629 = arith.constant 0 : i32
    %dma_wait3A_630 = tpu.memref_slice %arg4[%dma_wait3A_618, %dma_wait3A_619, %dma_wait3A_620, %dma_wait3A_628, %dma_wait3A_629] : memref<50x4x128x8x128xf32, #tpu.memory_space<hbm>> -> memref<1x1x1x8x128xf32, #tpu.memory_space<hbm>>
    %dma_wait3A_631 = tpu.memref_squeeze %dma_wait3A_630 : memref<1x1x1x8x128xf32, #tpu.memory_space<hbm>> -> memref<8x128xf32, #tpu.memory_space<hbm>>
    %dma_wait3A_632 = arith.constant 0 : i32
    %dma_wait3A_633 = arith.constant 0 : i32
    %dma_wait3A_634 = tpu.memref_slice %arg13[%dma_wait3A_632, %dma_wait3A_633] : memref<32x129xf32, #tpu.memory_space<vmem>> -> memref<8x128xf32, #tpu.memory_space<vmem>>
    tpu.wait_dma2 semaphore(%arg21 : memref<!tpu.dma_semaphore, #tpu.memory_space<semaphore_mem>>) src(%dma_wait3A_634 : memref<8x128xf32, #tpu.memory_space<vmem>>) dst(%dma_wait3A_631 : memref<8x128xf32, #tpu.memory_space<hbm>>)
    %dma_wait3A_635 = arith.constant 0 : i32
    %dma_wait3A_636 = arith.constant 0 : i32
    %dma_wait3A_637 = arith.constant 0 : i32
    %dma_wait3A_638 = arith.constant 0 : i32
    %dma_wait3A_639 = arith.constant 0 : i32
    %dma_wait3A_640 = tpu.memref_slice %arg13[%dma_wait3A_638, %dma_wait3A_639] : memref<32x129xf32, #tpu.memory_space<vmem>> -> memref<8x128xf32, #tpu.memory_space<vmem>>
    %dma_wait3A_641 = arith.constant 0 : i32
    %dma_wait3A_642 = arith.constant 0 : i32
    %dma_wait3A_643 = tpu.memref_slice %arg4[%dma_wait3A_635, %dma_wait3A_636, %dma_wait3A_637, %dma_wait3A_641, %dma_wait3A_642] : memref<50x4x128x8x128xf32, #tpu.memory_space<hbm>> -> memref<1x1x1x8x128xf32, #tpu.memory_space<hbm>>
    %dma_wait3A_644 = tpu.memref_squeeze %dma_wait3A_643 : memref<1x1x1x8x128xf32, #tpu.memory_space<hbm>> -> memref<8x128xf32, #tpu.memory_space<hbm>>
    %dma_wait3A_645 = arith.constant 0 : i32
    %dma_wait3A_646 = arith.constant 0 : i32
    %dma_wait3A_647 = tpu.memref_slice %arg4[%dma_wait3A_635, %dma_wait3A_636, %dma_wait3A_637, %dma_wait3A_645, %dma_wait3A_646] : memref<50x4x128x8x128xf32, #tpu.memory_space<hbm>> -> memref<1x1x1x8x128xf32, #tpu.memory_space<hbm>>
    %dma_wait3A_648 = tpu.memref_squeeze %dma_wait3A_647 : memref<1x1x1x8x128xf32, #tpu.memory_space<hbm>> -> memref<8x128xf32, #tpu.memory_space<hbm>>
    %dma_wait3A_649 = arith.constant 0 : i32
    %dma_wait3A_650 = arith.constant 0 : i32
    %dma_wait3A_651 = tpu.memref_slice %arg13[%dma_wait3A_649, %dma_wait3A_650] : memref<32x129xf32, #tpu.memory_space<vmem>> -> memref<8x128xf32, #tpu.memory_space<vmem>>
    tpu.wait_dma2 semaphore(%arg21 : memref<!tpu.dma_semaphore, #tpu.memory_space<semaphore_mem>>) src(%dma_wait3A_651 : memref<8x128xf32, #tpu.memory_space<vmem>>) dst(%dma_wait3A_648 : memref<8x128xf32, #tpu.memory_space<hbm>>)
    %dma_wait3A_652 = arith.constant 0 : i32
    %dma_wait3A_653 = arith.constant 0 : i32
    %dma_wait3A_654 = arith.constant 0 : i32
    %dma_wait3A_655 = arith.constant 0 : i32
    %dma_wait3A_656 = arith.constant 0 : i32
    %dma_wait3A_657 = tpu.memref_slice %arg13[%dma_wait3A_655, %dma_wait3A_656] : memref<32x129xf32, #tpu.memory_space<vmem>> -> memref<8x128xf32, #tpu.memory_space<vmem>>
    %dma_wait3A_658 = arith.constant 0 : i32
    %dma_wait3A_659 = arith.constant 0 : i32
    %dma_wait3A_660 = tpu.memref_slice %arg4[%dma_wait3A_652, %dma_wait3A_653, %dma_wait3A_654, %dma_wait3A_658, %dma_wait3A_659] : memref<50x4x128x8x128xf32, #tpu.memory_space<hbm>> -> memref<1x1x1x8x128xf32, #tpu.memory_space<hbm>>
    %dma_wait3A_661 = tpu.memref_squeeze %dma_wait3A_660 : memref<1x1x1x8x128xf32, #tpu.memory_space<hbm>> -> memref<8x128xf32, #tpu.memory_space<hbm>>
    %dma_wait3A_662 = arith.constant 0 : i32
    %dma_wait3A_663 = arith.constant 0 : i32
    %dma_wait3A_664 = tpu.memref_slice %arg4[%dma_wait3A_652, %dma_wait3A_653, %dma_wait3A_654, %dma_wait3A_662, %dma_wait3A_663] : memref<50x4x128x8x128xf32, #tpu.memory_space<hbm>> -> memref<1x1x1x8x128xf32, #tpu.memory_space<hbm>>
    %dma_wait3A_665 = tpu.memref_squeeze %dma_wait3A_664 : memref<1x1x1x8x128xf32, #tpu.memory_space<hbm>> -> memref<8x128xf32, #tpu.memory_space<hbm>>
    %dma_wait3A_666 = arith.constant 0 : i32
    %dma_wait3A_667 = arith.constant 0 : i32
    %dma_wait3A_668 = tpu.memref_slice %arg13[%dma_wait3A_666, %dma_wait3A_667] : memref<32x129xf32, #tpu.memory_space<vmem>> -> memref<8x128xf32, #tpu.memory_space<vmem>>
    tpu.wait_dma2 semaphore(%arg21 : memref<!tpu.dma_semaphore, #tpu.memory_space<semaphore_mem>>) src(%dma_wait3A_668 : memref<8x128xf32, #tpu.memory_space<vmem>>) dst(%dma_wait3A_665 : memref<8x128xf32, #tpu.memory_space<hbm>>)
    %dma_wait3A_669 = arith.constant 0 : i32
    %dma_wait3A_670 = arith.constant 0 : i32
    %dma_wait3A_671 = arith.constant 0 : i32
    %dma_wait3A_672 = arith.constant 0 : i32
    %dma_wait3A_673 = arith.constant 0 : i32
    %dma_wait3A_674 = tpu.memref_slice %arg13[%dma_wait3A_672, %dma_wait3A_673] : memref<32x129xf32, #tpu.memory_space<vmem>> -> memref<8x128xf32, #tpu.memory_space<vmem>>
    %dma_wait3A_675 = arith.constant 0 : i32
    %dma_wait3A_676 = arith.constant 0 : i32
    %dma_wait3A_677 = tpu.memref_slice %arg4[%dma_wait3A_669, %dma_wait3A_670, %dma_wait3A_671, %dma_wait3A_675, %dma_wait3A_676] : memref<50x4x128x8x128xf32, #tpu.memory_space<hbm>> -> memref<1x1x1x8x128xf32, #tpu.memory_space<hbm>>
    %dma_wait3A_678 = tpu.memref_squeeze %dma_wait3A_677 : memref<1x1x1x8x128xf32, #tpu.memory_space<hbm>> -> memref<8x128xf32, #tpu.memory_space<hbm>>
    %dma_wait3A_679 = arith.constant 0 : i32
    %dma_wait3A_680 = arith.constant 0 : i32
    %dma_wait3A_681 = tpu.memref_slice %arg4[%dma_wait3A_669, %dma_wait3A_670, %dma_wait3A_671, %dma_wait3A_679, %dma_wait3A_680] : memref<50x4x128x8x128xf32, #tpu.memory_space<hbm>> -> memref<1x1x1x8x128xf32, #tpu.memory_space<hbm>>
    %dma_wait3A_682 = tpu.memref_squeeze %dma_wait3A_681 : memref<1x1x1x8x128xf32, #tpu.memory_space<hbm>> -> memref<8x128xf32, #tpu.memory_space<hbm>>
    %dma_wait3A_683 = arith.constant 0 : i32
    %dma_wait3A_684 = arith.constant 0 : i32
    %dma_wait3A_685 = tpu.memref_slice %arg13[%dma_wait3A_683, %dma_wait3A_684] : memref<32x129xf32, #tpu.memory_space<vmem>> -> memref<8x128xf32, #tpu.memory_space<vmem>>
    tpu.wait_dma2 semaphore(%arg21 : memref<!tpu.dma_semaphore, #tpu.memory_space<semaphore_mem>>) src(%dma_wait3A_685 : memref<8x128xf32, #tpu.memory_space<vmem>>) dst(%dma_wait3A_682 : memref<8x128xf32, #tpu.memory_space<hbm>>)
    %dma_wait3A_686 = arith.constant 0 : i32
    %dma_wait3A_687 = arith.constant 0 : i32
    %dma_wait3A_688 = arith.constant 0 : i32
    %dma_wait3A_689 = arith.constant 0 : i32
    %dma_wait3A_690 = arith.constant 0 : i32
    %dma_wait3A_691 = tpu.memref_slice %arg13[%dma_wait3A_689, %dma_wait3A_690] : memref<32x129xf32, #tpu.memory_space<vmem>> -> memref<8x128xf32, #tpu.memory_space<vmem>>
    %dma_wait3A_692 = arith.constant 0 : i32
    %dma_wait3A_693 = arith.constant 0 : i32
    %dma_wait3A_694 = tpu.memref_slice %arg4[%dma_wait3A_686, %dma_wait3A_687, %dma_wait3A_688, %dma_wait3A_692, %dma_wait3A_693] : memref<50x4x128x8x128xf32, #tpu.memory_space<hbm>> -> memref<1x1x1x8x128xf32, #tpu.memory_space<hbm>>
    %dma_wait3A_695 = tpu.memref_squeeze %dma_wait3A_694 : memref<1x1x1x8x128xf32, #tpu.memory_space<hbm>> -> memref<8x128xf32, #tpu.memory_space<hbm>>
    %dma_wait3A_696 = arith.constant 0 : i32
    %dma_wait3A_697 = arith.constant 0 : i32
    %dma_wait3A_698 = tpu.memref_slice %arg4[%dma_wait3A_686, %dma_wait3A_687, %dma_wait3A_688, %dma_wait3A_696, %dma_wait3A_697] : memref<50x4x128x8x128xf32, #tpu.memory_space<hbm>> -> memref<1x1x1x8x128xf32, #tpu.memory_space<hbm>>
    %dma_wait3A_699 = tpu.memref_squeeze %dma_wait3A_698 : memref<1x1x1x8x128xf32, #tpu.memory_space<hbm>> -> memref<8x128xf32, #tpu.memory_space<hbm>>
    %dma_wait3A_700 = arith.constant 0 : i32
    %dma_wait3A_701 = arith.constant 0 : i32
    %dma_wait3A_702 = tpu.memref_slice %arg13[%dma_wait3A_700, %dma_wait3A_701] : memref<32x129xf32, #tpu.memory_space<vmem>> -> memref<8x128xf32, #tpu.memory_space<vmem>>
    tpu.wait_dma2 semaphore(%arg21 : memref<!tpu.dma_semaphore, #tpu.memory_space<semaphore_mem>>) src(%dma_wait3A_702 : memref<8x128xf32, #tpu.memory_space<vmem>>) dst(%dma_wait3A_699 : memref<8x128xf32, #tpu.memory_space<hbm>>)
    %dma_wait3A_703 = arith.constant 0 : i32
    %dma_wait3A_704 = arith.constant 0 : i32
    %dma_wait3A_705 = arith.constant 0 : i32
    %dma_wait3A_706 = arith.constant 0 : i32
    %dma_wait3A_707 = arith.constant 0 : i32
    %dma_wait3A_708 = tpu.memref_slice %arg13[%dma_wait3A_706, %dma_wait3A_707] : memref<32x129xf32, #tpu.memory_space<vmem>> -> memref<8x128xf32, #tpu.memory_space<vmem>>
    %dma_wait3A_709 = arith.constant 0 : i32
    %dma_wait3A_710 = arith.constant 0 : i32
    %dma_wait3A_711 = tpu.memref_slice %arg4[%dma_wait3A_703, %dma_wait3A_704, %dma_wait3A_705, %dma_wait3A_709, %dma_wait3A_710] : memref<50x4x128x8x128xf32, #tpu.memory_space<hbm>> -> memref<1x1x1x8x128xf32, #tpu.memory_space<hbm>>
    %dma_wait3A_712 = tpu.memref_squeeze %dma_wait3A_711 : memref<1x1x1x8x128xf32, #tpu.memory_space<hbm>> -> memref<8x128xf32, #tpu.memory_space<hbm>>
    %dma_wait3A_713 = arith.constant 0 : i32
    %dma_wait3A_714 = arith.constant 0 : i32
    %dma_wait3A_715 = tpu.memref_slice %arg4[%dma_wait3A_703, %dma_wait3A_704, %dma_wait3A_705, %dma_wait3A_713, %dma_wait3A_714] : memref<50x4x128x8x128xf32, #tpu.memory_space<hbm>> -> memref<1x1x1x8x128xf32, #tpu.memory_space<hbm>>
    %dma_wait3A_716 = tpu.memref_squeeze %dma_wait3A_715 : memref<1x1x1x8x128xf32, #tpu.memory_space<hbm>> -> memref<8x128xf32, #tpu.memory_space<hbm>>
    %dma_wait3A_717 = arith.constant 0 : i32
    %dma_wait3A_718 = arith.constant 0 : i32
    %dma_wait3A_719 = tpu.memref_slice %arg13[%dma_wait3A_717, %dma_wait3A_718] : memref<32x129xf32, #tpu.memory_space<vmem>> -> memref<8x128xf32, #tpu.memory_space<vmem>>
    tpu.wait_dma2 semaphore(%arg21 : memref<!tpu.dma_semaphore, #tpu.memory_space<semaphore_mem>>) src(%dma_wait3A_719 : memref<8x128xf32, #tpu.memory_space<vmem>>) dst(%dma_wait3A_716 : memref<8x128xf32, #tpu.memory_space<hbm>>)
    %dma_wait3A_720 = arith.constant 0 : i32
    %dma_wait3A_721 = arith.constant 0 : i32
    %dma_wait3A_722 = arith.constant 0 : i32
    %dma_wait3A_723 = arith.constant 0 : i32
    %dma_wait3A_724 = arith.constant 0 : i32
    %dma_wait3A_725 = tpu.memref_slice %arg13[%dma_wait3A_723, %dma_wait3A_724] : memref<32x129xf32, #tpu.memory_space<vmem>> -> memref<8x128xf32, #tpu.memory_space<vmem>>
    %dma_wait3A_726 = arith.constant 0 : i32
    %dma_wait3A_727 = arith.constant 0 : i32
    %dma_wait3A_728 = tpu.memref_slice %arg4[%dma_wait3A_720, %dma_wait3A_721, %dma_wait3A_722, %dma_wait3A_726, %dma_wait3A_727] : memref<50x4x128x8x128xf32, #tpu.memory_space<hbm>> -> memref<1x1x1x8x128xf32, #tpu.memory_space<hbm>>
    %dma_wait3A_729 = tpu.memref_squeeze %dma_wait3A_728 : memref<1x1x1x8x128xf32, #tpu.memory_space<hbm>> -> memref<8x128xf32, #tpu.memory_space<hbm>>
    %dma_wait3A_730 = arith.constant 0 : i32
    %dma_wait3A_731 = arith.constant 0 : i32
    %dma_wait3A_732 = tpu.memref_slice %arg4[%dma_wait3A_720, %dma_wait3A_721, %dma_wait3A_722, %dma_wait3A_730, %dma_wait3A_731] : memref<50x4x128x8x128xf32, #tpu.memory_space<hbm>> -> memref<1x1x1x8x128xf32, #tpu.memory_space<hbm>>
    %dma_wait3A_733 = tpu.memref_squeeze %dma_wait3A_732 : memref<1x1x1x8x128xf32, #tpu.memory_space<hbm>> -> memref<8x128xf32, #tpu.memory_space<hbm>>
    %dma_wait3A_734 = arith.constant 0 : i32
    %dma_wait3A_735 = arith.constant 0 : i32
    %dma_wait3A_736 = tpu.memref_slice %arg13[%dma_wait3A_734, %dma_wait3A_735] : memref<32x129xf32, #tpu.memory_space<vmem>> -> memref<8x128xf32, #tpu.memory_space<vmem>>
    tpu.wait_dma2 semaphore(%arg21 : memref<!tpu.dma_semaphore, #tpu.memory_space<semaphore_mem>>) src(%dma_wait3A_736 : memref<8x128xf32, #tpu.memory_space<vmem>>) dst(%dma_wait3A_733 : memref<8x128xf32, #tpu.memory_space<hbm>>)
    %dma_wait3A_737 = arith.constant 0 : i32
    %dma_wait3A_738 = arith.constant 0 : i32
    %dma_wait3A_739 = arith.constant 0 : i32
    %dma_wait3A_740 = arith.constant 0 : i32
    %dma_wait3A_741 = arith.constant 0 : i32
    %dma_wait3A_742 = tpu.memref_slice %arg13[%dma_wait3A_740, %dma_wait3A_741] : memref<32x129xf32, #tpu.memory_space<vmem>> -> memref<8x128xf32, #tpu.memory_space<vmem>>
    %dma_wait3A_743 = arith.constant 0 : i32
    %dma_wait3A_744 = arith.constant 0 : i32
    %dma_wait3A_745 = tpu.memref_slice %arg4[%dma_wait3A_737, %dma_wait3A_738, %dma_wait3A_739, %dma_wait3A_743, %dma_wait3A_744] : memref<50x4x128x8x128xf32, #tpu.memory_space<hbm>> -> memref<1x1x1x8x128xf32, #tpu.memory_space<hbm>>
    %dma_wait3A_746 = tpu.memref_squeeze %dma_wait3A_745 : memref<1x1x1x8x128xf32, #tpu.memory_space<hbm>> -> memref<8x128xf32, #tpu.memory_space<hbm>>
    %dma_wait3A_747 = arith.constant 0 : i32
    %dma_wait3A_748 = arith.constant 0 : i32
    %dma_wait3A_749 = tpu.memref_slice %arg4[%dma_wait3A_737, %dma_wait3A_738, %dma_wait3A_739, %dma_wait3A_747, %dma_wait3A_748] : memref<50x4x128x8x128xf32, #tpu.memory_space<hbm>> -> memref<1x1x1x8x128xf32, #tpu.memory_space<hbm>>
    %dma_wait3A_750 = tpu.memref_squeeze %dma_wait3A_749 : memref<1x1x1x8x128xf32, #tpu.memory_space<hbm>> -> memref<8x128xf32, #tpu.memory_space<hbm>>
    %dma_wait3A_751 = arith.constant 0 : i32
    %dma_wait3A_752 = arith.constant 0 : i32
    %dma_wait3A_753 = tpu.memref_slice %arg13[%dma_wait3A_751, %dma_wait3A_752] : memref<32x129xf32, #tpu.memory_space<vmem>> -> memref<8x128xf32, #tpu.memory_space<vmem>>
    tpu.wait_dma2 semaphore(%arg21 : memref<!tpu.dma_semaphore, #tpu.memory_space<semaphore_mem>>) src(%dma_wait3A_753 : memref<8x128xf32, #tpu.memory_space<vmem>>) dst(%dma_wait3A_750 : memref<8x128xf32, #tpu.memory_space<hbm>>)
    %dma_wait3A_754 = arith.constant 0 : i32
    %dma_wait3A_755 = arith.constant 0 : i32
    %dma_wait3A_756 = arith.constant 0 : i32
    %dma_wait3A_757 = arith.constant 0 : i32
    %dma_wait3A_758 = arith.constant 0 : i32
    %dma_wait3A_759 = tpu.memref_slice %arg13[%dma_wait3A_757, %dma_wait3A_758] : memref<32x129xf32, #tpu.memory_space<vmem>> -> memref<8x128xf32, #tpu.memory_space<vmem>>
    %dma_wait3A_760 = arith.constant 0 : i32
    %dma_wait3A_761 = arith.constant 0 : i32
    %dma_wait3A_762 = tpu.memref_slice %arg4[%dma_wait3A_754, %dma_wait3A_755, %dma_wait3A_756, %dma_wait3A_760, %dma_wait3A_761] : memref<50x4x128x8x128xf32, #tpu.memory_space<hbm>> -> memref<1x1x1x8x128xf32, #tpu.memory_space<hbm>>
    %dma_wait3A_763 = tpu.memref_squeeze %dma_wait3A_762 : memref<1x1x1x8x128xf32, #tpu.memory_space<hbm>> -> memref<8x128xf32, #tpu.memory_space<hbm>>
    %dma_wait3A_764 = arith.constant 0 : i32
    %dma_wait3A_765 = arith.constant 0 : i32
    %dma_wait3A_766 = tpu.memref_slice %arg4[%dma_wait3A_754, %dma_wait3A_755, %dma_wait3A_756, %dma_wait3A_764, %dma_wait3A_765] : memref<50x4x128x8x128xf32, #tpu.memory_space<hbm>> -> memref<1x1x1x8x128xf32, #tpu.memory_space<hbm>>
    %dma_wait3A_767 = tpu.memref_squeeze %dma_wait3A_766 : memref<1x1x1x8x128xf32, #tpu.memory_space<hbm>> -> memref<8x128xf32, #tpu.memory_space<hbm>>
    %dma_wait3A_768 = arith.constant 0 : i32
    %dma_wait3A_769 = arith.constant 0 : i32
    %dma_wait3A_770 = tpu.memref_slice %arg13[%dma_wait3A_768, %dma_wait3A_769] : memref<32x129xf32, #tpu.memory_space<vmem>> -> memref<8x128xf32, #tpu.memory_space<vmem>>
    tpu.wait_dma2 semaphore(%arg21 : memref<!tpu.dma_semaphore, #tpu.memory_space<semaphore_mem>>) src(%dma_wait3A_770 : memref<8x128xf32, #tpu.memory_space<vmem>>) dst(%dma_wait3A_767 : memref<8x128xf32, #tpu.memory_space<hbm>>)
    return
  }
}

</mosaic_0001>

<sc_bundles>
// kernel: kernel.3.cloned.1.call-start
scs
__scs_entry_jumppad:
0x0: {  	(pc) =	sbr.rel $0x88, $3  }
0x1: {  	(tag) =	ssettag $0x0;
	lr =	simm.s32 $0x1  }
0x2: {  	[smem:$0x3F9F] =	sst lr;
	_ =	strace $0xD0000000  }
0x3: {  	_ = 	snop  }
0x4: {  	_ = 	snop  }
0x5: {  	_ = 	snop  }
0x6: {  	_ = 	snop  }
0x7: {  	_ = 	snop  }
__scs_overlays_trampoline_lowered:
0x8: {  	[smem:$0x3FAE] =	sst s0  }
0x9: {  	[smem:$0x3FAF] =	sst s1  }
0xa: {  	[smem:$0x3FB0] =	sst s2  }
0xb: {  	[smem:$0x3FB1] =	sst s3  }
0xc: {  	[smem:$0x3FB2] =	sst s4  }
0xd: {  	[smem:$0x3FB3] =	sst s5  }
0xe: {  	[smem:$0x3FB4] =	sst s6  }
0xf: {  	[smem:$0x3FB5] =	sst s7  }
0x10: {  	[smem:$0x3FB6] =	sst s8  }
0x11: {  	[smem:$0x3FB7] =	sst s9;
	s0 =	simm.s32 @!p0 $0x0  }
0x12: {  	s1 =	sld [smem:$0x3F9D];
	s0 =	simm.s32 @p0 $0x1  }
0x13: {  	[smem:$0x3FB8] =	sst s0;
	s0 =	simm.s32 @!p1 $0x0  }
0x14: {  	s2 =	sld [smem:$0x3F9C];
	s0 =	simm.s32 @p1 $0x1  }
0x15: {  	[smem:$0x3FB9] =	sst s0;
	s0 =	simm.s32 @!p2 $0x0  }
0x16: {  	s3 =	sld [smem:$0x3FDB];
	s0 =	simm.s32 @p2 $0x1  }
0x17: {  	s4 =	simm.s32 $0x1BF5;
	[smem:$0x3FBB] =	sst s0  }
0x18: {  	s0 =	sld [smem:$0x3F9E];
	_ =	swait.ge [sflag:s4], $0x0  }
0x19: {  	s7 =	sld [smem:$0x3F9F]  }
0x1a: {  	s8 =	sadd.s32 $0xFFFFE003, lr  }
0x1b: {  	s9 =	sadd.s32 $0xFFFFFEF7, lr;
	s5 =	simm.s32 $0xFFFFFFFF;
	p2 =	slt.u32 s8, $0xFFFFF086  }
0x1c: {  	p1 =	slt.u32 s9, $0xF7A;
	s5 =	simm.s32 @!p2 $0x0  }
0x1d: {  	s5 =	simm.s32 @p1 $0x1;
	p0 =	seq.s32 s7, s2  }
0x1e: {  	s7 =	smul.u32 @!p0 $0xF7A, s2;
	p2 =	seq.s32 @!p0 s5, $0x0  }
0x1f: {  	s9 =	smul.u32 $0xF7A, s1;
	s8 =	simm.s32 @!p0 $0x1BF5;
	p2 =	por !p2, p0  }
0x20: {  	[sflag:s8] =	ssyncset.s32 @!p0 $0xFFFFF086;
	s6 =	sadd.s32 @!p0 s3, s7;
	s7 =	simm.s32 @!p0 $0x108  }
0x21: {  	s3 =	sadd.s32 s3, s9;
	s6 =	sadd.s32 @!p0 $0x88, s6;
	s7 =	simm.s32 @p2 $0x1082  }
0x22: {  	[simem:s7], [sflag:s8] =	dma.local @!p0 [hbm:s6], $0xF7A  }
0x23: {  	s9 =	sor.u32 $0xD0000000, s2;
	s6 =	simm.s32 $0x108;
	_ =	swait.ge @!p0 [sflag:s8], $0x0  }
0x24: {  	s3 =	sadd.s32 $0x88, s3;
	s6 =	simm.s32 @!p1 $0x1082;
	[sflag:s4] =	ssyncset.s32 $0xFFFFF086  }
0x25: {  	[simem:s6], [sflag:s4] =	dma.local [hbm:s3], $0xF7A  }
0x26: {  	[smem:$0x3F9F] =	sst s1;
	(tag) =	ssettag s2;
	_ =	strace s9  }
0x27: {  	s1 =	sld [smem:$0x3FAF]  }
0x28: {  	s2 =	sld [smem:$0x3FB0]  }
0x29: {  	s4 =	sld [smem:$0x3FB2]  }
0x2a: {  	p0 =	seq.s32 s5, $0x0;
	s5 =	sld [smem:$0x3FB3]  }
0x2b: {  	s6 =	sld [smem:$0x3FB4]  }
0x2c: {  	s7 =	sld [smem:$0x3FB5]  }
0x2d: {  	s3 =	simm.s32 $0x108;
	s8 =	sld [smem:$0x3FB6]  }
0x2e: {  	s3 =	simm.s32 @!p0 $0x1082;
	s9 =	sld [smem:$0x3FB7]  }
0x2f: {  	lr =	sadd.s32 s0, s3;
	s0 =	sld [smem:$0x3FAE]  }
0x30: {  	s3 =	sld [smem:$0x3FB1]  }
0x31: {  	[smem:$0x3FBA] =	sst s10  }
0x32: {  	s10 =	sld [smem:$0x3FB8];
	_ =	sdelay $0x3  }
0x33: {  	p0 =	seq.s32 s10, $0x1;
	s10 =	sld [smem:$0x3FBA];
	_ =	sdelay $0x3  }
0x34: {  	[smem:$0x3FBA] =	sst s10  }
0x35: {  	s10 =	sld [smem:$0x3FB9];
	_ =	sdelay $0x3  }
0x36: {  	p1 =	seq.s32 s10, $0x1;
	s10 =	sld [smem:$0x3FBA];
	_ =	sdelay $0x3  }
0x37: {  	[smem:$0x3FBA] =	sst s10  }
0x38: {  	s10 =	sld [smem:$0x3FBB]  }
0x39: {  	_ = 	snop;
	(pc) =	sbr.ind lr, $3  }
0x3a: {  	_ = 	snop  }
0x3b: {  	_ = 	snop  }
0x3c: {  	p2 =	seq.s32 s10, $0x1;
	s10 =	sld [smem:$0x3FBA]  }
0x3d: {  	_ =	shalt  }
0x3e: {  	_ =	shalt  }
0x3f: {  	_ =	shalt  }
0x40: {  	_ =	shalt  }
0x41: {  	_ =	shalt  }
0x42: {  	_ =	shalt  }
0x43: {  	_ =	shalt  }
0x44: {  	_ =	shalt  }
0x45: {  	_ =	shalt  }
0x46: {  	_ =	shalt  }
0x47: {  	_ =	shalt  }
0x48: {  	_ =	shalt  }
0x49: {  	_ =	shalt  }
0x4a: {  	_ =	shalt  }
0x4b: {  	_ =	shalt  }
0x4c: {  	_ =	shalt  }
0x4d: {  	_ =	shalt  }
0x4e: {  	_ =	shalt  }
0x4f: {  	_ =	shalt  }
0x50: {  	_ =	shalt  }
0x51: {  	_ =	shalt  }
0x52: {  	_ =	shalt  }
0x53: {  	_ =	shalt  }
0x54: {  	_ =	shalt  }
0x55: {  	_ =	shalt  }
0x56: {  	_ =	shalt  }
0x57: {  	_ =	shalt  }
0x58: {  	_ =	shalt  }
0x59: {  	_ =	shalt  }
0x5a: {  	_ =	shalt  }
0x5b: {  	_ =	shalt  }
0x5c: {  	_ =	shalt  }
0x5d: {  	_ =	shalt  }
0x5e: {  	_ =	shalt  }
0x5f: {  	_ =	shalt  }
0x60: {  	_ =	shalt  }
0x61: {  	_ =	shalt  }
0x62: {  	_ =	shalt  }
0x63: {  	_ =	shalt  }
0x64: {  	_ =	shalt  }
0x65: {  	_ =	shalt  }
0x66: {  	_ =	shalt  }
0x67: {  	_ =	shalt  }
0x68: {  	_ =	shalt  }
0x69: {  	_ =	shalt  }
0x6a: {  	_ =	shalt  }
0x6b: {  	_ =	shalt  }
0x6c: {  	_ =	shalt  }
0x6d: {  	_ =	shalt  }
0x6e: {  	_ =	shalt  }
0x6f: {  	_ =	shalt  }
0x70: {  	_ =	shalt  }
0x71: {  	_ =	shalt  }
0x72: {  	_ =	shalt  }
0x73: {  	_ =	shalt  }
0x74: {  	_ =	shalt  }
0x75: {  	_ =	shalt  }
0x76: {  	_ =	shalt  }
0x77: {  	_ =	shalt  }
0x78: {  	_ =	shalt  }
0x79: {  	_ =	shalt  }
0x7a: {  	_ =	shalt  }
0x7b: {  	_ =	shalt  }
0x7c: {  	_ =	shalt  }
0x7d: {  	_ =	shalt  }
0x7e: {  	_ =	shalt  }
0x7f: {  	_ =	shalt  }
0x80: {  	_ =	shalt  }
0x81: {  	_ =	shalt  }
0x82: {  	_ =	shalt  }
0x83: {  	_ =	shalt  }
0x84: {  	_ =	shalt  }
0x85: {  	_ =	shalt  }
0x86: {  	_ =	shalt  }
0x87: {  	_ =	shalt  }
.Lfunc_end0:
.L_simem_size_0:
called_computation_lowered:
.L_overlay_start_0:
0x88: {  	s2 =	sld [smem:$0x3FD9]  }
0x89: {  	s3 =	sld [smem:$0x3FFE];
	_ =	sdelay $0x1  }
0x8a: {  	s1 =	srdreg.scid  }
0x8b: {  	s0 =	sand.u32 $0x1, s1  }
0x8c: {  	s17 =	sshll.u32 s0, $0xA;
	s2 =	sadd.s32 s3, s2  }
0x8d: {  	s2 =	sadd.s32 s2, s17  }
0x8e: {  	[smem:$0x3FC6] =	sst s2  }
0x8f: {  	_ = 	snop  }
0x90: {  	s2 =	sld [smem:$0x3FD0];
	(tm) =	ssettm $0x1  }
0x91: {  	s18 =	sld [smem:$0x3FFB];
	_ =	sdelay $0x3  }
0x92: {  	_ =	strace s18  }
0x93: {  	s3 =	sld [smem:$0x3FFC];
	_ =	sdelay $0x3  }
0x94: {  	_ =	strace s3  }
0x95: {  	s3 =	sld [smem:$0x3FFD];
	_ =	sdelay $0x3  }
0x96: {  	_ =	strace s3  }
0x97: {  	_ =	strace $0x8FFFFFFF  }
0x98: {  	s19 =	sld [smem:$0x3FDB];
	_ =	sdelay $0x1  }
0x99: {  	s4 =	simm.s32 $_scs_section_size  }
0x9a: {  	s5 =	simm.s32 $_size__tile_overlayer_lowered;
	s6 =	simm.s32 $_tile_overlayer_lowered  }
0x9b: {  	s22 =	simm.s32 $0x1BFF;
	s21 =	sshll.u32 s6, $0x1;
	s3 =	sadd.s32 s4, s19  }
0x9c: {  	s7 =	simm.s32 $0x0;
	s20 =	sshll.u32 s5, $0x1;
	s5 =	sadd.s32 s21, s3  }
0x9d: {  	[timem:s7], [sflag:s22] =	dma.local [hbm:s5], s20  }
0x9e: {  	_ =	swait.ge [sflag:s22], s20  }
0x9f: {  	s4 =	ssub.s32 $0x0, s20;
	[sflag:s22] =	ssyncset.done $0x0  }
0xa0: {  	[sflag:s22] =	ssyncadd.s32 s4;
	_ =	sdelay $0x1  }
0xa1: {  	s23 =	simm.s32 $0x1B8B  }
0xa2: {  	_ =	swait.ge [sflag:s23], $0x1  }
0xa3: {  	[sflag:s23] =	ssyncset.done $0x0  }
0xa4: {  	s25 =	simm.s32 $0x1B8E;
	s24 =	sld [smem:$0x3FFE];
	[sflag:s23] =	ssyncadd.s32 $0xFFFFFFFF  }
0xa5: {  	s26 =	simm.s32 $execute0_lowered;
	[smem:$0x3FD2] =	sst s25  }
0xa6: {  	s5 =	sshll.u32 s26, $0x1;
	_ =	strace $0x80000046;
	[dreg:$0x1] =	wrdreg $0xFFFFFFFF  }
0xa7: {  	s28 =	simm.s32 $_size_execute0_lowered;
	s3 =	sadd.s32 s3, s5;
	[dreg:$0x0] =	wrdreg $0x0  }
0xa8: {  	s5 =	sshll.u32 s28, $0x1;
	[dreg:$0x2] =	wrdreg s3  }
0xa9: {  	[dreg:$0x3] =	wrdreg s5  }
0xaa: {  	[dreg:$0x4] =	wrdreg $0xC0  }
0xab: {  	_ =	task [dreg:s7], $0x5FFFF  }
0xac: {  	[dreg:$0x1] =	wrdreg $0xFFFFFFFF  }
0xad: {  	[dreg:$0x0] =	wrdreg $0x60  }
0xae: {  	[dreg:$0x2] =	wrdreg s24  }
0xaf: {  	[dreg:$0x3] =	wrdreg s2  }
0xb0: {  	[dreg:$0x4] =	wrdreg $0x9  }
0xb1: {  	_ =	task.clear_ibuf [dreg:s7], $0x5FFFF;
	_ =	strace $0x90000046  }
0xb2: {  	s29 =	simm.s32 $0x9;
	_ =	strace $0x80000048  }
0xb3: {  	_ =	swait.ge [sflag:s29], $0x1  }
0xb4: {  	[sflag:s29] =	ssyncadd.s32 $0xFFFFFFFF  }
0xb5: {  	_ =	strace $0x90000048  }
0xb6: {  	_ =	sfence  }
0xb7: {  	s30 =	sld [smem:$0x0];
	_ =	sdelay $0x2  }
0xb8: {  	s31 =	sshll.u32 s1, $0xD;
	s1 =	sshrl.u32 s1, $0x2  }
0xb9: {  	s3 =	sand.u32 $0x4000, s31;
	s1 =	sadd.s32 s1, s30  }
0xba: {  	s0 =	sor.u32 s3, s0;
	s1 =	sshll.u32 s1, $0x11  }
0xbb: {  	s0 =	sor.u32 s1, s0  }
0xbc: {  	s0 =	sadd.s32 $0x8F2B, s0  }
0xbd: {  	[sflag:s0] =	ssyncadd.remote.s32 $0x1  }
0xbe: {  	_ =	sfence.sel $0xFFFF  }
0xbf: {  	[dreg:$0x0] =	wrdreg $0xFFFFFFFF;
	(pc) =	sbr.abs _section_cstart, $3  }
0xc0: {  	[dreg:$0x1] =	wrdreg $0xFFFFFFFF  }
0xc1: {  	_ =	task.clear_ibuf [dreg:s7], $0x2FFFF;
	_ =	strace $0x9FFFFFFF  }
0xc2: {  	(tm) =	ssettm $0x7FFFFFFF  }
0xc3: {  	_ =	shalt  }
tec
execute0_lowered:
.L_overlay_start_1:
0x0: {  	(tag) =	ssettag $0x1  }
0x1: {  	s0 =	srdreg.scid;
	s2 =	stileid.u32  }
0x2: {  	s1 =	rddreg [dreg:$0x0];
	s14 =	simm.s32 $0x10400;
	s15 =	simm.s32 $0x11500  }
0x3: {  	s16 =	simm.s32 $0x12600;
	s17 =	simm.s32 $0x13700;
	s18 =	simm.s32 $0x14800  }
0x4: {  	s21 =	simm.s32 $0x2;
	s22 =	simm.s32 $0x15900;
	s23 =	simm.s32 $0x16A00  }
0x5: {  	s24 =	simm.s32 $0x17B00;
	s25 =	simm.s32 $0x18C00;
	s26 =	simm.s32 $0x19D00  }
0x6: {  	s28 =	simm.s32 $0x1A608;
	s29 =	simm.s32 $0x3;
	s30 =	simm.s32 $0x4  }
0x7: {  	v0 =	vlaneseq.u32;
	s0 =	sand.u32 $0x1, s0;
	s3 =	sshll.u32 s2, $0x1;
	s2 =	rddreg [dreg:$0x1]  }
0x8: {  	v1 =	vimm.s32 $0x0;
	vm0 =	vcmask $0x300;
	v0 =	vmul.u32 $0x88, v0;
	s5 =	sor.u32 s0, s3;
	s3 =	simm.s32 $0x0;
	s0 =	ssub.s32 $0x2, s0  }
0x9: {  	v1 =	vsel vm0, $0x3, v1;
	s8 =	sadd.s32 $0x8000, s2;
	s9 =	sadd.s32 $0xC000, s2;
	s4 =	smul.u32 $0xC80, s5  }
0xa: {  	[smem:$0x7FF] =	sst s3;
	s7 =	sshrl.u32 s0, $0x1;
	s5 =	smul.u32 $0xC8, s5;
	v2 =	vadd.s32 $0x880, v0;
	v3 =	vor.u32 $0x1, v0;
	v4 =	vadd.s32 $0x881, v0  }
0xb: {  	v5 =	vor.u32 $0x2, v0;
	v6 =	vadd.s32 $0x882, v0;
	v7 =	vor.u32 $0x3, v0;
	_ =	strace $0x80000047;
	s0 =	ssub.s32 s0, s7;
	s7 =	sadd.s32 $0x4000, s2  }
0xc: {  	v8 =	vadd.s32 $0x883, v0;
	v9 =	vor.u32 $0x4, v0;
	v10 =	vadd.s32 $0x884, v0;
	s6 =	sadd.s32 s4, s1;
	s4 =	sadd.s32 $0x19400, s1;
	s0 =	smax.u32 s0, $0x1  }
0xd: {  	v11 =	vor.u32 $0x5, v0;
	v12 =	vadd.s32 $0x885, v0;
	v13 =	vor.u32 $0x6, v0;
	s10 =	sor.u32 $0x5, s5;
	s31 =	sadd.s32 $0x400, s6;
	[dreg:$0x4] =	wrdreg s0  }
0xe: {  	v14 =	vadd.s32 $0x886, v0;
	v15 =	vor.u32 $0x7, v0;
	v16 =	vadd.s32 $0x887, v0;
	s0 =	simm.s32 $0x1;
	s6 =	simm.s32 $0x0;
	[dreg:$0x3] =	wrdreg s31  }
.LBB2_1:
0xf: {  	[dreg:$0x5] =	wrdreg s6  }
0x10: {  	s1 =	rddreg [dreg:$0x3];
	s6 =	simm.s32 $0x5  }
0x11: {  	[tilespmem:s3], [sflag:$0x5] =	stream.linear.gather [hbm4b:s1+s3], $0x6400, $0x38;
	[tilespmem:$0x1AE00] =	vst v63  }
0x12: {  	_ =	swait.ge [sflag:s6], $0x6400  }
0x13: {  	[sflag:s6] =	ssyncset.done $0x0  }
0x14: {  	s11 =	simm.s32 $0x6400;
	s1 =	simm.s32 $0x80;
	[sflag:s6] =	ssyncadd.s32 $0xFFFF9C00  }
0x15: {  	[tilespmem:s11], [sflag:$0x1] =	stream.indirect.gather [hbm4b:s4+s1], $0x20, s3, s1, $0xb8;
	[tilespmem:$0x1AE00] =	vst v63  }
0x16: {  	s12 =	simm.s32 $0x7400  }
0x17: {  	[tilespmem:s12], [sflag:$0x1] =	stream.indirect.gather [hbm4b:s4+s1], $0x20, s1, s1, $0xb8;
	[tilespmem:$0x1AE00] =	vst v63  }
0x18: {  	s13 =	simm.s32 $0x100;
	s11 =	simm.s32 $0x8400  }
0x19: {  	[tilespmem:s11], [sflag:$0x1] =	stream.indirect.gather [hbm4b:s4+s1], $0x20, s13, s1, $0xb8;
	[tilespmem:$0x1AE00] =	vst v63  }
0x1a: {  	s19 =	simm.s32 $0x180;
	s20 =	simm.s32 $0x9400  }
0x1b: {  	[tilespmem:s20], [sflag:$0x1] =	stream.indirect.gather [hbm4b:s4+s1], $0x20, s19, s1, $0xb8;
	[tilespmem:$0x1AE00] =	vst v63  }
0x1c: {  	s12 =	simm.s32 $0x200;
	s13 =	simm.s32 $0xA400  }
0x1d: {  	[tilespmem:s13], [sflag:$0x1] =	stream.indirect.gather [hbm4b:s4+s1], $0x20, s12, s1, $0xb8;
	[tilespmem:$0x1AE00] =	vst v63  }
0x1e: {  	s19 =	simm.s32 $0x280;
	s20 =	simm.s32 $0xB400  }
0x1f: {  	[tilespmem:s20], [sflag:$0x2] =	stream.indirect.gather [hbm4b:s4+s1], $0x20, s19, s1, $0xb8;
	[tilespmem:$0x1AE00] =	vst v63  }
0x20: {  	s12 =	simm.s32 $0x300;
	s13 =	simm.s32 $0xC400  }
0x21: {  	[tilespmem:s13], [sflag:$0x2] =	stream.indirect.gather [hbm4b:s4+s1], $0x20, s12, s1, $0xb8;
	[tilespmem:$0x1AE00] =	vst v63  }
0x22: {  	s19 =	simm.s32 $0x380;
	s20 =	simm.s32 $0xD400  }
0x23: {  	[tilespmem:s20], [sflag:$0x2] =	stream.indirect.gather [hbm4b:s4+s1], $0x20, s19, s1, $0xb8;
	[tilespmem:$0x1AE00] =	vst v63  }
0x24: {  	s12 =	simm.s32 $0x400;
	s13 =	simm.s32 $0xE400  }
0x25: {  	[tilespmem:s13], [sflag:$0x2] =	stream.indirect.gather [hbm4b:s4+s1], $0x20, s12, s1, $0xb8;
	[tilespmem:$0x1AE00] =	vst v63  }
0x26: {  	s31 =	simm.s32 $0x0;
	s19 =	simm.s32 $0x480;
	s20 =	simm.s32 $0xF400  }
0x27: {  	[tilespmem:s20], [sflag:$0x2] =	stream.indirect.gather [hbm4b:s4+s1], $0x20, s19, s1, $0xb8;
	[tilespmem:$0x1AE00] =	vst v63  }
.LBB2_2:
0x28: {  	_ =	swait.ge [sflag:s0], $0x5000  }
0x29: {  	p0 =	seq.s32 s31, $0x0;
	[sflag:s0] =	ssyncset.done $0x0  }
0x2a: {  	s1 =	simm.s32 @!p0 $0x3;
	[sflag:s0] =	ssyncadd.s32 $0xFFFFB000  }
0x2b: {  	_ =	swait.ge @!p0 [sflag:s1], $0x400  }
0x2c: {  	[sflag:s1] =	ssyncset.done @!p0 $0x0  }
0x2d: {  	[sflag:s1] =	ssyncadd.s32 @!p0 $0xFFFFFC00  }
0x2e: {  	_ =	swait.ge @!p0 [sflag:s1], $0x400  }
0x2f: {  	[sflag:s1] =	ssyncset.done @!p0 $0x0  }
0x30: {  	[sflag:s1] =	ssyncadd.s32 @!p0 $0xFFFFFC00  }
0x31: {  	_ =	swait.ge @!p0 [sflag:s1], $0x400  }
0x32: {  	[sflag:s1] =	ssyncset.done @!p0 $0x0  }
0x33: {  	[sflag:s1] =	ssyncadd.s32 @!p0 $0xFFFFFC00  }
0x34: {  	_ =	swait.ge @!p0 [sflag:s1], $0x400  }
0x35: {  	[sflag:s1] =	ssyncset.done @!p0 $0x0  }
0x36: {  	[sflag:s1] =	ssyncadd.s32 @!p0 $0xFFFFFC00  }
0x37: {  	_ =	swait.ge @!p0 [sflag:s1], $0x400  }
0x38: {  	[sflag:s1] =	ssyncset.done @!p0 $0x0  }
0x39: {  	[sflag:s1] =	ssyncadd.s32 @!p0 $0xFFFFFC00  }
0x3a: {  	_ =	swait.ge @!p0 [sflag:s1], $0x400  }
0x3b: {  	[sflag:s1] =	ssyncset.done @!p0 $0x0  }
0x3c: {  	[sflag:s1] =	ssyncadd.s32 @!p0 $0xFFFFFC00  }
0x3d: {  	_ =	swait.ge @!p0 [sflag:s1], $0x400  }
0x3e: {  	[sflag:s1] =	ssyncset.done @!p0 $0x0  }
0x3f: {  	[sflag:s1] =	ssyncadd.s32 @!p0 $0xFFFFFC00  }
0x40: {  	_ =	swait.ge @!p0 [sflag:s1], $0x400  }
0x41: {  	[sflag:s1] =	ssyncset.done @!p0 $0x0  }
0x42: {  	[sflag:s1] =	ssyncadd.s32 @!p0 $0xFFFFFC00  }
0x43: {  	_ =	swait.ge @!p0 [sflag:s1], $0x400  }
0x44: {  	[sflag:s1] =	ssyncset.done @!p0 $0x0  }
0x45: {  	[sflag:s1] =	ssyncadd.s32 @!p0 $0xFFFFFC00  }
0x46: {  	_ =	swait.ge @!p0 [sflag:s1], $0x400  }
0x47: {  	[sflag:s1] =	ssyncset.done @!p0 $0x0  }
0x48: {  	[sflag:s1] =	ssyncadd.s32 @!p0 $0xFFFFFC00  }
0x49: {  	_ =	swait.ge @!p0 [sflag:s1], $0x400  }
0x4a: {  	[sflag:s1] =	ssyncset.done @!p0 $0x0  }
0x4b: {  	[sflag:s1] =	ssyncadd.s32 @!p0 $0xFFFFFC00  }
0x4c: {  	_ =	swait.ge @!p0 [sflag:s1], $0x400  }
0x4d: {  	[sflag:s1] =	ssyncset.done @!p0 $0x0  }
0x4e: {  	[sflag:s1] =	ssyncadd.s32 @!p0 $0xFFFFFC00  }
0x4f: {  	_ =	swait.ge @!p0 [sflag:s1], $0x400  }
0x50: {  	[sflag:s1] =	ssyncset.done @!p0 $0x0  }
0x51: {  	[sflag:s1] =	ssyncadd.s32 @!p0 $0xFFFFFC00  }
0x52: {  	_ =	swait.ge @!p0 [sflag:s1], $0x400  }
0x53: {  	[sflag:s1] =	ssyncset.done @!p0 $0x0  }
0x54: {  	[sflag:s1] =	ssyncadd.s32 @!p0 $0xFFFFFC00  }
0x55: {  	_ =	swait.ge @!p0 [sflag:s1], $0x400  }
0x56: {  	[sflag:s1] =	ssyncset.done @!p0 $0x0  }
0x57: {  	[sflag:s1] =	ssyncadd.s32 @!p0 $0xFFFFFC00  }
0x58: {  	_ =	swait.ge @!p0 [sflag:s1], $0x400  }
0x59: {  	[sflag:s1] =	ssyncset.done @!p0 $0x0  }
0x5a: {  	[sflag:s1] =	ssyncadd.s32 @!p0 $0xFFFFFC00  }
0x5b: {  	_ =	swait.ge @!p0 [sflag:s1], $0x400  }
0x5c: {  	[sflag:s1] =	ssyncset.done @!p0 $0x0  }
0x5d: {  	[sflag:s1] =	ssyncadd.s32 @!p0 $0xFFFFFC00  }
0x5e: {  	_ =	swait.ge @!p0 [sflag:s1], $0x400  }
0x5f: {  	[sflag:s1] =	ssyncset.done @!p0 $0x0  }
0x60: {  	[sflag:s1] =	ssyncadd.s32 @!p0 $0xFFFFFC00  }
0x61: {  	s6 =	simm.s32 $0x7;
	s13 =	simm.s32 $0x0;
	_ =	swait.ge @!p0 [sflag:s1], $0x400  }
0x62: {  	v17 =	vmov s6;
	v18 =	vmov s13;
	[sflag:s1] =	ssyncset.done @!p0 $0x0  }
0x63: {  	s19 =	simm.s32 $0x1;
	v17 =	vshrl.u32 v17, $0x3;
	v18 =	vshrl.u32 v18, $0x3;
	[sflag:s1] =	ssyncadd.s32 @!p0 $0xFFFFFC00  }
0x64: {  	v19 =	vmov s19;
	v17 =	vshll.u32 v17, v1;
	v18 =	vshll.u32 v18, v1;
	_ =	swait.ge @!p0 [sflag:s1], $0x400  }
0x65: {  	v17 =	vbroadcast v17, $0x0;
	v20 =	vbroadcast v18, $0x0;
	v18 =	vshrl.u32 v19, $0x3;
	[sflag:s1] =	ssyncset.done @!p0 $0x0  }
0x66: {  	s20 =	simm.s32 $0x2;
	v21 =	vshll.u32 v18, v1;
	[sflag:s1] =	ssyncadd.s32 @!p0 $0xFFFFFC00;
	s1 =	simm.s32 $0x6400  }
0x67: {  	v22 =	vmov s20;
	v31 =	vadd.s32 v15, v17;
	v21 =	vbroadcast v21, $0x0;
	v19 =	vld [tilespmem:s1+$0xE0]  }
0x68: {  	v22 =	vshrl.u32 v22, $0x3;
	v32 =	vadd.s32 v16, v17;
	v18 =	vadd.s32 v0, v20;
	v26 =	vld [tilespmem:s1+$0x0]  }
0x69: {  	v17 =	vadd.s32 v2, v20;
	v20 =	vshll.u32 v22, v1;
	v22 =	vadd.s32 v3, v21;
	v28 =	vld [tilespmem:s1+$0x20]  }
0x6a: {  	v25 =	vld [tilespmem:s1+$0xF0]  }
0x6b: {  	v27 =	vld [tilespmem:s1+$0x10]  }
0x6c: {  	v23 =	vadd.s32 v4, v21;
	v29 =	vld [tilespmem:s1+$0x30];
	[tilespmem:v31+s14+$0x0] =	vst.idx.msk $0xffff, v19  }
0x6d: {  	v20 =	vbroadcast v20, $0x0;
	v33 =	vld [tilespmem:s1+$0x50];
	[tilespmem:v18+s14+$0x0] =	vst.idx.msk $0xffff, v26  }
0x6e: {  	v34 =	vld [tilespmem:s1+$0x60];
	[tilespmem:v22+s14+$0x0] =	vst.idx.msk $0xffff, v28  }
0x6f: {  	s11 =	simm.s32 $0x3;
	s12 =	simm.s32 $0x4;
	v24 =	vadd.s32 v5, v20;
	v19 =	vld [tilespmem:s1+$0x40];
	[tilespmem:v32+s14+$0x0] =	vst.idx.msk $0xffff, v25  }
0x70: {  	v21 =	vmov s11;
	v25 =	vmov s12;
	[tilespmem:v17+s14+$0x0] =	vst.idx.msk $0xffff, v27;
	v26 =	vld [tilespmem:s1+$0x10E0]  }
0x71: {  	v21 =	vshrl.u32 v21, $0x3;
	v35 =	vld [tilespmem:s1+$0x80];
	[tilespmem:v23+s14+$0x0] =	vst.idx.msk $0xffff, v29;
	v27 =	vshrl.u32 v25, $0x3;
	v25 =	vadd.s32 v6, v20  }
0x72: {  	v21 =	vshll.u32 v21, v1;
	v47 =	vld [tilespmem:s1+$0x1020]  }
0x73: {  	v21 =	vbroadcast v21, $0x0;
	v60 =	vld [tilespmem:s1+$0x1000]  }
0x74: {  	v30 =	vld [tilespmem:s1+$0x10F0];
	[tilespmem:v24+s14+$0x0] =	vst.idx.msk $0xffff, v19  }
0x75: {  	v36 =	vld [tilespmem:s1+$0x90];
	v20 =	vshll.u32 v27, v1;
	v27 =	vadd.s32 v7, v21;
	[tilespmem:v31+s15+$0x0] =	vst.idx.msk $0xffff, v26  }
0x76: {  	v49 =	vld [tilespmem:s1+$0x1030];
	[tilespmem:v25+s14+$0x0] =	vst.idx.msk $0xffff, v33  }
0x77: {  	v61 =	vld [tilespmem:s1+$0x1010];
	v20 =	vbroadcast v20, $0x0;
	[tilespmem:v22+s15+$0x0] =	vst.idx.msk $0xffff, v47  }
0x78: {  	v29 =	vadd.s32 v8, v21;
	v19 =	vld [tilespmem:s1+$0x70];
	[tilespmem:v18+s15+$0x0] =	vst.idx.msk $0xffff, v60  }
0x79: {  	v37 =	vld [tilespmem:s1+$0xA0];
	v28 =	vadd.s32 v9, v20;
	[tilespmem:v32+s15+$0x0] =	vst.idx.msk $0xffff, v30  }
0x7a: {  	s13 =	simm.s32 $0x5;
	v45 =	vld [tilespmem:s1+$0xB0];
	v26 =	vadd.s32 v10, v20;
	[tilespmem:v27+s14+$0x0] =	vst.idx.msk $0xffff, v34  }
0x7b: {  	v21 =	vmov s13;
	[tilespmem:v23+s15+$0x0] =	vst.idx.msk $0xffff, v49;
	v43 =	vld [tilespmem:s1+$0x20E0]  }
0x7c: {  	v21 =	vshrl.u32 v21, $0x3;
	[tilespmem:v17+s15+$0x0] =	vst.idx.msk $0xffff, v61;
	v44 =	vld [tilespmem:s1+$0x20F0]  }
0x7d: {  	v20 =	vshll.u32 v21, v1;
	v50 =	vld [tilespmem:s1+$0x1040];
	[tilespmem:v29+s14+$0x0] =	vst.idx.msk $0xffff, v19  }
0x7e: {  	v20 =	vbroadcast v20, $0x0;
	v51 =	vld [tilespmem:s1+$0x1050];
	[tilespmem:v28+s14+$0x0] =	vst.idx.msk $0xffff, v35  }
0x7f: {  	v62 =	vld [tilespmem:s1+$0x2020];
	[tilespmem:v26+s14+$0x0] =	vst.idx.msk $0xffff, v36  }
0x80: {  	s19 =	simm.s32 $0x6;
	v46 =	vld [tilespmem:s1+$0xC0];
	v30 =	vadd.s32 v11, v20;
	[tilespmem:v31+s16+$0x0] =	vst.idx.msk $0xffff, v43  }
0x81: {  	v21 =	vmov s19;
	v63 =	vld [tilespmem:s1+$0x2030];
	[tilespmem:v32+s16+$0x0] =	vst.idx.msk $0xffff, v44  }
0x82: {  	v21 =	vshrl.u32 v21, $0x3;
	[tilespmem:v24+s15+$0x0] =	vst.idx.msk $0xffff, v50;
	v34 =	vld [tilespmem:s1+$0x30E0]  }
0x83: {  	v21 =	vshll.u32 v21, v1;
	[tilespmem:v25+s15+$0x0] =	vst.idx.msk $0xffff, v51;
	v48 =	vld [tilespmem:s1+$0x30F0]  }
0x84: {  	v38 =	vld [tilespmem:s1+$0xD0];
	v19 =	vbroadcast v21, $0x0;
	v21 =	vadd.s32 v12, v20;
	[tilespmem:v22+s16+$0x0] =	vst.idx.msk $0xffff, v62  }
0x85: {  	v52 =	vld [tilespmem:s1+$0x1060];
	[tilespmem:v30+s14+$0x0] =	vst.idx.msk $0xffff, v37  }
0x86: {  	v53 =	vld [tilespmem:s1+$0x1070];
	v20 =	vadd.s32 v13, v19;
	[tilespmem:v23+s16+$0x0] =	vst.idx.msk $0xffff, v63  }
0x87: {  	v55 =	vld [tilespmem:s1+$0x1080];
	[tilespmem:v31+s17+$0x0] =	vst.idx.msk $0xffff, v34  }
0x88: {  	v19 =	vadd.s32 v14, v19;
	v56 =	vld [tilespmem:s1+$0x1090];
	[tilespmem:v32+s17+$0x0] =	vst.idx.msk $0xffff, v48  }
0x89: {  	[tilespmem:v21+s14+$0x0] =	vst.idx.msk $0xffff, v45;
	v35 =	vld [tilespmem:s1+$0x40E0]  }
0x8a: {  	[tilespmem:v27+s15+$0x0] =	vst.idx.msk $0xffff, v52;
	v49 =	vld [tilespmem:s1+$0x3030]  }
0x8b: {  	[tilespmem:v20+s14+$0x0] =	vst.idx.msk $0xffff, v46;
	v57 =	vld [tilespmem:s1+$0x10A0]  }
0x8c: {  	[tilespmem:v29+s15+$0x0] =	vst.idx.msk $0xffff, v53;
	v58 =	vld [tilespmem:s1+$0x10B0]  }
0x8d: {  	[tilespmem:v19+s14+$0x0] =	vst.idx.msk $0xffff, v38;
	v54 =	vld [tilespmem:s1+$0x40F0]  }
0x8e: {  	[tilespmem:v31+s18+$0x0] =	vst.idx.msk $0xffff, v35;
	v31 =	vld [tilespmem:s1+$0x10C0]  }
0x8f: {  	[tilespmem:v28+s15+$0x0] =	vst.idx.msk $0xffff, v55;
	v40 =	vld [tilespmem:s1+$0x2060]  }
0x90: {  	v41 =	vld [tilespmem:s1+$0x2070];
	[tilespmem:v26+s15+$0x0] =	vst.idx.msk $0xffff, v56  }
0x91: {  	[tilespmem:v30+s15+$0x0] =	vst.idx.msk $0xffff, v57;
	v48 =	vld [tilespmem:s1+$0x3020]  }
0x92: {  	v59 =	vld [tilespmem:s1+$0x10D0];
	[tilespmem:v21+s15+$0x0] =	vst.idx.msk $0xffff, v58  }
0x93: {  	[tilespmem:v20+s15+$0x0] =	vst.idx.msk $0xffff, v31;
	v31 =	vld [tilespmem:s1+$0x2040]  }
0x94: {  	[tilespmem:v27+s16+$0x0] =	vst.idx.msk $0xffff, v40  }
0x95: {  	v39 =	vld [tilespmem:s1+$0x2050];
	[tilespmem:v29+s16+$0x0] =	vst.idx.msk $0xffff, v41  }
0x96: {  	v43 =	vld [tilespmem:s1+$0x20A0];
	[tilespmem:v22+s17+$0x0] =	vst.idx.msk $0xffff, v48  }
0x97: {  	v42 =	vld [tilespmem:s1+$0x2080];
	[tilespmem:v23+s17+$0x0] =	vst.idx.msk $0xffff, v49  }
0x98: {  	[tilespmem:v24+s16+$0x0] =	vst.idx.msk $0xffff, v31;
	v31 =	vld [tilespmem:s1+$0x2090]  }
0x99: {  	v44 =	vld [tilespmem:s1+$0x20B0];
	[tilespmem:v19+s15+$0x0] =	vst.idx.msk $0xffff, v59  }
0x9a: {  	[tilespmem:v32+s18+$0x0] =	vst.idx.msk $0xffff, v54;
	v45 =	vld [tilespmem:s1+$0x20C0]  }
0x9b: {  	[tilespmem:v30+s16+$0x0] =	vst.idx.msk $0xffff, v43;
	v46 =	vld [tilespmem:s1+$0x20D0]  }
0x9c: {  	v47 =	vld [tilespmem:s1+$0x2000];
	[tilespmem:v28+s16+$0x0] =	vst.idx.msk $0xffff, v42  }
0x9d: {  	[tilespmem:v26+s16+$0x0] =	vst.idx.msk $0xffff, v31;
	v31 =	vld [tilespmem:s1+$0x2010]  }
0x9e: {  	v52 =	vld [tilespmem:s1+$0x3070];
	[tilespmem:v25+s16+$0x0] =	vst.idx.msk $0xffff, v39  }
0x9f: {  	[tilespmem:v20+s16+$0x0] =	vst.idx.msk $0xffff, v45;
	v50 =	vld [tilespmem:s1+$0x3040]  }
0xa0: {  	v51 =	vld [tilespmem:s1+$0x3050];
	[tilespmem:v19+s16+$0x0] =	vst.idx.msk $0xffff, v46  }
0xa1: {  	v56 =	vld [tilespmem:s1+$0x30C0];
	[tilespmem:v18+s16+$0x0] =	vst.idx.msk $0xffff, v47  }
0xa2: {  	[tilespmem:v17+s16+$0x0] =	vst.idx.msk $0xffff, v31;
	v31 =	vld [tilespmem:s1+$0x3060]  }
0xa3: {  	[tilespmem:v21+s16+$0x0] =	vst.idx.msk $0xffff, v44;
	v57 =	vld [tilespmem:s1+$0x30D0]  }
0xa4: {  	v53 =	vld [tilespmem:s1+$0x3080];
	[tilespmem:v24+s17+$0x0] =	vst.idx.msk $0xffff, v50  }
0xa5: {  	v54 =	vld [tilespmem:s1+$0x3090];
	[tilespmem:v25+s17+$0x0] =	vst.idx.msk $0xffff, v51  }
0xa6: {  	v55 =	vld [tilespmem:s1+$0x30A0];
	[tilespmem:v20+s17+$0x0] =	vst.idx.msk $0xffff, v56  }
0xa7: {  	[tilespmem:v27+s17+$0x0] =	vst.idx.msk $0xffff, v31;
	v31 =	vld [tilespmem:s1+$0x30B0]  }
0xa8: {  	v60 =	vld [tilespmem:s1+$0x4040];
	[tilespmem:v19+s17+$0x0] =	vst.idx.msk $0xffff, v57  }
0xa9: {  	[tilespmem:v28+s17+$0x0] =	vst.idx.msk $0xffff, v53  }
0xaa: {  	v61 =	vld [tilespmem:s1+$0x4050];
	[tilespmem:v26+s17+$0x0] =	vst.idx.msk $0xffff, v54  }
0xab: {  	v59 =	vld [tilespmem:s1+$0x4020];
	[tilespmem:v30+s17+$0x0] =	vst.idx.msk $0xffff, v55  }
0xac: {  	[tilespmem:v21+s17+$0x0] =	vst.idx.msk $0xffff, v31;
	v31 =	vld [tilespmem:s1+$0x4030]  }
0xad: {  	v36 =	vld [tilespmem:s1+$0x3000];
	[tilespmem:v24+s18+$0x0] =	vst.idx.msk $0xffff, v60  }
0xae: {  	v58 =	vld [tilespmem:s1+$0x3010];
	[tilespmem:v29+s17+$0x0] =	vst.idx.msk $0xffff, v52  }
0xaf: {  	[tilespmem:v25+s18+$0x0] =	vst.idx.msk $0xffff, v61;
	v62 =	vld [tilespmem:s1+$0x4060]  }
0xb0: {  	[tilespmem:v22+s18+$0x0] =	vst.idx.msk $0xffff, v59;
	v22 =	vld [tilespmem:s1+$0x4070]  }
0xb1: {  	[tilespmem:v23+s18+$0x0] =	vst.idx.msk $0xffff, v31;
	v23 =	vld [tilespmem:s1+$0x4080]  }
0xb2: {  	[tilespmem:v18+s17+$0x0] =	vst.idx.msk $0xffff, v36;
	v31 =	vld [tilespmem:s1+$0x4090]  }
0xb3: {  	s11 =	simm.s32 $0xF;
	[tilespmem:v17+s17+$0x0] =	vst.idx.msk $0xffff, v58;
	v63 =	vld [tilespmem:s1+$0x40A0]  }
0xb4: {  	v24 =	vmov s11;
	v32 =	vld [tilespmem:s1+$0x40B0];
	[tilespmem:v27+s18+$0x0] =	vst.idx.msk $0xffff, v62  }
0xb5: {  	s6 =	simm.s32 $0x8;
	v25 =	vld [tilespmem:s1+$0x40C0];
	v24 =	vshrl.u32 v24, $0x3;
	[tilespmem:v29+s18+$0x0] =	vst.idx.msk $0xffff, v22  }
0xb6: {  	v27 =	vmov s6;
	v22 =	vld [tilespmem:s1+$0x40D0];
	[tilespmem:v28+s18+$0x0] =	vst.idx.msk $0xffff, v23;
	v23 =	vshll.u32 v24, v1  }
0xb7: {  	s20 =	simm.s32 $0x9;
	v27 =	vshrl.u32 v27, $0x3;
	v24 =	vld [tilespmem:s1+$0x4000];
	[tilespmem:v26+s18+$0x0] =	vst.idx.msk $0xffff, v31;
	v26 =	vbroadcast v23, $0x0  }
0xb8: {  	s11 =	simm.s32 $0x10;
	v27 =	vshll.u32 v27, v1;
	[tilespmem:v30+s18+$0x0] =	vst.idx.msk $0xffff, v63;
	v28 =	vmov s20;
	v23 =	vld [tilespmem:s1+$0x4010];
	s1 =	simm.s32 $0x6500  }
.LBB2_3:
0xb9: {  	p1 =	slt.u32 s11, $0x78;
	v27 =	vbroadcast v27, $0x0;
	v28 =	vshrl.u32 v28, $0x3;
	s12 =	sadd.s32 $0x2, s6;
	v29 =	vld [tilespmem:s1+$0xE0];
	v31 =	vadd.s32 v15, v26;
	[tilespmem:v21+s18+$0x0] =	vst.idx.msk $0xffff, v32  }
0xba: {  	v32 =	vadd.s32 v16, v26;
	v21 =	vshll.u32 v28, v1;
	v28 =	vmov s12;
	v30 =	vld [tilespmem:s1+$0xF0];
	[tilespmem:v20+s18+$0x0] =	vst.idx.msk $0xffff, v25  }
0xbb: {  	v20 =	vld [tilespmem:s1+$0x0];
	v25 =	vadd.s32 v0, v27;
	v21 =	vbroadcast v21, $0x0;
	v26 =	vshrl.u32 v28, $0x3;
	[tilespmem:v19+s18+$0x0] =	vst.idx.msk $0xffff, v22  }
0xbc: {  	v27 =	vadd.s32 v2, v27;
	v19 =	vld [tilespmem:s1+$0x10];
	v26 =	vshll.u32 v26, v1;
	[tilespmem:v18+s18+$0x0] =	vst.idx.msk $0xffff, v24;
	v18 =	vmov v25  }
0xbd: {  	s12 =	sadd.s32 $0x3, s6;
	v28 =	vld [tilespmem:s1+$0x20];
	v22 =	vadd.s32 v3, v21;
	v26 =	vbroadcast v26, $0x0;
	[tilespmem:v17+s18+$0x0] =	vst.idx.msk $0xffff, v23;
	v17 =	vmov v27  }
0xbe: {  	v23 =	vadd.s32 v4, v21;
	v21 =	vmov s12;
	v33 =	vld [tilespmem:s1+$0x30];
	[tilespmem:v31+s14+$0x0] =	vst.idx.msk $0xffff, v29  }
0xbf: {  	s12 =	sadd.s32 $0x4, s6;
	v21 =	vshrl.u32 v21, $0x3;
	v29 =	vld [tilespmem:s1+$0x40];
	v24 =	vadd.s32 v5, v26;
	[tilespmem:v32+s14+$0x0] =	vst.idx.msk $0xffff, v30  }
0xc0: {  	[tilespmem:v25+s14+$0x0] =	vst.idx.msk $0xffff, v20;
	v20 =	vshll.u32 v21, v1;
	v21 =	vmov s12;
	v30 =	vld [tilespmem:s1+$0x10E0]  }
0xc1: {  	[tilespmem:v27+s14+$0x0] =	vst.idx.msk $0xffff, v19;
	v19 =	vbroadcast v20, $0x0;
	v20 =	vshrl.u32 v21, $0x3;
	v21 =	vld [tilespmem:s1+$0x10F0]  }
0xc2: {  	v25 =	vadd.s32 v6, v26;
	[tilespmem:v22+s14+$0x0] =	vst.idx.msk $0xffff, v28;
	v34 =	vld [tilespmem:s1+$0x50];
	v20 =	vshll.u32 v20, v1  }
0xc3: {  	s12 =	sadd.s32 $0x5, s6;
	[tilespmem:v23+s14+$0x0] =	vst.idx.msk $0xffff, v33;
	v33 =	vld [tilespmem:s1+$0x60];
	v26 =	vadd.s32 v7, v19;
	v20 =	vbroadcast v20, $0x0  }
0xc4: {  	[tilespmem:v24+s14+$0x0] =	vst.idx.msk $0xffff, v29;
	v35 =	vld [tilespmem:s1+$0x70];
	v29 =	vadd.s32 v8, v19;
	v19 =	vmov s12  }
0xc5: {  	s12 =	sadd.s32 $0x6, s6;
	s6 =	smov.u32 s11;
	v36 =	vld [tilespmem:s1+$0x80];
	v27 =	vadd.s32 v9, v20;
	v19 =	vshrl.u32 v19, $0x3;
	[tilespmem:v31+s15+$0x0] =	vst.idx.msk $0xffff, v30  }
0xc6: {  	v28 =	vadd.s32 v10, v20;
	v20 =	vmov s12;
	v37 =	vld [tilespmem:s1+$0x90];
	v19 =	vshll.u32 v19, v1;
	[tilespmem:v32+s15+$0x0] =	vst.idx.msk $0xffff, v21  }
0xc7: {  	v20 =	vshrl.u32 v20, $0x3;
	[tilespmem:v25+s14+$0x0] =	vst.idx.msk $0xffff, v34;
	v19 =	vbroadcast v19, $0x0;
	v34 =	vld [tilespmem:s1+$0x20E0]  }
0xc8: {  	v20 =	vshll.u32 v20, v1;
	[tilespmem:v26+s14+$0x0] =	vst.idx.msk $0xffff, v33;
	v33 =	vld [tilespmem:s1+$0x20F0]  }
0xc9: {  	v38 =	vbroadcast v20, $0x0;
	[tilespmem:v29+s14+$0x0] =	vst.idx.msk $0xffff, v35;
	v35 =	vld [tilespmem:s1+$0xA0];
	v30 =	vadd.s32 v11, v19  }
0xca: {  	v21 =	vadd.s32 v12, v19;
	[tilespmem:v27+s14+$0x0] =	vst.idx.msk $0xffff, v36;
	v36 =	vld [tilespmem:s1+$0xB0]  }
0xcb: {  	v20 =	vadd.s32 v13, v38;
	[tilespmem:v28+s14+$0x0] =	vst.idx.msk $0xffff, v37;
	v37 =	vld [tilespmem:s1+$0xC0]  }
0xcc: {  	v19 =	vadd.s32 v14, v38;
	v39 =	vld [tilespmem:s1+$0xD0];
	[tilespmem:v31+s16+$0x0] =	vst.idx.msk $0xffff, v34  }
0xcd: {  	v34 =	vld [tilespmem:s1+$0x1020];
	[tilespmem:v32+s16+$0x0] =	vst.idx.msk $0xffff, v33  }
0xce: {  	[tilespmem:v30+s14+$0x0] =	vst.idx.msk $0xffff, v35;
	v33 =	vld [tilespmem:s1+$0x30E0]  }
0xcf: {  	[tilespmem:v21+s14+$0x0] =	vst.idx.msk $0xffff, v36;
	v35 =	vld [tilespmem:s1+$0x30F0]  }
0xd0: {  	v36 =	vld [tilespmem:s1+$0x1030];
	[tilespmem:v20+s14+$0x0] =	vst.idx.msk $0xffff, v37  }
0xd1: {  	v37 =	vld [tilespmem:s1+$0x1040];
	[tilespmem:v19+s14+$0x0] =	vst.idx.msk $0xffff, v39  }
0xd2: {  	[tilespmem:v22+s15+$0x0] =	vst.idx.msk $0xffff, v34;
	v34 =	vld [tilespmem:s1+$0x1050]  }
0xd3: {  	v38 =	vld [tilespmem:s1+$0x1060];
	[tilespmem:v31+s17+$0x0] =	vst.idx.msk $0xffff, v33  }
0xd4: {  	v33 =	vld [tilespmem:s1+$0x1070];
	[tilespmem:v32+s17+$0x0] =	vst.idx.msk $0xffff, v35  }
0xd5: {  	[tilespmem:v23+s15+$0x0] =	vst.idx.msk $0xffff, v36;
	v35 =	vld [tilespmem:s1+$0x40E0]  }
0xd6: {  	[tilespmem:v24+s15+$0x0] =	vst.idx.msk $0xffff, v37;
	v36 =	vld [tilespmem:s1+$0x40F0]  }
0xd7: {  	[tilespmem:v25+s15+$0x0] =	vst.idx.msk $0xffff, v34;
	v34 =	vld [tilespmem:s1+$0x1080]  }
0xd8: {  	[tilespmem:v26+s15+$0x0] =	vst.idx.msk $0xffff, v38;
	v37 =	vld [tilespmem:s1+$0x1090]  }
0xd9: {  	[tilespmem:v29+s15+$0x0] =	vst.idx.msk $0xffff, v33;
	v33 =	vld [tilespmem:s1+$0x10A0]  }
0xda: {  	v38 =	vld [tilespmem:s1+$0x10B0];
	[tilespmem:v31+s18+$0x0] =	vst.idx.msk $0xffff, v35  }
0xdb: {  	v31 =	vld [tilespmem:s1+$0x10C0];
	[tilespmem:v32+s18+$0x0] =	vst.idx.msk $0xffff, v36  }
0xdc: {  	[tilespmem:v27+s15+$0x0] =	vst.idx.msk $0xffff, v34;
	v32 =	vld [tilespmem:s1+$0x10D0]  }
0xdd: {  	v34 =	vld [tilespmem:s1+$0x1000];
	[tilespmem:v28+s15+$0x0] =	vst.idx.msk $0xffff, v37  }
0xde: {  	v35 =	vld [tilespmem:s1+$0x1010];
	[tilespmem:v30+s15+$0x0] =	vst.idx.msk $0xffff, v33  }
0xdf: {  	v33 =	vld [tilespmem:s1+$0x2020];
	[tilespmem:v21+s15+$0x0] =	vst.idx.msk $0xffff, v38  }
0xe0: {  	v36 =	vld [tilespmem:s1+$0x2030];
	[tilespmem:v20+s15+$0x0] =	vst.idx.msk $0xffff, v31  }
0xe1: {  	v31 =	vld [tilespmem:s1+$0x2040];
	[tilespmem:v19+s15+$0x0] =	vst.idx.msk $0xffff, v32  }
0xe2: {  	[tilespmem:v18+s15+$0x0] =	vst.idx.msk $0xffff, v34;
	v32 =	vld [tilespmem:s1+$0x2050]  }
0xe3: {  	[tilespmem:v17+s15+$0x0] =	vst.idx.msk $0xffff, v35;
	v34 =	vld [tilespmem:s1+$0x2060]  }
0xe4: {  	[tilespmem:v22+s16+$0x0] =	vst.idx.msk $0xffff, v33;
	v33 =	vld [tilespmem:s1+$0x2070]  }
0xe5: {  	[tilespmem:v23+s16+$0x0] =	vst.idx.msk $0xffff, v36;
	v35 =	vld [tilespmem:s1+$0x2080]  }
0xe6: {  	[tilespmem:v24+s16+$0x0] =	vst.idx.msk $0xffff, v31;
	v31 =	vld [tilespmem:s1+$0x2090]  }
0xe7: {  	[tilespmem:v25+s16+$0x0] =	vst.idx.msk $0xffff, v32;
	v32 =	vld [tilespmem:s1+$0x20A0]  }
0xe8: {  	[tilespmem:v26+s16+$0x0] =	vst.idx.msk $0xffff, v34;
	v34 =	vld [tilespmem:s1+$0x20B0]  }
0xe9: {  	[tilespmem:v29+s16+$0x0] =	vst.idx.msk $0xffff, v33;
	v33 =	vld [tilespmem:s1+$0x20C0]  }
0xea: {  	[tilespmem:v27+s16+$0x0] =	vst.idx.msk $0xffff, v35;
	v35 =	vld [tilespmem:s1+$0x20D0]  }
0xeb: {  	v36 =	vld [tilespmem:s1+$0x2000];
	[tilespmem:v28+s16+$0x0] =	vst.idx.msk $0xffff, v31  }
0xec: {  	v31 =	vld [tilespmem:s1+$0x2010];
	[tilespmem:v30+s16+$0x0] =	vst.idx.msk $0xffff, v32  }
0xed: {  	v32 =	vld [tilespmem:s1+$0x3020];
	[tilespmem:v21+s16+$0x0] =	vst.idx.msk $0xffff, v34  }
0xee: {  	v34 =	vld [tilespmem:s1+$0x3030];
	[tilespmem:v20+s16+$0x0] =	vst.idx.msk $0xffff, v33  }
0xef: {  	v33 =	vld [tilespmem:s1+$0x3040];
	[tilespmem:v19+s16+$0x0] =	vst.idx.msk $0xffff, v35  }
0xf0: {  	[tilespmem:v18+s16+$0x0] =	vst.idx.msk $0xffff, v36;
	v35 =	vld [tilespmem:s1+$0x3050]  }
0xf1: {  	[tilespmem:v17+s16+$0x0] =	vst.idx.msk $0xffff, v31;
	v31 =	vld [tilespmem:s1+$0x3060]  }
0xf2: {  	[tilespmem:v22+s17+$0x0] =	vst.idx.msk $0xffff, v32;
	v32 =	vld [tilespmem:s1+$0x3070]  }
0xf3: {  	[tilespmem:v23+s17+$0x0] =	vst.idx.msk $0xffff, v34;
	v34 =	vld [tilespmem:s1+$0x3080]  }
0xf4: {  	[tilespmem:v24+s17+$0x0] =	vst.idx.msk $0xffff, v33;
	v33 =	vld [tilespmem:s1+$0x3090]  }
0xf5: {  	[tilespmem:v25+s17+$0x0] =	vst.idx.msk $0xffff, v35;
	v35 =	vld [tilespmem:s1+$0x30A0]  }
0xf6: {  	[tilespmem:v26+s17+$0x0] =	vst.idx.msk $0xffff, v31;
	v31 =	vld [tilespmem:s1+$0x30B0]  }
0xf7: {  	[tilespmem:v29+s17+$0x0] =	vst.idx.msk $0xffff, v32;
	v32 =	vld [tilespmem:s1+$0x30C0]  }
0xf8: {  	[tilespmem:v27+s17+$0x0] =	vst.idx.msk $0xffff, v34;
	v34 =	vld [tilespmem:s1+$0x30D0]  }
0xf9: {  	v36 =	vld [tilespmem:s1+$0x3000];
	[tilespmem:v28+s17+$0x0] =	vst.idx.msk $0xffff, v33  }
0xfa: {  	v33 =	vld [tilespmem:s1+$0x3010];
	[tilespmem:v30+s17+$0x0] =	vst.idx.msk $0xffff, v35  }
0xfb: {  	v35 =	vld [tilespmem:s1+$0x4020];
	[tilespmem:v21+s17+$0x0] =	vst.idx.msk $0xffff, v31  }
0xfc: {  	v31 =	vld [tilespmem:s1+$0x4030];
	[tilespmem:v20+s17+$0x0] =	vst.idx.msk $0xffff, v32  }
0xfd: {  	v32 =	vld [tilespmem:s1+$0x4040];
	[tilespmem:v19+s17+$0x0] =	vst.idx.msk $0xffff, v34  }
0xfe: {  	[tilespmem:v18+s17+$0x0] =	vst.idx.msk $0xffff, v36;
	v34 =	vld [tilespmem:s1+$0x4050]  }
0xff: {  	[tilespmem:v17+s17+$0x0] =	vst.idx.msk $0xffff, v33;
	v33 =	vld [tilespmem:s1+$0x4060]  }
0x100: {  	[tilespmem:v22+s18+$0x0] =	vst.idx.msk $0xffff, v35;
	v22 =	vld [tilespmem:s1+$0x4070]  }
0x101: {  	[tilespmem:v23+s18+$0x0] =	vst.idx.msk $0xffff, v31;
	v23 =	vld [tilespmem:s1+$0x4080]  }
0x102: {  	[tilespmem:v24+s18+$0x0] =	vst.idx.msk $0xffff, v32;
	v31 =	vld [tilespmem:s1+$0x4090]  }
0x103: {  	s12 =	sadd.s32 $0x7, s11;
	[tilespmem:v25+s18+$0x0] =	vst.idx.msk $0xffff, v34;
	v34 =	vld [tilespmem:s1+$0x40A0]  }
.Ltmp0:
0x104: {  	v24 =	vmov s12;
	[tilespmem:v26+s18+$0x0] =	vst.idx.msk $0xffff, v33;
	v32 =	vld [tilespmem:s1+$0x40B0];
	(pc) =	sbr.rel @p1 .LBB2_3-.Ltmp0, $4  }
0x105: {  	v24 =	vshrl.u32 v24, $0x3;
	[tilespmem:v29+s18+$0x0] =	vst.idx.msk $0xffff, v22;
	v25 =	vld [tilespmem:s1+$0x40C0]  }
0x106: {  	v26 =	vmov s11;
	v24 =	vshll.u32 v24, v1;
	[tilespmem:v27+s18+$0x0] =	vst.idx.msk $0xffff, v23;
	v22 =	vld [tilespmem:s1+$0x40D0]  }
0x107: {  	s12 =	sadd.s32 $0x1, s11;
	v23 =	vshrl.u32 v26, $0x3;
	v26 =	vbroadcast v24, $0x0;
	v24 =	vld [tilespmem:s1+$0x4000];
	[tilespmem:v28+s18+$0x0] =	vst.idx.msk $0xffff, v31  }
0x108: {  	s11 =	sadd.s32 $0x8, s11;
	v27 =	vshll.u32 v23, v1;
	v28 =	vmov s12;
	v23 =	vld [tilespmem:s1+$0x4010];
	[tilespmem:v30+s18+$0x0] =	vst.idx.msk $0xffff, v34;
	s1 =	sadd.s32 $0x100, s1  }
0x109: {  	_ =	sdelay $0x3  }
0x10a: {  	v29 =	vld [tilespmem:s1+$0xE0];
	v30 =	vadd.s32 v15, v26;
	v27 =	vbroadcast v27, $0x0;
	v28 =	vshrl.u32 v28, $0x3;
	s11 =	sadd.s32 $0x2, s6;
	[tilespmem:v21+s18+$0x0] =	vst.idx.msk $0xffff, v32  }
0x10b: {  	v31 =	vld [tilespmem:s1+$0xF0];
	v47 =	vadd.s32 v16, v26;
	v21 =	vshll.u32 v28, v1;
	v26 =	vmov s11;
	[tilespmem:v20+s18+$0x0] =	vst.idx.msk $0xffff, v25  }
0x10c: {  	v25 =	vld [tilespmem:s1+$0x0];
	v20 =	vadd.s32 v0, v27;
	v21 =	vbroadcast v21, $0x0;
	v26 =	vshrl.u32 v26, $0x3;
	[tilespmem:v19+s18+$0x0] =	vst.idx.msk $0xffff, v22  }
0x10d: {  	v22 =	vld [tilespmem:s1+$0x10];
	v19 =	vadd.s32 v2, v27;
	v26 =	vshll.u32 v26, v1;
	[tilespmem:v18+s18+$0x0] =	vst.idx.msk $0xffff, v24  }
0x10e: {  	v24 =	vld [tilespmem:s1+$0x20];
	v18 =	vadd.s32 v3, v21;
	v26 =	vbroadcast v26, $0x0;
	[tilespmem:v17+s18+$0x0] =	vst.idx.msk $0xffff, v23  }
0x10f: {  	s13 =	sadd.s32 $0x3, s6;
	v27 =	vld [tilespmem:s1+$0x30];
	v21 =	vadd.s32 v4, v21;
	[tilespmem:v30+s14+$0x0] =	vst.idx.msk $0xffff, v29  }
0x110: {  	v28 =	vmov s13;
	v29 =	vld [tilespmem:s1+$0x40];
	[tilespmem:v47+s14+$0x0] =	vst.idx.msk $0xffff, v31;
	v17 =	vadd.s32 v5, v26  }
0x111: {  	s19 =	sadd.s32 $0x4, s6;
	v23 =	vshrl.u32 v28, $0x3;
	v28 =	vld [tilespmem:s1+$0x10E0];
	[tilespmem:v20+s14+$0x0] =	vst.idx.msk $0xffff, v25  }
0x112: {  	v23 =	vshll.u32 v23, v1;
	v25 =	vmov s19;
	v31 =	vld [tilespmem:s1+$0x10F0];
	[tilespmem:v19+s14+$0x0] =	vst.idx.msk $0xffff, v22  }
0x113: {  	v34 =	vld [tilespmem:s1+$0x50];
	v33 =	vbroadcast v23, $0x0;
	v23 =	vshrl.u32 v25, $0x3;
	[tilespmem:v18+s14+$0x0] =	vst.idx.msk $0xffff, v24  }
0x114: {  	v35 =	vld [tilespmem:s1+$0x60];
	v22 =	vadd.s32 v6, v26;
	v24 =	vshll.u32 v23, v1;
	[tilespmem:v21+s14+$0x0] =	vst.idx.msk $0xffff, v27  }
0x115: {  	v48 =	vld [tilespmem:s1+$0x80];
	v23 =	vadd.s32 v7, v33;
	v26 =	vbroadcast v24, $0x0;
	[tilespmem:v17+s14+$0x0] =	vst.idx.msk $0xffff, v29  }
0x116: {  	v27 =	vld [tilespmem:s1+$0x70];
	v24 =	vadd.s32 v8, v33;
	[tilespmem:v30+s15+$0x0] =	vst.idx.msk $0xffff, v28  }
0x117: {  	v25 =	vadd.s32 v9, v26;
	v28 =	vld [tilespmem:s1+$0x90];
	[tilespmem:v47+s15+$0x0] =	vst.idx.msk $0xffff, v31  }
0x118: {  	v26 =	vadd.s32 v10, v26;
	v49 =	vld [tilespmem:s1+$0x20E0]  }
0x119: {  	s20 =	sadd.s32 $0x5, s6;
	[tilespmem:v22+s14+$0x0] =	vst.idx.msk $0xffff, v34;
	v50 =	vld [tilespmem:s1+$0x20F0]  }
0x11a: {  	v29 =	vmov s20;
	v53 =	vld [tilespmem:s1+$0x1020];
	[tilespmem:v23+s14+$0x0] =	vst.idx.msk $0xffff, v35  }
0x11b: {  	v29 =	vshrl.u32 v29, $0x3;
	v63 =	vld [tilespmem:s1+$0x1000];
	[tilespmem:v24+s14+$0x0] =	vst.idx.msk $0xffff, v27  }
0x11c: {  	v29 =	vshll.u32 v29, v1;
	v51 =	vld [tilespmem:s1+$0xA0];
	[tilespmem:v25+s14+$0x0] =	vst.idx.msk $0xffff, v48  }
0x11d: {  	s12 =	sadd.s32 $0x6, s6;
	v55 =	vld [tilespmem:s1+$0x1030];
	v29 =	vbroadcast v29, $0x0;
	[tilespmem:v26+s14+$0x0] =	vst.idx.msk $0xffff, v28  }
0x11e: {  	v36 =	vmov s12;
	v39 =	vld [tilespmem:s1+$0x1010];
	[tilespmem:v30+s16+$0x0] =	vst.idx.msk $0xffff, v49  }
0x11f: {  	v31 =	vshrl.u32 v36, $0x3;
	v52 =	vld [tilespmem:s1+$0xB0];
	v27 =	vadd.s32 v11, v29;
	[tilespmem:v18+s15+$0x0] =	vst.idx.msk $0xffff, v53  }
0x120: {  	v31 =	vshll.u32 v31, v1;
	v57 =	vld [tilespmem:s1+$0x1060];
	[tilespmem:v20+s15+$0x0] =	vst.idx.msk $0xffff, v63  }
0x121: {  	v38 =	vld [tilespmem:s1+$0xD0];
	v31 =	vbroadcast v31, $0x0;
	v29 =	vadd.s32 v12, v29;
	[tilespmem:v47+s16+$0x0] =	vst.idx.msk $0xffff, v50  }
0x122: {  	v58 =	vld [tilespmem:s1+$0x1070];
	[tilespmem:v21+s15+$0x0] =	vst.idx.msk $0xffff, v55  }
0x123: {  	v37 =	vadd.s32 v13, v31;
	v28 =	vld [tilespmem:s1+$0xC0];
	[tilespmem:v19+s15+$0x0] =	vst.idx.msk $0xffff, v39  }
0x124: {  	v35 =	vld [tilespmem:s1+$0x30E0];
	[tilespmem:v27+s14+$0x0] =	vst.idx.msk $0xffff, v51  }
0x125: {  	v54 =	vld [tilespmem:s1+$0x30F0];
	[tilespmem:v23+s15+$0x0] =	vst.idx.msk $0xffff, v57  }
0x126: {  	v56 =	vld [tilespmem:s1+$0x1050];
	v31 =	vadd.s32 v14, v31;
	[tilespmem:v29+s14+$0x0] =	vst.idx.msk $0xffff, v52  }
0x127: {  	v59 =	vld [tilespmem:s1+$0x1080];
	[tilespmem:v24+s15+$0x0] =	vst.idx.msk $0xffff, v58  }
0x128: {  	[tilespmem:v37+s14+$0x0] =	vst.idx.msk $0xffff, v28;
	v28 =	vld [tilespmem:s1+$0x1040]  }
0x129: {  	v60 =	vld [tilespmem:s1+$0x1090];
	[tilespmem:v30+s17+$0x0] =	vst.idx.msk $0xffff, v35  }
0x12a: {  	v40 =	vld [tilespmem:s1+$0x2020];
	[tilespmem:v47+s17+$0x0] =	vst.idx.msk $0xffff, v54  }
0x12b: {  	[tilespmem:v31+s14+$0x0] =	vst.idx.msk $0xffff, v38;
	v33 =	vld [tilespmem:s1+$0x40E0]  }
0x12c: {  	v41 =	vld [tilespmem:s1+$0x2030];
	[tilespmem:v25+s15+$0x0] =	vst.idx.msk $0xffff, v59  }
0x12d: {  	[tilespmem:v17+s15+$0x0] =	vst.idx.msk $0xffff, v28;
	v28 =	vld [tilespmem:s1+$0x40F0]  }
0x12e: {  	v61 =	vld [tilespmem:s1+$0x10A0];
	[tilespmem:v26+s15+$0x0] =	vst.idx.msk $0xffff, v60  }
0x12f: {  	[tilespmem:v18+s16+$0x0] =	vst.idx.msk $0xffff, v40  }
0x130: {  	[tilespmem:v30+s18+$0x0] =	vst.idx.msk $0xffff, v33;
	v30 =	vld [tilespmem:s1+$0x10C0]  }
0x131: {  	v42 =	vld [tilespmem:s1+$0x2060];
	[tilespmem:v21+s16+$0x0] =	vst.idx.msk $0xffff, v41  }
0x132: {  	[tilespmem:v47+s18+$0x0] =	vst.idx.msk $0xffff, v28;
	v28 =	vld [tilespmem:s1+$0x10D0]  }
0x133: {  	v62 =	vld [tilespmem:s1+$0x10B0];
	[tilespmem:v27+s15+$0x0] =	vst.idx.msk $0xffff, v61  }
0x134: {  	v43 =	vld [tilespmem:s1+$0x2070];
	[tilespmem:v22+s15+$0x0] =	vst.idx.msk $0xffff, v56  }
0x135: {  	[tilespmem:v37+s15+$0x0] =	vst.idx.msk $0xffff, v30;
	v30 =	vld [tilespmem:s1+$0x2040]  }
0x136: {  	v44 =	vld [tilespmem:s1+$0x2080];
	[tilespmem:v23+s16+$0x0] =	vst.idx.msk $0xffff, v42  }
0x137: {  	[tilespmem:v31+s15+$0x0] =	vst.idx.msk $0xffff, v28;
	v28 =	vld [tilespmem:s1+$0x2050]  }
0x138: {  	[tilespmem:v29+s15+$0x0] =	vst.idx.msk $0xffff, v62;
	v46 =	vld [tilespmem:s1+$0x20C0]  }
0x139: {  	[tilespmem:v24+s16+$0x0] =	vst.idx.msk $0xffff, v43;
	v47 =	vld [tilespmem:s1+$0x20D0]  }
0x13a: {  	[tilespmem:v17+s16+$0x0] =	vst.idx.msk $0xffff, v30;
	v30 =	vld [tilespmem:s1+$0x2090]  }
0x13b: {  	v48 =	vld [tilespmem:s1+$0x2000];
	[tilespmem:v25+s16+$0x0] =	vst.idx.msk $0xffff, v44  }
0x13c: {  	[tilespmem:v22+s16+$0x0] =	vst.idx.msk $0xffff, v28;
	v28 =	vld [tilespmem:s1+$0x20A0]  }
0x13d: {  	v45 =	vld [tilespmem:s1+$0x20B0];
	[tilespmem:v37+s16+$0x0] =	vst.idx.msk $0xffff, v46  }
0x13e: {  	v50 =	vld [tilespmem:s1+$0x3040];
	[tilespmem:v31+s16+$0x0] =	vst.idx.msk $0xffff, v47  }
0x13f: {  	v51 =	vld [tilespmem:s1+$0x3050];
	[tilespmem:v26+s16+$0x0] =	vst.idx.msk $0xffff, v30  }
0x140: {  	v30 =	vld [tilespmem:s1+$0x2010];
	[tilespmem:v20+s16+$0x0] =	vst.idx.msk $0xffff, v48  }
0x141: {  	[tilespmem:v27+s16+$0x0] =	vst.idx.msk $0xffff, v28;
	v28 =	vld [tilespmem:s1+$0x3020]  }
0x142: {  	v52 =	vld [tilespmem:s1+$0x3080];
	[tilespmem:v29+s16+$0x0] =	vst.idx.msk $0xffff, v45  }
0x143: {  	v49 =	vld [tilespmem:s1+$0x3030];
	[tilespmem:v17+s17+$0x0] =	vst.idx.msk $0xffff, v50  }
0x144: {  	v53 =	vld [tilespmem:s1+$0x3090];
	[tilespmem:v22+s17+$0x0] =	vst.idx.msk $0xffff, v51  }
0x145: {  	[tilespmem:v19+s16+$0x0] =	vst.idx.msk $0xffff, v30;
	v30 =	vld [tilespmem:s1+$0x3060]  }
0x146: {  	v54 =	vld [tilespmem:s1+$0x30A0];
	[tilespmem:v18+s17+$0x0] =	vst.idx.msk $0xffff, v28  }
0x147: {  	v28 =	vld [tilespmem:s1+$0x3070];
	[tilespmem:v25+s17+$0x0] =	vst.idx.msk $0xffff, v52  }
0x148: {  	v35 =	vld [tilespmem:s1+$0x3000];
	[tilespmem:v21+s17+$0x0] =	vst.idx.msk $0xffff, v49  }
0x149: {  	v56 =	vld [tilespmem:s1+$0x3010];
	[tilespmem:v26+s17+$0x0] =	vst.idx.msk $0xffff, v53  }
0x14a: {  	[tilespmem:v23+s17+$0x0] =	vst.idx.msk $0xffff, v30;
	v30 =	vld [tilespmem:s1+$0x30B0]  }
0x14b: {  	v57 =	vld [tilespmem:s1+$0x4020];
	[tilespmem:v27+s17+$0x0] =	vst.idx.msk $0xffff, v54  }
0x14c: {  	[tilespmem:v24+s17+$0x0] =	vst.idx.msk $0xffff, v28;
	v28 =	vld [tilespmem:s1+$0x30C0]  }
0x14d: {  	v55 =	vld [tilespmem:s1+$0x30D0];
	[tilespmem:v20+s17+$0x0] =	vst.idx.msk $0xffff, v35  }
0x14e: {  	[tilespmem:v19+s17+$0x0] =	vst.idx.msk $0xffff, v56;
	v59 =	vld [tilespmem:s1+$0x4060]  }
0x14f: {  	[tilespmem:v29+s17+$0x0] =	vst.idx.msk $0xffff, v30;
	v30 =	vld [tilespmem:s1+$0x4030]  }
0x150: {  	[tilespmem:v18+s18+$0x0] =	vst.idx.msk $0xffff, v57;
	v18 =	vld [tilespmem:s1+$0x4070]  }
0x151: {  	[tilespmem:v37+s17+$0x0] =	vst.idx.msk $0xffff, v28;
	v28 =	vld [tilespmem:s1+$0x4040]  }
0x152: {  	[tilespmem:v31+s17+$0x0] =	vst.idx.msk $0xffff, v55  }
0x153: {  	v58 =	vld [tilespmem:s1+$0x4050];
	[tilespmem:v23+s18+$0x0] =	vst.idx.msk $0xffff, v59  }
0x154: {  	[tilespmem:v21+s18+$0x0] =	vst.idx.msk $0xffff, v30;
	v21 =	vld [tilespmem:s1+$0x4080]  }
0x155: {  	[tilespmem:v24+s18+$0x0] =	vst.idx.msk $0xffff, v18;
	v18 =	vld [tilespmem:s1+$0x40C0]  }
0x156: {  	[tilespmem:v17+s18+$0x0] =	vst.idx.msk $0xffff, v28;
	v17 =	vld [tilespmem:s1+$0x4090]  }
0x157: {  	v24 =	vld [tilespmem:s1+$0x4000]  }
0x158: {  	[tilespmem:v22+s18+$0x0] =	vst.idx.msk $0xffff, v58;
	v22 =	vld [tilespmem:s1+$0x40A0]  }
0x159: {  	v23 =	vld [tilespmem:s1+$0x40B0];
	[tilespmem:v25+s18+$0x0] =	vst.idx.msk $0xffff, v21  }
0x15a: {  	v21 =	vld [tilespmem:s1+$0x40D0];
	[tilespmem:v37+s18+$0x0] =	vst.idx.msk $0xffff, v18  }
0x15b: {  	[tilespmem:v26+s18+$0x0] =	vst.idx.msk $0xffff, v17;
	v17 =	vld [tilespmem:s1+$0x4010]  }
0x15c: {  	p1 =	seq.s32 s31, $0x13;
	[tilespmem:v20+s18+$0x0] =	vst.idx.msk $0xffff, v24  }
0x15d: {  	s1 =	smul.u32 @!p1 $0x1400, s31;
	[tilespmem:v27+s18+$0x0] =	vst.idx.msk $0xffff, v22  }
0x15e: {  	[tilespmem:v29+s18+$0x0] =	vst.idx.msk $0xffff, v23  }
0x15f: {  	s1 =	sshra.s32 @!p1 s1, $0x2;
	[tilespmem:v31+s18+$0x0] =	vst.idx.msk $0xffff, v21  }
0x160: {  	s11 =	simm.s32 @!p1 $0x80;
	s12 =	simm.s32 @!p1 $0x6400;
	s6 =	sadd.s32 @!p1 $0x500, s1;
	[tilespmem:v19+s18+$0x0] =	vst.idx.msk $0xffff, v17  }
0x161: {  	[tilespmem:s12], [sflag:$0x1] =	stream.indirect.gather @!p1 [hbm4b:s4+s11], $0x20, s6, s11, $0xb8;
	[tilespmem:$0x1AE00] =	vst v63  }
0x162: {  	s6 =	sadd.s32 @!p1 $0x580, s1;
	s12 =	simm.s32 @!p1 $0x7400  }
0x163: {  	[tilespmem:s12], [sflag:$0x1] =	stream.indirect.gather @!p1 [hbm4b:s4+s11], $0x20, s6, s11, $0xb8;
	[tilespmem:$0x1AE00] =	vst v63  }
0x164: {  	s6 =	sadd.s32 @!p1 $0x600, s1;
	s12 =	simm.s32 @!p1 $0x8400  }
0x165: {  	[tilespmem:s12], [sflag:$0x1] =	stream.indirect.gather @!p1 [hbm4b:s4+s11], $0x20, s6, s11, $0xb8;
	[tilespmem:$0x1AE00] =	vst v63  }
0x166: {  	s6 =	sadd.s32 @!p1 $0x680, s1;
	s12 =	simm.s32 @!p1 $0x9400  }
0x167: {  	[tilespmem:s12], [sflag:$0x1] =	stream.indirect.gather @!p1 [hbm4b:s4+s11], $0x20, s6, s11, $0xb8;
	[tilespmem:$0x1AE00] =	vst v63  }
0x168: {  	s13 =	simm.s32 @!p1 $0xA400;
	s12 =	sadd.s32 @!p1 $0x700, s1;
	s6 =	smul.u32 $0xA, s31  }
0x169: {  	[tilespmem:s13], [sflag:$0x1] =	stream.indirect.gather @!p1 [hbm4b:s4+s11], $0x20, s12, s11, $0xb8;
	[tilespmem:$0x1AE00] =	vst v63  }
0x16a: {  	s11 =	sadd.s32 s5, s6  }
0x16b: {  	s13 =	sshll.u32 s11, $0xC;
	s19 =	sshll.u32 s11, $0xA  }
0x16c: {  	s12 =	sand.u32 $0x7FF80000, s13;
	s13 =	sand.u32 $0x1F800, s19  }
0x16d: {  	s12 =	sor.u32 s13, s12  }
0x16e: {  	s12 =	sshrl.u32 s12, $0x3  }
0x16f: {  	s13 =	sadd.s32 s2, s12  }
0x170: {  	[hbm4b:s13+s3] =	stream.linear.scatter [tilespmem:s14], [sflag:$0x3], $0x80, $0x38;
	[tilespmem:$0x1AE00] =	vst v63  }
0x171: {  	s20 =	simm.s32 $0x10488;
	s19 =	sadd.s32 $0x10, s13  }
0x172: {  	[hbm4b:s19+s3] =	stream.linear.scatter [tilespmem:s20], [sflag:$0x3], $0x80, $0x38;
	[tilespmem:$0x1AE00] =	vst v63  }
0x173: {  	s19 =	sadd.s32 $0x20, s13;
	s20 =	simm.s32 $0x10510  }
0x174: {  	[hbm4b:s19+s3] =	stream.linear.scatter [tilespmem:s20], [sflag:$0x3], $0x80, $0x38;
	[tilespmem:$0x1AE00] =	vst v63  }
0x175: {  	s19 =	sadd.s32 $0x30, s13;
	s20 =	simm.s32 $0x10598  }
0x176: {  	[hbm4b:s19+s3] =	stream.linear.scatter [tilespmem:s20], [sflag:$0x3], $0x80, $0x38;
	[tilespmem:$0x1AE00] =	vst v63  }
0x177: {  	s19 =	sadd.s32 $0x40, s13;
	s20 =	simm.s32 $0x10620  }
0x178: {  	[hbm4b:s19+s3] =	stream.linear.scatter [tilespmem:s20], [sflag:$0x3], $0x80, $0x38;
	[tilespmem:$0x1AE00] =	vst v63  }
0x179: {  	s19 =	sadd.s32 $0x50, s13;
	s20 =	simm.s32 $0x106A8  }
0x17a: {  	[hbm4b:s19+s3] =	stream.linear.scatter [tilespmem:s20], [sflag:$0x3], $0x80, $0x38;
	[tilespmem:$0x1AE00] =	vst v63  }
0x17b: {  	s19 =	sadd.s32 $0x60, s13;
	s20 =	simm.s32 $0x10730  }
0x17c: {  	[hbm4b:s19+s3] =	stream.linear.scatter [tilespmem:s20], [sflag:$0x3], $0x80, $0x38;
	[tilespmem:$0x1AE00] =	vst v63  }
0x17d: {  	s13 =	sadd.s32 $0x70, s13;
	s20 =	simm.s32 $0x107B8  }
0x17e: {  	[hbm4b:s13+s3] =	stream.linear.scatter [tilespmem:s20], [sflag:$0x3], $0x80, $0x38;
	[tilespmem:$0x1AE00] =	vst v63  }
0x17f: {  	s13 =	sadd.s32 s12, s7;
	s20 =	simm.s32 $0x10840  }
0x180: {  	[hbm4b:s13+s3] =	stream.linear.scatter [tilespmem:s20], [sflag:$0x3], $0x80, $0x38;
	[tilespmem:$0x1AE00] =	vst v63  }
0x181: {  	s19 =	sadd.s32 $0x10, s13;
	s20 =	simm.s32 $0x108C8  }
0x182: {  	[hbm4b:s19+s3] =	stream.linear.scatter [tilespmem:s20], [sflag:$0x3], $0x80, $0x38;
	[tilespmem:$0x1AE00] =	vst v63  }
0x183: {  	s19 =	sadd.s32 $0x20, s13;
	s20 =	simm.s32 $0x10950  }
0x184: {  	[hbm4b:s19+s3] =	stream.linear.scatter [tilespmem:s20], [sflag:$0x3], $0x80, $0x38;
	[tilespmem:$0x1AE00] =	vst v63  }
0x185: {  	s19 =	sadd.s32 $0x30, s13;
	s20 =	simm.s32 $0x109D8  }
0x186: {  	[hbm4b:s19+s3] =	stream.linear.scatter [tilespmem:s20], [sflag:$0x3], $0x80, $0x38;
	[tilespmem:$0x1AE00] =	vst v63  }
0x187: {  	s19 =	sadd.s32 $0x40, s13;
	s20 =	simm.s32 $0x10A60  }
0x188: {  	[hbm4b:s19+s3] =	stream.linear.scatter [tilespmem:s20], [sflag:$0x3], $0x80, $0x38;
	[tilespmem:$0x1AE00] =	vst v63  }
0x189: {  	s19 =	sadd.s32 $0x50, s13;
	s20 =	simm.s32 $0x10AE8  }
0x18a: {  	[hbm4b:s19+s3] =	stream.linear.scatter [tilespmem:s20], [sflag:$0x3], $0x80, $0x38;
	[tilespmem:$0x1AE00] =	vst v63  }
0x18b: {  	s19 =	sadd.s32 $0x60, s13;
	s20 =	simm.s32 $0x10B70  }
0x18c: {  	[hbm4b:s19+s3] =	stream.linear.scatter [tilespmem:s20], [sflag:$0x3], $0x80, $0x38;
	[tilespmem:$0x1AE00] =	vst v63  }
0x18d: {  	s13 =	sadd.s32 $0x70, s13;
	s20 =	simm.s32 $0x10BF8  }
0x18e: {  	[hbm4b:s13+s3] =	stream.linear.scatter [tilespmem:s20], [sflag:$0x3], $0x80, $0x38;
	[tilespmem:$0x1AE00] =	vst v63  }
0x18f: {  	s13 =	sadd.s32 s12, s8;
	s20 =	simm.s32 $0x10C80  }
0x190: {  	[hbm4b:s13+s3] =	stream.linear.scatter [tilespmem:s20], [sflag:$0x3], $0x80, $0x38;
	[tilespmem:$0x1AE00] =	vst v63  }
0x191: {  	s19 =	sadd.s32 $0x10, s13;
	s20 =	simm.s32 $0x10D08  }
0x192: {  	[hbm4b:s19+s3] =	stream.linear.scatter [tilespmem:s20], [sflag:$0x3], $0x80, $0x38;
	[tilespmem:$0x1AE00] =	vst v63  }
0x193: {  	s19 =	sadd.s32 $0x20, s13;
	s20 =	simm.s32 $0x10D90  }
0x194: {  	[hbm4b:s19+s3] =	stream.linear.scatter [tilespmem:s20], [sflag:$0x3], $0x80, $0x38;
	[tilespmem:$0x1AE00] =	vst v63  }
0x195: {  	s19 =	sadd.s32 $0x30, s13;
	s20 =	simm.s32 $0x10E18  }
0x196: {  	[hbm4b:s19+s3] =	stream.linear.scatter [tilespmem:s20], [sflag:$0x3], $0x80, $0x38;
	[tilespmem:$0x1AE00] =	vst v63  }
0x197: {  	s19 =	sadd.s32 $0x40, s13;
	s20 =	simm.s32 $0x10EA0  }
0x198: {  	[hbm4b:s19+s3] =	stream.linear.scatter [tilespmem:s20], [sflag:$0x3], $0x80, $0x38;
	[tilespmem:$0x1AE00] =	vst v63  }
0x199: {  	s19 =	sadd.s32 $0x50, s13;
	s20 =	simm.s32 $0x10F28  }
0x19a: {  	[hbm4b:s19+s3] =	stream.linear.scatter [tilespmem:s20], [sflag:$0x3], $0x80, $0x38;
	[tilespmem:$0x1AE00] =	vst v63  }
0x19b: {  	s19 =	sadd.s32 $0x60, s13;
	s20 =	simm.s32 $0x10FB0  }
0x19c: {  	[hbm4b:s19+s3] =	stream.linear.scatter [tilespmem:s20], [sflag:$0x3], $0x80, $0x38;
	[tilespmem:$0x1AE00] =	vst v63  }
0x19d: {  	s13 =	sadd.s32 $0x70, s13;
	s20 =	simm.s32 $0x11038  }
0x19e: {  	[hbm4b:s13+s3] =	stream.linear.scatter [tilespmem:s20], [sflag:$0x3], $0x80, $0x38;
	[tilespmem:$0x1AE00] =	vst v63  }
0x19f: {  	s13 =	sadd.s32 s12, s9;
	s20 =	simm.s32 $0x110C0  }
0x1a0: {  	[hbm4b:s13+s3] =	stream.linear.scatter [tilespmem:s20], [sflag:$0x3], $0x80, $0x38;
	[tilespmem:$0x1AE00] =	vst v63  }
0x1a1: {  	s19 =	sadd.s32 $0x10, s13;
	s20 =	simm.s32 $0x11148  }
0x1a2: {  	[hbm4b:s19+s3] =	stream.linear.scatter [tilespmem:s20], [sflag:$0x3], $0x80, $0x38;
	[tilespmem:$0x1AE00] =	vst v63  }
0x1a3: {  	s19 =	sadd.s32 $0x20, s13;
	s20 =	simm.s32 $0x111D0  }
0x1a4: {  	[hbm4b:s19+s3] =	stream.linear.scatter [tilespmem:s20], [sflag:$0x3], $0x80, $0x38;
	[tilespmem:$0x1AE00] =	vst v63  }
0x1a5: {  	s19 =	sadd.s32 $0x30, s13;
	s20 =	simm.s32 $0x11258  }
0x1a6: {  	[hbm4b:s19+s3] =	stream.linear.scatter [tilespmem:s20], [sflag:$0x3], $0x80, $0x38;
	[tilespmem:$0x1AE00] =	vst v63  }
0x1a7: {  	s19 =	sadd.s32 $0x40, s13;
	s20 =	simm.s32 $0x112E0  }
0x1a8: {  	[hbm4b:s19+s3] =	stream.linear.scatter [tilespmem:s20], [sflag:$0x3], $0x80, $0x38;
	[tilespmem:$0x1AE00] =	vst v63  }
0x1a9: {  	s19 =	sadd.s32 $0x50, s13;
	s20 =	simm.s32 $0x11368  }
0x1aa: {  	[hbm4b:s19+s3] =	stream.linear.scatter [tilespmem:s20], [sflag:$0x3], $0x80, $0x38;
	[tilespmem:$0x1AE00] =	vst v63  }
0x1ab: {  	s19 =	sadd.s32 $0x60, s13;
	s20 =	simm.s32 $0x113F0  }
0x1ac: {  	[hbm4b:s19+s3] =	stream.linear.scatter [tilespmem:s20], [sflag:$0x3], $0x80, $0x38;
	[tilespmem:$0x1AE00] =	vst v63  }
0x1ad: {  	s12 =	sor.u32 $0x80, s12;
	s13 =	sadd.s32 $0x70, s13;
	s20 =	simm.s32 $0x11478  }
0x1ae: {  	[hbm4b:s13+s3] =	stream.linear.scatter [tilespmem:s20], [sflag:$0x3], $0x80, $0x38;
	[tilespmem:$0x1AE00] =	vst v63  }
0x1af: {  	s13 =	sadd.s32 s2, s12  }
0x1b0: {  	[hbm4b:s13+s3] =	stream.linear.scatter [tilespmem:s15], [sflag:$0x3], $0x80, $0x38;
	[tilespmem:$0x1AE00] =	vst v63  }
0x1b1: {  	s20 =	simm.s32 $0x11588;
	s19 =	sadd.s32 $0x10, s13  }
0x1b2: {  	[hbm4b:s19+s3] =	stream.linear.scatter [tilespmem:s20], [sflag:$0x3], $0x80, $0x38;
	[tilespmem:$0x1AE00] =	vst v63  }
0x1b3: {  	s19 =	sadd.s32 $0x20, s13;
	s20 =	simm.s32 $0x11610  }
0x1b4: {  	[hbm4b:s19+s3] =	stream.linear.scatter [tilespmem:s20], [sflag:$0x3], $0x80, $0x38;
	[tilespmem:$0x1AE00] =	vst v63  }
0x1b5: {  	s19 =	sadd.s32 $0x30, s13;
	s20 =	simm.s32 $0x11698  }
0x1b6: {  	[hbm4b:s19+s3] =	stream.linear.scatter [tilespmem:s20], [sflag:$0x3], $0x80, $0x38;
	[tilespmem:$0x1AE00] =	vst v63  }
0x1b7: {  	s19 =	sadd.s32 $0x40, s13;
	s20 =	simm.s32 $0x11720  }
0x1b8: {  	[hbm4b:s19+s3] =	stream.linear.scatter [tilespmem:s20], [sflag:$0x3], $0x80, $0x38;
	[tilespmem:$0x1AE00] =	vst v63  }
0x1b9: {  	s19 =	sadd.s32 $0x50, s13;
	s20 =	simm.s32 $0x117A8  }
0x1ba: {  	[hbm4b:s19+s3] =	stream.linear.scatter [tilespmem:s20], [sflag:$0x3], $0x80, $0x38;
	[tilespmem:$0x1AE00] =	vst v63  }
0x1bb: {  	s19 =	sadd.s32 $0x60, s13;
	s20 =	simm.s32 $0x11830  }
0x1bc: {  	[hbm4b:s19+s3] =	stream.linear.scatter [tilespmem:s20], [sflag:$0x3], $0x80, $0x38;
	[tilespmem:$0x1AE00] =	vst v63  }
0x1bd: {  	s13 =	sadd.s32 $0x70, s13;
	s20 =	simm.s32 $0x118B8  }
0x1be: {  	[hbm4b:s13+s3] =	stream.linear.scatter [tilespmem:s20], [sflag:$0x3], $0x80, $0x38;
	[tilespmem:$0x1AE00] =	vst v63  }
0x1bf: {  	s13 =	sadd.s32 s12, s7;
	s20 =	simm.s32 $0x11940  }
0x1c0: {  	[hbm4b:s13+s3] =	stream.linear.scatter [tilespmem:s20], [sflag:$0x3], $0x80, $0x38;
	[tilespmem:$0x1AE00] =	vst v63  }
0x1c1: {  	s19 =	sadd.s32 $0x10, s13;
	s20 =	simm.s32 $0x119C8  }
0x1c2: {  	[hbm4b:s19+s3] =	stream.linear.scatter [tilespmem:s20], [sflag:$0x3], $0x80, $0x38;
	[tilespmem:$0x1AE00] =	vst v63  }
0x1c3: {  	s19 =	sadd.s32 $0x20, s13;
	s20 =	simm.s32 $0x11A50  }
0x1c4: {  	[hbm4b:s19+s3] =	stream.linear.scatter [tilespmem:s20], [sflag:$0x3], $0x80, $0x38;
	[tilespmem:$0x1AE00] =	vst v63  }
0x1c5: {  	s19 =	sadd.s32 $0x30, s13;
	s20 =	simm.s32 $0x11AD8  }
0x1c6: {  	[hbm4b:s19+s3] =	stream.linear.scatter [tilespmem:s20], [sflag:$0x3], $0x80, $0x38;
	[tilespmem:$0x1AE00] =	vst v63  }
0x1c7: {  	s19 =	sadd.s32 $0x40, s13;
	s20 =	simm.s32 $0x11B60  }
0x1c8: {  	[hbm4b:s19+s3] =	stream.linear.scatter [tilespmem:s20], [sflag:$0x3], $0x80, $0x38;
	[tilespmem:$0x1AE00] =	vst v63  }
0x1c9: {  	s19 =	sadd.s32 $0x50, s13;
	s20 =	simm.s32 $0x11BE8  }
0x1ca: {  	[hbm4b:s19+s3] =	stream.linear.scatter [tilespmem:s20], [sflag:$0x3], $0x80, $0x38;
	[tilespmem:$0x1AE00] =	vst v63  }
0x1cb: {  	s19 =	sadd.s32 $0x60, s13;
	s20 =	simm.s32 $0x11C70  }
0x1cc: {  	[hbm4b:s19+s3] =	stream.linear.scatter [tilespmem:s20], [sflag:$0x3], $0x80, $0x38;
	[tilespmem:$0x1AE00] =	vst v63  }
0x1cd: {  	s13 =	sadd.s32 $0x70, s13;
	s20 =	simm.s32 $0x11CF8  }
0x1ce: {  	[hbm4b:s13+s3] =	stream.linear.scatter [tilespmem:s20], [sflag:$0x3], $0x80, $0x38;
	[tilespmem:$0x1AE00] =	vst v63  }
0x1cf: {  	s13 =	sadd.s32 s12, s8;
	s20 =	simm.s32 $0x11D80  }
0x1d0: {  	[hbm4b:s13+s3] =	stream.linear.scatter [tilespmem:s20], [sflag:$0x3], $0x80, $0x38;
	[tilespmem:$0x1AE00] =	vst v63  }
0x1d1: {  	s19 =	sadd.s32 $0x10, s13;
	s20 =	simm.s32 $0x11E08  }
0x1d2: {  	[hbm4b:s19+s3] =	stream.linear.scatter [tilespmem:s20], [sflag:$0x3], $0x80, $0x38;
	[tilespmem:$0x1AE00] =	vst v63  }
0x1d3: {  	s19 =	sadd.s32 $0x20, s13;
	s20 =	simm.s32 $0x11E90  }
0x1d4: {  	[hbm4b:s19+s3] =	stream.linear.scatter [tilespmem:s20], [sflag:$0x3], $0x80, $0x38;
	[tilespmem:$0x1AE00] =	vst v63  }
0x1d5: {  	s19 =	sadd.s32 $0x30, s13;
	s20 =	simm.s32 $0x11F18  }
0x1d6: {  	[hbm4b:s19+s3] =	stream.linear.scatter [tilespmem:s20], [sflag:$0x3], $0x80, $0x38;
	[tilespmem:$0x1AE00] =	vst v63  }
0x1d7: {  	s19 =	sadd.s32 $0x40, s13;
	s20 =	simm.s32 $0x11FA0  }
0x1d8: {  	[hbm4b:s19+s3] =	stream.linear.scatter [tilespmem:s20], [sflag:$0x3], $0x80, $0x38;
	[tilespmem:$0x1AE00] =	vst v63  }
0x1d9: {  	s19 =	sadd.s32 $0x50, s13;
	s20 =	simm.s32 $0x12028  }
0x1da: {  	[hbm4b:s19+s3] =	stream.linear.scatter [tilespmem:s20], [sflag:$0x3], $0x80, $0x38;
	[tilespmem:$0x1AE00] =	vst v63  }
0x1db: {  	s19 =	sadd.s32 $0x60, s13;
	s20 =	simm.s32 $0x120B0  }
0x1dc: {  	[hbm4b:s19+s3] =	stream.linear.scatter [tilespmem:s20], [sflag:$0x3], $0x80, $0x38;
	[tilespmem:$0x1AE00] =	vst v63  }
0x1dd: {  	s13 =	sadd.s32 $0x70, s13;
	s20 =	simm.s32 $0x12138  }
0x1de: {  	[hbm4b:s13+s3] =	stream.linear.scatter [tilespmem:s20], [sflag:$0x3], $0x80, $0x38;
	[tilespmem:$0x1AE00] =	vst v63  }
0x1df: {  	s12 =	sadd.s32 s12, s9;
	s20 =	simm.s32 $0x121C0  }
0x1e0: {  	[hbm4b:s12+s3] =	stream.linear.scatter [tilespmem:s20], [sflag:$0x3], $0x80, $0x38;
	[tilespmem:$0x1AE00] =	vst v63  }
0x1e1: {  	s19 =	sadd.s32 $0x10, s12;
	s20 =	simm.s32 $0x12248  }
0x1e2: {  	[hbm4b:s19+s3] =	stream.linear.scatter [tilespmem:s20], [sflag:$0x3], $0x80, $0x38;
	[tilespmem:$0x1AE00] =	vst v63  }
0x1e3: {  	s19 =	sadd.s32 $0x20, s12;
	s20 =	simm.s32 $0x122D0  }
0x1e4: {  	[hbm4b:s19+s3] =	stream.linear.scatter [tilespmem:s20], [sflag:$0x3], $0x80, $0x38;
	[tilespmem:$0x1AE00] =	vst v63  }
0x1e5: {  	s19 =	sadd.s32 $0x30, s12;
	s20 =	simm.s32 $0x12358  }
0x1e6: {  	[hbm4b:s19+s3] =	stream.linear.scatter [tilespmem:s20], [sflag:$0x3], $0x80, $0x38;
	[tilespmem:$0x1AE00] =	vst v63  }
0x1e7: {  	s19 =	sadd.s32 $0x40, s12;
	s20 =	simm.s32 $0x123E0  }
0x1e8: {  	[hbm4b:s19+s3] =	stream.linear.scatter [tilespmem:s20], [sflag:$0x3], $0x80, $0x38;
	[tilespmem:$0x1AE00] =	vst v63  }
0x1e9: {  	s19 =	sadd.s32 $0x50, s12;
	s20 =	simm.s32 $0x12468  }
0x1ea: {  	[hbm4b:s19+s3] =	stream.linear.scatter [tilespmem:s20], [sflag:$0x3], $0x80, $0x38;
	[tilespmem:$0x1AE00] =	vst v63  }
0x1eb: {  	s19 =	sadd.s32 $0x60, s12;
	s20 =	simm.s32 $0x124F0  }
0x1ec: {  	[hbm4b:s19+s3] =	stream.linear.scatter [tilespmem:s20], [sflag:$0x3], $0x80, $0x38;
	[tilespmem:$0x1AE00] =	vst v63  }
0x1ed: {  	s13 =	sadd.s32 $0x2, s11;
	s12 =	sadd.s32 $0x70, s12;
	s20 =	simm.s32 $0x12578  }
0x1ee: {  	[hbm4b:s12+s3] =	stream.linear.scatter [tilespmem:s20], [sflag:$0x3], $0x80, $0x38;
	[tilespmem:$0x1AE00] =	vst v63  }
0x1ef: {  	s19 =	sshll.u32 s13, $0x9;
	s12 =	sshll.u32 s13, $0x7  }
0x1f0: {  	s13 =	sand.u32 $0xFFF0000, s19;
	s12 =	sand.u32 $0x3F00, s12  }
0x1f1: {  	s12 =	sor.u32 s12, s13  }
0x1f2: {  	s13 =	sadd.s32 s2, s12  }
0x1f3: {  	[hbm4b:s13+s3] =	stream.linear.scatter [tilespmem:s16], [sflag:$0x3], $0x80, $0x38;
	[tilespmem:$0x1AE00] =	vst v63  }
0x1f4: {  	s20 =	simm.s32 $0x12688;
	s19 =	sadd.s32 $0x10, s13  }
0x1f5: {  	[hbm4b:s19+s3] =	stream.linear.scatter [tilespmem:s20], [sflag:$0x3], $0x80, $0x38;
	[tilespmem:$0x1AE00] =	vst v63  }
0x1f6: {  	s19 =	sadd.s32 $0x20, s13;
	s20 =	simm.s32 $0x12710  }
0x1f7: {  	[hbm4b:s19+s3] =	stream.linear.scatter [tilespmem:s20], [sflag:$0x3], $0x80, $0x38;
	[tilespmem:$0x1AE00] =	vst v63  }
0x1f8: {  	s19 =	sadd.s32 $0x30, s13;
	s20 =	simm.s32 $0x12798  }
0x1f9: {  	[hbm4b:s19+s3] =	stream.linear.scatter [tilespmem:s20], [sflag:$0x3], $0x80, $0x38;
	[tilespmem:$0x1AE00] =	vst v63  }
0x1fa: {  	s19 =	sadd.s32 $0x40, s13;
	s20 =	simm.s32 $0x12820  }
0x1fb: {  	[hbm4b:s19+s3] =	stream.linear.scatter [tilespmem:s20], [sflag:$0x3], $0x80, $0x38;
	[tilespmem:$0x1AE00] =	vst v63  }
0x1fc: {  	s19 =	sadd.s32 $0x50, s13;
	s20 =	simm.s32 $0x128A8  }
0x1fd: {  	[hbm4b:s19+s3] =	stream.linear.scatter [tilespmem:s20], [sflag:$0x3], $0x80, $0x38;
	[tilespmem:$0x1AE00] =	vst v63  }
0x1fe: {  	s19 =	sadd.s32 $0x60, s13;
	s20 =	simm.s32 $0x12930  }
0x1ff: {  	[hbm4b:s19+s3] =	stream.linear.scatter [tilespmem:s20], [sflag:$0x3], $0x80, $0x38;
	[tilespmem:$0x1AE00] =	vst v63  }
0x200: {  	s13 =	sadd.s32 $0x70, s13;
	s20 =	simm.s32 $0x129B8  }
0x201: {  	[hbm4b:s13+s3] =	stream.linear.scatter [tilespmem:s20], [sflag:$0x3], $0x80, $0x38;
	[tilespmem:$0x1AE00] =	vst v63  }
0x202: {  	s13 =	sadd.s32 s12, s7;
	s20 =	simm.s32 $0x12A40  }
0x203: {  	[hbm4b:s13+s3] =	stream.linear.scatter [tilespmem:s20], [sflag:$0x3], $0x80, $0x38;
	[tilespmem:$0x1AE00] =	vst v63  }
0x204: {  	s19 =	sadd.s32 $0x10, s13;
	s20 =	simm.s32 $0x12AC8  }
0x205: {  	[hbm4b:s19+s3] =	stream.linear.scatter [tilespmem:s20], [sflag:$0x3], $0x80, $0x38;
	[tilespmem:$0x1AE00] =	vst v63  }
0x206: {  	s19 =	sadd.s32 $0x20, s13;
	s20 =	simm.s32 $0x12B50  }
0x207: {  	[hbm4b:s19+s3] =	stream.linear.scatter [tilespmem:s20], [sflag:$0x3], $0x80, $0x38;
	[tilespmem:$0x1AE00] =	vst v63  }
0x208: {  	s19 =	sadd.s32 $0x30, s13;
	s20 =	simm.s32 $0x12BD8  }
0x209: {  	[hbm4b:s19+s3] =	stream.linear.scatter [tilespmem:s20], [sflag:$0x3], $0x80, $0x38;
	[tilespmem:$0x1AE00] =	vst v63  }
0x20a: {  	s19 =	sadd.s32 $0x40, s13;
	s20 =	simm.s32 $0x12C60  }
0x20b: {  	[hbm4b:s19+s3] =	stream.linear.scatter [tilespmem:s20], [sflag:$0x3], $0x80, $0x38;
	[tilespmem:$0x1AE00] =	vst v63  }
0x20c: {  	s19 =	sadd.s32 $0x50, s13;
	s20 =	simm.s32 $0x12CE8  }
0x20d: {  	[hbm4b:s19+s3] =	stream.linear.scatter [tilespmem:s20], [sflag:$0x3], $0x80, $0x38;
	[tilespmem:$0x1AE00] =	vst v63  }
0x20e: {  	s19 =	sadd.s32 $0x60, s13;
	s20 =	simm.s32 $0x12D70  }
0x20f: {  	[hbm4b:s19+s3] =	stream.linear.scatter [tilespmem:s20], [sflag:$0x3], $0x80, $0x38;
	[tilespmem:$0x1AE00] =	vst v63  }
0x210: {  	s13 =	sadd.s32 $0x70, s13;
	s20 =	simm.s32 $0x12DF8  }
0x211: {  	[hbm4b:s13+s3] =	stream.linear.scatter [tilespmem:s20], [sflag:$0x3], $0x80, $0x38;
	[tilespmem:$0x1AE00] =	vst v63  }
0x212: {  	s13 =	sadd.s32 s12, s8;
	s20 =	simm.s32 $0x12E80  }
0x213: {  	[hbm4b:s13+s3] =	stream.linear.scatter [tilespmem:s20], [sflag:$0x3], $0x80, $0x38;
	[tilespmem:$0x1AE00] =	vst v63  }
0x214: {  	s19 =	sadd.s32 $0x10, s13;
	s20 =	simm.s32 $0x12F08  }
0x215: {  	[hbm4b:s19+s3] =	stream.linear.scatter [tilespmem:s20], [sflag:$0x3], $0x80, $0x38;
	[tilespmem:$0x1AE00] =	vst v63  }
0x216: {  	s19 =	sadd.s32 $0x20, s13;
	s20 =	simm.s32 $0x12F90  }
0x217: {  	[hbm4b:s19+s3] =	stream.linear.scatter [tilespmem:s20], [sflag:$0x3], $0x80, $0x38;
	[tilespmem:$0x1AE00] =	vst v63  }
0x218: {  	s19 =	sadd.s32 $0x30, s13;
	s20 =	simm.s32 $0x13018  }
0x219: {  	[hbm4b:s19+s3] =	stream.linear.scatter [tilespmem:s20], [sflag:$0x3], $0x80, $0x38;
	[tilespmem:$0x1AE00] =	vst v63  }
0x21a: {  	s19 =	sadd.s32 $0x40, s13;
	s20 =	simm.s32 $0x130A0  }
0x21b: {  	[hbm4b:s19+s3] =	stream.linear.scatter [tilespmem:s20], [sflag:$0x3], $0x80, $0x38;
	[tilespmem:$0x1AE00] =	vst v63  }
0x21c: {  	s19 =	sadd.s32 $0x50, s13;
	s20 =	simm.s32 $0x13128  }
0x21d: {  	[hbm4b:s19+s3] =	stream.linear.scatter [tilespmem:s20], [sflag:$0x3], $0x80, $0x38;
	[tilespmem:$0x1AE00] =	vst v63  }
0x21e: {  	s19 =	sadd.s32 $0x60, s13;
	s20 =	simm.s32 $0x131B0  }
0x21f: {  	[hbm4b:s19+s3] =	stream.linear.scatter [tilespmem:s20], [sflag:$0x3], $0x80, $0x38;
	[tilespmem:$0x1AE00] =	vst v63  }
0x220: {  	s13 =	sadd.s32 $0x70, s13;
	s20 =	simm.s32 $0x13238  }
0x221: {  	[hbm4b:s13+s3] =	stream.linear.scatter [tilespmem:s20], [sflag:$0x3], $0x80, $0x38;
	[tilespmem:$0x1AE00] =	vst v63  }
0x222: {  	s12 =	sadd.s32 s12, s9;
	s20 =	simm.s32 $0x132C0  }
0x223: {  	[hbm4b:s12+s3] =	stream.linear.scatter [tilespmem:s20], [sflag:$0x3], $0x80, $0x38;
	[tilespmem:$0x1AE00] =	vst v63  }
0x224: {  	s19 =	sadd.s32 $0x10, s12;
	s20 =	simm.s32 $0x13348  }
0x225: {  	[hbm4b:s19+s3] =	stream.linear.scatter [tilespmem:s20], [sflag:$0x3], $0x80, $0x38;
	[tilespmem:$0x1AE00] =	vst v63  }
0x226: {  	s19 =	sadd.s32 $0x20, s12;
	s20 =	simm.s32 $0x133D0  }
0x227: {  	[hbm4b:s19+s3] =	stream.linear.scatter [tilespmem:s20], [sflag:$0x3], $0x80, $0x38;
	[tilespmem:$0x1AE00] =	vst v63  }
0x228: {  	s19 =	sadd.s32 $0x30, s12;
	s20 =	simm.s32 $0x13458  }
0x229: {  	[hbm4b:s19+s3] =	stream.linear.scatter [tilespmem:s20], [sflag:$0x3], $0x80, $0x38;
	[tilespmem:$0x1AE00] =	vst v63  }
0x22a: {  	s19 =	sadd.s32 $0x40, s12;
	s20 =	simm.s32 $0x134E0  }
0x22b: {  	[hbm4b:s19+s3] =	stream.linear.scatter [tilespmem:s20], [sflag:$0x3], $0x80, $0x38;
	[tilespmem:$0x1AE00] =	vst v63  }
0x22c: {  	s19 =	sadd.s32 $0x50, s12;
	s20 =	simm.s32 $0x13568  }
0x22d: {  	[hbm4b:s19+s3] =	stream.linear.scatter [tilespmem:s20], [sflag:$0x3], $0x80, $0x38;
	[tilespmem:$0x1AE00] =	vst v63  }
0x22e: {  	s19 =	sadd.s32 $0x60, s12;
	s20 =	simm.s32 $0x135F0  }
0x22f: {  	[hbm4b:s19+s3] =	stream.linear.scatter [tilespmem:s20], [sflag:$0x3], $0x80, $0x38;
	[tilespmem:$0x1AE00] =	vst v63  }
0x230: {  	s13 =	sadd.s32 $0x3, s11;
	s12 =	sadd.s32 $0x70, s12;
	s20 =	simm.s32 $0x13678  }
0x231: {  	[hbm4b:s12+s3] =	stream.linear.scatter [tilespmem:s20], [sflag:$0x3], $0x80, $0x38;
	[tilespmem:$0x1AE00] =	vst v63  }
0x232: {  	s19 =	sshll.u32 s13, $0x9;
	s12 =	sshll.u32 s13, $0x7  }
0x233: {  	s13 =	sand.u32 $0xFFF0000, s19;
	s12 =	sand.u32 $0x3F80, s12  }
0x234: {  	s12 =	sor.u32 s12, s13  }
0x235: {  	s13 =	sadd.s32 s2, s12  }
0x236: {  	[hbm4b:s13+s3] =	stream.linear.scatter [tilespmem:s17], [sflag:$0x3], $0x80, $0x38;
	[tilespmem:$0x1AE00] =	vst v63  }
0x237: {  	s20 =	simm.s32 $0x13788;
	s19 =	sadd.s32 $0x10, s13  }
0x238: {  	[hbm4b:s19+s3] =	stream.linear.scatter [tilespmem:s20], [sflag:$0x3], $0x80, $0x38;
	[tilespmem:$0x1AE00] =	vst v63  }
0x239: {  	s19 =	sadd.s32 $0x20, s13;
	s20 =	simm.s32 $0x13810  }
0x23a: {  	[hbm4b:s19+s3] =	stream.linear.scatter [tilespmem:s20], [sflag:$0x3], $0x80, $0x38;
	[tilespmem:$0x1AE00] =	vst v63  }
0x23b: {  	s19 =	sadd.s32 $0x30, s13;
	s20 =	simm.s32 $0x13898  }
0x23c: {  	[hbm4b:s19+s3] =	stream.linear.scatter [tilespmem:s20], [sflag:$0x3], $0x80, $0x38;
	[tilespmem:$0x1AE00] =	vst v63  }
0x23d: {  	s19 =	sadd.s32 $0x40, s13;
	s20 =	simm.s32 $0x13920  }
0x23e: {  	[hbm4b:s19+s3] =	stream.linear.scatter [tilespmem:s20], [sflag:$0x3], $0x80, $0x38;
	[tilespmem:$0x1AE00] =	vst v63  }
0x23f: {  	s19 =	sadd.s32 $0x50, s13;
	s20 =	simm.s32 $0x139A8  }
0x240: {  	[hbm4b:s19+s3] =	stream.linear.scatter [tilespmem:s20], [sflag:$0x3], $0x80, $0x38;
	[tilespmem:$0x1AE00] =	vst v63  }
0x241: {  	s19 =	sadd.s32 $0x60, s13;
	s20 =	simm.s32 $0x13A30  }
0x242: {  	[hbm4b:s19+s3] =	stream.linear.scatter [tilespmem:s20], [sflag:$0x3], $0x80, $0x38;
	[tilespmem:$0x1AE00] =	vst v63  }
0x243: {  	s13 =	sadd.s32 $0x70, s13;
	s20 =	simm.s32 $0x13AB8  }
0x244: {  	[hbm4b:s13+s3] =	stream.linear.scatter [tilespmem:s20], [sflag:$0x3], $0x80, $0x38;
	[tilespmem:$0x1AE00] =	vst v63  }
0x245: {  	s13 =	sadd.s32 s12, s7;
	s20 =	simm.s32 $0x13B40  }
0x246: {  	[hbm4b:s13+s3] =	stream.linear.scatter [tilespmem:s20], [sflag:$0x3], $0x80, $0x38;
	[tilespmem:$0x1AE00] =	vst v63  }
0x247: {  	s19 =	sadd.s32 $0x10, s13;
	s20 =	simm.s32 $0x13BC8  }
0x248: {  	[hbm4b:s19+s3] =	stream.linear.scatter [tilespmem:s20], [sflag:$0x3], $0x80, $0x38;
	[tilespmem:$0x1AE00] =	vst v63  }
0x249: {  	s19 =	sadd.s32 $0x20, s13;
	s20 =	simm.s32 $0x13C50  }
0x24a: {  	[hbm4b:s19+s3] =	stream.linear.scatter [tilespmem:s20], [sflag:$0x3], $0x80, $0x38;
	[tilespmem:$0x1AE00] =	vst v63  }
0x24b: {  	s19 =	sadd.s32 $0x30, s13;
	s20 =	simm.s32 $0x13CD8  }
0x24c: {  	[hbm4b:s19+s3] =	stream.linear.scatter [tilespmem:s20], [sflag:$0x3], $0x80, $0x38;
	[tilespmem:$0x1AE00] =	vst v63  }
0x24d: {  	s19 =	sadd.s32 $0x40, s13;
	s20 =	simm.s32 $0x13D60  }
0x24e: {  	[hbm4b:s19+s3] =	stream.linear.scatter [tilespmem:s20], [sflag:$0x3], $0x80, $0x38;
	[tilespmem:$0x1AE00] =	vst v63  }
0x24f: {  	s19 =	sadd.s32 $0x50, s13;
	s20 =	simm.s32 $0x13DE8  }
0x250: {  	[hbm4b:s19+s3] =	stream.linear.scatter [tilespmem:s20], [sflag:$0x3], $0x80, $0x38;
	[tilespmem:$0x1AE00] =	vst v63  }
0x251: {  	s19 =	sadd.s32 $0x60, s13;
	s20 =	simm.s32 $0x13E70  }
0x252: {  	[hbm4b:s19+s3] =	stream.linear.scatter [tilespmem:s20], [sflag:$0x3], $0x80, $0x38;
	[tilespmem:$0x1AE00] =	vst v63  }
0x253: {  	s13 =	sadd.s32 $0x70, s13;
	s20 =	simm.s32 $0x13EF8  }
0x254: {  	[hbm4b:s13+s3] =	stream.linear.scatter [tilespmem:s20], [sflag:$0x3], $0x80, $0x38;
	[tilespmem:$0x1AE00] =	vst v63  }
0x255: {  	s13 =	sadd.s32 s12, s8;
	s20 =	simm.s32 $0x13F80  }
0x256: {  	[hbm4b:s13+s3] =	stream.linear.scatter [tilespmem:s20], [sflag:$0x3], $0x80, $0x38;
	[tilespmem:$0x1AE00] =	vst v63  }
0x257: {  	s19 =	sadd.s32 $0x10, s13;
	s20 =	simm.s32 $0x14008  }
0x258: {  	[hbm4b:s19+s3] =	stream.linear.scatter [tilespmem:s20], [sflag:$0x3], $0x80, $0x38;
	[tilespmem:$0x1AE00] =	vst v63  }
0x259: {  	s19 =	sadd.s32 $0x20, s13;
	s20 =	simm.s32 $0x14090  }
0x25a: {  	[hbm4b:s19+s3] =	stream.linear.scatter [tilespmem:s20], [sflag:$0x3], $0x80, $0x38;
	[tilespmem:$0x1AE00] =	vst v63  }
0x25b: {  	s19 =	sadd.s32 $0x30, s13;
	s20 =	simm.s32 $0x14118  }
0x25c: {  	[hbm4b:s19+s3] =	stream.linear.scatter [tilespmem:s20], [sflag:$0x3], $0x80, $0x38;
	[tilespmem:$0x1AE00] =	vst v63  }
0x25d: {  	s19 =	sadd.s32 $0x40, s13;
	s20 =	simm.s32 $0x141A0  }
0x25e: {  	[hbm4b:s19+s3] =	stream.linear.scatter [tilespmem:s20], [sflag:$0x3], $0x80, $0x38;
	[tilespmem:$0x1AE00] =	vst v63  }
0x25f: {  	s19 =	sadd.s32 $0x50, s13;
	s20 =	simm.s32 $0x14228  }
0x260: {  	[hbm4b:s19+s3] =	stream.linear.scatter [tilespmem:s20], [sflag:$0x3], $0x80, $0x38;
	[tilespmem:$0x1AE00] =	vst v63  }
0x261: {  	s19 =	sadd.s32 $0x60, s13;
	s20 =	simm.s32 $0x142B0  }
0x262: {  	[hbm4b:s19+s3] =	stream.linear.scatter [tilespmem:s20], [sflag:$0x3], $0x80, $0x38;
	[tilespmem:$0x1AE00] =	vst v63  }
0x263: {  	s13 =	sadd.s32 $0x70, s13;
	s20 =	simm.s32 $0x14338  }
0x264: {  	[hbm4b:s13+s3] =	stream.linear.scatter [tilespmem:s20], [sflag:$0x3], $0x80, $0x38;
	[tilespmem:$0x1AE00] =	vst v63  }
0x265: {  	s12 =	sadd.s32 s12, s9;
	s20 =	simm.s32 $0x143C0  }
0x266: {  	[hbm4b:s12+s3] =	stream.linear.scatter [tilespmem:s20], [sflag:$0x3], $0x80, $0x38;
	[tilespmem:$0x1AE00] =	vst v63  }
0x267: {  	s19 =	sadd.s32 $0x10, s12;
	s20 =	simm.s32 $0x14448  }
0x268: {  	[hbm4b:s19+s3] =	stream.linear.scatter [tilespmem:s20], [sflag:$0x3], $0x80, $0x38;
	[tilespmem:$0x1AE00] =	vst v63  }
0x269: {  	s19 =	sadd.s32 $0x20, s12;
	s20 =	simm.s32 $0x144D0  }
0x26a: {  	[hbm4b:s19+s3] =	stream.linear.scatter [tilespmem:s20], [sflag:$0x3], $0x80, $0x38;
	[tilespmem:$0x1AE00] =	vst v63  }
0x26b: {  	s19 =	sadd.s32 $0x30, s12;
	s20 =	simm.s32 $0x14558  }
0x26c: {  	[hbm4b:s19+s3] =	stream.linear.scatter [tilespmem:s20], [sflag:$0x3], $0x80, $0x38;
	[tilespmem:$0x1AE00] =	vst v63  }
0x26d: {  	s19 =	sadd.s32 $0x40, s12;
	s20 =	simm.s32 $0x145E0  }
0x26e: {  	[hbm4b:s19+s3] =	stream.linear.scatter [tilespmem:s20], [sflag:$0x3], $0x80, $0x38;
	[tilespmem:$0x1AE00] =	vst v63  }
0x26f: {  	s11 =	sadd.s32 $0x4, s11;
	s19 =	sadd.s32 $0x50, s12;
	s20 =	simm.s32 $0x14668  }
0x270: {  	[hbm4b:s19+s3] =	stream.linear.scatter [tilespmem:s20], [sflag:$0x3], $0x80, $0x38;
	[tilespmem:$0x1AE00] =	vst v63  }
0x271: {  	s13 =	sshll.u32 s11, $0x9;
	s19 =	sadd.s32 $0x60, s12;
	s20 =	simm.s32 $0x146F0  }
0x272: {  	[hbm4b:s19+s3] =	stream.linear.scatter [tilespmem:s20], [sflag:$0x3], $0x80, $0x38;
	[tilespmem:$0x1AE00] =	vst v63  }
0x273: {  	s11 =	sshll.u32 s11, $0x7;
	s12 =	sadd.s32 $0x70, s12;
	s20 =	simm.s32 $0x14778  }
0x274: {  	[hbm4b:s12+s3] =	stream.linear.scatter [tilespmem:s20], [sflag:$0x3], $0x80, $0x38;
	[tilespmem:$0x1AE00] =	vst v63  }
0x275: {  	s11 =	sand.u32 $0x3F00, s11;
	s12 =	sand.u32 $0xFFF0000, s13  }
0x276: {  	s11 =	sor.u32 s11, s12  }
0x277: {  	s12 =	sadd.s32 s2, s11  }
0x278: {  	[hbm4b:s12+s3] =	stream.linear.scatter [tilespmem:s18], [sflag:$0x3], $0x80, $0x38;
	[tilespmem:$0x1AE00] =	vst v63  }
0x279: {  	s20 =	simm.s32 $0x14888;
	s19 =	sadd.s32 $0x10, s12  }
0x27a: {  	[hbm4b:s19+s3] =	stream.linear.scatter [tilespmem:s20], [sflag:$0x3], $0x80, $0x38;
	[tilespmem:$0x1AE00] =	vst v63  }
0x27b: {  	s19 =	sadd.s32 $0x20, s12;
	s20 =	simm.s32 $0x14910  }
0x27c: {  	[hbm4b:s19+s3] =	stream.linear.scatter [tilespmem:s20], [sflag:$0x3], $0x80, $0x38;
	[tilespmem:$0x1AE00] =	vst v63  }
0x27d: {  	s19 =	sadd.s32 $0x30, s12;
	s20 =	simm.s32 $0x14998  }
0x27e: {  	[hbm4b:s19+s3] =	stream.linear.scatter [tilespmem:s20], [sflag:$0x3], $0x80, $0x38;
	[tilespmem:$0x1AE00] =	vst v63  }
0x27f: {  	s19 =	sadd.s32 $0x40, s12;
	s20 =	simm.s32 $0x14A20  }
0x280: {  	[hbm4b:s19+s3] =	stream.linear.scatter [tilespmem:s20], [sflag:$0x3], $0x80, $0x38;
	[tilespmem:$0x1AE00] =	vst v63  }
0x281: {  	s19 =	sadd.s32 $0x50, s12;
	s20 =	simm.s32 $0x14AA8  }
0x282: {  	[hbm4b:s19+s3] =	stream.linear.scatter [tilespmem:s20], [sflag:$0x3], $0x80, $0x38;
	[tilespmem:$0x1AE00] =	vst v63  }
0x283: {  	s19 =	sadd.s32 $0x60, s12;
	s20 =	simm.s32 $0x14B30  }
0x284: {  	[hbm4b:s19+s3] =	stream.linear.scatter [tilespmem:s20], [sflag:$0x3], $0x80, $0x38;
	[tilespmem:$0x1AE00] =	vst v63  }
0x285: {  	s12 =	sadd.s32 $0x70, s12;
	s19 =	simm.s32 $0x14BB8  }
0x286: {  	[hbm4b:s12+s3] =	stream.linear.scatter [tilespmem:s19], [sflag:$0x3], $0x80, $0x38;
	[tilespmem:$0x1AE00] =	vst v63  }
0x287: {  	s20 =	simm.s32 $0x14C40;
	s12 =	sadd.s32 s11, s7  }
0x288: {  	[hbm4b:s12+s3] =	stream.linear.scatter [tilespmem:s20], [sflag:$0x3], $0x80, $0x38;
	[tilespmem:$0x1AE00] =	vst v63  }
0x289: {  	s19 =	sadd.s32 $0x10, s12;
	s20 =	simm.s32 $0x14CC8  }
0x28a: {  	[hbm4b:s19+s3] =	stream.linear.scatter [tilespmem:s20], [sflag:$0x3], $0x80, $0x38;
	[tilespmem:$0x1AE00] =	vst v63  }
0x28b: {  	s19 =	sadd.s32 $0x20, s12;
	s20 =	simm.s32 $0x14D50  }
0x28c: {  	[hbm4b:s19+s3] =	stream.linear.scatter [tilespmem:s20], [sflag:$0x3], $0x80, $0x38;
	[tilespmem:$0x1AE00] =	vst v63  }
0x28d: {  	s19 =	sadd.s32 $0x30, s12;
	s20 =	simm.s32 $0x14DD8  }
0x28e: {  	[hbm4b:s19+s3] =	stream.linear.scatter [tilespmem:s20], [sflag:$0x3], $0x80, $0x38;
	[tilespmem:$0x1AE00] =	vst v63  }
0x28f: {  	s19 =	sadd.s32 $0x40, s12;
	s20 =	simm.s32 $0x14E60  }
0x290: {  	[hbm4b:s19+s3] =	stream.linear.scatter [tilespmem:s20], [sflag:$0x3], $0x80, $0x38;
	[tilespmem:$0x1AE00] =	vst v63  }
0x291: {  	s19 =	sadd.s32 $0x50, s12;
	s20 =	simm.s32 $0x14EE8  }
0x292: {  	[hbm4b:s19+s3] =	stream.linear.scatter [tilespmem:s20], [sflag:$0x3], $0x80, $0x38;
	[tilespmem:$0x1AE00] =	vst v63  }
0x293: {  	s19 =	sadd.s32 $0x60, s12;
	s20 =	simm.s32 $0x14F70  }
0x294: {  	[hbm4b:s19+s3] =	stream.linear.scatter [tilespmem:s20], [sflag:$0x3], $0x80, $0x38;
	[tilespmem:$0x1AE00] =	vst v63  }
0x295: {  	s12 =	sadd.s32 $0x70, s12;
	s19 =	simm.s32 $0x14FF8  }
0x296: {  	[hbm4b:s12+s3] =	stream.linear.scatter [tilespmem:s19], [sflag:$0x3], $0x80, $0x38;
	[tilespmem:$0x1AE00] =	vst v63  }
0x297: {  	s20 =	simm.s32 $0x15080;
	s12 =	sadd.s32 s11, s8  }
0x298: {  	[hbm4b:s12+s3] =	stream.linear.scatter [tilespmem:s20], [sflag:$0x3], $0x80, $0x38;
	[tilespmem:$0x1AE00] =	vst v63  }
0x299: {  	s19 =	sadd.s32 $0x10, s12;
	s20 =	simm.s32 $0x15108  }
0x29a: {  	[hbm4b:s19+s3] =	stream.linear.scatter [tilespmem:s20], [sflag:$0x3], $0x80, $0x38;
	[tilespmem:$0x1AE00] =	vst v63  }
0x29b: {  	s19 =	sadd.s32 $0x20, s12;
	s20 =	simm.s32 $0x15190  }
0x29c: {  	[hbm4b:s19+s3] =	stream.linear.scatter [tilespmem:s20], [sflag:$0x3], $0x80, $0x38;
	[tilespmem:$0x1AE00] =	vst v63  }
0x29d: {  	s19 =	sadd.s32 $0x30, s12;
	s20 =	simm.s32 $0x15218  }
0x29e: {  	[hbm4b:s19+s3] =	stream.linear.scatter [tilespmem:s20], [sflag:$0x3], $0x80, $0x38;
	[tilespmem:$0x1AE00] =	vst v63  }
0x29f: {  	s19 =	sadd.s32 $0x40, s12;
	s20 =	simm.s32 $0x152A0  }
0x2a0: {  	[hbm4b:s19+s3] =	stream.linear.scatter [tilespmem:s20], [sflag:$0x3], $0x80, $0x38;
	[tilespmem:$0x1AE00] =	vst v63  }
0x2a1: {  	s19 =	sadd.s32 $0x50, s12;
	s20 =	simm.s32 $0x15328  }
0x2a2: {  	[hbm4b:s19+s3] =	stream.linear.scatter [tilespmem:s20], [sflag:$0x3], $0x80, $0x38;
	[tilespmem:$0x1AE00] =	vst v63  }
0x2a3: {  	s19 =	sadd.s32 $0x60, s12;
	s20 =	simm.s32 $0x153B0  }
0x2a4: {  	[hbm4b:s19+s3] =	stream.linear.scatter [tilespmem:s20], [sflag:$0x3], $0x80, $0x38;
	[tilespmem:$0x1AE00] =	vst v63  }
0x2a5: {  	s12 =	sadd.s32 $0x70, s12;
	s20 =	simm.s32 $0x15438  }
0x2a6: {  	[hbm4b:s12+s3] =	stream.linear.scatter [tilespmem:s20], [sflag:$0x3], $0x80, $0x38;
	[tilespmem:$0x1AE00] =	vst v63  }
0x2a7: {  	s13 =	simm.s32 $0x154C0;
	s11 =	sadd.s32 s11, s9  }
0x2a8: {  	[hbm4b:s11+s3] =	stream.linear.scatter [tilespmem:s13], [sflag:$0x3], $0x80, $0x38;
	[tilespmem:$0x1AE00] =	vst v63  }
0x2a9: {  	s19 =	sadd.s32 $0x10, s11;
	s20 =	simm.s32 $0x15548  }
0x2aa: {  	[hbm4b:s19+s3] =	stream.linear.scatter [tilespmem:s20], [sflag:$0x3], $0x80, $0x38;
	[tilespmem:$0x1AE00] =	vst v63  }
0x2ab: {  	s19 =	sadd.s32 $0x20, s11;
	s20 =	simm.s32 $0x155D0  }
0x2ac: {  	[hbm4b:s19+s3] =	stream.linear.scatter [tilespmem:s20], [sflag:$0x3], $0x80, $0x38;
	[tilespmem:$0x1AE00] =	vst v63  }
0x2ad: {  	s19 =	sadd.s32 $0x30, s11;
	s20 =	simm.s32 $0x15658  }
0x2ae: {  	[hbm4b:s19+s3] =	stream.linear.scatter [tilespmem:s20], [sflag:$0x3], $0x80, $0x38;
	[tilespmem:$0x1AE00] =	vst v63  }
0x2af: {  	s19 =	sadd.s32 $0x40, s11;
	s20 =	simm.s32 $0x156E0  }
0x2b0: {  	[hbm4b:s19+s3] =	stream.linear.scatter [tilespmem:s20], [sflag:$0x3], $0x80, $0x38;
	[tilespmem:$0x1AE00] =	vst v63  }
0x2b1: {  	s19 =	sadd.s32 $0x50, s11;
	s20 =	simm.s32 $0x15768  }
0x2b2: {  	[hbm4b:s19+s3] =	stream.linear.scatter [tilespmem:s20], [sflag:$0x3], $0x80, $0x38;
	[tilespmem:$0x1AE00] =	vst v63  }
0x2b3: {  	s19 =	sadd.s32 $0x60, s11;
	s20 =	simm.s32 $0x157F0  }
0x2b4: {  	[hbm4b:s19+s3] =	stream.linear.scatter [tilespmem:s20], [sflag:$0x3], $0x80, $0x38;
	[tilespmem:$0x1AE00] =	vst v63  }
0x2b5: {  	s11 =	sadd.s32 $0x70, s11;
	s19 =	simm.s32 $0x15878  }
0x2b6: {  	[hbm4b:s11+s3] =	stream.linear.scatter [tilespmem:s19], [sflag:$0x3], $0x80, $0x38;
	[tilespmem:$0x1AE00] =	vst v63  }
0x2b7: {  	_ =	swait.ge [sflag:s21], $0x5000  }
0x2b8: {  	[sflag:s21] =	ssyncset.done $0x0  }
0x2b9: {  	s11 =	simm.s32 @!p0 $0x4;
	[sflag:s21] =	ssyncadd.s32 $0xFFFFB000  }
0x2ba: {  	_ =	swait.ge @!p0 [sflag:s11], $0x400  }
0x2bb: {  	[sflag:s11] =	ssyncset.done @!p0 $0x0  }
0x2bc: {  	[sflag:s11] =	ssyncadd.s32 @!p0 $0xFFFFFC00  }
0x2bd: {  	_ =	swait.ge @!p0 [sflag:s11], $0x400  }
0x2be: {  	[sflag:s11] =	ssyncset.done @!p0 $0x0  }
0x2bf: {  	[sflag:s11] =	ssyncadd.s32 @!p0 $0xFFFFFC00  }
0x2c0: {  	_ =	swait.ge @!p0 [sflag:s11], $0x400  }
0x2c1: {  	[sflag:s11] =	ssyncset.done @!p0 $0x0  }
0x2c2: {  	[sflag:s11] =	ssyncadd.s32 @!p0 $0xFFFFFC00  }
0x2c3: {  	_ =	swait.ge @!p0 [sflag:s11], $0x400  }
0x2c4: {  	[sflag:s11] =	ssyncset.done @!p0 $0x0  }
0x2c5: {  	[sflag:s11] =	ssyncadd.s32 @!p0 $0xFFFFFC00  }
0x2c6: {  	_ =	swait.ge @!p0 [sflag:s11], $0x400  }
0x2c7: {  	[sflag:s11] =	ssyncset.done @!p0 $0x0  }
0x2c8: {  	[sflag:s11] =	ssyncadd.s32 @!p0 $0xFFFFFC00  }
0x2c9: {  	_ =	swait.ge @!p0 [sflag:s11], $0x400  }
0x2ca: {  	[sflag:s11] =	ssyncset.done @!p0 $0x0  }
0x2cb: {  	[sflag:s11] =	ssyncadd.s32 @!p0 $0xFFFFFC00  }
0x2cc: {  	_ =	swait.ge @!p0 [sflag:s11], $0x400  }
0x2cd: {  	[sflag:s11] =	ssyncset.done @!p0 $0x0  }
0x2ce: {  	[sflag:s11] =	ssyncadd.s32 @!p0 $0xFFFFFC00  }
0x2cf: {  	_ =	swait.ge @!p0 [sflag:s11], $0x400  }
0x2d0: {  	[sflag:s11] =	ssyncset.done @!p0 $0x0  }
0x2d1: {  	[sflag:s11] =	ssyncadd.s32 @!p0 $0xFFFFFC00  }
0x2d2: {  	_ =	swait.ge @!p0 [sflag:s11], $0x400  }
0x2d3: {  	[sflag:s11] =	ssyncset.done @!p0 $0x0  }
0x2d4: {  	[sflag:s11] =	ssyncadd.s32 @!p0 $0xFFFFFC00  }
0x2d5: {  	_ =	swait.ge @!p0 [sflag:s11], $0x400  }
0x2d6: {  	[sflag:s11] =	ssyncset.done @!p0 $0x0  }
0x2d7: {  	[sflag:s11] =	ssyncadd.s32 @!p0 $0xFFFFFC00  }
0x2d8: {  	_ =	swait.ge @!p0 [sflag:s11], $0x400  }
0x2d9: {  	[sflag:s11] =	ssyncset.done @!p0 $0x0  }
0x2da: {  	[sflag:s11] =	ssyncadd.s32 @!p0 $0xFFFFFC00  }
0x2db: {  	_ =	swait.ge @!p0 [sflag:s11], $0x400  }
0x2dc: {  	[sflag:s11] =	ssyncset.done @!p0 $0x0  }
0x2dd: {  	[sflag:s11] =	ssyncadd.s32 @!p0 $0xFFFFFC00  }
0x2de: {  	_ =	swait.ge @!p0 [sflag:s11], $0x400  }
0x2df: {  	[sflag:s11] =	ssyncset.done @!p0 $0x0  }
0x2e0: {  	[sflag:s11] =	ssyncadd.s32 @!p0 $0xFFFFFC00  }
0x2e1: {  	_ =	swait.ge @!p0 [sflag:s11], $0x400  }
0x2e2: {  	[sflag:s11] =	ssyncset.done @!p0 $0x0  }
0x2e3: {  	[sflag:s11] =	ssyncadd.s32 @!p0 $0xFFFFFC00  }
0x2e4: {  	_ =	swait.ge @!p0 [sflag:s11], $0x400  }
0x2e5: {  	[sflag:s11] =	ssyncset.done @!p0 $0x0  }
0x2e6: {  	[sflag:s11] =	ssyncadd.s32 @!p0 $0xFFFFFC00  }
0x2e7: {  	_ =	swait.ge @!p0 [sflag:s11], $0x400  }
0x2e8: {  	[sflag:s11] =	ssyncset.done @!p0 $0x0  }
0x2e9: {  	[sflag:s11] =	ssyncadd.s32 @!p0 $0xFFFFFC00  }
0x2ea: {  	_ =	swait.ge @!p0 [sflag:s11], $0x400  }
0x2eb: {  	[sflag:s11] =	ssyncset.done @!p0 $0x0  }
0x2ec: {  	[sflag:s11] =	ssyncadd.s32 @!p0 $0xFFFFFC00  }
0x2ed: {  	_ =	swait.ge @!p0 [sflag:s11], $0x400  }
0x2ee: {  	[sflag:s11] =	ssyncset.done @!p0 $0x0  }
0x2ef: {  	[sflag:s11] =	ssyncadd.s32 @!p0 $0xFFFFFC00  }
0x2f0: {  	s13 =	simm.s32 $0x0;
	s20 =	simm.s32 $0x7;
	_ =	swait.ge @!p0 [sflag:s11], $0x400  }
0x2f1: {  	v18 =	vmov s13;
	v17 =	vmov s20;
	[sflag:s11] =	ssyncset.done @!p0 $0x0  }
0x2f2: {  	v18 =	vshrl.u32 v18, $0x3;
	v17 =	vshrl.u32 v17, $0x3;
	s19 =	simm.s32 $0x1;
	[sflag:s11] =	ssyncadd.s32 @!p0 $0xFFFFFC00  }
0x2f3: {  	v18 =	vshll.u32 v18, v1;
	v17 =	vshll.u32 v17, v1;
	v19 =	vmov s19;
	_ =	swait.ge @!p0 [sflag:s11], $0x400  }
0x2f4: {  	v20 =	vbroadcast v18, $0x0;
	v17 =	vbroadcast v17, $0x0;
	v18 =	vshrl.u32 v19, $0x3;
	[sflag:s11] =	ssyncset.done @!p0 $0x0  }
0x2f5: {  	s20 =	simm.s32 $0x2;
	v21 =	vshll.u32 v18, v1;
	[sflag:s11] =	ssyncadd.s32 @!p0 $0xFFFFFC00;
	s11 =	simm.s32 $0xB400  }
0x2f6: {  	v22 =	vmov s20;
	v31 =	vadd.s32 v15, v17;
	v21 =	vbroadcast v21, $0x0;
	v19 =	vld [tilespmem:s11+$0xE0]  }
0x2f7: {  	v22 =	vshrl.u32 v22, $0x3;
	v18 =	vadd.s32 v0, v20;
	v60 =	vadd.s32 v16, v17;
	v26 =	vld [tilespmem:s11+$0x0]  }
0x2f8: {  	v17 =	vadd.s32 v2, v20;
	v20 =	vshll.u32 v22, v1;
	v22 =	vadd.s32 v3, v21;
	v28 =	vld [tilespmem:s11+$0x20]  }
0x2f9: {  	v25 =	vld [tilespmem:s11+$0xF0]  }
0x2fa: {  	v27 =	vld [tilespmem:s11+$0x10]  }
0x2fb: {  	v23 =	vadd.s32 v4, v21;
	v29 =	vld [tilespmem:s11+$0x30];
	[tilespmem:v31+s22+$0x0] =	vst.idx.msk $0xffff, v19  }
0x2fc: {  	v20 =	vbroadcast v20, $0x0;
	v61 =	vld [tilespmem:s11+$0x50];
	[tilespmem:v18+s22+$0x0] =	vst.idx.msk $0xffff, v26  }
0x2fd: {  	s13 =	simm.s32 $0x3;
	v62 =	vld [tilespmem:s11+$0x60];
	[tilespmem:v22+s22+$0x0] =	vst.idx.msk $0xffff, v28  }
0x2fe: {  	s19 =	simm.s32 $0x4;
	v21 =	vmov s13;
	v24 =	vadd.s32 v5, v20;
	v19 =	vld [tilespmem:s11+$0x40];
	[tilespmem:v60+s22+$0x0] =	vst.idx.msk $0xffff, v25  }
0x2ff: {  	v21 =	vshrl.u32 v21, $0x3;
	v25 =	vmov s19;
	[tilespmem:v17+s22+$0x0] =	vst.idx.msk $0xffff, v27;
	v26 =	vld [tilespmem:s11+$0x10E0]  }
0x300: {  	v21 =	vshll.u32 v21, v1;
	v63 =	vld [tilespmem:s11+$0x80];
	[tilespmem:v23+s22+$0x0] =	vst.idx.msk $0xffff, v29;
	v27 =	vshrl.u32 v25, $0x3;
	v25 =	vadd.s32 v6, v20  }
0x301: {  	v21 =	vbroadcast v21, $0x0;
	v47 =	vld [tilespmem:s11+$0x1020]  }
0x302: {  	v30 =	vld [tilespmem:s11+$0x10F0]  }
0x303: {  	v40 =	vld [tilespmem:s11+$0x90];
	v20 =	vshll.u32 v27, v1;
	v27 =	vadd.s32 v7, v21;
	[tilespmem:v24+s22+$0x0] =	vst.idx.msk $0xffff, v19  }
0x304: {  	v49 =	vld [tilespmem:s11+$0x1030];
	v20 =	vbroadcast v20, $0x0;
	[tilespmem:v31+s23+$0x0] =	vst.idx.msk $0xffff, v26  }
0x305: {  	v29 =	vadd.s32 v8, v21;
	v19 =	vld [tilespmem:s11+$0x70];
	[tilespmem:v25+s22+$0x0] =	vst.idx.msk $0xffff, v61  }
0x306: {  	v43 =	vld [tilespmem:s11+$0xA0];
	v28 =	vadd.s32 v9, v20;
	[tilespmem:v22+s23+$0x0] =	vst.idx.msk $0xffff, v47  }
0x307: {  	s20 =	simm.s32 $0x5;
	v44 =	vld [tilespmem:s11+$0xB0];
	v26 =	vadd.s32 v10, v20;
	[tilespmem:v60+s23+$0x0] =	vst.idx.msk $0xffff, v30  }
0x308: {  	v21 =	vmov s20;
	[tilespmem:v27+s22+$0x0] =	vst.idx.msk $0xffff, v62;
	v50 =	vld [tilespmem:s11+$0x1040]  }
0x309: {  	v21 =	vshrl.u32 v21, $0x3;
	[tilespmem:v23+s23+$0x0] =	vst.idx.msk $0xffff, v49;
	v41 =	vld [tilespmem:s11+$0x20E0]  }
0x30a: {  	s13 =	simm.s32 $0x6;
	v20 =	vshll.u32 v21, v1;
	v51 =	vld [tilespmem:s11+$0x1050];
	[tilespmem:v29+s22+$0x0] =	vst.idx.msk $0xffff, v19  }
0x30b: {  	v21 =	vmov s13;
	v20 =	vbroadcast v20, $0x0;
	v42 =	vld [tilespmem:s11+$0x20F0];
	[tilespmem:v28+s22+$0x0] =	vst.idx.msk $0xffff, v63  }
0x30c: {  	v21 =	vshrl.u32 v21, $0x3;
	v62 =	vld [tilespmem:s11+$0x2020];
	[tilespmem:v26+s22+$0x0] =	vst.idx.msk $0xffff, v40  }
0x30d: {  	v45 =	vld [tilespmem:s11+$0xC0];
	v21 =	vshll.u32 v21, v1;
	v30 =	vadd.s32 v11, v20;
	[tilespmem:v24+s23+$0x0] =	vst.idx.msk $0xffff, v50  }
0x30e: {  	v46 =	vld [tilespmem:s11+$0xD0];
	v19 =	vbroadcast v21, $0x0;
	v21 =	vadd.s32 v12, v20;
	[tilespmem:v31+s24+$0x0] =	vst.idx.msk $0xffff, v41  }
0x30f: {  	v52 =	vld [tilespmem:s11+$0x1060];
	[tilespmem:v25+s23+$0x0] =	vst.idx.msk $0xffff, v51  }
0x310: {  	v63 =	vld [tilespmem:s11+$0x2030];
	[tilespmem:v60+s24+$0x0] =	vst.idx.msk $0xffff, v42  }
0x311: {  	[tilespmem:v22+s24+$0x0] =	vst.idx.msk $0xffff, v62;
	v34 =	vld [tilespmem:s11+$0x30E0]  }
0x312: {  	[tilespmem:v30+s22+$0x0] =	vst.idx.msk $0xffff, v43;
	v48 =	vld [tilespmem:s11+$0x30F0]  }
0x313: {  	v61 =	vld [tilespmem:s11+$0x1010];
	v20 =	vadd.s32 v13, v19;
	[tilespmem:v21+s22+$0x0] =	vst.idx.msk $0xffff, v44  }
0x314: {  	v53 =	vld [tilespmem:s11+$0x1070];
	[tilespmem:v27+s23+$0x0] =	vst.idx.msk $0xffff, v52  }
0x315: {  	v19 =	vadd.s32 v14, v19;
	v55 =	vld [tilespmem:s11+$0x1080];
	[tilespmem:v23+s24+$0x0] =	vst.idx.msk $0xffff, v63  }
0x316: {  	v56 =	vld [tilespmem:s11+$0x1090];
	[tilespmem:v31+s25+$0x0] =	vst.idx.msk $0xffff, v34  }
0x317: {  	v57 =	vld [tilespmem:s11+$0x10A0];
	[tilespmem:v60+s25+$0x0] =	vst.idx.msk $0xffff, v48  }
0x318: {  	[tilespmem:v20+s22+$0x0] =	vst.idx.msk $0xffff, v45;
	v35 =	vld [tilespmem:s11+$0x40E0]  }
0x319: {  	[tilespmem:v29+s23+$0x0] =	vst.idx.msk $0xffff, v53;
	v58 =	vld [tilespmem:s11+$0x10B0]  }
0x31a: {  	v49 =	vld [tilespmem:s11+$0x3020];
	[tilespmem:v19+s22+$0x0] =	vst.idx.msk $0xffff, v46  }
0x31b: {  	[tilespmem:v28+s23+$0x0] =	vst.idx.msk $0xffff, v55;
	v41 =	vld [tilespmem:s11+$0x2060]  }
0x31c: {  	[tilespmem:v26+s23+$0x0] =	vst.idx.msk $0xffff, v56;
	v54 =	vld [tilespmem:s11+$0x40F0]  }
0x31d: {  	[tilespmem:v31+s26+$0x0] =	vst.idx.msk $0xffff, v35;
	v31 =	vld [tilespmem:s11+$0x10C0]  }
0x31e: {  	v50 =	vld [tilespmem:s11+$0x3030];
	[tilespmem:v30+s23+$0x0] =	vst.idx.msk $0xffff, v57  }
0x31f: {  	v42 =	vld [tilespmem:s11+$0x2070];
	[tilespmem:v22+s25+$0x0] =	vst.idx.msk $0xffff, v49  }
0x320: {  	v59 =	vld [tilespmem:s11+$0x10D0];
	[tilespmem:v21+s23+$0x0] =	vst.idx.msk $0xffff, v58  }
0x321: {  	[tilespmem:v27+s24+$0x0] =	vst.idx.msk $0xffff, v41;
	v44 =	vld [tilespmem:s11+$0x20A0]  }
0x322: {  	[tilespmem:v20+s23+$0x0] =	vst.idx.msk $0xffff, v31;
	v31 =	vld [tilespmem:s11+$0x2040]  }
0x323: {  	v40 =	vld [tilespmem:s11+$0x2050];
	[tilespmem:v23+s25+$0x0] =	vst.idx.msk $0xffff, v50  }
0x324: {  	[tilespmem:v60+s26+$0x0] =	vst.idx.msk $0xffff, v54;
	v60 =	vld [tilespmem:s11+$0x1000]  }
0x325: {  	v43 =	vld [tilespmem:s11+$0x2080];
	[tilespmem:v29+s24+$0x0] =	vst.idx.msk $0xffff, v42  }
0x326: {  	v45 =	vld [tilespmem:s11+$0x20B0];
	[tilespmem:v30+s24+$0x0] =	vst.idx.msk $0xffff, v44  }
0x327: {  	[tilespmem:v24+s24+$0x0] =	vst.idx.msk $0xffff, v31;
	v31 =	vld [tilespmem:s11+$0x2090]  }
0x328: {  	[tilespmem:v19+s23+$0x0] =	vst.idx.msk $0xffff, v59  }
0x329: {  	[tilespmem:v18+s23+$0x0] =	vst.idx.msk $0xffff, v60;
	v46 =	vld [tilespmem:s11+$0x20C0]  }
0x32a: {  	[tilespmem:v17+s23+$0x0] =	vst.idx.msk $0xffff, v61;
	v47 =	vld [tilespmem:s11+$0x20D0]  }
0x32b: {  	v48 =	vld [tilespmem:s11+$0x2000];
	[tilespmem:v28+s24+$0x0] =	vst.idx.msk $0xffff, v43  }
0x32c: {  	[tilespmem:v26+s24+$0x0] =	vst.idx.msk $0xffff, v31;
	v31 =	vld [tilespmem:s11+$0x2010]  }
0x32d: {  	v53 =	vld [tilespmem:s11+$0x3070];
	[tilespmem:v25+s24+$0x0] =	vst.idx.msk $0xffff, v40  }
0x32e: {  	[tilespmem:v20+s24+$0x0] =	vst.idx.msk $0xffff, v46;
	v51 =	vld [tilespmem:s11+$0x3040]  }
0x32f: {  	v52 =	vld [tilespmem:s11+$0x3050];
	[tilespmem:v19+s24+$0x0] =	vst.idx.msk $0xffff, v47  }
0x330: {  	v57 =	vld [tilespmem:s11+$0x30C0];
	[tilespmem:v18+s24+$0x0] =	vst.idx.msk $0xffff, v48  }
0x331: {  	[tilespmem:v17+s24+$0x0] =	vst.idx.msk $0xffff, v31;
	v31 =	vld [tilespmem:s11+$0x3060]  }
0x332: {  	[tilespmem:v21+s24+$0x0] =	vst.idx.msk $0xffff, v45;
	v58 =	vld [tilespmem:s11+$0x30D0]  }
0x333: {  	v54 =	vld [tilespmem:s11+$0x3080];
	[tilespmem:v24+s25+$0x0] =	vst.idx.msk $0xffff, v51  }
0x334: {  	v55 =	vld [tilespmem:s11+$0x3090];
	[tilespmem:v25+s25+$0x0] =	vst.idx.msk $0xffff, v52  }
0x335: {  	v56 =	vld [tilespmem:s11+$0x30A0];
	[tilespmem:v20+s25+$0x0] =	vst.idx.msk $0xffff, v57  }
0x336: {  	[tilespmem:v27+s25+$0x0] =	vst.idx.msk $0xffff, v31;
	v31 =	vld [tilespmem:s11+$0x30B0]  }
0x337: {  	v61 =	vld [tilespmem:s11+$0x4040];
	[tilespmem:v19+s25+$0x0] =	vst.idx.msk $0xffff, v58  }
0x338: {  	[tilespmem:v28+s25+$0x0] =	vst.idx.msk $0xffff, v54  }
0x339: {  	v62 =	vld [tilespmem:s11+$0x4050];
	[tilespmem:v26+s25+$0x0] =	vst.idx.msk $0xffff, v55  }
0x33a: {  	v60 =	vld [tilespmem:s11+$0x4020];
	[tilespmem:v30+s25+$0x0] =	vst.idx.msk $0xffff, v56  }
0x33b: {  	[tilespmem:v21+s25+$0x0] =	vst.idx.msk $0xffff, v31;
	v31 =	vld [tilespmem:s11+$0x4030]  }
0x33c: {  	v36 =	vld [tilespmem:s11+$0x3000];
	[tilespmem:v24+s26+$0x0] =	vst.idx.msk $0xffff, v61  }
0x33d: {  	v59 =	vld [tilespmem:s11+$0x3010];
	[tilespmem:v29+s25+$0x0] =	vst.idx.msk $0xffff, v53  }
0x33e: {  	[tilespmem:v25+s26+$0x0] =	vst.idx.msk $0xffff, v62;
	v63 =	vld [tilespmem:s11+$0x4060]  }
0x33f: {  	[tilespmem:v22+s26+$0x0] =	vst.idx.msk $0xffff, v60;
	v22 =	vld [tilespmem:s11+$0x4070]  }
0x340: {  	[tilespmem:v23+s26+$0x0] =	vst.idx.msk $0xffff, v31;
	v23 =	vld [tilespmem:s11+$0x4080]  }
0x341: {  	v24 =	vld [tilespmem:s11+$0x4090];
	[tilespmem:v18+s25+$0x0] =	vst.idx.msk $0xffff, v36  }
0x342: {  	s19 =	simm.s32 $0xF;
	[tilespmem:v17+s25+$0x0] =	vst.idx.msk $0xffff, v59;
	v31 =	vld [tilespmem:s11+$0x40A0]  }
0x343: {  	v32 =	vld [tilespmem:s11+$0x40B0];
	[tilespmem:v27+s26+$0x0] =	vst.idx.msk $0xffff, v63;
	v27 =	vmov s19  }
0x344: {  	s12 =	simm.s32 $0x8;
	v25 =	vld [tilespmem:s11+$0x40C0];
	v27 =	vshrl.u32 v27, $0x3;
	[tilespmem:v29+s26+$0x0] =	vst.idx.msk $0xffff, v22  }
0x345: {  	v27 =	vshll.u32 v27, v1;
	v29 =	vmov s12;
	v22 =	vld [tilespmem:s11+$0x40D0];
	[tilespmem:v28+s26+$0x0] =	vst.idx.msk $0xffff, v23  }
0x346: {  	s20 =	simm.s32 $0x9;
	v28 =	vshrl.u32 v29, $0x3;
	v23 =	vld [tilespmem:s11+$0x4000];
	[tilespmem:v26+s26+$0x0] =	vst.idx.msk $0xffff, v24;
	v26 =	vbroadcast v27, $0x0  }
0x347: {  	s13 =	simm.s32 $0x10;
	[tilespmem:v30+s26+$0x0] =	vst.idx.msk $0xffff, v31;
	v27 =	vshll.u32 v28, v1;
	v28 =	vmov s20;
	v24 =	vld [tilespmem:s11+$0x4010];
	s11 =	simm.s32 $0xB500  }
.LBB2_5:
0x348: {  	p0 =	slt.u32 s13, $0x78;
	v27 =	vbroadcast v27, $0x0;
	v28 =	vshrl.u32 v28, $0x3;
	s19 =	sadd.s32 $0x2, s12;
	v29 =	vld [tilespmem:s11+$0xE0];
	v31 =	vadd.s32 v15, v26;
	[tilespmem:v21+s26+$0x0] =	vst.idx.msk $0xffff, v32  }
0x349: {  	v32 =	vadd.s32 v16, v26;
	v21 =	vshll.u32 v28, v1;
	v28 =	vmov s19;
	v30 =	vld [tilespmem:s11+$0xF0];
	[tilespmem:v20+s26+$0x0] =	vst.idx.msk $0xffff, v25  }
0x34a: {  	v20 =	vld [tilespmem:s11+$0x0];
	v25 =	vadd.s32 v0, v27;
	v21 =	vbroadcast v21, $0x0;
	v26 =	vshrl.u32 v28, $0x3;
	[tilespmem:v19+s26+$0x0] =	vst.idx.msk $0xffff, v22  }
0x34b: {  	v27 =	vadd.s32 v2, v27;
	v19 =	vld [tilespmem:s11+$0x10];
	v26 =	vshll.u32 v26, v1;
	[tilespmem:v18+s26+$0x0] =	vst.idx.msk $0xffff, v23;
	v18 =	vmov v25  }
0x34c: {  	s19 =	sadd.s32 $0x3, s12;
	v28 =	vld [tilespmem:s11+$0x20];
	v22 =	vadd.s32 v3, v21;
	v26 =	vbroadcast v26, $0x0;
	[tilespmem:v17+s26+$0x0] =	vst.idx.msk $0xffff, v24;
	v17 =	vmov v27  }
0x34d: {  	v23 =	vadd.s32 v4, v21;
	v21 =	vmov s19;
	v33 =	vld [tilespmem:s11+$0x30];
	[tilespmem:v31+s22+$0x0] =	vst.idx.msk $0xffff, v29  }
0x34e: {  	s19 =	sadd.s32 $0x4, s12;
	v21 =	vshrl.u32 v21, $0x3;
	v29 =	vld [tilespmem:s11+$0x40];
	v24 =	vadd.s32 v5, v26;
	[tilespmem:v32+s22+$0x0] =	vst.idx.msk $0xffff, v30  }
0x34f: {  	[tilespmem:v25+s22+$0x0] =	vst.idx.msk $0xffff, v20;
	v20 =	vshll.u32 v21, v1;
	v21 =	vmov s19;
	v30 =	vld [tilespmem:s11+$0x10E0]  }
0x350: {  	[tilespmem:v27+s22+$0x0] =	vst.idx.msk $0xffff, v19;
	v19 =	vbroadcast v20, $0x0;
	v20 =	vshrl.u32 v21, $0x3;
	v21 =	vld [tilespmem:s11+$0x10F0]  }
0x351: {  	v25 =	vadd.s32 v6, v26;
	[tilespmem:v22+s22+$0x0] =	vst.idx.msk $0xffff, v28;
	v34 =	vld [tilespmem:s11+$0x50];
	v20 =	vshll.u32 v20, v1  }
0x352: {  	s19 =	sadd.s32 $0x5, s12;
	[tilespmem:v23+s22+$0x0] =	vst.idx.msk $0xffff, v33;
	v33 =	vld [tilespmem:s11+$0x60];
	v26 =	vadd.s32 v7, v19;
	v20 =	vbroadcast v20, $0x0  }
0x353: {  	[tilespmem:v24+s22+$0x0] =	vst.idx.msk $0xffff, v29;
	v35 =	vld [tilespmem:s11+$0x70];
	v29 =	vadd.s32 v8, v19;
	v19 =	vmov s19  }
0x354: {  	s19 =	sadd.s32 $0x6, s12;
	s12 =	smov.u32 s13;
	v36 =	vld [tilespmem:s11+$0x80];
	v27 =	vadd.s32 v9, v20;
	v19 =	vshrl.u32 v19, $0x3;
	[tilespmem:v31+s23+$0x0] =	vst.idx.msk $0xffff, v30  }
0x355: {  	v28 =	vadd.s32 v10, v20;
	v20 =	vmov s19;
	v37 =	vld [tilespmem:s11+$0x90];
	v19 =	vshll.u32 v19, v1;
	[tilespmem:v32+s23+$0x0] =	vst.idx.msk $0xffff, v21  }
0x356: {  	v20 =	vshrl.u32 v20, $0x3;
	[tilespmem:v25+s22+$0x0] =	vst.idx.msk $0xffff, v34;
	v19 =	vbroadcast v19, $0x0;
	v34 =	vld [tilespmem:s11+$0x20E0]  }
0x357: {  	v20 =	vshll.u32 v20, v1;
	[tilespmem:v26+s22+$0x0] =	vst.idx.msk $0xffff, v33;
	v33 =	vld [tilespmem:s11+$0x20F0]  }
0x358: {  	v38 =	vbroadcast v20, $0x0;
	[tilespmem:v29+s22+$0x0] =	vst.idx.msk $0xffff, v35;
	v35 =	vld [tilespmem:s11+$0xA0];
	v30 =	vadd.s32 v11, v19  }
0x359: {  	v21 =	vadd.s32 v12, v19;
	[tilespmem:v27+s22+$0x0] =	vst.idx.msk $0xffff, v36;
	v36 =	vld [tilespmem:s11+$0xB0]  }
0x35a: {  	v20 =	vadd.s32 v13, v38;
	[tilespmem:v28+s22+$0x0] =	vst.idx.msk $0xffff, v37;
	v37 =	vld [tilespmem:s11+$0xC0]  }
0x35b: {  	v19 =	vadd.s32 v14, v38;
	v39 =	vld [tilespmem:s11+$0xD0];
	[tilespmem:v31+s24+$0x0] =	vst.idx.msk $0xffff, v34  }
0x35c: {  	v34 =	vld [tilespmem:s11+$0x1020];
	[tilespmem:v32+s24+$0x0] =	vst.idx.msk $0xffff, v33  }
0x35d: {  	[tilespmem:v30+s22+$0x0] =	vst.idx.msk $0xffff, v35;
	v33 =	vld [tilespmem:s11+$0x30E0]  }
0x35e: {  	[tilespmem:v21+s22+$0x0] =	vst.idx.msk $0xffff, v36;
	v35 =	vld [tilespmem:s11+$0x30F0]  }
0x35f: {  	v36 =	vld [tilespmem:s11+$0x1030];
	[tilespmem:v20+s22+$0x0] =	vst.idx.msk $0xffff, v37  }
0x360: {  	v37 =	vld [tilespmem:s11+$0x1040];
	[tilespmem:v19+s22+$0x0] =	vst.idx.msk $0xffff, v39  }
0x361: {  	[tilespmem:v22+s23+$0x0] =	vst.idx.msk $0xffff, v34;
	v34 =	vld [tilespmem:s11+$0x1050]  }
0x362: {  	v38 =	vld [tilespmem:s11+$0x1060];
	[tilespmem:v31+s25+$0x0] =	vst.idx.msk $0xffff, v33  }
0x363: {  	v33 =	vld [tilespmem:s11+$0x1070];
	[tilespmem:v32+s25+$0x0] =	vst.idx.msk $0xffff, v35  }
0x364: {  	[tilespmem:v23+s23+$0x0] =	vst.idx.msk $0xffff, v36;
	v35 =	vld [tilespmem:s11+$0x40E0]  }
0x365: {  	[tilespmem:v24+s23+$0x0] =	vst.idx.msk $0xffff, v37;
	v36 =	vld [tilespmem:s11+$0x40F0]  }
0x366: {  	[tilespmem:v25+s23+$0x0] =	vst.idx.msk $0xffff, v34;
	v34 =	vld [tilespmem:s11+$0x1080]  }
0x367: {  	[tilespmem:v26+s23+$0x0] =	vst.idx.msk $0xffff, v38;
	v37 =	vld [tilespmem:s11+$0x1090]  }
0x368: {  	[tilespmem:v29+s23+$0x0] =	vst.idx.msk $0xffff, v33;
	v33 =	vld [tilespmem:s11+$0x10A0]  }
0x369: {  	v38 =	vld [tilespmem:s11+$0x10B0];
	[tilespmem:v31+s26+$0x0] =	vst.idx.msk $0xffff, v35  }
0x36a: {  	v31 =	vld [tilespmem:s11+$0x10C0];
	[tilespmem:v32+s26+$0x0] =	vst.idx.msk $0xffff, v36  }
0x36b: {  	[tilespmem:v27+s23+$0x0] =	vst.idx.msk $0xffff, v34;
	v32 =	vld [tilespmem:s11+$0x10D0]  }
0x36c: {  	v34 =	vld [tilespmem:s11+$0x1000];
	[tilespmem:v28+s23+$0x0] =	vst.idx.msk $0xffff, v37  }
0x36d: {  	v35 =	vld [tilespmem:s11+$0x1010];
	[tilespmem:v30+s23+$0x0] =	vst.idx.msk $0xffff, v33  }
0x36e: {  	v33 =	vld [tilespmem:s11+$0x2020];
	[tilespmem:v21+s23+$0x0] =	vst.idx.msk $0xffff, v38  }
0x36f: {  	v36 =	vld [tilespmem:s11+$0x2030];
	[tilespmem:v20+s23+$0x0] =	vst.idx.msk $0xffff, v31  }
0x370: {  	v31 =	vld [tilespmem:s11+$0x2040];
	[tilespmem:v19+s23+$0x0] =	vst.idx.msk $0xffff, v32  }
0x371: {  	[tilespmem:v18+s23+$0x0] =	vst.idx.msk $0xffff, v34;
	v32 =	vld [tilespmem:s11+$0x2050]  }
0x372: {  	[tilespmem:v17+s23+$0x0] =	vst.idx.msk $0xffff, v35;
	v34 =	vld [tilespmem:s11+$0x2060]  }
0x373: {  	[tilespmem:v22+s24+$0x0] =	vst.idx.msk $0xffff, v33;
	v33 =	vld [tilespmem:s11+$0x2070]  }
0x374: {  	[tilespmem:v23+s24+$0x0] =	vst.idx.msk $0xffff, v36;
	v35 =	vld [tilespmem:s11+$0x2080]  }
0x375: {  	[tilespmem:v24+s24+$0x0] =	vst.idx.msk $0xffff, v31;
	v31 =	vld [tilespmem:s11+$0x2090]  }
0x376: {  	[tilespmem:v25+s24+$0x0] =	vst.idx.msk $0xffff, v32;
	v32 =	vld [tilespmem:s11+$0x20A0]  }
0x377: {  	[tilespmem:v26+s24+$0x0] =	vst.idx.msk $0xffff, v34;
	v34 =	vld [tilespmem:s11+$0x20B0]  }
0x378: {  	[tilespmem:v29+s24+$0x0] =	vst.idx.msk $0xffff, v33;
	v33 =	vld [tilespmem:s11+$0x20C0]  }
0x379: {  	[tilespmem:v27+s24+$0x0] =	vst.idx.msk $0xffff, v35;
	v35 =	vld [tilespmem:s11+$0x20D0]  }
0x37a: {  	v36 =	vld [tilespmem:s11+$0x2000];
	[tilespmem:v28+s24+$0x0] =	vst.idx.msk $0xffff, v31  }
0x37b: {  	v31 =	vld [tilespmem:s11+$0x2010];
	[tilespmem:v30+s24+$0x0] =	vst.idx.msk $0xffff, v32  }
0x37c: {  	v32 =	vld [tilespmem:s11+$0x3020];
	[tilespmem:v21+s24+$0x0] =	vst.idx.msk $0xffff, v34  }
0x37d: {  	v34 =	vld [tilespmem:s11+$0x3030];
	[tilespmem:v20+s24+$0x0] =	vst.idx.msk $0xffff, v33  }
0x37e: {  	v33 =	vld [tilespmem:s11+$0x3040];
	[tilespmem:v19+s24+$0x0] =	vst.idx.msk $0xffff, v35  }
0x37f: {  	[tilespmem:v18+s24+$0x0] =	vst.idx.msk $0xffff, v36;
	v35 =	vld [tilespmem:s11+$0x3050]  }
0x380: {  	[tilespmem:v17+s24+$0x0] =	vst.idx.msk $0xffff, v31;
	v31 =	vld [tilespmem:s11+$0x3060]  }
0x381: {  	[tilespmem:v22+s25+$0x0] =	vst.idx.msk $0xffff, v32;
	v32 =	vld [tilespmem:s11+$0x3070]  }
0x382: {  	[tilespmem:v23+s25+$0x0] =	vst.idx.msk $0xffff, v34;
	v34 =	vld [tilespmem:s11+$0x3080]  }
0x383: {  	[tilespmem:v24+s25+$0x0] =	vst.idx.msk $0xffff, v33;
	v33 =	vld [tilespmem:s11+$0x3090]  }
0x384: {  	[tilespmem:v25+s25+$0x0] =	vst.idx.msk $0xffff, v35;
	v35 =	vld [tilespmem:s11+$0x30A0]  }
0x385: {  	[tilespmem:v26+s25+$0x0] =	vst.idx.msk $0xffff, v31;
	v31 =	vld [tilespmem:s11+$0x30B0]  }
0x386: {  	[tilespmem:v29+s25+$0x0] =	vst.idx.msk $0xffff, v32;
	v32 =	vld [tilespmem:s11+$0x30C0]  }
0x387: {  	[tilespmem:v27+s25+$0x0] =	vst.idx.msk $0xffff, v34;
	v34 =	vld [tilespmem:s11+$0x30D0]  }
0x388: {  	v36 =	vld [tilespmem:s11+$0x3000];
	[tilespmem:v28+s25+$0x0] =	vst.idx.msk $0xffff, v33  }
0x389: {  	v33 =	vld [tilespmem:s11+$0x3010];
	[tilespmem:v30+s25+$0x0] =	vst.idx.msk $0xffff, v35  }
0x38a: {  	v35 =	vld [tilespmem:s11+$0x4020];
	[tilespmem:v21+s25+$0x0] =	vst.idx.msk $0xffff, v31  }
0x38b: {  	v31 =	vld [tilespmem:s11+$0x4030];
	[tilespmem:v20+s25+$0x0] =	vst.idx.msk $0xffff, v32  }
0x38c: {  	v32 =	vld [tilespmem:s11+$0x4040];
	[tilespmem:v19+s25+$0x0] =	vst.idx.msk $0xffff, v34  }
0x38d: {  	[tilespmem:v18+s25+$0x0] =	vst.idx.msk $0xffff, v36;
	v34 =	vld [tilespmem:s11+$0x4050]  }
0x38e: {  	[tilespmem:v17+s25+$0x0] =	vst.idx.msk $0xffff, v33;
	v33 =	vld [tilespmem:s11+$0x4060]  }
0x38f: {  	[tilespmem:v22+s26+$0x0] =	vst.idx.msk $0xffff, v35;
	v22 =	vld [tilespmem:s11+$0x4070]  }
0x390: {  	[tilespmem:v23+s26+$0x0] =	vst.idx.msk $0xffff, v31;
	v23 =	vld [tilespmem:s11+$0x4080]  }
0x391: {  	[tilespmem:v24+s26+$0x0] =	vst.idx.msk $0xffff, v32;
	v24 =	vld [tilespmem:s11+$0x4090]  }
0x392: {  	s19 =	sadd.s32 $0x7, s13;
	[tilespmem:v25+s26+$0x0] =	vst.idx.msk $0xffff, v34;
	v31 =	vld [tilespmem:s11+$0x40A0]  }
.Ltmp1:
0x393: {  	v25 =	vmov s19;
	[tilespmem:v26+s26+$0x0] =	vst.idx.msk $0xffff, v33;
	v32 =	vld [tilespmem:s11+$0x40B0];
	(pc) =	sbr.rel @p0 .LBB2_5-.Ltmp1, $4  }
0x394: {  	v26 =	vshrl.u32 v25, $0x3;
	[tilespmem:v29+s26+$0x0] =	vst.idx.msk $0xffff, v22;
	v25 =	vld [tilespmem:s11+$0x40C0]  }
0x395: {  	v29 =	vmov s13;
	v26 =	vshll.u32 v26, v1;
	[tilespmem:v27+s26+$0x0] =	vst.idx.msk $0xffff, v23;
	v22 =	vld [tilespmem:s11+$0x40D0]  }
0x396: {  	s19 =	sadd.s32 $0x1, s13;
	v27 =	vshrl.u32 v29, $0x3;
	v26 =	vbroadcast v26, $0x0;
	v23 =	vld [tilespmem:s11+$0x4000];
	[tilespmem:v28+s26+$0x0] =	vst.idx.msk $0xffff, v24  }
0x397: {  	s13 =	sadd.s32 $0x8, s13;
	v27 =	vshll.u32 v27, v1;
	v28 =	vmov s19;
	v24 =	vld [tilespmem:s11+$0x4010];
	[tilespmem:v30+s26+$0x0] =	vst.idx.msk $0xffff, v31;
	s11 =	sadd.s32 $0x100, s11  }
0x398: {  	_ =	sdelay $0x2  }
0x399: {  	v27 =	vbroadcast v27, $0x0;
	v29 =	vld [tilespmem:s11+$0xE0]  }
0x39a: {  	v28 =	vshrl.u32 v28, $0x3;
	s13 =	sadd.s32 $0x2, s12;
	v30 =	vadd.s32 v15, v26;
	[tilespmem:v21+s26+$0x0] =	vst.idx.msk $0xffff, v32;
	v31 =	vld [tilespmem:s11+$0xF0];
	v32 =	vadd.s32 v16, v26;
	s19 =	sadd.s32 $0x3, s12  }
0x39b: {  	v41 =	vld [tilespmem:s11+$0x0];
	v39 =	vshll.u32 v28, v1;
	v40 =	vmov s13;
	[tilespmem:v20+s26+$0x0] =	vst.idx.msk $0xffff, v25;
	v46 =	vmov s19  }
0x39c: {  	v43 =	vld [tilespmem:s11+$0x10];
	v20 =	vadd.s32 v0, v27;
	v21 =	vbroadcast v39, $0x0;
	v42 =	vshrl.u32 v40, $0x3;
	[tilespmem:v19+s26+$0x0] =	vst.idx.msk $0xffff, v22  }
0x39d: {  	v44 =	vld [tilespmem:s11+$0x20];
	v19 =	vadd.s32 v2, v27;
	v27 =	vshrl.u32 v46, $0x3;
	v26 =	vshll.u32 v42, v1;
	[tilespmem:v18+s26+$0x0] =	vst.idx.msk $0xffff, v23  }
0x39e: {  	v45 =	vld [tilespmem:s11+$0x30];
	v48 =	vshll.u32 v27, v1;
	v18 =	vadd.s32 v3, v21;
	v26 =	vbroadcast v26, $0x0;
	[tilespmem:v17+s26+$0x0] =	vst.idx.msk $0xffff, v24  }
0x39f: {  	v47 =	vld [tilespmem:s11+$0x40];
	s19 =	sadd.s32 $0x5, s12;
	v17 =	vadd.s32 v4, v21;
	v25 =	vbroadcast v48, $0x0;
	[tilespmem:v30+s22+$0x0] =	vst.idx.msk $0xffff, v29  }
0x3a0: {  	v33 =	vld [tilespmem:s11+$0x50];
	v34 =	vmov s19;
	v21 =	vadd.s32 v5, v26;
	[tilespmem:v32+s22+$0x0] =	vst.idx.msk $0xffff, v31  }
0x3a1: {  	s20 =	sadd.s32 $0x4, s12;
	v51 =	vld [tilespmem:s11+$0x60];
	v34 =	vshrl.u32 v34, $0x3;
	v23 =	vadd.s32 v7, v25;
	[tilespmem:v20+s22+$0x0] =	vst.idx.msk $0xffff, v41  }
0x3a2: {  	v49 =	vmov s20;
	v34 =	vshll.u32 v34, v1;
	v29 =	vld [tilespmem:s11+$0x10E0];
	[tilespmem:v19+s22+$0x0] =	vst.idx.msk $0xffff, v43  }
0x3a3: {  	v52 =	vld [tilespmem:s11+$0x70];
	v27 =	vshrl.u32 v49, $0x3;
	v54 =	vbroadcast v34, $0x0;
	v22 =	vadd.s32 v6, v26;
	[tilespmem:v18+s22+$0x0] =	vst.idx.msk $0xffff, v44  }
0x3a4: {  	v35 =	vld [tilespmem:s11+$0x80];
	v50 =	vshll.u32 v27, v1;
	v24 =	vadd.s32 v8, v25;
	[tilespmem:v17+s22+$0x0] =	vst.idx.msk $0xffff, v45  }
0x3a5: {  	v58 =	vld [tilespmem:s11+$0xA0];
	v26 =	vbroadcast v50, $0x0;
	v27 =	vadd.s32 v11, v54;
	[tilespmem:v21+s22+$0x0] =	vst.idx.msk $0xffff, v47  }
0x3a6: {  	v31 =	vld [tilespmem:s11+$0x10F0];
	[tilespmem:v23+s22+$0x0] =	vst.idx.msk $0xffff, v51  }
0x3a7: {  	v53 =	vld [tilespmem:s11+$0x90];
	v25 =	vadd.s32 v9, v26;
	[tilespmem:v30+s23+$0x0] =	vst.idx.msk $0xffff, v29  }
0x3a8: {  	v59 =	vld [tilespmem:s11+$0xB0];
	v26 =	vadd.s32 v10, v26;
	[tilespmem:v22+s22+$0x0] =	vst.idx.msk $0xffff, v33  }
0x3a9: {  	v61 =	vld [tilespmem:s11+$0x1020];
	[tilespmem:v24+s22+$0x0] =	vst.idx.msk $0xffff, v52  }
0x3aa: {  	v40 =	vld [tilespmem:s11+$0x1030];
	[tilespmem:v27+s22+$0x0] =	vst.idx.msk $0xffff, v58  }
0x3ab: {  	v52 =	vld [tilespmem:s11+$0x1000];
	[tilespmem:v32+s23+$0x0] =	vst.idx.msk $0xffff, v31  }
0x3ac: {  	[tilespmem:v25+s22+$0x0] =	vst.idx.msk $0xffff, v35;
	v31 =	vadd.s32 v12, v54;
	v41 =	vld [tilespmem:s11+$0x1040]  }
0x3ad: {  	v42 =	vld [tilespmem:s11+$0x1050];
	[tilespmem:v26+s22+$0x0] =	vst.idx.msk $0xffff, v53  }
0x3ae: {  	s20 =	sadd.s32 $0x6, s12;
	v43 =	vld [tilespmem:s11+$0x1060];
	[tilespmem:v18+s23+$0x0] =	vst.idx.msk $0xffff, v61  }
0x3af: {  	v36 =	vmov s20;
	v56 =	vld [tilespmem:s11+$0x20E0];
	[tilespmem:v17+s23+$0x0] =	vst.idx.msk $0xffff, v40  }
0x3b0: {  	v55 =	vshrl.u32 v36, $0x3;
	v53 =	vld [tilespmem:s11+$0x1010];
	[tilespmem:v20+s23+$0x0] =	vst.idx.msk $0xffff, v52  }
0x3b1: {  	v33 =	vshll.u32 v55, v1;
	v44 =	vld [tilespmem:s11+$0x1070];
	[tilespmem:v31+s22+$0x0] =	vst.idx.msk $0xffff, v59  }
0x3b2: {  	v33 =	vbroadcast v33, $0x0;
	[tilespmem:v21+s23+$0x0] =	vst.idx.msk $0xffff, v41  }
0x3b3: {  	v57 =	vld [tilespmem:s11+$0x20F0];
	[tilespmem:v23+s23+$0x0] =	vst.idx.msk $0xffff, v43  }
0x3b4: {  	v60 =	vld [tilespmem:s11+$0xC0];
	v37 =	vadd.s32 v13, v33;
	[tilespmem:v30+s24+$0x0] =	vst.idx.msk $0xffff, v56  }
0x3b5: {  	v46 =	vld [tilespmem:s11+$0x1080];
	[tilespmem:v22+s23+$0x0] =	vst.idx.msk $0xffff, v42  }
0x3b6: {  	v38 =	vld [tilespmem:s11+$0xD0];
	v33 =	vadd.s32 v14, v33;
	[tilespmem:v24+s23+$0x0] =	vst.idx.msk $0xffff, v44  }
0x3b7: {  	v47 =	vld [tilespmem:s11+$0x1090];
	[tilespmem:v19+s23+$0x0] =	vst.idx.msk $0xffff, v53  }
0x3b8: {  	v54 =	vld [tilespmem:s11+$0x2020];
	[tilespmem:v32+s24+$0x0] =	vst.idx.msk $0xffff, v57  }
0x3b9: {  	v48 =	vld [tilespmem:s11+$0x10A0];
	[tilespmem:v37+s22+$0x0] =	vst.idx.msk $0xffff, v60  }
0x3ba: {  	v55 =	vld [tilespmem:s11+$0x2030];
	[tilespmem:v25+s23+$0x0] =	vst.idx.msk $0xffff, v46  }
0x3bb: {  	v49 =	vld [tilespmem:s11+$0x10B0];
	[tilespmem:v33+s22+$0x0] =	vst.idx.msk $0xffff, v38  }
0x3bc: {  	v56 =	vld [tilespmem:s11+$0x2040];
	[tilespmem:v26+s23+$0x0] =	vst.idx.msk $0xffff, v47  }
0x3bd: {  	v58 =	vld [tilespmem:s11+$0x2060];
	[tilespmem:v18+s24+$0x0] =	vst.idx.msk $0xffff, v54  }
0x3be: {  	v39 =	vld [tilespmem:s11+$0x2000];
	[tilespmem:v27+s23+$0x0] =	vst.idx.msk $0xffff, v48  }
0x3bf: {  	v62 =	vld [tilespmem:s11+$0x30E0];
	[tilespmem:v17+s24+$0x0] =	vst.idx.msk $0xffff, v55  }
0x3c0: {  	v57 =	vld [tilespmem:s11+$0x2050];
	[tilespmem:v31+s23+$0x0] =	vst.idx.msk $0xffff, v49  }
0x3c1: {  	v59 =	vld [tilespmem:s11+$0x2070];
	[tilespmem:v21+s24+$0x0] =	vst.idx.msk $0xffff, v56  }
0x3c2: {  	v40 =	vld [tilespmem:s11+$0x2010];
	[tilespmem:v23+s24+$0x0] =	vst.idx.msk $0xffff, v58  }
0x3c3: {  	v63 =	vld [tilespmem:s11+$0x30F0];
	[tilespmem:v20+s24+$0x0] =	vst.idx.msk $0xffff, v39  }
0x3c4: {  	v50 =	vld [tilespmem:s11+$0x10C0];
	[tilespmem:v30+s25+$0x0] =	vst.idx.msk $0xffff, v62  }
0x3c5: {  	v60 =	vld [tilespmem:s11+$0x2080];
	[tilespmem:v22+s24+$0x0] =	vst.idx.msk $0xffff, v57  }
0x3c6: {  	v51 =	vld [tilespmem:s11+$0x10D0];
	[tilespmem:v24+s24+$0x0] =	vst.idx.msk $0xffff, v59  }
0x3c7: {  	v61 =	vld [tilespmem:s11+$0x2090];
	[tilespmem:v19+s24+$0x0] =	vst.idx.msk $0xffff, v40  }
0x3c8: {  	v41 =	vld [tilespmem:s11+$0x3020];
	[tilespmem:v32+s25+$0x0] =	vst.idx.msk $0xffff, v63  }
0x3c9: {  	v62 =	vld [tilespmem:s11+$0x20A0];
	[tilespmem:v37+s23+$0x0] =	vst.idx.msk $0xffff, v50  }
0x3ca: {  	v42 =	vld [tilespmem:s11+$0x3030];
	[tilespmem:v25+s24+$0x0] =	vst.idx.msk $0xffff, v60  }
0x3cb: {  	v63 =	vld [tilespmem:s11+$0x20B0];
	[tilespmem:v33+s23+$0x0] =	vst.idx.msk $0xffff, v51  }
0x3cc: {  	v43 =	vld [tilespmem:s11+$0x3040];
	[tilespmem:v26+s24+$0x0] =	vst.idx.msk $0xffff, v61  }
0x3cd: {  	v35 =	vld [tilespmem:s11+$0x40E0];
	[tilespmem:v18+s25+$0x0] =	vst.idx.msk $0xffff, v41  }
0x3ce: {  	v44 =	vld [tilespmem:s11+$0x3050];
	[tilespmem:v27+s24+$0x0] =	vst.idx.msk $0xffff, v62  }
0x3cf: {  	v45 =	vld [tilespmem:s11+$0x40F0];
	[tilespmem:v17+s25+$0x0] =	vst.idx.msk $0xffff, v42  }
0x3d0: {  	v36 =	vld [tilespmem:s11+$0x20C0];
	[tilespmem:v31+s24+$0x0] =	vst.idx.msk $0xffff, v63  }
0x3d1: {  	v47 =	vld [tilespmem:s11+$0x3080];
	[tilespmem:v21+s25+$0x0] =	vst.idx.msk $0xffff, v43  }
0x3d2: {  	v38 =	vld [tilespmem:s11+$0x20D0];
	[tilespmem:v30+s26+$0x0] =	vst.idx.msk $0xffff, v35  }
0x3d3: {  	v48 =	vld [tilespmem:s11+$0x3090];
	[tilespmem:v22+s25+$0x0] =	vst.idx.msk $0xffff, v44  }
0x3d4: {  	v54 =	vld [tilespmem:s11+$0x4020];
	[tilespmem:v32+s26+$0x0] =	vst.idx.msk $0xffff, v45  }
0x3d5: {  	v49 =	vld [tilespmem:s11+$0x30A0];
	[tilespmem:v37+s24+$0x0] =	vst.idx.msk $0xffff, v36  }
0x3d6: {  	v35 =	vld [tilespmem:s11+$0x3000];
	[tilespmem:v25+s25+$0x0] =	vst.idx.msk $0xffff, v47  }
0x3d7: {  	v55 =	vld [tilespmem:s11+$0x4030];
	[tilespmem:v33+s24+$0x0] =	vst.idx.msk $0xffff, v38  }
0x3d8: {  	v45 =	vld [tilespmem:s11+$0x3060];
	[tilespmem:v26+s25+$0x0] =	vst.idx.msk $0xffff, v48  }
0x3d9: {  	v50 =	vld [tilespmem:s11+$0x30B0];
	[tilespmem:v18+s26+$0x0] =	vst.idx.msk $0xffff, v54  }
0x3da: {  	v53 =	vld [tilespmem:s11+$0x3010];
	[tilespmem:v27+s25+$0x0] =	vst.idx.msk $0xffff, v49  }
0x3db: {  	v56 =	vld [tilespmem:s11+$0x4040];
	[tilespmem:v20+s25+$0x0] =	vst.idx.msk $0xffff, v35  }
0x3dc: {  	v46 =	vld [tilespmem:s11+$0x3070];
	[tilespmem:v17+s26+$0x0] =	vst.idx.msk $0xffff, v55  }
0x3dd: {  	v57 =	vld [tilespmem:s11+$0x4050];
	[tilespmem:v23+s25+$0x0] =	vst.idx.msk $0xffff, v45  }
0x3de: {  	v51 =	vld [tilespmem:s11+$0x30C0];
	[tilespmem:v31+s25+$0x0] =	vst.idx.msk $0xffff, v50  }
0x3df: {  	v52 =	vld [tilespmem:s11+$0x30D0];
	[tilespmem:v19+s25+$0x0] =	vst.idx.msk $0xffff, v53  }
0x3e0: {  	v17 =	vld [tilespmem:s11+$0x4080];
	[tilespmem:v21+s26+$0x0] =	vst.idx.msk $0xffff, v56  }
0x3e1: {  	v59 =	vld [tilespmem:s11+$0x4090];
	[tilespmem:v24+s25+$0x0] =	vst.idx.msk $0xffff, v46  }
0x3e2: {  	[tilespmem:v22+s26+$0x0] =	vst.idx.msk $0xffff, v57;
	v58 =	vld [tilespmem:s11+$0x4060]  }
0x3e3: {  	[tilespmem:v37+s25+$0x0] =	vst.idx.msk $0xffff, v51;
	v18 =	vld [tilespmem:s11+$0x4070]  }
0x3e4: {  	v60 =	vld [tilespmem:s11+$0x40A0];
	[tilespmem:v33+s25+$0x0] =	vst.idx.msk $0xffff, v52  }
0x3e5: {  	v62 =	vld [tilespmem:s11+$0x4000];
	[tilespmem:v25+s26+$0x0] =	vst.idx.msk $0xffff, v17  }
0x3e6: {  	v61 =	vld [tilespmem:s11+$0x40B0];
	[tilespmem:v26+s26+$0x0] =	vst.idx.msk $0xffff, v59  }
0x3e7: {  	v63 =	vld [tilespmem:s11+$0x4010];
	[tilespmem:v23+s26+$0x0] =	vst.idx.msk $0xffff, v58  }
0x3e8: {  	[tilespmem:v24+s26+$0x0] =	vst.idx.msk $0xffff, v18;
	v18 =	vld [tilespmem:s11+$0x40C0]  }
0x3e9: {  	v17 =	vld [tilespmem:s11+$0x40D0];
	[tilespmem:v27+s26+$0x0] =	vst.idx.msk $0xffff, v60  }
0x3ea: {  	[tilespmem:v20+s26+$0x0] =	vst.idx.msk $0xffff, v62  }
0x3eb: {  	[tilespmem:v31+s26+$0x0] =	vst.idx.msk $0xffff, v61  }
0x3ec: {  	[tilespmem:v19+s26+$0x0] =	vst.idx.msk $0xffff, v63  }
0x3ed: {  	[tilespmem:v37+s26+$0x0] =	vst.idx.msk $0xffff, v18  }
0x3ee: {  	s12 =	simm.s32 @!p1 $0x80;
	s13 =	simm.s32 @!p1 $0xB400;
	s11 =	sadd.s32 @!p1 $0x780, s1;
	[tilespmem:v33+s26+$0x0] =	vst.idx.msk $0xffff, v17  }
0x3ef: {  	[tilespmem:s13], [sflag:$0x2] =	stream.indirect.gather @!p1 [hbm4b:s4+s12], $0x20, s11, s12, $0xb8;
	[tilespmem:$0x1AE00] =	vst v63  }
0x3f0: {  	s11 =	sadd.s32 @!p1 $0x800, s1;
	s13 =	simm.s32 @!p1 $0xC400  }
0x3f1: {  	[tilespmem:s13], [sflag:$0x2] =	stream.indirect.gather @!p1 [hbm4b:s4+s12], $0x20, s11, s12, $0xb8;
	[tilespmem:$0x1AE00] =	vst v63  }
0x3f2: {  	s11 =	sadd.s32 @!p1 $0x880, s1;
	s13 =	simm.s32 @!p1 $0xD400  }
0x3f3: {  	[tilespmem:s13], [sflag:$0x2] =	stream.indirect.gather @!p1 [hbm4b:s4+s12], $0x20, s11, s12, $0xb8;
	[tilespmem:$0x1AE00] =	vst v63  }
0x3f4: {  	s11 =	sadd.s32 @!p1 $0x900, s1;
	s13 =	simm.s32 @!p1 $0xE400  }
0x3f5: {  	[tilespmem:s13], [sflag:$0x2] =	stream.indirect.gather @!p1 [hbm4b:s4+s12], $0x20, s11, s12, $0xb8;
	[tilespmem:$0x1AE00] =	vst v63  }
0x3f6: {  	s1 =	sadd.s32 @!p1 $0x980, s1;
	s11 =	simm.s32 @!p1 $0xF400  }
0x3f7: {  	[tilespmem:s11], [sflag:$0x2] =	stream.indirect.gather @!p1 [hbm4b:s4+s12], $0x20, s1, s12, $0xb8;
	[tilespmem:$0x1AE00] =	vst v63  }
0x3f8: {  	s1 =	sadd.s32 s6, s10  }
0x3f9: {  	s6 =	sshll.u32 s1, $0x9;
	s13 =	sshll.u32 s1, $0x7  }
0x3fa: {  	s6 =	sand.u32 $0xFFF0000, s6;
	s11 =	sand.u32 $0x3F80, s13  }
0x3fb: {  	s6 =	sor.u32 s11, s6  }
0x3fc: {  	s11 =	sadd.s32 s2, s6  }
0x3fd: {  	[hbm4b:s11+s3] =	stream.linear.scatter [tilespmem:s22], [sflag:$0x4], $0x80, $0x38;
	[tilespmem:$0x1AE00] =	vst v63  }
0x3fe: {  	s20 =	simm.s32 $0x15988;
	s19 =	sadd.s32 $0x10, s11  }
0x3ff: {  	[hbm4b:s19+s3] =	stream.linear.scatter [tilespmem:s20], [sflag:$0x4], $0x80, $0x38;
	[tilespmem:$0x1AE00] =	vst v63  }
0x400: {  	s19 =	sadd.s32 $0x20, s11;
	s20 =	simm.s32 $0x15A10  }
0x401: {  	[hbm4b:s19+s3] =	stream.linear.scatter [tilespmem:s20], [sflag:$0x4], $0x80, $0x38;
	[tilespmem:$0x1AE00] =	vst v63  }
0x402: {  	s19 =	sadd.s32 $0x30, s11;
	s20 =	simm.s32 $0x15A98  }
0x403: {  	[hbm4b:s19+s3] =	stream.linear.scatter [tilespmem:s20], [sflag:$0x4], $0x80, $0x38;
	[tilespmem:$0x1AE00] =	vst v63  }
0x404: {  	s19 =	sadd.s32 $0x40, s11;
	s20 =	simm.s32 $0x15B20  }
0x405: {  	[hbm4b:s19+s3] =	stream.linear.scatter [tilespmem:s20], [sflag:$0x4], $0x80, $0x38;
	[tilespmem:$0x1AE00] =	vst v63  }
0x406: {  	s19 =	sadd.s32 $0x50, s11;
	s20 =	simm.s32 $0x15BA8  }
0x407: {  	[hbm4b:s19+s3] =	stream.linear.scatter [tilespmem:s20], [sflag:$0x4], $0x80, $0x38;
	[tilespmem:$0x1AE00] =	vst v63  }
0x408: {  	s13 =	sadd.s32 $0x60, s11;
	s19 =	simm.s32 $0x15C30  }
0x409: {  	[hbm4b:s13+s3] =	stream.linear.scatter [tilespmem:s19], [sflag:$0x4], $0x80, $0x38;
	[tilespmem:$0x1AE00] =	vst v63  }
0x40a: {  	s11 =	sadd.s32 $0x70, s11;
	s20 =	simm.s32 $0x15CB8  }
0x40b: {  	[hbm4b:s11+s3] =	stream.linear.scatter [tilespmem:s20], [sflag:$0x4], $0x80, $0x38;
	[tilespmem:$0x1AE00] =	vst v63  }
0x40c: {  	s13 =	simm.s32 $0x15D40;
	s11 =	sadd.s32 s6, s7  }
0x40d: {  	[hbm4b:s11+s3] =	stream.linear.scatter [tilespmem:s13], [sflag:$0x4], $0x80, $0x38;
	[tilespmem:$0x1AE00] =	vst v63  }
0x40e: {  	s20 =	simm.s32 $0x15DC8;
	s19 =	sadd.s32 $0x10, s11  }
0x40f: {  	[hbm4b:s19+s3] =	stream.linear.scatter [tilespmem:s20], [sflag:$0x4], $0x80, $0x38;
	[tilespmem:$0x1AE00] =	vst v63  }
0x410: {  	s19 =	sadd.s32 $0x20, s11;
	s20 =	simm.s32 $0x15E50  }
0x411: {  	[hbm4b:s19+s3] =	stream.linear.scatter [tilespmem:s20], [sflag:$0x4], $0x80, $0x38;
	[tilespmem:$0x1AE00] =	vst v63  }
0x412: {  	s19 =	sadd.s32 $0x30, s11;
	s20 =	simm.s32 $0x15ED8  }
0x413: {  	[hbm4b:s19+s3] =	stream.linear.scatter [tilespmem:s20], [sflag:$0x4], $0x80, $0x38;
	[tilespmem:$0x1AE00] =	vst v63  }
0x414: {  	s19 =	sadd.s32 $0x40, s11;
	s20 =	simm.s32 $0x15F60  }
0x415: {  	[hbm4b:s19+s3] =	stream.linear.scatter [tilespmem:s20], [sflag:$0x4], $0x80, $0x38;
	[tilespmem:$0x1AE00] =	vst v63  }
0x416: {  	s19 =	sadd.s32 $0x50, s11;
	s20 =	simm.s32 $0x15FE8  }
0x417: {  	[hbm4b:s19+s3] =	stream.linear.scatter [tilespmem:s20], [sflag:$0x4], $0x80, $0x38;
	[tilespmem:$0x1AE00] =	vst v63  }
0x418: {  	s13 =	sadd.s32 $0x60, s11;
	s19 =	simm.s32 $0x16070  }
0x419: {  	[hbm4b:s13+s3] =	stream.linear.scatter [tilespmem:s19], [sflag:$0x4], $0x80, $0x38;
	[tilespmem:$0x1AE00] =	vst v63  }
0x41a: {  	s11 =	sadd.s32 $0x70, s11;
	s20 =	simm.s32 $0x160F8  }
0x41b: {  	[hbm4b:s11+s3] =	stream.linear.scatter [tilespmem:s20], [sflag:$0x4], $0x80, $0x38;
	[tilespmem:$0x1AE00] =	vst v63  }
0x41c: {  	s13 =	simm.s32 $0x16180;
	s11 =	sadd.s32 s6, s8  }
0x41d: {  	[hbm4b:s11+s3] =	stream.linear.scatter [tilespmem:s13], [sflag:$0x4], $0x80, $0x38;
	[tilespmem:$0x1AE00] =	vst v63  }
0x41e: {  	s20 =	simm.s32 $0x16208;
	s19 =	sadd.s32 $0x10, s11  }
0x41f: {  	[hbm4b:s19+s3] =	stream.linear.scatter [tilespmem:s20], [sflag:$0x4], $0x80, $0x38;
	[tilespmem:$0x1AE00] =	vst v63  }
0x420: {  	s19 =	sadd.s32 $0x20, s11;
	s20 =	simm.s32 $0x16290  }
0x421: {  	[hbm4b:s19+s3] =	stream.linear.scatter [tilespmem:s20], [sflag:$0x4], $0x80, $0x38;
	[tilespmem:$0x1AE00] =	vst v63  }
0x422: {  	s19 =	sadd.s32 $0x30, s11;
	s20 =	simm.s32 $0x16318  }
0x423: {  	[hbm4b:s19+s3] =	stream.linear.scatter [tilespmem:s20], [sflag:$0x4], $0x80, $0x38;
	[tilespmem:$0x1AE00] =	vst v63  }
0x424: {  	s19 =	sadd.s32 $0x40, s11;
	s20 =	simm.s32 $0x163A0  }
0x425: {  	[hbm4b:s19+s3] =	stream.linear.scatter [tilespmem:s20], [sflag:$0x4], $0x80, $0x38;
	[tilespmem:$0x1AE00] =	vst v63  }
0x426: {  	s19 =	sadd.s32 $0x50, s11;
	s20 =	simm.s32 $0x16428  }
0x427: {  	[hbm4b:s19+s3] =	stream.linear.scatter [tilespmem:s20], [sflag:$0x4], $0x80, $0x38;
	[tilespmem:$0x1AE00] =	vst v63  }
0x428: {  	s13 =	sadd.s32 $0x60, s11;
	s19 =	simm.s32 $0x164B0  }
0x429: {  	[hbm4b:s13+s3] =	stream.linear.scatter [tilespmem:s19], [sflag:$0x4], $0x80, $0x38;
	[tilespmem:$0x1AE00] =	vst v63  }
0x42a: {  	s11 =	sadd.s32 $0x70, s11;
	s20 =	simm.s32 $0x16538  }
0x42b: {  	[hbm4b:s11+s3] =	stream.linear.scatter [tilespmem:s20], [sflag:$0x4], $0x80, $0x38;
	[tilespmem:$0x1AE00] =	vst v63  }
0x42c: {  	s6 =	sadd.s32 s6, s9;
	s13 =	simm.s32 $0x165C0  }
0x42d: {  	[hbm4b:s6+s3] =	stream.linear.scatter [tilespmem:s13], [sflag:$0x4], $0x80, $0x38;
	[tilespmem:$0x1AE00] =	vst v63  }
0x42e: {  	s19 =	sadd.s32 $0x10, s6;
	s20 =	simm.s32 $0x16648  }
0x42f: {  	[hbm4b:s19+s3] =	stream.linear.scatter [tilespmem:s20], [sflag:$0x4], $0x80, $0x38;
	[tilespmem:$0x1AE00] =	vst v63  }
0x430: {  	s12 =	sadd.s32 $0x20, s6;
	s13 =	simm.s32 $0x166D0  }
0x431: {  	[hbm4b:s12+s3] =	stream.linear.scatter [tilespmem:s13], [sflag:$0x4], $0x80, $0x38;
	[tilespmem:$0x1AE00] =	vst v63  }
0x432: {  	s19 =	sadd.s32 $0x30, s6;
	s20 =	simm.s32 $0x16758  }
0x433: {  	[hbm4b:s19+s3] =	stream.linear.scatter [tilespmem:s20], [sflag:$0x4], $0x80, $0x38;
	[tilespmem:$0x1AE00] =	vst v63  }
0x434: {  	s12 =	sadd.s32 $0x40, s6;
	s13 =	simm.s32 $0x167E0  }
0x435: {  	[hbm4b:s12+s3] =	stream.linear.scatter [tilespmem:s13], [sflag:$0x4], $0x80, $0x38;
	[tilespmem:$0x1AE00] =	vst v63  }
0x436: {  	s19 =	sadd.s32 $0x50, s6;
	s20 =	simm.s32 $0x16868  }
0x437: {  	[hbm4b:s19+s3] =	stream.linear.scatter [tilespmem:s20], [sflag:$0x4], $0x80, $0x38;
	[tilespmem:$0x1AE00] =	vst v63  }
0x438: {  	s13 =	sadd.s32 $0x60, s6;
	s19 =	simm.s32 $0x168F0  }
0x439: {  	[hbm4b:s13+s3] =	stream.linear.scatter [tilespmem:s19], [sflag:$0x4], $0x80, $0x38;
	[tilespmem:$0x1AE00] =	vst v63  }
0x43a: {  	s6 =	sadd.s32 $0x70, s6;
	s12 =	sadd.s32 $0x1, s1;
	s20 =	simm.s32 $0x16978  }
0x43b: {  	[hbm4b:s6+s3] =	stream.linear.scatter [tilespmem:s20], [sflag:$0x4], $0x80, $0x38;
	[tilespmem:$0x1AE00] =	vst v63  }
0x43c: {  	s13 =	sshll.u32 s12, $0x9;
	s6 =	sshll.u32 s12, $0x7  }
0x43d: {  	s11 =	sand.u32 $0xFFF0000, s13;
	s6 =	sand.u32 $0x3F00, s6  }
0x43e: {  	s6 =	sor.u32 s6, s11  }
0x43f: {  	s11 =	sadd.s32 s2, s6  }
0x440: {  	[hbm4b:s11+s3] =	stream.linear.scatter [tilespmem:s23], [sflag:$0x4], $0x80, $0x38;
	[tilespmem:$0x1AE00] =	vst v63  }
0x441: {  	s20 =	simm.s32 $0x16A88;
	s19 =	sadd.s32 $0x10, s11  }
0x442: {  	[hbm4b:s19+s3] =	stream.linear.scatter [tilespmem:s20], [sflag:$0x4], $0x80, $0x38;
	[tilespmem:$0x1AE00] =	vst v63  }
0x443: {  	s19 =	sadd.s32 $0x20, s11;
	s20 =	simm.s32 $0x16B10  }
0x444: {  	[hbm4b:s19+s3] =	stream.linear.scatter [tilespmem:s20], [sflag:$0x4], $0x80, $0x38;
	[tilespmem:$0x1AE00] =	vst v63  }
0x445: {  	s19 =	sadd.s32 $0x30, s11;
	s20 =	simm.s32 $0x16B98  }
0x446: {  	[hbm4b:s19+s3] =	stream.linear.scatter [tilespmem:s20], [sflag:$0x4], $0x80, $0x38;
	[tilespmem:$0x1AE00] =	vst v63  }
0x447: {  	s19 =	sadd.s32 $0x40, s11;
	s20 =	simm.s32 $0x16C20  }
0x448: {  	[hbm4b:s19+s3] =	stream.linear.scatter [tilespmem:s20], [sflag:$0x4], $0x80, $0x38;
	[tilespmem:$0x1AE00] =	vst v63  }
0x449: {  	s19 =	sadd.s32 $0x50, s11;
	s20 =	simm.s32 $0x16CA8  }
0x44a: {  	[hbm4b:s19+s3] =	stream.linear.scatter [tilespmem:s20], [sflag:$0x4], $0x80, $0x38;
	[tilespmem:$0x1AE00] =	vst v63  }
0x44b: {  	s13 =	sadd.s32 $0x60, s11;
	s19 =	simm.s32 $0x16D30  }
0x44c: {  	[hbm4b:s13+s3] =	stream.linear.scatter [tilespmem:s19], [sflag:$0x4], $0x80, $0x38;
	[tilespmem:$0x1AE00] =	vst v63  }
0x44d: {  	s11 =	sadd.s32 $0x70, s11;
	s20 =	simm.s32 $0x16DB8  }
0x44e: {  	[hbm4b:s11+s3] =	stream.linear.scatter [tilespmem:s20], [sflag:$0x4], $0x80, $0x38;
	[tilespmem:$0x1AE00] =	vst v63  }
0x44f: {  	s13 =	simm.s32 $0x16E40;
	s11 =	sadd.s32 s6, s7  }
0x450: {  	[hbm4b:s11+s3] =	stream.linear.scatter [tilespmem:s13], [sflag:$0x4], $0x80, $0x38;
	[tilespmem:$0x1AE00] =	vst v63  }
0x451: {  	s20 =	simm.s32 $0x16EC8;
	s19 =	sadd.s32 $0x10, s11  }
0x452: {  	[hbm4b:s19+s3] =	stream.linear.scatter [tilespmem:s20], [sflag:$0x4], $0x80, $0x38;
	[tilespmem:$0x1AE00] =	vst v63  }
0x453: {  	s19 =	sadd.s32 $0x20, s11;
	s20 =	simm.s32 $0x16F50  }
0x454: {  	[hbm4b:s19+s3] =	stream.linear.scatter [tilespmem:s20], [sflag:$0x4], $0x80, $0x38;
	[tilespmem:$0x1AE00] =	vst v63  }
0x455: {  	s19 =	sadd.s32 $0x30, s11;
	s20 =	simm.s32 $0x16FD8  }
0x456: {  	[hbm4b:s19+s3] =	stream.linear.scatter [tilespmem:s20], [sflag:$0x4], $0x80, $0x38;
	[tilespmem:$0x1AE00] =	vst v63  }
0x457: {  	s19 =	sadd.s32 $0x40, s11;
	s20 =	simm.s32 $0x17060  }
0x458: {  	[hbm4b:s19+s3] =	stream.linear.scatter [tilespmem:s20], [sflag:$0x4], $0x80, $0x38;
	[tilespmem:$0x1AE00] =	vst v63  }
0x459: {  	s19 =	sadd.s32 $0x50, s11;
	s20 =	simm.s32 $0x170E8  }
0x45a: {  	[hbm4b:s19+s3] =	stream.linear.scatter [tilespmem:s20], [sflag:$0x4], $0x80, $0x38;
	[tilespmem:$0x1AE00] =	vst v63  }
0x45b: {  	s13 =	sadd.s32 $0x60, s11;
	s19 =	simm.s32 $0x17170  }
0x45c: {  	[hbm4b:s13+s3] =	stream.linear.scatter [tilespmem:s19], [sflag:$0x4], $0x80, $0x38;
	[tilespmem:$0x1AE00] =	vst v63  }
0x45d: {  	s11 =	sadd.s32 $0x70, s11;
	s20 =	simm.s32 $0x171F8  }
0x45e: {  	[hbm4b:s11+s3] =	stream.linear.scatter [tilespmem:s20], [sflag:$0x4], $0x80, $0x38;
	[tilespmem:$0x1AE00] =	vst v63  }
0x45f: {  	s13 =	simm.s32 $0x17280;
	s11 =	sadd.s32 s6, s8  }
0x460: {  	[hbm4b:s11+s3] =	stream.linear.scatter [tilespmem:s13], [sflag:$0x4], $0x80, $0x38;
	[tilespmem:$0x1AE00] =	vst v63  }
0x461: {  	s20 =	simm.s32 $0x17308;
	s19 =	sadd.s32 $0x10, s11  }
0x462: {  	[hbm4b:s19+s3] =	stream.linear.scatter [tilespmem:s20], [sflag:$0x4], $0x80, $0x38;
	[tilespmem:$0x1AE00] =	vst v63  }
0x463: {  	s19 =	sadd.s32 $0x20, s11;
	s20 =	simm.s32 $0x17390  }
0x464: {  	[hbm4b:s19+s3] =	stream.linear.scatter [tilespmem:s20], [sflag:$0x4], $0x80, $0x38;
	[tilespmem:$0x1AE00] =	vst v63  }
0x465: {  	s19 =	sadd.s32 $0x30, s11;
	s20 =	simm.s32 $0x17418  }
0x466: {  	[hbm4b:s19+s3] =	stream.linear.scatter [tilespmem:s20], [sflag:$0x4], $0x80, $0x38;
	[tilespmem:$0x1AE00] =	vst v63  }
0x467: {  	s19 =	sadd.s32 $0x40, s11;
	s20 =	simm.s32 $0x174A0  }
0x468: {  	[hbm4b:s19+s3] =	stream.linear.scatter [tilespmem:s20], [sflag:$0x4], $0x80, $0x38;
	[tilespmem:$0x1AE00] =	vst v63  }
0x469: {  	s19 =	sadd.s32 $0x50, s11;
	s20 =	simm.s32 $0x17528  }
0x46a: {  	[hbm4b:s19+s3] =	stream.linear.scatter [tilespmem:s20], [sflag:$0x4], $0x80, $0x38;
	[tilespmem:$0x1AE00] =	vst v63  }
0x46b: {  	s13 =	sadd.s32 $0x60, s11;
	s19 =	simm.s32 $0x175B0  }
0x46c: {  	[hbm4b:s13+s3] =	stream.linear.scatter [tilespmem:s19], [sflag:$0x4], $0x80, $0x38;
	[tilespmem:$0x1AE00] =	vst v63  }
0x46d: {  	s11 =	sadd.s32 $0x70, s11;
	s20 =	simm.s32 $0x17638  }
0x46e: {  	[hbm4b:s11+s3] =	stream.linear.scatter [tilespmem:s20], [sflag:$0x4], $0x80, $0x38;
	[tilespmem:$0x1AE00] =	vst v63  }
0x46f: {  	s6 =	sadd.s32 s6, s9;
	s13 =	simm.s32 $0x176C0  }
0x470: {  	[hbm4b:s6+s3] =	stream.linear.scatter [tilespmem:s13], [sflag:$0x4], $0x80, $0x38;
	[tilespmem:$0x1AE00] =	vst v63  }
0x471: {  	s19 =	sadd.s32 $0x10, s6;
	s20 =	simm.s32 $0x17748  }
0x472: {  	[hbm4b:s19+s3] =	stream.linear.scatter [tilespmem:s20], [sflag:$0x4], $0x80, $0x38;
	[tilespmem:$0x1AE00] =	vst v63  }
0x473: {  	s12 =	sadd.s32 $0x20, s6;
	s13 =	simm.s32 $0x177D0  }
0x474: {  	[hbm4b:s12+s3] =	stream.linear.scatter [tilespmem:s13], [sflag:$0x4], $0x80, $0x38;
	[tilespmem:$0x1AE00] =	vst v63  }
0x475: {  	s19 =	sadd.s32 $0x30, s6;
	s20 =	simm.s32 $0x17858  }
0x476: {  	[hbm4b:s19+s3] =	stream.linear.scatter [tilespmem:s20], [sflag:$0x4], $0x80, $0x38;
	[tilespmem:$0x1AE00] =	vst v63  }
0x477: {  	s12 =	sadd.s32 $0x40, s6;
	s13 =	simm.s32 $0x178E0  }
0x478: {  	[hbm4b:s12+s3] =	stream.linear.scatter [tilespmem:s13], [sflag:$0x4], $0x80, $0x38;
	[tilespmem:$0x1AE00] =	vst v63  }
0x479: {  	s19 =	sadd.s32 $0x50, s6;
	s20 =	simm.s32 $0x17968  }
0x47a: {  	[hbm4b:s19+s3] =	stream.linear.scatter [tilespmem:s20], [sflag:$0x4], $0x80, $0x38;
	[tilespmem:$0x1AE00] =	vst v63  }
0x47b: {  	s13 =	sadd.s32 $0x60, s6;
	s19 =	simm.s32 $0x179F0  }
0x47c: {  	[hbm4b:s13+s3] =	stream.linear.scatter [tilespmem:s19], [sflag:$0x4], $0x80, $0x38;
	[tilespmem:$0x1AE00] =	vst v63  }
0x47d: {  	s6 =	sadd.s32 $0x70, s6;
	s12 =	sadd.s32 $0x2, s1;
	s20 =	simm.s32 $0x17A78  }
0x47e: {  	[hbm4b:s6+s3] =	stream.linear.scatter [tilespmem:s20], [sflag:$0x4], $0x80, $0x38;
	[tilespmem:$0x1AE00] =	vst v63  }
0x47f: {  	s13 =	sshll.u32 s12, $0x9;
	s6 =	sshll.u32 s12, $0x7  }
0x480: {  	s11 =	sand.u32 $0xFFF0000, s13;
	s6 =	sand.u32 $0x3F80, s6  }
0x481: {  	s6 =	sor.u32 s6, s11  }
0x482: {  	s11 =	sadd.s32 s2, s6  }
0x483: {  	[hbm4b:s11+s3] =	stream.linear.scatter [tilespmem:s24], [sflag:$0x4], $0x80, $0x38;
	[tilespmem:$0x1AE00] =	vst v63  }
0x484: {  	s20 =	simm.s32 $0x17B88;
	s19 =	sadd.s32 $0x10, s11  }
0x485: {  	[hbm4b:s19+s3] =	stream.linear.scatter [tilespmem:s20], [sflag:$0x4], $0x80, $0x38;
	[tilespmem:$0x1AE00] =	vst v63  }
0x486: {  	s19 =	sadd.s32 $0x20, s11;
	s20 =	simm.s32 $0x17C10  }
0x487: {  	[hbm4b:s19+s3] =	stream.linear.scatter [tilespmem:s20], [sflag:$0x4], $0x80, $0x38;
	[tilespmem:$0x1AE00] =	vst v63  }
0x488: {  	s19 =	sadd.s32 $0x30, s11;
	s20 =	simm.s32 $0x17C98  }
0x489: {  	[hbm4b:s19+s3] =	stream.linear.scatter [tilespmem:s20], [sflag:$0x4], $0x80, $0x38;
	[tilespmem:$0x1AE00] =	vst v63  }
0x48a: {  	s19 =	sadd.s32 $0x40, s11;
	s20 =	simm.s32 $0x17D20  }
0x48b: {  	[hbm4b:s19+s3] =	stream.linear.scatter [tilespmem:s20], [sflag:$0x4], $0x80, $0x38;
	[tilespmem:$0x1AE00] =	vst v63  }
0x48c: {  	s19 =	sadd.s32 $0x50, s11;
	s20 =	simm.s32 $0x17DA8  }
0x48d: {  	[hbm4b:s19+s3] =	stream.linear.scatter [tilespmem:s20], [sflag:$0x4], $0x80, $0x38;
	[tilespmem:$0x1AE00] =	vst v63  }
0x48e: {  	s13 =	sadd.s32 $0x60, s11;
	s19 =	simm.s32 $0x17E30  }
0x48f: {  	[hbm4b:s13+s3] =	stream.linear.scatter [tilespmem:s19], [sflag:$0x4], $0x80, $0x38;
	[tilespmem:$0x1AE00] =	vst v63  }
0x490: {  	s11 =	sadd.s32 $0x70, s11;
	s20 =	simm.s32 $0x17EB8  }
0x491: {  	[hbm4b:s11+s3] =	stream.linear.scatter [tilespmem:s20], [sflag:$0x4], $0x80, $0x38;
	[tilespmem:$0x1AE00] =	vst v63  }
0x492: {  	s13 =	simm.s32 $0x17F40;
	s11 =	sadd.s32 s6, s7  }
0x493: {  	[hbm4b:s11+s3] =	stream.linear.scatter [tilespmem:s13], [sflag:$0x4], $0x80, $0x38;
	[tilespmem:$0x1AE00] =	vst v63  }
0x494: {  	s20 =	simm.s32 $0x17FC8;
	s19 =	sadd.s32 $0x10, s11  }
0x495: {  	[hbm4b:s19+s3] =	stream.linear.scatter [tilespmem:s20], [sflag:$0x4], $0x80, $0x38;
	[tilespmem:$0x1AE00] =	vst v63  }
0x496: {  	s19 =	sadd.s32 $0x20, s11;
	s20 =	simm.s32 $0x18050  }
0x497: {  	[hbm4b:s19+s3] =	stream.linear.scatter [tilespmem:s20], [sflag:$0x4], $0x80, $0x38;
	[tilespmem:$0x1AE00] =	vst v63  }
0x498: {  	s19 =	sadd.s32 $0x30, s11;
	s20 =	simm.s32 $0x180D8  }
0x499: {  	[hbm4b:s19+s3] =	stream.linear.scatter [tilespmem:s20], [sflag:$0x4], $0x80, $0x38;
	[tilespmem:$0x1AE00] =	vst v63  }
0x49a: {  	s19 =	sadd.s32 $0x40, s11;
	s20 =	simm.s32 $0x18160  }
0x49b: {  	[hbm4b:s19+s3] =	stream.linear.scatter [tilespmem:s20], [sflag:$0x4], $0x80, $0x38;
	[tilespmem:$0x1AE00] =	vst v63  }
0x49c: {  	s19 =	sadd.s32 $0x50, s11;
	s20 =	simm.s32 $0x181E8  }
0x49d: {  	[hbm4b:s19+s3] =	stream.linear.scatter [tilespmem:s20], [sflag:$0x4], $0x80, $0x38;
	[tilespmem:$0x1AE00] =	vst v63  }
0x49e: {  	s13 =	sadd.s32 $0x60, s11;
	s19 =	simm.s32 $0x18270  }
0x49f: {  	[hbm4b:s13+s3] =	stream.linear.scatter [tilespmem:s19], [sflag:$0x4], $0x80, $0x38;
	[tilespmem:$0x1AE00] =	vst v63  }
0x4a0: {  	s11 =	sadd.s32 $0x70, s11;
	s20 =	simm.s32 $0x182F8  }
0x4a1: {  	[hbm4b:s11+s3] =	stream.linear.scatter [tilespmem:s20], [sflag:$0x4], $0x80, $0x38;
	[tilespmem:$0x1AE00] =	vst v63  }
0x4a2: {  	s13 =	simm.s32 $0x18380;
	s11 =	sadd.s32 s6, s8  }
0x4a3: {  	[hbm4b:s11+s3] =	stream.linear.scatter [tilespmem:s13], [sflag:$0x4], $0x80, $0x38;
	[tilespmem:$0x1AE00] =	vst v63  }
0x4a4: {  	s20 =	simm.s32 $0x18408;
	s19 =	sadd.s32 $0x10, s11  }
0x4a5: {  	[hbm4b:s19+s3] =	stream.linear.scatter [tilespmem:s20], [sflag:$0x4], $0x80, $0x38;
	[tilespmem:$0x1AE00] =	vst v63  }
0x4a6: {  	s19 =	sadd.s32 $0x20, s11;
	s20 =	simm.s32 $0x18490  }
0x4a7: {  	[hbm4b:s19+s3] =	stream.linear.scatter [tilespmem:s20], [sflag:$0x4], $0x80, $0x38;
	[tilespmem:$0x1AE00] =	vst v63  }
0x4a8: {  	s19 =	sadd.s32 $0x30, s11;
	s20 =	simm.s32 $0x18518  }
0x4a9: {  	[hbm4b:s19+s3] =	stream.linear.scatter [tilespmem:s20], [sflag:$0x4], $0x80, $0x38;
	[tilespmem:$0x1AE00] =	vst v63  }
0x4aa: {  	s19 =	sadd.s32 $0x40, s11;
	s20 =	simm.s32 $0x185A0  }
0x4ab: {  	[hbm4b:s19+s3] =	stream.linear.scatter [tilespmem:s20], [sflag:$0x4], $0x80, $0x38;
	[tilespmem:$0x1AE00] =	vst v63  }
0x4ac: {  	s19 =	sadd.s32 $0x50, s11;
	s20 =	simm.s32 $0x18628  }
0x4ad: {  	[hbm4b:s19+s3] =	stream.linear.scatter [tilespmem:s20], [sflag:$0x4], $0x80, $0x38;
	[tilespmem:$0x1AE00] =	vst v63  }
0x4ae: {  	s13 =	sadd.s32 $0x60, s11;
	s19 =	simm.s32 $0x186B0  }
0x4af: {  	[hbm4b:s13+s3] =	stream.linear.scatter [tilespmem:s19], [sflag:$0x4], $0x80, $0x38;
	[tilespmem:$0x1AE00] =	vst v63  }
0x4b0: {  	s11 =	sadd.s32 $0x70, s11;
	s20 =	simm.s32 $0x18738  }
0x4b1: {  	[hbm4b:s11+s3] =	stream.linear.scatter [tilespmem:s20], [sflag:$0x4], $0x80, $0x38;
	[tilespmem:$0x1AE00] =	vst v63  }
0x4b2: {  	s6 =	sadd.s32 s6, s9;
	s13 =	simm.s32 $0x187C0  }
0x4b3: {  	[hbm4b:s6+s3] =	stream.linear.scatter [tilespmem:s13], [sflag:$0x4], $0x80, $0x38;
	[tilespmem:$0x1AE00] =	vst v63  }
0x4b4: {  	s19 =	sadd.s32 $0x10, s6;
	s20 =	simm.s32 $0x18848  }
0x4b5: {  	[hbm4b:s19+s3] =	stream.linear.scatter [tilespmem:s20], [sflag:$0x4], $0x80, $0x38;
	[tilespmem:$0x1AE00] =	vst v63  }
0x4b6: {  	s12 =	sadd.s32 $0x20, s6;
	s13 =	simm.s32 $0x188D0  }
0x4b7: {  	[hbm4b:s12+s3] =	stream.linear.scatter [tilespmem:s13], [sflag:$0x4], $0x80, $0x38;
	[tilespmem:$0x1AE00] =	vst v63  }
0x4b8: {  	s19 =	sadd.s32 $0x30, s6;
	s20 =	simm.s32 $0x18958  }
0x4b9: {  	[hbm4b:s19+s3] =	stream.linear.scatter [tilespmem:s20], [sflag:$0x4], $0x80, $0x38;
	[tilespmem:$0x1AE00] =	vst v63  }
0x4ba: {  	s12 =	sadd.s32 $0x40, s6;
	s13 =	simm.s32 $0x189E0  }
0x4bb: {  	[hbm4b:s12+s3] =	stream.linear.scatter [tilespmem:s13], [sflag:$0x4], $0x80, $0x38;
	[tilespmem:$0x1AE00] =	vst v63  }
0x4bc: {  	s19 =	sadd.s32 $0x50, s6;
	s20 =	simm.s32 $0x18A68  }
0x4bd: {  	[hbm4b:s19+s3] =	stream.linear.scatter [tilespmem:s20], [sflag:$0x4], $0x80, $0x38;
	[tilespmem:$0x1AE00] =	vst v63  }
0x4be: {  	s13 =	sadd.s32 $0x60, s6;
	s19 =	simm.s32 $0x18AF0  }
0x4bf: {  	[hbm4b:s13+s3] =	stream.linear.scatter [tilespmem:s19], [sflag:$0x4], $0x80, $0x38;
	[tilespmem:$0x1AE00] =	vst v63  }
0x4c0: {  	s6 =	sadd.s32 $0x70, s6;
	s12 =	sadd.s32 $0x3, s1;
	s20 =	simm.s32 $0x18B78  }
0x4c1: {  	[hbm4b:s6+s3] =	stream.linear.scatter [tilespmem:s20], [sflag:$0x4], $0x80, $0x38;
	[tilespmem:$0x1AE00] =	vst v63  }
0x4c2: {  	s13 =	sshll.u32 s12, $0x9;
	s6 =	sshll.u32 s12, $0x7  }
0x4c3: {  	s11 =	sand.u32 $0xFFF0000, s13;
	s6 =	sand.u32 $0x3F00, s6  }
0x4c4: {  	s6 =	sor.u32 s6, s11  }
0x4c5: {  	s11 =	sadd.s32 s2, s6  }
0x4c6: {  	[hbm4b:s11+s3] =	stream.linear.scatter [tilespmem:s25], [sflag:$0x4], $0x80, $0x38;
	[tilespmem:$0x1AE00] =	vst v63  }
0x4c7: {  	s20 =	simm.s32 $0x18C88;
	s19 =	sadd.s32 $0x10, s11  }
0x4c8: {  	[hbm4b:s19+s3] =	stream.linear.scatter [tilespmem:s20], [sflag:$0x4], $0x80, $0x38;
	[tilespmem:$0x1AE00] =	vst v63  }
0x4c9: {  	s19 =	sadd.s32 $0x20, s11;
	s20 =	simm.s32 $0x18D10  }
0x4ca: {  	[hbm4b:s19+s3] =	stream.linear.scatter [tilespmem:s20], [sflag:$0x4], $0x80, $0x38;
	[tilespmem:$0x1AE00] =	vst v63  }
0x4cb: {  	s19 =	sadd.s32 $0x30, s11;
	s20 =	simm.s32 $0x18D98  }
0x4cc: {  	[hbm4b:s19+s3] =	stream.linear.scatter [tilespmem:s20], [sflag:$0x4], $0x80, $0x38;
	[tilespmem:$0x1AE00] =	vst v63  }
0x4cd: {  	s19 =	sadd.s32 $0x40, s11;
	s20 =	simm.s32 $0x18E20  }
0x4ce: {  	[hbm4b:s19+s3] =	stream.linear.scatter [tilespmem:s20], [sflag:$0x4], $0x80, $0x38;
	[tilespmem:$0x1AE00] =	vst v63  }
0x4cf: {  	s19 =	sadd.s32 $0x50, s11;
	s20 =	simm.s32 $0x18EA8  }
0x4d0: {  	[hbm4b:s19+s3] =	stream.linear.scatter [tilespmem:s20], [sflag:$0x4], $0x80, $0x38;
	[tilespmem:$0x1AE00] =	vst v63  }
0x4d1: {  	s13 =	sadd.s32 $0x60, s11;
	s19 =	simm.s32 $0x18F30  }
0x4d2: {  	[hbm4b:s13+s3] =	stream.linear.scatter [tilespmem:s19], [sflag:$0x4], $0x80, $0x38;
	[tilespmem:$0x1AE00] =	vst v63  }
0x4d3: {  	s11 =	sadd.s32 $0x70, s11;
	s20 =	simm.s32 $0x18FB8  }
0x4d4: {  	[hbm4b:s11+s3] =	stream.linear.scatter [tilespmem:s20], [sflag:$0x4], $0x80, $0x38;
	[tilespmem:$0x1AE00] =	vst v63  }
0x4d5: {  	s13 =	simm.s32 $0x19040;
	s11 =	sadd.s32 s6, s7  }
0x4d6: {  	[hbm4b:s11+s3] =	stream.linear.scatter [tilespmem:s13], [sflag:$0x4], $0x80, $0x38;
	[tilespmem:$0x1AE00] =	vst v63  }
0x4d7: {  	s20 =	simm.s32 $0x190C8;
	s19 =	sadd.s32 $0x10, s11  }
0x4d8: {  	[hbm4b:s19+s3] =	stream.linear.scatter [tilespmem:s20], [sflag:$0x4], $0x80, $0x38;
	[tilespmem:$0x1AE00] =	vst v63  }
0x4d9: {  	s19 =	sadd.s32 $0x20, s11;
	s20 =	simm.s32 $0x19150  }
0x4da: {  	[hbm4b:s19+s3] =	stream.linear.scatter [tilespmem:s20], [sflag:$0x4], $0x80, $0x38;
	[tilespmem:$0x1AE00] =	vst v63  }
0x4db: {  	s19 =	sadd.s32 $0x30, s11;
	s20 =	simm.s32 $0x191D8  }
0x4dc: {  	[hbm4b:s19+s3] =	stream.linear.scatter [tilespmem:s20], [sflag:$0x4], $0x80, $0x38;
	[tilespmem:$0x1AE00] =	vst v63  }
0x4dd: {  	s19 =	sadd.s32 $0x40, s11;
	s20 =	simm.s32 $0x19260  }
0x4de: {  	[hbm4b:s19+s3] =	stream.linear.scatter [tilespmem:s20], [sflag:$0x4], $0x80, $0x38;
	[tilespmem:$0x1AE00] =	vst v63  }
0x4df: {  	s19 =	sadd.s32 $0x50, s11;
	s20 =	simm.s32 $0x192E8  }
0x4e0: {  	[hbm4b:s19+s3] =	stream.linear.scatter [tilespmem:s20], [sflag:$0x4], $0x80, $0x38;
	[tilespmem:$0x1AE00] =	vst v63  }
0x4e1: {  	s13 =	sadd.s32 $0x60, s11;
	s19 =	simm.s32 $0x19370  }
0x4e2: {  	[hbm4b:s13+s3] =	stream.linear.scatter [tilespmem:s19], [sflag:$0x4], $0x80, $0x38;
	[tilespmem:$0x1AE00] =	vst v63  }
0x4e3: {  	s11 =	sadd.s32 $0x70, s11;
	s20 =	simm.s32 $0x193F8  }
0x4e4: {  	[hbm4b:s11+s3] =	stream.linear.scatter [tilespmem:s20], [sflag:$0x4], $0x80, $0x38;
	[tilespmem:$0x1AE00] =	vst v63  }
0x4e5: {  	s13 =	simm.s32 $0x19480;
	s11 =	sadd.s32 s6, s8  }
0x4e6: {  	[hbm4b:s11+s3] =	stream.linear.scatter [tilespmem:s13], [sflag:$0x4], $0x80, $0x38;
	[tilespmem:$0x1AE00] =	vst v63  }
0x4e7: {  	s20 =	simm.s32 $0x19508;
	s19 =	sadd.s32 $0x10, s11  }
0x4e8: {  	[hbm4b:s19+s3] =	stream.linear.scatter [tilespmem:s20], [sflag:$0x4], $0x80, $0x38;
	[tilespmem:$0x1AE00] =	vst v63  }
0x4e9: {  	s19 =	sadd.s32 $0x20, s11;
	s20 =	simm.s32 $0x19590  }
0x4ea: {  	[hbm4b:s19+s3] =	stream.linear.scatter [tilespmem:s20], [sflag:$0x4], $0x80, $0x38;
	[tilespmem:$0x1AE00] =	vst v63  }
0x4eb: {  	s19 =	sadd.s32 $0x30, s11;
	s20 =	simm.s32 $0x19618  }
0x4ec: {  	[hbm4b:s19+s3] =	stream.linear.scatter [tilespmem:s20], [sflag:$0x4], $0x80, $0x38;
	[tilespmem:$0x1AE00] =	vst v63  }
0x4ed: {  	s19 =	sadd.s32 $0x40, s11;
	s20 =	simm.s32 $0x196A0  }
0x4ee: {  	[hbm4b:s19+s3] =	stream.linear.scatter [tilespmem:s20], [sflag:$0x4], $0x80, $0x38;
	[tilespmem:$0x1AE00] =	vst v63  }
0x4ef: {  	s19 =	sadd.s32 $0x50, s11;
	s20 =	simm.s32 $0x19728  }
0x4f0: {  	[hbm4b:s19+s3] =	stream.linear.scatter [tilespmem:s20], [sflag:$0x4], $0x80, $0x38;
	[tilespmem:$0x1AE00] =	vst v63  }
0x4f1: {  	s19 =	sadd.s32 $0x60, s11;
	s20 =	simm.s32 $0x197B0  }
0x4f2: {  	[hbm4b:s19+s3] =	stream.linear.scatter [tilespmem:s20], [sflag:$0x4], $0x80, $0x38;
	[tilespmem:$0x1AE00] =	vst v63  }
0x4f3: {  	s11 =	sadd.s32 $0x70, s11;
	s19 =	simm.s32 $0x19838  }
0x4f4: {  	[hbm4b:s11+s3] =	stream.linear.scatter [tilespmem:s19], [sflag:$0x4], $0x80, $0x38;
	[tilespmem:$0x1AE00] =	vst v63  }
0x4f5: {  	s6 =	sadd.s32 s6, s9;
	s20 =	simm.s32 $0x198C0  }
0x4f6: {  	[hbm4b:s6+s3] =	stream.linear.scatter [tilespmem:s20], [sflag:$0x4], $0x80, $0x38;
	[tilespmem:$0x1AE00] =	vst v63  }
0x4f7: {  	s12 =	sadd.s32 $0x10, s6;
	s13 =	simm.s32 $0x19948  }
0x4f8: {  	[hbm4b:s12+s3] =	stream.linear.scatter [tilespmem:s13], [sflag:$0x4], $0x80, $0x38;
	[tilespmem:$0x1AE00] =	vst v63  }
0x4f9: {  	s19 =	sadd.s32 $0x20, s6;
	s20 =	simm.s32 $0x199D0  }
0x4fa: {  	[hbm4b:s19+s3] =	stream.linear.scatter [tilespmem:s20], [sflag:$0x4], $0x80, $0x38;
	[tilespmem:$0x1AE00] =	vst v63  }
0x4fb: {  	s12 =	sadd.s32 $0x30, s6;
	s13 =	simm.s32 $0x19A58  }
0x4fc: {  	[hbm4b:s12+s3] =	stream.linear.scatter [tilespmem:s13], [sflag:$0x4], $0x80, $0x38;
	[tilespmem:$0x1AE00] =	vst v63  }
0x4fd: {  	s19 =	sadd.s32 $0x40, s6;
	s20 =	simm.s32 $0x19AE0  }
0x4fe: {  	[hbm4b:s19+s3] =	stream.linear.scatter [tilespmem:s20], [sflag:$0x4], $0x80, $0x38;
	[tilespmem:$0x1AE00] =	vst v63  }
0x4ff: {  	s1 =	sadd.s32 $0x4, s1;
	s12 =	sadd.s32 $0x50, s6;
	s13 =	simm.s32 $0x19B68  }
0x500: {  	[hbm4b:s12+s3] =	stream.linear.scatter [tilespmem:s13], [sflag:$0x4], $0x80, $0x38;
	[tilespmem:$0x1AE00] =	vst v63  }
0x501: {  	s19 =	sadd.s32 $0x60, s6;
	s20 =	simm.s32 $0x19BF0;
	s6 =	sadd.s32 $0x70, s6  }
0x502: {  	[hbm4b:s19+s3] =	stream.linear.scatter [tilespmem:s20], [sflag:$0x4], $0x80, $0x38;
	[tilespmem:$0x1AE00] =	vst v63  }
0x503: {  	s12 =	simm.s32 $0x19C78;
	s13 =	sshll.u32 s1, $0x9;
	s1 =	sshll.u32 s1, $0x7  }
0x504: {  	[hbm4b:s6+s3] =	stream.linear.scatter [tilespmem:s12], [sflag:$0x4], $0x80, $0x38;
	[tilespmem:$0x1AE00] =	vst v63  }
0x505: {  	s1 =	sand.u32 $0x3F80, s1;
	s6 =	sand.u32 $0xFFF0000, s13  }
0x506: {  	s1 =	sor.u32 s1, s6  }
0x507: {  	s6 =	sadd.s32 s2, s1  }
0x508: {  	[hbm4b:s6+s3] =	stream.linear.scatter [tilespmem:s26], [sflag:$0x4], $0x80, $0x38;
	[tilespmem:$0x1AE00] =	vst v63  }
0x509: {  	s20 =	simm.s32 $0x19D88;
	s19 =	sadd.s32 $0x10, s6  }
0x50a: {  	[hbm4b:s19+s3] =	stream.linear.scatter [tilespmem:s20], [sflag:$0x4], $0x80, $0x38;
	[tilespmem:$0x1AE00] =	vst v63  }
0x50b: {  	s13 =	simm.s32 $0x19E10;
	s12 =	sadd.s32 $0x20, s6  }
0x50c: {  	[hbm4b:s12+s3] =	stream.linear.scatter [tilespmem:s13], [sflag:$0x4], $0x80, $0x38;
	[tilespmem:$0x1AE00] =	vst v63  }
0x50d: {  	s19 =	sadd.s32 $0x30, s6;
	s20 =	simm.s32 $0x19E98  }
0x50e: {  	[hbm4b:s19+s3] =	stream.linear.scatter [tilespmem:s20], [sflag:$0x4], $0x80, $0x38;
	[tilespmem:$0x1AE00] =	vst v63  }
0x50f: {  	s12 =	sadd.s32 $0x40, s6;
	s13 =	simm.s32 $0x19F20  }
0x510: {  	[hbm4b:s12+s3] =	stream.linear.scatter [tilespmem:s13], [sflag:$0x4], $0x80, $0x38;
	[tilespmem:$0x1AE00] =	vst v63  }
0x511: {  	s19 =	sadd.s32 $0x50, s6;
	s20 =	simm.s32 $0x19FA8  }
0x512: {  	[hbm4b:s19+s3] =	stream.linear.scatter [tilespmem:s20], [sflag:$0x4], $0x80, $0x38;
	[tilespmem:$0x1AE00] =	vst v63  }
0x513: {  	s12 =	sadd.s32 $0x60, s6;
	s13 =	simm.s32 $0x1A030  }
0x514: {  	[hbm4b:s12+s3] =	stream.linear.scatter [tilespmem:s13], [sflag:$0x4], $0x80, $0x38;
	[tilespmem:$0x1AE00] =	vst v63  }
0x515: {  	s6 =	sadd.s32 $0x70, s6;
	s19 =	simm.s32 $0x1A0B8  }
0x516: {  	[hbm4b:s6+s3] =	stream.linear.scatter [tilespmem:s19], [sflag:$0x4], $0x80, $0x38;
	[tilespmem:$0x1AE00] =	vst v63  }
0x517: {  	s20 =	simm.s32 $0x1A140;
	s6 =	sadd.s32 s1, s7  }
0x518: {  	[hbm4b:s6+s3] =	stream.linear.scatter [tilespmem:s20], [sflag:$0x4], $0x80, $0x38;
	[tilespmem:$0x1AE00] =	vst v63  }
0x519: {  	s13 =	simm.s32 $0x1A1C8;
	s12 =	sadd.s32 $0x10, s6  }
0x51a: {  	[hbm4b:s12+s3] =	stream.linear.scatter [tilespmem:s13], [sflag:$0x4], $0x80, $0x38;
	[tilespmem:$0x1AE00] =	vst v63  }
0x51b: {  	s19 =	sadd.s32 $0x20, s6;
	s20 =	simm.s32 $0x1A250  }
0x51c: {  	[hbm4b:s19+s3] =	stream.linear.scatter [tilespmem:s20], [sflag:$0x4], $0x80, $0x38;
	[tilespmem:$0x1AE00] =	vst v63  }
0x51d: {  	s12 =	sadd.s32 $0x30, s6;
	s13 =	simm.s32 $0x1A2D8  }
0x51e: {  	[hbm4b:s12+s3] =	stream.linear.scatter [tilespmem:s13], [sflag:$0x4], $0x80, $0x38;
	[tilespmem:$0x1AE00] =	vst v63  }
0x51f: {  	s19 =	sadd.s32 $0x40, s6;
	s20 =	simm.s32 $0x1A360  }
0x520: {  	[hbm4b:s19+s3] =	stream.linear.scatter [tilespmem:s20], [sflag:$0x4], $0x80, $0x38;
	[tilespmem:$0x1AE00] =	vst v63  }
0x521: {  	s12 =	sadd.s32 $0x50, s6;
	s13 =	simm.s32 $0x1A3E8  }
0x522: {  	[hbm4b:s12+s3] =	stream.linear.scatter [tilespmem:s13], [sflag:$0x4], $0x80, $0x38;
	[tilespmem:$0x1AE00] =	vst v63  }
0x523: {  	s19 =	sadd.s32 $0x60, s6;
	s20 =	simm.s32 $0x1A470  }
0x524: {  	[hbm4b:s19+s3] =	stream.linear.scatter [tilespmem:s20], [sflag:$0x4], $0x80, $0x38;
	[tilespmem:$0x1AE00] =	vst v63  }
0x525: {  	s6 =	sadd.s32 $0x70, s6;
	s13 =	simm.s32 $0x1A4F8  }
0x526: {  	[hbm4b:s6+s3] =	stream.linear.scatter [tilespmem:s13], [sflag:$0x4], $0x80, $0x38;
	[tilespmem:$0x1AE00] =	vst v63  }
0x527: {  	s19 =	simm.s32 $0x1A580;
	s6 =	sadd.s32 s1, s8  }
0x528: {  	[hbm4b:s6+s3] =	stream.linear.scatter [tilespmem:s19], [sflag:$0x4], $0x80, $0x38;
	[tilespmem:$0x1AE00] =	vst v63  }
0x529: {  	s20 =	sadd.s32 $0x10, s6  }
0x52a: {  	[hbm4b:s20+s3] =	stream.linear.scatter [tilespmem:s28], [sflag:$0x4], $0x80, $0x38;
	[tilespmem:$0x1AE00] =	vst v63  }
0x52b: {  	s13 =	simm.s32 $0x1A690;
	s12 =	sadd.s32 $0x20, s6  }
0x52c: {  	[hbm4b:s12+s3] =	stream.linear.scatter [tilespmem:s13], [sflag:$0x4], $0x80, $0x38;
	[tilespmem:$0x1AE00] =	vst v63  }
0x52d: {  	s19 =	sadd.s32 $0x30, s6;
	s20 =	simm.s32 $0x1A718  }
0x52e: {  	[hbm4b:s19+s3] =	stream.linear.scatter [tilespmem:s20], [sflag:$0x4], $0x80, $0x38;
	[tilespmem:$0x1AE00] =	vst v63  }
0x52f: {  	s12 =	sadd.s32 $0x40, s6;
	s13 =	simm.s32 $0x1A7A0  }
0x530: {  	[hbm4b:s12+s3] =	stream.linear.scatter [tilespmem:s13], [sflag:$0x4], $0x80, $0x38;
	[tilespmem:$0x1AE00] =	vst v63  }
0x531: {  	s19 =	sadd.s32 $0x50, s6;
	s20 =	simm.s32 $0x1A828  }
0x532: {  	[hbm4b:s19+s3] =	stream.linear.scatter [tilespmem:s20], [sflag:$0x4], $0x80, $0x38;
	[tilespmem:$0x1AE00] =	vst v63  }
0x533: {  	s13 =	sadd.s32 $0x60, s6;
	s19 =	simm.s32 $0x1A8B0  }
0x534: {  	[hbm4b:s13+s3] =	stream.linear.scatter [tilespmem:s19], [sflag:$0x4], $0x80, $0x38;
	[tilespmem:$0x1AE00] =	vst v63  }
0x535: {  	s6 =	sadd.s32 $0x70, s6;
	s20 =	simm.s32 $0x1A938  }
0x536: {  	[hbm4b:s6+s3] =	stream.linear.scatter [tilespmem:s20], [sflag:$0x4], $0x80, $0x38;
	[tilespmem:$0x1AE00] =	vst v63  }
0x537: {  	s11 =	simm.s32 $0x1A9C0;
	s1 =	sadd.s32 s1, s9  }
0x538: {  	[hbm4b:s1+s3] =	stream.linear.scatter [tilespmem:s11], [sflag:$0x4], $0x80, $0x38;
	[tilespmem:$0x1AE00] =	vst v63  }
0x539: {  	s12 =	sadd.s32 $0x10, s1;
	s13 =	simm.s32 $0x1AA48  }
0x53a: {  	[hbm4b:s12+s3] =	stream.linear.scatter [tilespmem:s13], [sflag:$0x4], $0x80, $0x38;
	[tilespmem:$0x1AE00] =	vst v63  }
0x53b: {  	s19 =	sadd.s32 $0x20, s1;
	s20 =	simm.s32 $0x1AAD0  }
0x53c: {  	[hbm4b:s19+s3] =	stream.linear.scatter [tilespmem:s20], [sflag:$0x4], $0x80, $0x38;
	[tilespmem:$0x1AE00] =	vst v63  }
0x53d: {  	s12 =	sadd.s32 $0x30, s1;
	s13 =	simm.s32 $0x1AB58  }
0x53e: {  	[hbm4b:s12+s3] =	stream.linear.scatter [tilespmem:s13], [sflag:$0x4], $0x80, $0x38;
	[tilespmem:$0x1AE00] =	vst v63  }
0x53f: {  	s31 =	sadd.s32 $0x1, s31;
	s19 =	sadd.s32 $0x40, s1;
	s20 =	simm.s32 $0x1ABE0  }
0x540: {  	[hbm4b:s19+s3] =	stream.linear.scatter [tilespmem:s20], [sflag:$0x4], $0x80, $0x38;
	[tilespmem:$0x1AE00] =	vst v63  }
0x541: {  	p0 =	sne.s32 s31, $0x14;
	s11 =	sadd.s32 $0x50, s1;
	s12 =	simm.s32 $0x1AC68  }
0x542: {  	[hbm4b:s11+s3] =	stream.linear.scatter [tilespmem:s12], [sflag:$0x4], $0x80, $0x38;
	[tilespmem:$0x1AE00] =	vst v63  }
.Ltmp2:
0x543: {  	_ = 	snop;
	(pc) =	sbr.rel @p0 .LBB2_2-.Ltmp2, $4  }
0x544: {  	s13 =	sadd.s32 $0x60, s1;
	s19 =	simm.s32 $0x1ACF0  }
0x545: {  	[hbm4b:s13+s3] =	stream.linear.scatter [tilespmem:s19], [sflag:$0x4], $0x80, $0x38;
	[tilespmem:$0x1AE00] =	vst v63  }
0x546: {  	s1 =	sadd.s32 $0x70, s1;
	s20 =	simm.s32 $0x1AD78  }
0x547: {  	[hbm4b:s1+s3] =	stream.linear.scatter [tilespmem:s20], [sflag:$0x4], $0x80, $0x38;
	[tilespmem:$0x1AE00] =	vst v63  }
0x548: {  	_ =	swait.ge [sflag:s29], $0x400  }
0x549: {  	[sflag:s29] =	ssyncset.done $0x0  }
0x54a: {  	[sflag:s29] =	ssyncadd.s32 $0xFFFFFC00  }
0x54b: {  	_ =	swait.ge [sflag:s29], $0x400  }
0x54c: {  	[sflag:s29] =	ssyncset.done $0x0  }
0x54d: {  	[sflag:s29] =	ssyncadd.s32 $0xFFFFFC00  }
0x54e: {  	_ =	swait.ge [sflag:s29], $0x400  }
0x54f: {  	[sflag:s29] =	ssyncset.done $0x0  }
0x550: {  	[sflag:s29] =	ssyncadd.s32 $0xFFFFFC00  }
0x551: {  	_ =	swait.ge [sflag:s29], $0x400  }
0x552: {  	[sflag:s29] =	ssyncset.done $0x0  }
0x553: {  	[sflag:s29] =	ssyncadd.s32 $0xFFFFFC00  }
0x554: {  	_ =	swait.ge [sflag:s29], $0x400  }
0x555: {  	[sflag:s29] =	ssyncset.done $0x0  }
0x556: {  	[sflag:s29] =	ssyncadd.s32 $0xFFFFFC00  }
0x557: {  	_ =	swait.ge [sflag:s29], $0x400  }
0x558: {  	[sflag:s29] =	ssyncset.done $0x0  }
0x559: {  	[sflag:s29] =	ssyncadd.s32 $0xFFFFFC00  }
0x55a: {  	_ =	swait.ge [sflag:s29], $0x400  }
0x55b: {  	[sflag:s29] =	ssyncset.done $0x0  }
0x55c: {  	[sflag:s29] =	ssyncadd.s32 $0xFFFFFC00  }
0x55d: {  	_ =	swait.ge [sflag:s29], $0x400  }
0x55e: {  	[sflag:s29] =	ssyncset.done $0x0  }
0x55f: {  	[sflag:s29] =	ssyncadd.s32 $0xFFFFFC00  }
0x560: {  	_ =	swait.ge [sflag:s29], $0x400  }
0x561: {  	[sflag:s29] =	ssyncset.done $0x0  }
0x562: {  	[sflag:s29] =	ssyncadd.s32 $0xFFFFFC00  }
0x563: {  	_ =	swait.ge [sflag:s29], $0x400  }
0x564: {  	[sflag:s29] =	ssyncset.done $0x0  }
0x565: {  	[sflag:s29] =	ssyncadd.s32 $0xFFFFFC00  }
0x566: {  	_ =	swait.ge [sflag:s29], $0x400  }
0x567: {  	[sflag:s29] =	ssyncset.done $0x0  }
0x568: {  	[sflag:s29] =	ssyncadd.s32 $0xFFFFFC00  }
0x569: {  	_ =	swait.ge [sflag:s29], $0x400  }
0x56a: {  	[sflag:s29] =	ssyncset.done $0x0  }
0x56b: {  	[sflag:s29] =	ssyncadd.s32 $0xFFFFFC00  }
0x56c: {  	_ =	swait.ge [sflag:s29], $0x400  }
0x56d: {  	[sflag:s29] =	ssyncset.done $0x0  }
0x56e: {  	[sflag:s29] =	ssyncadd.s32 $0xFFFFFC00  }
0x56f: {  	_ =	swait.ge [sflag:s29], $0x400  }
0x570: {  	[sflag:s29] =	ssyncset.done $0x0  }
0x571: {  	[sflag:s29] =	ssyncadd.s32 $0xFFFFFC00  }
0x572: {  	_ =	swait.ge [sflag:s29], $0x400  }
0x573: {  	[sflag:s29] =	ssyncset.done $0x0  }
0x574: {  	[sflag:s29] =	ssyncadd.s32 $0xFFFFFC00  }
0x575: {  	_ =	swait.ge [sflag:s29], $0x400  }
0x576: {  	[sflag:s29] =	ssyncset.done $0x0  }
0x577: {  	[sflag:s29] =	ssyncadd.s32 $0xFFFFFC00  }
0x578: {  	_ =	swait.ge [sflag:s29], $0x400  }
0x579: {  	[sflag:s29] =	ssyncset.done $0x0  }
0x57a: {  	[sflag:s29] =	ssyncadd.s32 $0xFFFFFC00  }
0x57b: {  	_ =	swait.ge [sflag:s29], $0x400  }
0x57c: {  	[sflag:s29] =	ssyncset.done $0x0  }
0x57d: {  	[sflag:s29] =	ssyncadd.s32 $0xFFFFFC00  }
0x57e: {  	_ =	swait.ge [sflag:s29], $0x400  }
0x57f: {  	[sflag:s29] =	ssyncset.done $0x0  }
0x580: {  	[sflag:s29] =	ssyncadd.s32 $0xFFFFFC00  }
0x581: {  	_ =	swait.ge [sflag:s29], $0x400  }
0x582: {  	[sflag:s29] =	ssyncset.done $0x0  }
0x583: {  	[sflag:s29] =	ssyncadd.s32 $0xFFFFFC00  }
0x584: {  	_ =	swait.ge [sflag:s30], $0x400  }
0x585: {  	[sflag:s30] =	ssyncset.done $0x0  }
0x586: {  	[sflag:s30] =	ssyncadd.s32 $0xFFFFFC00  }
0x587: {  	_ =	swait.ge [sflag:s30], $0x400  }
0x588: {  	[sflag:s30] =	ssyncset.done $0x0  }
0x589: {  	[sflag:s30] =	ssyncadd.s32 $0xFFFFFC00  }
0x58a: {  	_ =	swait.ge [sflag:s30], $0x400  }
0x58b: {  	[sflag:s30] =	ssyncset.done $0x0  }
0x58c: {  	[sflag:s30] =	ssyncadd.s32 $0xFFFFFC00  }
0x58d: {  	_ =	swait.ge [sflag:s30], $0x400  }
0x58e: {  	[sflag:s30] =	ssyncset.done $0x0  }
0x58f: {  	[sflag:s30] =	ssyncadd.s32 $0xFFFFFC00  }
0x590: {  	_ =	swait.ge [sflag:s30], $0x400  }
0x591: {  	[sflag:s30] =	ssyncset.done $0x0  }
0x592: {  	[sflag:s30] =	ssyncadd.s32 $0xFFFFFC00  }
0x593: {  	_ =	swait.ge [sflag:s30], $0x400  }
0x594: {  	[sflag:s30] =	ssyncset.done $0x0  }
0x595: {  	[sflag:s30] =	ssyncadd.s32 $0xFFFFFC00  }
0x596: {  	_ =	swait.ge [sflag:s30], $0x400  }
0x597: {  	[sflag:s30] =	ssyncset.done $0x0  }
0x598: {  	[sflag:s30] =	ssyncadd.s32 $0xFFFFFC00  }
0x599: {  	_ =	swait.ge [sflag:s30], $0x400  }
0x59a: {  	[sflag:s30] =	ssyncset.done $0x0  }
0x59b: {  	[sflag:s30] =	ssyncadd.s32 $0xFFFFFC00  }
0x59c: {  	_ =	swait.ge [sflag:s30], $0x400  }
0x59d: {  	[sflag:s30] =	ssyncset.done $0x0  }
0x59e: {  	[sflag:s30] =	ssyncadd.s32 $0xFFFFFC00  }
0x59f: {  	_ =	swait.ge [sflag:s30], $0x400  }
0x5a0: {  	[sflag:s30] =	ssyncset.done $0x0  }
0x5a1: {  	[sflag:s30] =	ssyncadd.s32 $0xFFFFFC00  }
0x5a2: {  	_ =	swait.ge [sflag:s30], $0x400  }
0x5a3: {  	[sflag:s30] =	ssyncset.done $0x0  }
0x5a4: {  	[sflag:s30] =	ssyncadd.s32 $0xFFFFFC00  }
0x5a5: {  	_ =	swait.ge [sflag:s30], $0x400  }
0x5a6: {  	[sflag:s30] =	ssyncset.done $0x0  }
0x5a7: {  	[sflag:s30] =	ssyncadd.s32 $0xFFFFFC00  }
0x5a8: {  	_ =	swait.ge [sflag:s30], $0x400  }
0x5a9: {  	[sflag:s30] =	ssyncset.done $0x0  }
0x5aa: {  	[sflag:s30] =	ssyncadd.s32 $0xFFFFFC00  }
0x5ab: {  	_ =	swait.ge [sflag:s30], $0x400  }
0x5ac: {  	[sflag:s30] =	ssyncset.done $0x0  }
0x5ad: {  	[sflag:s30] =	ssyncadd.s32 $0xFFFFFC00  }
0x5ae: {  	_ =	swait.ge [sflag:s30], $0x400  }
0x5af: {  	[sflag:s30] =	ssyncset.done $0x0  }
0x5b0: {  	[sflag:s30] =	ssyncadd.s32 $0xFFFFFC00  }
0x5b1: {  	_ =	swait.ge [sflag:s30], $0x400  }
0x5b2: {  	[sflag:s30] =	ssyncset.done $0x0  }
0x5b3: {  	[sflag:s30] =	ssyncadd.s32 $0xFFFFFC00  }
0x5b4: {  	_ =	swait.ge [sflag:s30], $0x400  }
0x5b5: {  	[sflag:s30] =	ssyncset.done $0x0  }
0x5b6: {  	[sflag:s30] =	ssyncadd.s32 $0xFFFFFC00  }
0x5b7: {  	_ =	swait.ge [sflag:s30], $0x400  }
0x5b8: {  	[sflag:s30] =	ssyncset.done $0x0  }
0x5b9: {  	[sflag:s30] =	ssyncadd.s32 $0xFFFFFC00  }
0x5ba: {  	_ =	swait.ge [sflag:s30], $0x400  }
0x5bb: {  	[sflag:s30] =	ssyncset.done $0x0  }
0x5bc: {  	[sflag:s30] =	ssyncadd.s32 $0xFFFFFC00  }
0x5bd: {  	_ =	swait.ge [sflag:s30], $0x400  }
0x5be: {  	s6 =	rddreg [dreg:$0x5]  }
0x5bf: {  	s1 =	rddreg [dreg:$0x4];
	s6 =	sadd.s32 $0x1, s6  }
0x5c0: {  	p0 =	sne.s32 s6, s1  }
.Ltmp3:
0x5c1: {  	_ = 	snop;
	(pc) =	sbr.rel @p0 .LBB2_1-.Ltmp3, $3  }
0x5c2: {  	_ =	sdelay $0x1  }
0x5c3: {  	[sflag:s30] =	ssyncset.done $0x0  }
0x5c4: {  	[sflag:s30] =	ssyncadd.s32 $0xFFFFFC00  }
0x5c5: {  	_ =	sfence.sel $0x180000  }
0x5c6: {  	[bflag:$0x0] =	sbarrier.arrive $0xFFFF  }
0x5c7: {  	_ =	strace $0x90000047  }
0x5c8: {  	s0 =	stileid.u32;
	[bflag:$0x2] =	sbarrier.arrive $0xFFFF  }
0x5c9: {  	p0 =	sne.s32 s0, $0x0;
	s0 =	rddreg [dreg:$0x2]  }
0x5ca: {  	s0 =	sadd.s32 @!p0 $0x100000, s0  }
0x5cb: {  	[sflag:s0] =	ssyncadd.tile.s32 @!p0 $0x1;
	_ =	shalt  }
.Lfunc_end2:
_tile_overlayer_lowered:
.L_overlay_start_2:
0x5cc: {  	(tag) =	ssettag $0x2  }
0x5cd: {  	s0 =	rddreg [dreg:$0x0];
	s2 =	stileid.u32  }
0x5ce: {  	s1 =	rddreg [dreg:$0x1];
	p0 =	sne.s32 s2, $0x0  }
0x5cf: {  	s3 =	rddreg [dreg:$0x2];
	[bflag:$0x3] =	sbarrier.arrive $0xFFFF;
	s2 =	simm.s32 @!p0 $0x1C05  }
0x5d0: {  	[timem:s3], [sflag:s2] =	dma.local @!p0 [hbm:s0], s1  }
0x5d1: {  	s0 =	simm.s32 @!p0 $0x5  }
0x5d2: {  	_ =	swait.ge @!p0 [sflag:s0], s1  }
0x5d3: {  	s1 =	ssub.s32 @!p0 $0x0, s1;
	[sflag:s0] =	ssyncset.done @!p0 $0x0  }
0x5d4: {  	[sflag:s0] =	ssyncadd.s32 @!p0 s1  }
0x5d5: {  	[bflag:$0x3] =	sbarrier.arrive $0xFFFF  }
0x5d6: {  	_ =	shalt  }

</sc_bundles>
